<compile_context>
chip_gen: v7x
topology: tpu7x:2x2x1
jax: 0.10.2.dev20260603
libtpu: 0.0.44.dev20260713+nightly
codegen_flags: <defaults>
</compile_context>

<pallas_src>
import functools

import jax
import jax.numpy as jnp
from jax import lax
from jax.experimental import pallas as pl
from jax.experimental.pallas import tpu as pltpu
from jax.experimental.pallas import tpu_sc as plsc

_N = 100000
_HID = 32
_HEADS = 2
_E = 1600000

_NC = 2
_NS = 16
_NW = _NC * _NS
_ROWS = 784
_NPAD = _ROWS * 128


def _zero_rows128(ref, n):
    z = jnp.zeros((16,), jnp.float32)

    def body(i, carry):
        for j in range(8):
            ref[i, pl.ds(j * 16, 16)] = z
        return carry

    lax.fori_loop(0, n, body, 0, unroll=2)


def _count_body(dst_hbm, out_hbm, acc, dvb):
    c = lax.axis_index("c")
    s = lax.axis_index("s")
    epb = _E // _NW
    base = (c * _NS + s) * epb
    _zero_rows128(acc, _ROWS)
    ones = jnp.full((16,), 1.0, jnp.float32)

    def chunk(k, carry):
        pltpu.sync_copy(dst_hbm.at[pl.ds(base + k * 2000, 2000)], dvb)

        def inner(j, c2):
            dvv = dvb[pl.ds(j * 16, 16)]
            plsc.addupdate_scatter(acc, [dvv >> 7, dvv & 127], ones)
            return c2

        lax.fori_loop(0, 125, inner, 0, unroll=4)
        return carry

    lax.fori_loop(0, epb // 2000, chunk, 0)
    pltpu.sync_copy(acc, out_hbm.at[c, s])


_NPS = 100096
_CB = 1000


def _spmm16_body(tabs_hbm, sv_hbm, dv_hbm, zero_hbm, out_hbm, svb, dvb, rows, spacc, sem):
    c = lax.axis_index("c")
    s = lax.axis_index("s")
    epb = _E // _NS
    base = s * epb
    tab = tabs_hbm.at[c]

    pltpu.sync_copy(zero_hbm.at[pl.ds(s * 6256, 6256)], spacc.at[pl.ds(s * 6256, 6256)])
    plsc.subcore_barrier()

    def chunk(k, carry):
        pltpu.sync_copy(sv_hbm.at[pl.ds(base + k * _CB, _CB)], svb)
        pltpu.sync_copy(dv_hbm.at[pl.ds(base + k * _CB, _CB)], dvb)
        pltpu.async_copy(tab.at[svb], rows, sem).wait()
        pltpu.sync_copy(rows, spacc.at[dvb], add=True)
        return carry

    lax.fori_loop(0, epb // _CB, chunk, 0)
    plsc.subcore_barrier()
    pltpu.sync_copy(spacc.at[pl.ds(s * 6256, 6256)], out_hbm.at[c, pl.ds(s * 6256, 6256)])


_spmm16_kernel = pl.kernel(
    _spmm16_body,
    out_type=jax.ShapeDtypeStruct((_NC, _NPS, 16), jnp.float32),
    mesh=plsc.VectorSubcoreMesh(core_axis_name="c", subcore_axis_name="s"),
    compiler_params=pltpu.CompilerParams(needs_layout_passes=False, use_tc_tiling_on_sc=False),
    scratch_types=[
        pltpu.VMEM((_CB,), jnp.int32),
        pltpu.VMEM((_CB,), jnp.int32),
        pltpu.VMEM((_CB, 16), jnp.float32),
        pltpu.VMEM_SHARED((_NPS, 16), jnp.float32),
        pltpu.SemaphoreType.DMA,
    ],
)


_CE = 800
_CV = 2000


def _gat_edge_body(as2_hbm, ad2_hbm, sv_hbm, dv_hbm, ex_hbm, den_hbm,
                   svb, dvb, asb, adb, exb, acc):
    c = lax.axis_index("c")
    s = lax.axis_index("s")
    epb = _E // _NS
    base = s * epb
    a_s = as2_hbm.at[c]
    a_d = ad2_hbm.at[c]
    _zero_rows128(acc, _ROWS)

    def chunk(k, carry):
        off = base + k * _CE
        pltpu.sync_copy(sv_hbm.at[pl.ds(off, _CE)], svb)
        pltpu.sync_copy(dv_hbm.at[pl.ds(off, _CE)], dvb)
        pltpu.sync_copy(a_s.at[svb], asb)
        pltpu.sync_copy(a_d.at[dvb], adb)

        def inner(j, c2):
            av = asb[pl.ds(j * 16, 16)] + adb[pl.ds(j * 16, 16)]
            av = jnp.where(av > 0, av, 0.2 * av)
            ex = jnp.exp(av)
            exb[pl.ds(j * 16, 16)] = ex
            dvv = dvb[pl.ds(j * 16, 16)]
            plsc.addupdate_scatter(acc, [dvv >> 7, dvv & 127], ex)
            return c2

        lax.fori_loop(0, _CE // 16, inner, 0, unroll=4)
        pltpu.sync_copy(exb, ex_hbm.at[c, pl.ds(off, _CE)])
        return carry

    lax.fori_loop(0, epb // _CE, chunk, 0)
    pltpu.sync_copy(acc, den_hbm.at[c, s])


_gat_edge_kernel = pl.kernel(
    _gat_edge_body,
    out_type=(jax.ShapeDtypeStruct((_NC, _E), jnp.float32),
              jax.ShapeDtypeStruct((_NC, _NS, _ROWS, 128), jnp.float32)),
    mesh=plsc.VectorSubcoreMesh(core_axis_name="c", subcore_axis_name="s"),
    compiler_params=pltpu.CompilerParams(needs_layout_passes=False, use_tc_tiling_on_sc=False),
    scratch_types=[
        pltpu.VMEM((_CE,), jnp.int32),
        pltpu.VMEM((_CE,), jnp.int32),
        pltpu.VMEM((_CE,), jnp.float32),
        pltpu.VMEM((_CE,), jnp.float32),
        pltpu.VMEM((_CE,), jnp.float32),
        pltpu.VMEM((_ROWS, 128), jnp.float32),
    ],
)


def _gat_msum_body(h2q_hbm, ex_hbm, sv_hbm, dv_hbm, zero_hbm, out_hbm,
                   svb, dvb, exb, rows, spacc, sem):
    c = lax.axis_index("c")
    s = lax.axis_index("s")
    epb = _E // _NS
    base = s * epb
    ex = ex_hbm.at[c]

    for p in range(2):
        q = 2 * c + p
        tab = h2q_hbm.at[q]
        pltpu.sync_copy(zero_hbm.at[pl.ds(s * 6256, 6256)], spacc.at[pl.ds(s * 6256, 6256)])
        plsc.subcore_barrier()

        def chunk(k, carry):
            off = base + k * _CE
            pltpu.sync_copy(sv_hbm.at[pl.ds(off, _CE)], svb)
            pltpu.sync_copy(dv_hbm.at[pl.ds(off, _CE)], dvb)
            pltpu.sync_copy(ex.at[pl.ds(off, _CE)], exb)
            pltpu.async_copy(tab.at[svb], rows, sem).wait()

            def scale(j, c2):
                exv = exb[pl.ds(j * 16, 16)]
                for t in range(16):
                    rows[j * 16 + t] = rows[j * 16 + t] * exv[t]
                return c2

            lax.fori_loop(0, _CE // 16, scale, 0, unroll=2)
            pltpu.sync_copy(rows, spacc.at[dvb], add=True)
            return carry

        lax.fori_loop(0, epb // _CE, chunk, 0)
        plsc.subcore_barrier()
        pltpu.sync_copy(spacc.at[pl.ds(s * 6256, 6256)], out_hbm.at[q, pl.ds(s * 6256, 6256)])
        plsc.subcore_barrier()


_gat_msum_kernel = pl.kernel(
    _gat_msum_body,
    out_type=jax.ShapeDtypeStruct((2 * _NC, _NPS, 16), jnp.float32),
    mesh=plsc.VectorSubcoreMesh(core_axis_name="c", subcore_axis_name="s"),
    compiler_params=pltpu.CompilerParams(needs_layout_passes=False, use_tc_tiling_on_sc=False),
    scratch_types=[
        pltpu.VMEM((_CE,), jnp.int32),
        pltpu.VMEM((_CE,), jnp.int32),
        pltpu.VMEM((_CE,), jnp.float32),
        pltpu.VMEM((_CE, 16), jnp.float32),
        pltpu.VMEM_SHARED((_NPS, 16), jnp.float32),
        pltpu.SemaphoreType.DMA,
    ],
)


def _spmv_body(vals_hbm, sv_hbm, dv_hbm, out_hbm, svb, dvb, vb, acc):
    c = lax.axis_index("c")
    s = lax.axis_index("s")
    epb = _E // _NW
    base = (c * _NS + s) * epb
    _zero_rows128(acc, _ROWS)

    def chunk(k, carry):
        off = base + k * _CV
        pltpu.sync_copy(sv_hbm.at[pl.ds(off, _CV)], svb)
        pltpu.sync_copy(dv_hbm.at[pl.ds(off, _CV)], dvb)
        pltpu.sync_copy(vals_hbm.at[svb], vb)

        def inner(j, c2):
            vv = vb[pl.ds(j * 16, 16)]
            dvv = dvb[pl.ds(j * 16, 16)]
            plsc.addupdate_scatter(acc, [dvv >> 7, dvv & 127], vv)
            return c2

        lax.fori_loop(0, _CV // 16, inner, 0, unroll=4)
        return carry

    lax.fori_loop(0, epb // _CV, chunk, 0)
    pltpu.sync_copy(acc, out_hbm.at[c, s])


_spmv_kernel = pl.kernel(
    _spmv_body,
    out_type=jax.ShapeDtypeStruct((_NC, _NS, _ROWS, 128), jnp.float32),
    mesh=plsc.VectorSubcoreMesh(core_axis_name="c", subcore_axis_name="s"),
    compiler_params=pltpu.CompilerParams(needs_layout_passes=False, use_tc_tiling_on_sc=False),
    scratch_types=[
        pltpu.VMEM((_CV,), jnp.int32),
        pltpu.VMEM((_CV,), jnp.int32),
        pltpu.VMEM((_CV,), jnp.float32),
        pltpu.VMEM((_ROWS, 128), jnp.float32),
    ],
)


_count_kernel = pl.kernel(
    _count_body,
    out_type=jax.ShapeDtypeStruct((_NC, _NS, _ROWS, 128), jnp.float32),
    mesh=plsc.VectorSubcoreMesh(core_axis_name="c", subcore_axis_name="s"),
    compiler_params=pltpu.CompilerParams(needs_layout_passes=False),
    scratch_types=[
        pltpu.VMEM((_ROWS, 128), jnp.float32),
        pltpu.VMEM((2000,), jnp.int32),
    ],
)


_BN = 2048


def _rb(shape, axis):
    def im(i):
        return tuple(i if d == axis else 0 for d in range(len(shape)))
    return pl.BlockSpec(shape, im)


def _wb(shape):
    def im(i):
        return (0,) * len(shape)
    return pl.BlockSpec(shape, im)


def _tc1_body(x_ref, w1_ref, dis_ref, hs1h_ref):
    h1 = jnp.dot(x_ref[...], w1_ref[...].T, preferred_element_type=jnp.float32)
    hs1 = h1 * dis_ref[...]
    hs1h_ref[0] = hs1[:, :16]
    hs1h_ref[1] = hs1[:, 16:]


def _tc2_body(agg_ref, hs1h_ref, dis_ref, b1_ref, wg_ref, atts_ref, attd_ref,
              h2q_ref, ast_ref, adt_ref):
    dis = dis_ref[...]
    r10 = jnp.maximum(dis * (agg_ref[0] + hs1h_ref[0]) + b1_ref[0], 0.0)
    r11 = jnp.maximum(dis * (agg_ref[1] + hs1h_ref[1]) + b1_ref[1], 0.0)
    wg = wg_ref[...]
    h2 = (jnp.dot(r10, wg[:, :16].T, preferred_element_type=jnp.float32)
          + jnp.dot(r11, wg[:, 16:].T, preferred_element_type=jnp.float32))
    for q in range(4):
        h2q_ref[q] = h2[:, 16 * q:16 * (q + 1)]
    ast_ref[0] = (h2[:, :32] * atts_ref[0]).sum(axis=1)
    ast_ref[1] = (h2[:, 32:] * atts_ref[1]).sum(axis=1)
    adt_ref[0] = (h2[:, :32] * attd_ref[0]).sum(axis=1)
    adt_ref[1] = (h2[:, 32:] * attd_ref[1]).sum(axis=1)


def _tc3_body(msum_ref, den_ref, ast_ref, adt_ref, h2q_ref, bg_ref, w2_ref,
              dis_ref, hs3_ref):
    a0 = ast_ref[0] + adt_ref[0]
    a1 = ast_ref[1] + adt_ref[1]
    e0 = jnp.exp(jnp.where(a0 > 0, a0, 0.2 * a0))[:, None]
    e1 = jnp.exp(jnp.where(a1 > 0, a1, 0.2 * a1))[:, None]
    d0 = (den_ref[0] + e0[:, 0])[:, None] + 1e-16
    d1 = (den_ref[1] + e1[:, 0])[:, None] + 1e-16
    m0 = (msum_ref[0] + h2q_ref[0] * e0) / d0
    m1 = (msum_ref[1] + h2q_ref[1] * e0) / d0
    m2 = (msum_ref[2] + h2q_ref[2] * e1) / d1
    m3 = (msum_ref[3] + h2q_ref[3] * e1) / d1
    r2a = jnp.maximum(0.5 * (m0 + m2) + bg_ref[0], 0.0)
    r2b = jnp.maximum(0.5 * (m1 + m3) + bg_ref[1], 0.0)
    h3 = (r2a * w2_ref[0]).sum(axis=1) + (r2b * w2_ref[1]).sum(axis=1)
    hs3_ref[...] = h3[:, None] * dis_ref[...]


def _tc4_body(agg3_ref, hs3_ref, dis_ref, b2_ref, out_ref):
    out_ref[...] = dis_ref[...] * (agg3_ref[...] + hs3_ref[...]) + b2_ref[...]


def _deg2dis_body(degp_ref, dis_ref):
    deg = degp_ref[...].sum(0) + 1.0
    dis_ref[...] = 1.0 / jnp.sqrt(deg)


def _densum_body(denp_ref, den_ref):
    den_ref[...] = denp_ref[...].sum(1)


def _agg3sum_body(aggv_ref, agg3_ref):
    agg3_ref[...] = aggv_ref[...].sum(0)


def kernel(x, edge_index, W1, b1, Wg, att_src, att_dst, bg, W2, b2):
    n = x.shape[0]
    src = edge_index[0]
    dst = edge_index[1]
    f32 = jnp.float32
    nb = _NPAD // _BN

    degp = _count_kernel(dst).reshape(_NW, _ROWS, 128)
    disp = pl.pallas_call(
        _deg2dis_body,
        grid=(7,),
        in_specs=[_rb((_NW, 112, 128), 1)],
        out_specs=_rb((112, 128), 0),
        out_shape=jax.ShapeDtypeStruct((_ROWS, 128), f32),
    )(degp).reshape(_NPAD, 1)

    hs1h = pl.pallas_call(
        _tc1_body,
        grid=(nb,),
        in_specs=[_rb((_BN, 128), 0), _wb((_HID, 128)), _rb((_BN, 1), 0)],
        out_specs=_rb((2, _BN, 16), 1),
        out_shape=jax.ShapeDtypeStruct((2, _NPAD, 16), f32),
    )(x, W1, disp)
    zpad = jnp.zeros((_NPS, 16), f32)
    aggp = _spmm16_kernel(hs1h, src, dst, zpad)

    h2q, astT, adtT = pl.pallas_call(
        _tc2_body,
        grid=(nb,),
        in_specs=[_rb((2, _BN, 16), 1), _rb((2, _BN, 16), 1), _rb((_BN, 1), 0),
                  _wb((2, 16)), _wb((2 * _HID, _HID)),
                  _wb((2, _HID)), _wb((2, _HID))],
        out_specs=[_rb((4, _BN, 16), 1), _rb((2, _BN), 1), _rb((2, _BN), 1)],
        out_shape=[jax.ShapeDtypeStruct((4, _NPAD, 16), f32),
                   jax.ShapeDtypeStruct((2, _NPAD), f32),
                   jax.ShapeDtypeStruct((2, _NPAD), f32)],
    )(aggp, hs1h, disp, b1.reshape(2, 16), Wg,
      att_src.reshape(2, _HID), att_dst.reshape(2, _HID))
    exh, denp = _gat_edge_kernel(astT, adtT, src, dst)
    denp = denp.reshape(_NC, _NS, _ROWS, 128)
    denh = pl.pallas_call(
        _densum_body,
        grid=(7,),
        in_specs=[_rb((_NC, _NS, 112, 128), 2)],
        out_specs=_rb((_NC, 112, 128), 1),
        out_shape=jax.ShapeDtypeStruct((_NC, _ROWS, 128), f32),
    )(denp).reshape(_NC, _NPAD)
    msump = _gat_msum_kernel(h2q, exh, src, dst, zpad)
    hs3 = pl.pallas_call(
        _tc3_body,
        grid=(nb,),
        in_specs=[_rb((4, _BN, 16), 1), _rb((2, _BN), 1), _rb((2, _BN), 1),
                  _rb((2, _BN), 1), _rb((4, _BN, 16), 1), _wb((2, 16)),
                  _wb((2, 16)), _rb((_BN, 1), 0)],
        out_specs=_rb((_BN, 1), 0),
        out_shape=jax.ShapeDtypeStruct((_NPAD, 1), f32),
    )(msump, denh, astT, adtT, h2q, bg.reshape(2, 16), W2.reshape(2, 16), disp)

    aggv = _spmv_kernel(hs3.reshape(-1), src, dst).reshape(_NW, _ROWS, 128)
    agg3p = pl.pallas_call(
        _agg3sum_body,
        grid=(7,),
        in_specs=[_rb((_NW, 112, 128), 1)],
        out_specs=_rb((112, 128), 0),
        out_shape=jax.ShapeDtypeStruct((_ROWS, 128), f32),
    )(aggv).reshape(_NPAD, 1)
    out3 = pl.pallas_call(
        _tc4_body,
        grid=(nb,),
        in_specs=[_rb((_BN, 1), 0), _rb((_BN, 1), 0), _rb((_BN, 1), 0),
                  _wb((1,))],
        out_specs=_rb((_BN, 1), 0),
        out_shape=jax.ShapeDtypeStruct((_NPAD, 1), f32),
    )(agg3p, hs3, disp, b2)
    return out3.reshape(-1)[:n]

# --- scband reference (transcript-rebuilt; emitter-appended) ---
"""Pipeline reference for scband-road-gnn-32461362823845 (READ-ONLY COPY).

The authoritative reference and input builder live on the scoring server;
editing this copy changes nothing except your own understanding.
"""

import jax, jax.numpy as jnp
import numpy as np

N = 100000
E = 1600000
IN_CH = 128
HID = 32
HEADS = 2


def _add_self_loops(edge_index, n):
    loop = jnp.arange(n, dtype=edge_index.dtype)
    src = jnp.concatenate([edge_index[0], loop])
    dst = jnp.concatenate([edge_index[1], loop])
    return src, dst


def _gcn(x, src, dst, W, b, n):
    h = x @ W.T
    deg = jnp.zeros((n,), dtype=h.dtype).at[dst].add(1.0)
    dis = jnp.where(deg > 0, deg ** -0.5, 0.0)
    norm = dis[src] * dis[dst]
    msg = h[src] * norm[:, None]
    out = jnp.zeros((n, h.shape[1]), dtype=h.dtype).at[dst].add(msg)
    return out + b


def _gat(x, src, dst, W, att_s, att_d, b, n):
    h = (x @ W.T).reshape(n, HEADS, HID)
    a_s = (h * att_s).sum(-1)
    a_d = (h * att_d).sum(-1)
    alpha = a_s[src] + a_d[dst]
    alpha = jnp.where(alpha > 0, alpha, 0.2 * alpha)
    amax = jnp.full((n, HEADS), -jnp.inf, dtype=alpha.dtype).at[dst].max(alpha)
    ex = jnp.exp(alpha - amax[dst])
    denom = jnp.zeros((n, HEADS), dtype=ex.dtype).at[dst].add(ex)
    coef = ex / (denom[dst] + 1e-16)
    msg = h[src] * coef[:, :, None]
    out = jnp.zeros((n, HEADS, HID), dtype=h.dtype).at[dst].add(msg)
    return out.mean(axis=1) + b


def setup_inputs(seed: int = 0):
    key = jax.random.key(seed)
    ks = jax.random.split(key, 10)
    x = jax.random.normal(ks[0], (N, IN_CH), dtype=jnp.float32)
    edge_index = jax.random.randint(ks[1], (2, E), 0, N, dtype=jnp.int32)
    W1 = jax.random.normal(ks[2], (HID, IN_CH), dtype=jnp.float32) * (1.0 / np.sqrt(IN_CH))
    b1 = jnp.zeros((HID,), dtype=jnp.float32)
    Wg = jax.random.normal(ks[3], (HEADS * HID, HID), dtype=jnp.float32) * (1.0 / np.sqrt(HID))
    att_src = jax.random.normal(ks[4], (1, HEADS, HID), dtype=jnp.float32) * 0.1
    att_dst = jax.random.normal(ks[5], (1, HEADS, HID), dtype=jnp.float32) * 0.1
    bg = jnp.zeros((HID,), dtype=jnp.float32)
    W2 = jax.random.normal(ks[6], (1, HID), dtype=jnp.float32) * (1.0 / np.sqrt(HID))
    b2 = jnp.zeros((1,), dtype=jnp.float32)
    return {"x": x, "edge_index": edge_index, "W1": W1, "b1": b1, "Wg": Wg,
            "att_src": att_src, "att_dst": att_dst, "bg": bg, "W2": W2, "b2": b2}


def reference(x, edge_index, W1, b1, Wg, att_src, att_dst, bg, W2, b2):
    # dropout layers are identity in eval mode
    n = x.shape[0]
    src, dst = _add_self_loops(edge_index, n)
    h = _gcn(x, src, dst, W1, b1, n)
    h = jax.nn.relu(h)
    h = _gat(h, src, dst, Wg, att_src, att_dst, bg, n)
    h = jax.nn.relu(h)
    h = _gcn(h, src, dst, W2, b2, n)
    return h.reshape(-1)

if __name__ == "__main__":
    import jax
    _d = setup_inputs()
    print(jax.jit(kernel)(*tuple(_d.values())))

</pallas_src>

<mosaic_0001>
#map = affine_map<(d0, d1) -> (0, 0, 0)>
#map1 = affine_map<(d0, d1) -> (0)>
#map2 = affine_map<(d0, d1) -> (0, 0)>
module attributes {stable_mosaic.version = 14 : i64} {
  func.func @_spmm16_body(%arg0: i32, %arg1: i32, %arg2: memref<2x100352x16xf32, #tpu.memory_space<hbm>>, %arg3: memref<1600000xi32, #tpu.memory_space<hbm>>, %arg4: memref<1600000xi32, #tpu.memory_space<hbm>>, %arg5: memref<100096x16xf32, #tpu.memory_space<hbm>>, %arg6: memref<2x100096x16xf32, #tpu.memory_space<hbm>>, %arg7: memref<1000xi32, #tpu.memory_space<vmem>>, %arg8: memref<1000xi32, #tpu.memory_space<vmem>>, %arg9: memref<1000x16xf32, #tpu.memory_space<vmem>>, %arg10: memref<100096x16xf32, #tpu.memory_space<vmem_shared>>, %arg11: memref<!tpu.dma_semaphore, #tpu.memory_space<semaphore_mem>>) attributes {dimension_semantics = [#tpu.dimension_semantics<core_parallel>, #tpu.dimension_semantics<subcore_parallel>], iteration_bounds = array<i64: 2, 16>, scalar_prefetch = 0 : i64, scratch_operands = 5 : i64, tpu.core_type = #tpu.core_type<sc_vector_subcore>, window_params = [{transform_indices = #map}, {transform_indices = #map1}, {transform_indices = #map1}, {transform_indices = #map2}, {transform_indices = #map}]} {
    %mul3A = arith.constant 100000 : i32
    %mul3A_0 = arith.muli %arg1, %mul3A : i32
    %mul3A_1 = arith.constant 6256 : i32
    %mul3A_2 = arith.muli %arg1, %mul3A_1 : i32
    %mul3A_3 = arith.constant 6256 : i32
    %mul3A_4 = arith.muli %arg1, %mul3A_3 : i32
    "tpu.region"() ({
      %run_scoped3A = tpu.sem_alloc : memref<!tpu.dma_semaphore, #tpu.memory_space<semaphore_mem>>
      %dma_start3A = arith.constant 0 : i32
      %dma_start3A_15 = tpu.memref_slice %arg10[%mul3A_4, %dma_start3A] : memref<100096x16xf32, #tpu.memory_space<vmem_shared>> -> memref<6256x16xf32, #tpu.memory_space<vmem_shared>>
      %dma_start3A_16 = arith.constant 0 : i32
      %dma_start3A_17 = tpu.memref_slice %arg5[%mul3A_2, %dma_start3A_16] : memref<100096x16xf32, #tpu.memory_space<hbm>> -> memref<6256x16xf32, #tpu.memory_space<hbm>>
      tpu.enqueue_dma source(%dma_start3A_17 : memref<6256x16xf32, #tpu.memory_space<hbm>>) target(%dma_start3A_15 : memref<6256x16xf32, #tpu.memory_space<vmem_shared>>) target_semaphore(%run_scoped3A : memref<!tpu.dma_semaphore, #tpu.memory_space<semaphore_mem>>)
      %dma_wait3A = arith.constant 0 : i32
      %dma_wait3A_18 = tpu.memref_slice %arg10[%mul3A_4, %dma_wait3A] : memref<100096x16xf32, #tpu.memory_space<vmem_shared>> -> memref<6256x16xf32, #tpu.memory_space<vmem_shared>>
      %dma_wait3A_19 = arith.constant 0 : i32
      %dma_wait3A_20 = tpu.memref_slice %arg5[%mul3A_2, %dma_wait3A_19] : memref<100096x16xf32, #tpu.memory_space<hbm>> -> memref<6256x16xf32, #tpu.memory_space<hbm>>
      tpu.wait_dma2 semaphore(%run_scoped3A : memref<!tpu.dma_semaphore, #tpu.memory_space<semaphore_mem>>) src(%dma_wait3A_20 : memref<6256x16xf32, #tpu.memory_space<hbm>>) dst(%dma_wait3A_18 : memref<6256x16xf32, #tpu.memory_space<vmem_shared>>)
      tpu.yield
    }) : () -> ()
    %barrier3A = arith.constant 0 : index
    tpu.barrier barrier_id(%barrier3A)
    %scan3A = arith.constant 0 : i32
    %scan3A_5 = arith.constant 0 : i32
    %scan3A_6 = arith.constant 100 : i32
    %scan3A_7 = arith.addi %scan3A_5, %scan3A_6 : i32
    %scan3A_8 = arith.constant 1 : i32
    scf.for %scan3A_15 = %scan3A_5 to %scan3A_7 step %scan3A_8  : i32 {
      %mul3A_16 = arith.constant 1000 : i32
      %mul3A_17 = arith.muli %scan3A_15, %mul3A_16 : i32
      %add3A = arith.addi %mul3A_0, %mul3A_17 : i32
      "tpu.region"() ({
        %run_scoped3A = tpu.sem_alloc : memref<!tpu.dma_semaphore, #tpu.memory_space<semaphore_mem>>
        %dma_start3A_33 = tpu.memref_slice %arg3[%add3A] : memref<1600000xi32, #tpu.memory_space<hbm>> -> memref<1000xi32, #tpu.memory_space<hbm>>
        %dma_start3A_34 = tpu.memref_slice %arg3[%add3A] : memref<1600000xi32, #tpu.memory_space<hbm>> -> memref<1000xi32, #tpu.memory_space<hbm>>
        tpu.enqueue_dma source(%dma_start3A_34 : memref<1000xi32, #tpu.memory_space<hbm>>) target(%arg7 : memref<1000xi32, #tpu.memory_space<vmem>>) target_semaphore(%run_scoped3A : memref<!tpu.dma_semaphore, #tpu.memory_space<semaphore_mem>>)
        %dma_wait3A_35 = tpu.memref_slice %arg3[%add3A] : memref<1600000xi32, #tpu.memory_space<hbm>> -> memref<1000xi32, #tpu.memory_space<hbm>>
        %dma_wait3A_36 = tpu.memref_slice %arg3[%add3A] : memref<1600000xi32, #tpu.memory_space<hbm>> -> memref<1000xi32, #tpu.memory_space<hbm>>
        tpu.wait_dma2 semaphore(%run_scoped3A : memref<!tpu.dma_semaphore, #tpu.memory_space<semaphore_mem>>) src(%dma_wait3A_36 : memref<1000xi32, #tpu.memory_space<hbm>>) dst(%arg7 : memref<1000xi32, #tpu.memory_space<vmem>>)
        tpu.yield
      }) : () -> ()
      %mul3A_18 = arith.constant 1000 : i32
      %mul3A_19 = arith.muli %scan3A_15, %mul3A_18 : i32
      %add3A_20 = arith.addi %mul3A_0, %mul3A_19 : i32
      "tpu.region"() ({
        %run_scoped3A = tpu.sem_alloc : memref<!tpu.dma_semaphore, #tpu.memory_space<semaphore_mem>>
        %dma_start3A_33 = tpu.memref_slice %arg4[%add3A_20] : memref<1600000xi32, #tpu.memory_space<hbm>> -> memref<1000xi32, #tpu.memory_space<hbm>>
        %dma_start3A_34 = tpu.memref_slice %arg4[%add3A_20] : memref<1600000xi32, #tpu.memory_space<hbm>> -> memref<1000xi32, #tpu.memory_space<hbm>>
        tpu.enqueue_dma source(%dma_start3A_34 : memref<1000xi32, #tpu.memory_space<hbm>>) target(%arg8 : memref<1000xi32, #tpu.memory_space<vmem>>) target_semaphore(%run_scoped3A : memref<!tpu.dma_semaphore, #tpu.memory_space<semaphore_mem>>)
        %dma_wait3A_35 = tpu.memref_slice %arg4[%add3A_20] : memref<1600000xi32, #tpu.memory_space<hbm>> -> memref<1000xi32, #tpu.memory_space<hbm>>
        %dma_wait3A_36 = tpu.memref_slice %arg4[%add3A_20] : memref<1600000xi32, #tpu.memory_space<hbm>> -> memref<1000xi32, #tpu.memory_space<hbm>>
        tpu.wait_dma2 semaphore(%run_scoped3A : memref<!tpu.dma_semaphore, #tpu.memory_space<semaphore_mem>>) src(%dma_wait3A_36 : memref<1000xi32, #tpu.memory_space<hbm>>) dst(%arg8 : memref<1000xi32, #tpu.memory_space<vmem>>)
        tpu.yield
      }) : () -> ()
      %dma_start3A = arith.constant 0 : i32
      %dma_start3A_21 = arith.constant 0 : i32
      %dma_start3A_22 = tpu.memref_slice %arg2[%arg0, %dma_start3A, %dma_start3A_21] : memref<2x100352x16xf32, #tpu.memory_space<hbm>> -> memref<1x100352x16xf32, #tpu.memory_space<hbm>>
      %dma_start3A_23 = tpu.memref_squeeze %dma_start3A_22 : memref<1x100352x16xf32, #tpu.memory_space<hbm>> -> memref<100352x16xf32, #tpu.memory_space<hbm>>
      %dma_start3A_24 = arith.constant 0 : i32
      %dma_start3A_25 = arith.constant 0 : i32
      %dma_start3A_26 = tpu.memref_slice %dma_start3A_23[%dma_start3A_24, %dma_start3A_25] : memref<100352x16xf32, #tpu.memory_space<hbm>> -> memref<100352x16xf32, #tpu.memory_space<hbm>>
      tpu.enqueue_indirect_dma source(%dma_start3A_26 : memref<100352x16xf32, #tpu.memory_space<hbm>>) target(%arg9 : memref<1000x16xf32, #tpu.memory_space<vmem>>) offsets(%arg7 : memref<1000xi32, #tpu.memory_space<vmem>>) semaphore(%arg11 : memref<!tpu.dma_semaphore, #tpu.memory_space<semaphore_mem>>)
      %dma_wait3A = arith.constant 0 : i32
      %dma_wait3A_27 = arith.constant 0 : i32
      %dma_wait3A_28 = tpu.memref_slice %arg2[%arg0, %dma_wait3A, %dma_wait3A_27] : memref<2x100352x16xf32, #tpu.memory_space<hbm>> -> memref<1x100352x16xf32, #tpu.memory_space<hbm>>
      %dma_wait3A_29 = tpu.memref_squeeze %dma_wait3A_28 : memref<1x100352x16xf32, #tpu.memory_space<hbm>> -> memref<100352x16xf32, #tpu.memory_space<hbm>>
      %dma_wait3A_30 = arith.constant 0 : i32
      %dma_wait3A_31 = arith.constant 0 : i32
      %dma_wait3A_32 = tpu.memref_slice %dma_wait3A_29[%dma_wait3A_30, %dma_wait3A_31] : memref<100352x16xf32, #tpu.memory_space<hbm>> -> memref<100352x16xf32, #tpu.memory_space<hbm>>
      tpu.wait_indirect_dma semaphore(%arg11 : memref<!tpu.dma_semaphore, #tpu.memory_space<semaphore_mem>>) src(%dma_wait3A_32 : memref<100352x16xf32, #tpu.memory_space<hbm>>) dst(%arg9 : memref<1000x16xf32, #tpu.memory_space<vmem>>)
      "tpu.region"() ({
        %run_scoped3A = tpu.sem_alloc : memref<!tpu.dma_semaphore, #tpu.memory_space<semaphore_mem>>
        %dma_start3A_33 = arith.constant 0 : i32
        %dma_start3A_34 = arith.constant 0 : i32
        %dma_start3A_35 = tpu.memref_slice %arg10[%dma_start3A_33, %dma_start3A_34] : memref<100096x16xf32, #tpu.memory_space<vmem_shared>> -> memref<100096x16xf32, #tpu.memory_space<vmem_shared>>
        tpu.enqueue_indirect_dma source(%arg9 : memref<1000x16xf32, #tpu.memory_space<vmem>>) target(%dma_start3A_35 : memref<100096x16xf32, #tpu.memory_space<vmem_shared>>) offsets(%arg8 : memref<1000xi32, #tpu.memory_space<vmem>>) semaphore(%run_scoped3A : memref<!tpu.dma_semaphore, #tpu.memory_space<semaphore_mem>>) {add = true}
        %dma_wait3A_36 = arith.constant 0 : i32
        %dma_wait3A_37 = arith.constant 0 : i32
        %dma_wait3A_38 = tpu.memref_slice %arg10[%dma_wait3A_36, %dma_wait3A_37] : memref<100096x16xf32, #tpu.memory_space<vmem_shared>> -> memref<100096x16xf32, #tpu.memory_space<vmem_shared>>
        tpu.wait_indirect_dma semaphore(%run_scoped3A : memref<!tpu.dma_semaphore, #tpu.memory_space<semaphore_mem>>) src(%arg9 : memref<1000x16xf32, #tpu.memory_space<vmem>>) dst(%dma_wait3A_38 : memref<100096x16xf32, #tpu.memory_space<vmem_shared>>)
        tpu.yield
      }) : () -> ()
    }
    %scan3A_9 = arith.constant 100 : i32
    %barrier3A_10 = arith.constant 0 : index
    tpu.barrier barrier_id(%barrier3A_10)
    %mul3A_11 = arith.constant 6256 : i32
    %mul3A_12 = arith.muli %arg1, %mul3A_11 : i32
    %mul3A_13 = arith.constant 6256 : i32
    %mul3A_14 = arith.muli %arg1, %mul3A_13 : i32
    "tpu.region"() ({
      %run_scoped3A = tpu.sem_alloc : memref<!tpu.dma_semaphore, #tpu.memory_space<semaphore_mem>>
      %dma_start3A = arith.constant 0 : i32
      %dma_start3A_15 = tpu.memref_slice %arg6[%arg0, %mul3A_14, %dma_start3A] : memref<2x100096x16xf32, #tpu.memory_space<hbm>> -> memref<1x6256x16xf32, #tpu.memory_space<hbm>>
      %dma_start3A_16 = tpu.memref_squeeze %dma_start3A_15 : memref<1x6256x16xf32, #tpu.memory_space<hbm>> -> memref<6256x16xf32, #tpu.memory_space<hbm>>
      %dma_start3A_17 = arith.constant 0 : i32
      %dma_start3A_18 = tpu.memref_slice %arg10[%mul3A_12, %dma_start3A_17] : memref<100096x16xf32, #tpu.memory_space<vmem_shared>> -> memref<6256x16xf32, #tpu.memory_space<vmem_shared>>
      tpu.enqueue_dma source(%dma_start3A_18 : memref<6256x16xf32, #tpu.memory_space<vmem_shared>>) target(%dma_start3A_16 : memref<6256x16xf32, #tpu.memory_space<hbm>>) target_semaphore(%run_scoped3A : memref<!tpu.dma_semaphore, #tpu.memory_space<semaphore_mem>>)
      %dma_wait3A = arith.constant 0 : i32
      %dma_wait3A_19 = tpu.memref_slice %arg6[%arg0, %mul3A_14, %dma_wait3A] : memref<2x100096x16xf32, #tpu.memory_space<hbm>> -> memref<1x6256x16xf32, #tpu.memory_space<hbm>>
      %dma_wait3A_20 = tpu.memref_squeeze %dma_wait3A_19 : memref<1x6256x16xf32, #tpu.memory_space<hbm>> -> memref<6256x16xf32, #tpu.memory_space<hbm>>
      %dma_wait3A_21 = arith.constant 0 : i32
      %dma_wait3A_22 = tpu.memref_slice %arg10[%mul3A_12, %dma_wait3A_21] : memref<100096x16xf32, #tpu.memory_space<vmem_shared>> -> memref<6256x16xf32, #tpu.memory_space<vmem_shared>>
      tpu.wait_dma2 semaphore(%run_scoped3A : memref<!tpu.dma_semaphore, #tpu.memory_space<semaphore_mem>>) src(%dma_wait3A_22 : memref<6256x16xf32, #tpu.memory_space<vmem_shared>>) dst(%dma_wait3A_20 : memref<6256x16xf32, #tpu.memory_space<hbm>>)
      tpu.yield
    }) : () -> ()
    return
  }
}

#map = affine_map<(d0, d1) -> (0)>
#map1 = affine_map<(d0, d1) -> (0, 0, 0, 0)>
module attributes {stable_mosaic.version = 14 : i64} {
  func.func @_count_body(%arg0: i32, %arg1: i32, %arg2: memref<1600000xi32, #tpu.memory_space<hbm>>, %arg3: memref<2x16x784x128xf32, #tpu.memory_space<hbm>>, %arg4: memref<784x128xf32, #tpu.memory_space<vmem>>, %arg5: memref<2000xi32, #tpu.memory_space<vmem>>) attributes {dimension_semantics = [#tpu.dimension_semantics<core_parallel>, #tpu.dimension_semantics<subcore_parallel>], iteration_bounds = array<i64: 2, 16>, scalar_prefetch = 0 : i64, scratch_operands = 2 : i64, tpu.core_type = #tpu.core_type<sc_vector_subcore>, window_params = [{transform_indices = #map}, {transform_indices = #map1}]} {
    %mul3A = arith.constant 16 : i32
    %mul3A_0 = arith.muli %arg0, %mul3A : i32
    %add3A = arith.addi %mul3A_0, %arg1 : i32
    %mul3A_1 = arith.constant 50000 : i32
    %mul3A_2 = arith.muli %add3A, %mul3A_1 : i32
    %broadcast_in_dim3A = arith.constant 0.000000e+00 : f32
    %broadcast_in_dim3A_3 = vector.broadcast %broadcast_in_dim3A : f32 to vector<16xf32>
    %scan3A = arith.constant 0 : i32
    %scan3A_4 = arith.constant 0 : i32
    %scan3A_5 = arith.constant 784 : i32
    %scan3A_6 = arith.addi %scan3A_4, %scan3A_5 : i32
    %scan3A_7 = arith.constant 2 : i32
    scf.for %scan3A_17 = %scan3A_4 to %scan3A_6 step %scan3A_7  : i32 {
      %swap3A = arith.index_cast %scan3A_17 : i32 to index
      %swap3A_18 = arith.constant 0 : index
      %swap3A_19 = tpu.vector_load %arg4[%swap3A, %swap3A_18] {strides = array<i32>} : memref<784x128xf32, #tpu.memory_space<vmem>>, vector<16xf32>,
      tpu.vector_store %arg4[%swap3A, %swap3A_18], %broadcast_in_dim3A_3 {strides = array<i32>} : memref<784x128xf32, #tpu.memory_space<vmem>>, vector<16xf32>,
      %swap3A_20 = arith.index_cast %scan3A_17 : i32 to index
      %swap3A_21 = arith.constant 16 : index
      %swap3A_22 = tpu.vector_load %arg4[%swap3A_20, %swap3A_21] {strides = array<i32>} : memref<784x128xf32, #tpu.memory_space<vmem>>, vector<16xf32>,
      tpu.vector_store %arg4[%swap3A_20, %swap3A_21], %broadcast_in_dim3A_3 {strides = array<i32>} : memref<784x128xf32, #tpu.memory_space<vmem>>, vector<16xf32>,
      %swap3A_23 = arith.index_cast %scan3A_17 : i32 to index
      %swap3A_24 = arith.constant 32 : index
      %swap3A_25 = tpu.vector_load %arg4[%swap3A_23, %swap3A_24] {strides = array<i32>} : memref<784x128xf32, #tpu.memory_space<vmem>>, vector<16xf32>,
      tpu.vector_store %arg4[%swap3A_23, %swap3A_24], %broadcast_in_dim3A_3 {strides = array<i32>} : memref<784x128xf32, #tpu.memory_space<vmem>>, vector<16xf32>,
      %swap3A_26 = arith.index_cast %scan3A_17 : i32 to index
      %swap3A_27 = arith.constant 48 : index
      %swap3A_28 = tpu.vector_load %arg4[%swap3A_26, %swap3A_27] {strides = array<i32>} : memref<784x128xf32, #tpu.memory_space<vmem>>, vector<16xf32>,
      tpu.vector_store %arg4[%swap3A_26, %swap3A_27], %broadcast_in_dim3A_3 {strides = array<i32>} : memref<784x128xf32, #tpu.memory_space<vmem>>, vector<16xf32>,
      %swap3A_29 = arith.index_cast %scan3A_17 : i32 to index
      %swap3A_30 = arith.constant 64 : index
      %swap3A_31 = tpu.vector_load %arg4[%swap3A_29, %swap3A_30] {strides = array<i32>} : memref<784x128xf32, #tpu.memory_space<vmem>>, vector<16xf32>,
      tpu.vector_store %arg4[%swap3A_29, %swap3A_30], %broadcast_in_dim3A_3 {strides = array<i32>} : memref<784x128xf32, #tpu.memory_space<vmem>>, vector<16xf32>,
      %swap3A_32 = arith.index_cast %scan3A_17 : i32 to index
      %swap3A_33 = arith.constant 80 : index
      %swap3A_34 = tpu.vector_load %arg4[%swap3A_32, %swap3A_33] {strides = array<i32>} : memref<784x128xf32, #tpu.memory_space<vmem>>, vector<16xf32>,
      tpu.vector_store %arg4[%swap3A_32, %swap3A_33], %broadcast_in_dim3A_3 {strides = array<i32>} : memref<784x128xf32, #tpu.memory_space<vmem>>, vector<16xf32>,
      %swap3A_35 = arith.index_cast %scan3A_17 : i32 to index
      %swap3A_36 = arith.constant 96 : index
      %swap3A_37 = tpu.vector_load %arg4[%swap3A_35, %swap3A_36] {strides = array<i32>} : memref<784x128xf32, #tpu.memory_space<vmem>>, vector<16xf32>,
      tpu.vector_store %arg4[%swap3A_35, %swap3A_36], %broadcast_in_dim3A_3 {strides = array<i32>} : memref<784x128xf32, #tpu.memory_space<vmem>>, vector<16xf32>,
      %swap3A_38 = arith.index_cast %scan3A_17 : i32 to index
      %swap3A_39 = arith.constant 112 : index
      %swap3A_40 = tpu.vector_load %arg4[%swap3A_38, %swap3A_39] {strides = array<i32>} : memref<784x128xf32, #tpu.memory_space<vmem>>, vector<16xf32>,
      tpu.vector_store %arg4[%swap3A_38, %swap3A_39], %broadcast_in_dim3A_3 {strides = array<i32>} : memref<784x128xf32, #tpu.memory_space<vmem>>, vector<16xf32>,
      %scan3A_41 = arith.constant 1 : i32
      %scan3A_42 = arith.addi %scan3A_17, %scan3A_41 : i32
      %swap3A_43 = arith.index_cast %scan3A_42 : i32 to index
      %swap3A_44 = arith.constant 0 : index
      %swap3A_45 = tpu.vector_load %arg4[%swap3A_43, %swap3A_44] {strides = array<i32>} : memref<784x128xf32, #tpu.memory_space<vmem>>, vector<16xf32>,
      tpu.vector_store %arg4[%swap3A_43, %swap3A_44], %broadcast_in_dim3A_3 {strides = array<i32>} : memref<784x128xf32, #tpu.memory_space<vmem>>, vector<16xf32>,
      %swap3A_46 = arith.index_cast %scan3A_42 : i32 to index
      %swap3A_47 = arith.constant 16 : index
      %swap3A_48 = tpu.vector_load %arg4[%swap3A_46, %swap3A_47] {strides = array<i32>} : memref<784x128xf32, #tpu.memory_space<vmem>>, vector<16xf32>,
      tpu.vector_store %arg4[%swap3A_46, %swap3A_47], %broadcast_in_dim3A_3 {strides = array<i32>} : memref<784x128xf32, #tpu.memory_space<vmem>>, vector<16xf32>,
      %swap3A_49 = arith.index_cast %scan3A_42 : i32 to index
      %swap3A_50 = arith.constant 32 : index
      %swap3A_51 = tpu.vector_load %arg4[%swap3A_49, %swap3A_50] {strides = array<i32>} : memref<784x128xf32, #tpu.memory_space<vmem>>, vector<16xf32>,
      tpu.vector_store %arg4[%swap3A_49, %swap3A_50], %broadcast_in_dim3A_3 {strides = array<i32>} : memref<784x128xf32, #tpu.memory_space<vmem>>, vector<16xf32>,
      %swap3A_52 = arith.index_cast %scan3A_42 : i32 to index
      %swap3A_53 = arith.constant 48 : index
      %swap3A_54 = tpu.vector_load %arg4[%swap3A_52, %swap3A_53] {strides = array<i32>} : memref<784x128xf32, #tpu.memory_space<vmem>>, vector<16xf32>,
      tpu.vector_store %arg4[%swap3A_52, %swap3A_53], %broadcast_in_dim3A_3 {strides = array<i32>} : memref<784x128xf32, #tpu.memory_space<vmem>>, vector<16xf32>,
      %swap3A_55 = arith.index_cast %scan3A_42 : i32 to index
      %swap3A_56 = arith.constant 64 : index
      %swap3A_57 = tpu.vector_load %arg4[%swap3A_55, %swap3A_56] {strides = array<i32>} : memref<784x128xf32, #tpu.memory_space<vmem>>, vector<16xf32>,
      tpu.vector_store %arg4[%swap3A_55, %swap3A_56], %broadcast_in_dim3A_3 {strides = array<i32>} : memref<784x128xf32, #tpu.memory_space<vmem>>, vector<16xf32>,
      %swap3A_58 = arith.index_cast %scan3A_42 : i32 to index
      %swap3A_59 = arith.constant 80 : index
      %swap3A_60 = tpu.vector_load %arg4[%swap3A_58, %swap3A_59] {strides = array<i32>} : memref<784x128xf32, #tpu.memory_space<vmem>>, vector<16xf32>,
      tpu.vector_store %arg4[%swap3A_58, %swap3A_59], %broadcast_in_dim3A_3 {strides = array<i32>} : memref<784x128xf32, #tpu.memory_space<vmem>>, vector<16xf32>,
      %swap3A_61 = arith.index_cast %scan3A_42 : i32 to index
      %swap3A_62 = arith.constant 96 : index
      %swap3A_63 = tpu.vector_load %arg4[%swap3A_61, %swap3A_62] {strides = array<i32>} : memref<784x128xf32, #tpu.memory_space<vmem>>, vector<16xf32>,
      tpu.vector_store %arg4[%swap3A_61, %swap3A_62], %broadcast_in_dim3A_3 {strides = array<i32>} : memref<784x128xf32, #tpu.memory_space<vmem>>, vector<16xf32>,
      %swap3A_64 = arith.index_cast %scan3A_42 : i32 to index
      %swap3A_65 = arith.constant 112 : index
      %swap3A_66 = tpu.vector_load %arg4[%swap3A_64, %swap3A_65] {strides = array<i32>} : memref<784x128xf32, #tpu.memory_space<vmem>>, vector<16xf32>,
      tpu.vector_store %arg4[%swap3A_64, %swap3A_65], %broadcast_in_dim3A_3 {strides = array<i32>} : memref<784x128xf32, #tpu.memory_space<vmem>>, vector<16xf32>,
    }
    %scan3A_8 = arith.constant 784 : i32
    %broadcast_in_dim3A_9 = arith.constant 1.000000e+00 : f32
    %broadcast_in_dim3A_10 = vector.broadcast %broadcast_in_dim3A_9 : f32 to vector<16xf32>
    %scan3A_11 = arith.constant 0 : i32
    %scan3A_12 = arith.constant 0 : i32
    %scan3A_13 = arith.constant 25 : i32
    %scan3A_14 = arith.addi %scan3A_12, %scan3A_13 : i32
    %scan3A_15 = arith.constant 1 : i32
    scf.for %scan3A_17 = %scan3A_12 to %scan3A_14 step %scan3A_15  : i32 {
      %mul3A_18 = arith.constant 2000 : i32
      %mul3A_19 = arith.muli %scan3A_17, %mul3A_18 : i32
      %add3A_20 = arith.addi %mul3A_2, %mul3A_19 : i32
      "tpu.region"() ({
        %run_scoped3A = tpu.sem_alloc : memref<!tpu.dma_semaphore, #tpu.memory_space<semaphore_mem>>
        %dma_start3A = tpu.memref_slice %arg2[%add3A_20] : memref<1600000xi32, #tpu.memory_space<hbm>> -> memref<2000xi32, #tpu.memory_space<hbm>>
        %dma_start3A_36 = tpu.memref_slice %arg2[%add3A_20] : memref<1600000xi32, #tpu.memory_space<hbm>> -> memref<2000xi32, #tpu.memory_space<hbm>>
        tpu.enqueue_dma source(%dma_start3A_36 : memref<2000xi32, #tpu.memory_space<hbm>>) target(%arg5 : memref<2000xi32, #tpu.memory_space<vmem>>) target_semaphore(%run_scoped3A : memref<!tpu.dma_semaphore, #tpu.memory_space<semaphore_mem>>)
        %dma_wait3A = tpu.memref_slice %arg2[%add3A_20] : memref<1600000xi32, #tpu.memory_space<hbm>> -> memref<2000xi32, #tpu.memory_space<hbm>>
        %dma_wait3A_37 = tpu.memref_slice %arg2[%add3A_20] : memref<1600000xi32, #tpu.memory_space<hbm>> -> memref<2000xi32, #tpu.memory_space<hbm>>
        tpu.wait_dma2 semaphore(%run_scoped3A : memref<!tpu.dma_semaphore, #tpu.memory_space<semaphore_mem>>) src(%dma_wait3A_37 : memref<2000xi32, #tpu.memory_space<hbm>>) dst(%arg5 : memref<2000xi32, #tpu.memory_space<vmem>>)
        tpu.yield
      }) : () -> ()
      %scan3A_21 = arith.constant 0 : i32
      %scan3A_22 = arith.constant 0 : i32
      %scan3A_23 = arith.constant 124 : i32
      %scan3A_24 = arith.addi %scan3A_22, %scan3A_23 : i32
      %scan3A_25 = arith.constant 4 : i32
      scf.for %scan3A_36 = %scan3A_22 to %scan3A_24 step %scan3A_25  : i32 {
        %mul3A_37 = arith.constant 16 : i32
        %mul3A_38 = arith.muli %scan3A_36, %mul3A_37 : i32
        %get3A_39 = arith.index_cast %mul3A_38 : i32 to index
        %get3A_40 = tpu.vector_load %arg5[%get3A_39] {strides = array<i32>} : memref<2000xi32, #tpu.memory_space<vmem>>, vector<16xi32>,
        %shift_right_arithmetic3A_41 = arith.constant 7 : i32
        %shift_right_arithmetic3A_42 = vector.broadcast %shift_right_arithmetic3A_41 : i32 to vector<16xi32>
        %shift_right_arithmetic3A_43 = arith.shrsi %get3A_40, %shift_right_arithmetic3A_42 : vector<16xi32>
        %and3A_44 = arith.constant 127 : i32
        %and3A_45 = vector.broadcast %and3A_44 : i32 to vector<16xi32>
        %and3A_46 = arith.andi %get3A_40, %and3A_45 : vector<16xi32>
        tpu.vector_store_idx %arg4[%shift_right_arithmetic3A_43, %and3A_46], %broadcast_in_dim3A_10 {add = true} : memref<784x128xf32, #tpu.memory_space<vmem>>[vector<16xi32>, vector<16xi32>], vector<16xf32>,
        %scan3A_47 = arith.constant 1 : i32
        %scan3A_48 = arith.addi %scan3A_36, %scan3A_47 : i32
        %mul3A_49 = arith.constant 16 : i32
        %mul3A_50 = arith.muli %scan3A_48, %mul3A_49 : i32
        %get3A_51 = arith.index_cast %mul3A_50 : i32 to index
        %get3A_52 = tpu.vector_load %arg5[%get3A_51] {strides = array<i32>} : memref<2000xi32, #tpu.memory_space<vmem>>, vector<16xi32>,
        %shift_right_arithmetic3A_53 = arith.constant 7 : i32
        %shift_right_arithmetic3A_54 = vector.broadcast %shift_right_arithmetic3A_53 : i32 to vector<16xi32>
        %shift_right_arithmetic3A_55 = arith.shrsi %get3A_52, %shift_right_arithmetic3A_54 : vector<16xi32>
        %and3A_56 = arith.constant 127 : i32
        %and3A_57 = vector.broadcast %and3A_56 : i32 to vector<16xi32>
        %and3A_58 = arith.andi %get3A_52, %and3A_57 : vector<16xi32>
        tpu.vector_store_idx %arg4[%shift_right_arithmetic3A_55, %and3A_58], %broadcast_in_dim3A_10 {add = true} : memref<784x128xf32, #tpu.memory_space<vmem>>[vector<16xi32>, vector<16xi32>], vector<16xf32>,
        %scan3A_59 = arith.constant 2 : i32
        %scan3A_60 = arith.addi %scan3A_36, %scan3A_59 : i32
        %mul3A_61 = arith.constant 16 : i32
        %mul3A_62 = arith.muli %scan3A_60, %mul3A_61 : i32
        %get3A_63 = arith.index_cast %mul3A_62 : i32 to index
        %get3A_64 = tpu.vector_load %arg5[%get3A_63] {strides = array<i32>} : memref<2000xi32, #tpu.memory_space<vmem>>, vector<16xi32>,
        %shift_right_arithmetic3A_65 = arith.constant 7 : i32
        %shift_right_arithmetic3A_66 = vector.broadcast %shift_right_arithmetic3A_65 : i32 to vector<16xi32>
        %shift_right_arithmetic3A_67 = arith.shrsi %get3A_64, %shift_right_arithmetic3A_66 : vector<16xi32>
        %and3A_68 = arith.constant 127 : i32
        %and3A_69 = vector.broadcast %and3A_68 : i32 to vector<16xi32>
        %and3A_70 = arith.andi %get3A_64, %and3A_69 : vector<16xi32>
        tpu.vector_store_idx %arg4[%shift_right_arithmetic3A_67, %and3A_70], %broadcast_in_dim3A_10 {add = true} : memref<784x128xf32, #tpu.memory_space<vmem>>[vector<16xi32>, vector<16xi32>], vector<16xf32>,
        %scan3A_71 = arith.constant 3 : i32
        %scan3A_72 = arith.addi %scan3A_36, %scan3A_71 : i32
        %mul3A_73 = arith.constant 16 : i32
        %mul3A_74 = arith.muli %scan3A_72, %mul3A_73 : i32
        %get3A_75 = arith.index_cast %mul3A_74 : i32 to index
        %get3A_76 = tpu.vector_load %arg5[%get3A_75] {strides = array<i32>} : memref<2000xi32, #tpu.memory_space<vmem>>, vector<16xi32>,
        %shift_right_arithmetic3A_77 = arith.constant 7 : i32
        %shift_right_arithmetic3A_78 = vector.broadcast %shift_right_arithmetic3A_77 : i32 to vector<16xi32>
        %shift_right_arithmetic3A_79 = arith.shrsi %get3A_76, %shift_right_arithmetic3A_78 : vector<16xi32>
        %and3A_80 = arith.constant 127 : i32
        %and3A_81 = vector.broadcast %and3A_80 : i32 to vector<16xi32>
        %and3A_82 = arith.andi %get3A_76, %and3A_81 : vector<16xi32>
        tpu.vector_store_idx %arg4[%shift_right_arithmetic3A_79, %and3A_82], %broadcast_in_dim3A_10 {add = true} : memref<784x128xf32, #tpu.memory_space<vmem>>[vector<16xi32>, vector<16xi32>], vector<16xf32>,
      }
      %scan3A_26 = arith.constant 124 : i32
      %scan3A_27 = arith.addi %scan3A_22, %scan3A_26 : i32
      %mul3A_28 = arith.constant 16 : i32
      %mul3A_29 = arith.muli %scan3A_27, %mul3A_28 : i32
      %get3A = arith.index_cast %mul3A_29 : i32 to index
      %get3A_30 = tpu.vector_load %arg5[%get3A] {strides = array<i32>} : memref<2000xi32, #tpu.memory_space<vmem>>, vector<16xi32>,
      %shift_right_arithmetic3A = arith.constant 7 : i32
      %shift_right_arithmetic3A_31 = vector.broadcast %shift_right_arithmetic3A : i32 to vector<16xi32>
      %shift_right_arithmetic3A_32 = arith.shrsi %get3A_30, %shift_right_arithmetic3A_31 : vector<16xi32>
      %and3A = arith.constant 127 : i32
      %and3A_33 = vector.broadcast %and3A : i32 to vector<16xi32>
      %and3A_34 = arith.andi %get3A_30, %and3A_33 : vector<16xi32>
      tpu.vector_store_idx %arg4[%shift_right_arithmetic3A_32, %and3A_34], %broadcast_in_dim3A_10 {add = true} : memref<784x128xf32, #tpu.memory_space<vmem>>[vector<16xi32>, vector<16xi32>], vector<16xf32>,
      %scan3A_35 = arith.constant 125 : i32
    }
    %scan3A_16 = arith.constant 25 : i32
    "tpu.region"() ({
      %run_scoped3A = tpu.sem_alloc : memref<!tpu.dma_semaphore, #tpu.memory_space<semaphore_mem>>
      %dma_start3A = arith.constant 0 : i32
      %dma_start3A_17 = arith.constant 0 : i32
      %dma_start3A_18 = tpu.memref_slice %arg3[%arg0, %arg1, %dma_start3A, %dma_start3A_17] : memref<2x16x784x128xf32, #tpu.memory_space<hbm>> -> memref<1x1x784x128xf32, #tpu.memory_space<hbm>>
      %dma_start3A_19 = tpu.memref_squeeze %dma_start3A_18 : memref<1x1x784x128xf32, #tpu.memory_space<hbm>> -> memref<784x128xf32, #tpu.memory_space<hbm>>
      %dma_start3A_20 = arith.constant 0 : i32
      %dma_start3A_21 = arith.constant 0 : i32
      %dma_start3A_22 = tpu.memref_slice %arg3[%arg0, %arg1, %dma_start3A_20, %dma_start3A_21] : memref<2x16x784x128xf32, #tpu.memory_space<hbm>> -> memref<1x1x784x128xf32, #tpu.memory_space<hbm>>
      %dma_start3A_23 = tpu.memref_squeeze %dma_start3A_22 : memref<1x1x784x128xf32, #tpu.memory_space<hbm>> -> memref<784x128xf32, #tpu.memory_space<hbm>>
      tpu.enqueue_dma source(%arg4 : memref<784x128xf32, #tpu.memory_space<vmem>>) target(%dma_start3A_23 : memref<784x128xf32, #tpu.memory_space<hbm>>) target_semaphore(%run_scoped3A : memref<!tpu.dma_semaphore, #tpu.memory_space<semaphore_mem>>)
      %dma_wait3A = arith.constant 0 : i32
      %dma_wait3A_24 = arith.constant 0 : i32
      %dma_wait3A_25 = tpu.memref_slice %arg3[%arg0, %arg1, %dma_wait3A, %dma_wait3A_24] : memref<2x16x784x128xf32, #tpu.memory_space<hbm>> -> memref<1x1x784x128xf32, #tpu.memory_space<hbm>>
      %dma_wait3A_26 = tpu.memref_squeeze %dma_wait3A_25 : memref<1x1x784x128xf32, #tpu.memory_space<hbm>> -> memref<784x128xf32, #tpu.memory_space<hbm>>
      %dma_wait3A_27 = arith.constant 0 : i32
      %dma_wait3A_28 = arith.constant 0 : i32
      %dma_wait3A_29 = tpu.memref_slice %arg3[%arg0, %arg1, %dma_wait3A_27, %dma_wait3A_28] : memref<2x16x784x128xf32, #tpu.memory_space<hbm>> -> memref<1x1x784x128xf32, #tpu.memory_space<hbm>>
      %dma_wait3A_30 = tpu.memref_squeeze %dma_wait3A_29 : memref<1x1x784x128xf32, #tpu.memory_space<hbm>> -> memref<784x128xf32, #tpu.memory_space<hbm>>
      tpu.wait_dma2 semaphore(%run_scoped3A : memref<!tpu.dma_semaphore, #tpu.memory_space<semaphore_mem>>) src(%arg4 : memref<784x128xf32, #tpu.memory_space<vmem>>) dst(%dma_wait3A_30 : memref<784x128xf32, #tpu.memory_space<hbm>>)
      tpu.yield
    }) : () -> ()
    return
  }
}

#map = affine_map<(d0, d1) -> (0, 0)>
#map1 = affine_map<(d0, d1) -> (0)>
#map2 = affine_map<(d0, d1) -> (0, 0, 0, 0)>
module attributes {stable_mosaic.version = 14 : i64} {
  func.func @_gat_edge_body(%arg0: i32, %arg1: i32, %arg2: memref<2x100352xf32, #tpu.memory_space<hbm>>, %arg3: memref<2x100352xf32, #tpu.memory_space<hbm>>, %arg4: memref<1600000xi32, #tpu.memory_space<hbm>>, %arg5: memref<1600000xi32, #tpu.memory_space<hbm>>, %arg6: memref<2x1600000xf32, #tpu.memory_space<hbm>>, %arg7: memref<2x16x784x128xf32, #tpu.memory_space<hbm>>, %arg8: memref<800xi32, #tpu.memory_space<vmem>>, %arg9: memref<800xi32, #tpu.memory_space<vmem>>, %arg10: memref<800xf32, #tpu.memory_space<vmem>>, %arg11: memref<800xf32, #tpu.memory_space<vmem>>, %arg12: memref<800xf32, #tpu.memory_space<vmem>>, %arg13: memref<784x128xf32, #tpu.memory_space<vmem>>) attributes {dimension_semantics = [#tpu.dimension_semantics<core_parallel>, #tpu.dimension_semantics<subcore_parallel>], iteration_bounds = array<i64: 2, 16>, scalar_prefetch = 0 : i64, scratch_operands = 6 : i64, tpu.core_type = #tpu.core_type<sc_vector_subcore>, window_params = [{transform_indices = #map}, {transform_indices = #map}, {transform_indices = #map1}, {transform_indices = #map1}, {transform_indices = #map}, {transform_indices = #map2}]} {
    %mul3A = arith.constant 100000 : i32
    %mul3A_0 = arith.muli %arg1, %mul3A : i32
    %broadcast_in_dim3A = arith.constant 0.000000e+00 : f32
    %broadcast_in_dim3A_1 = vector.broadcast %broadcast_in_dim3A : f32 to vector<16xf32>
    %scan3A = arith.constant 0 : i32
    %scan3A_2 = arith.constant 0 : i32
    %scan3A_3 = arith.constant 784 : i32
    %scan3A_4 = arith.addi %scan3A_2, %scan3A_3 : i32
    %scan3A_5 = arith.constant 2 : i32
    scf.for %scan3A_13 = %scan3A_2 to %scan3A_4 step %scan3A_5  : i32 {
      %swap3A = arith.index_cast %scan3A_13 : i32 to index
      %swap3A_14 = arith.constant 0 : index
      %swap3A_15 = tpu.vector_load %arg13[%swap3A, %swap3A_14] {strides = array<i32>} : memref<784x128xf32, #tpu.memory_space<vmem>>, vector<16xf32>,
      tpu.vector_store %arg13[%swap3A, %swap3A_14], %broadcast_in_dim3A_1 {strides = array<i32>} : memref<784x128xf32, #tpu.memory_space<vmem>>, vector<16xf32>,
      %swap3A_16 = arith.index_cast %scan3A_13 : i32 to index
      %swap3A_17 = arith.constant 16 : index
      %swap3A_18 = tpu.vector_load %arg13[%swap3A_16, %swap3A_17] {strides = array<i32>} : memref<784x128xf32, #tpu.memory_space<vmem>>, vector<16xf32>,
      tpu.vector_store %arg13[%swap3A_16, %swap3A_17], %broadcast_in_dim3A_1 {strides = array<i32>} : memref<784x128xf32, #tpu.memory_space<vmem>>, vector<16xf32>,
      %swap3A_19 = arith.index_cast %scan3A_13 : i32 to index
      %swap3A_20 = arith.constant 32 : index
      %swap3A_21 = tpu.vector_load %arg13[%swap3A_19, %swap3A_20] {strides = array<i32>} : memref<784x128xf32, #tpu.memory_space<vmem>>, vector<16xf32>,
      tpu.vector_store %arg13[%swap3A_19, %swap3A_20], %broadcast_in_dim3A_1 {strides = array<i32>} : memref<784x128xf32, #tpu.memory_space<vmem>>, vector<16xf32>,
      %swap3A_22 = arith.index_cast %scan3A_13 : i32 to index
      %swap3A_23 = arith.constant 48 : index
      %swap3A_24 = tpu.vector_load %arg13[%swap3A_22, %swap3A_23] {strides = array<i32>} : memref<784x128xf32, #tpu.memory_space<vmem>>, vector<16xf32>,
      tpu.vector_store %arg13[%swap3A_22, %swap3A_23], %broadcast_in_dim3A_1 {strides = array<i32>} : memref<784x128xf32, #tpu.memory_space<vmem>>, vector<16xf32>,
      %swap3A_25 = arith.index_cast %scan3A_13 : i32 to index
      %swap3A_26 = arith.constant 64 : index
      %swap3A_27 = tpu.vector_load %arg13[%swap3A_25, %swap3A_26] {strides = array<i32>} : memref<784x128xf32, #tpu.memory_space<vmem>>, vector<16xf32>,
      tpu.vector_store %arg13[%swap3A_25, %swap3A_26], %broadcast_in_dim3A_1 {strides = array<i32>} : memref<784x128xf32, #tpu.memory_space<vmem>>, vector<16xf32>,
      %swap3A_28 = arith.index_cast %scan3A_13 : i32 to index
      %swap3A_29 = arith.constant 80 : index
      %swap3A_30 = tpu.vector_load %arg13[%swap3A_28, %swap3A_29] {strides = array<i32>} : memref<784x128xf32, #tpu.memory_space<vmem>>, vector<16xf32>,
      tpu.vector_store %arg13[%swap3A_28, %swap3A_29], %broadcast_in_dim3A_1 {strides = array<i32>} : memref<784x128xf32, #tpu.memory_space<vmem>>, vector<16xf32>,
      %swap3A_31 = arith.index_cast %scan3A_13 : i32 to index
      %swap3A_32 = arith.constant 96 : index
      %swap3A_33 = tpu.vector_load %arg13[%swap3A_31, %swap3A_32] {strides = array<i32>} : memref<784x128xf32, #tpu.memory_space<vmem>>, vector<16xf32>,
      tpu.vector_store %arg13[%swap3A_31, %swap3A_32], %broadcast_in_dim3A_1 {strides = array<i32>} : memref<784x128xf32, #tpu.memory_space<vmem>>, vector<16xf32>,
      %swap3A_34 = arith.index_cast %scan3A_13 : i32 to index
      %swap3A_35 = arith.constant 112 : index
      %swap3A_36 = tpu.vector_load %arg13[%swap3A_34, %swap3A_35] {strides = array<i32>} : memref<784x128xf32, #tpu.memory_space<vmem>>, vector<16xf32>,
      tpu.vector_store %arg13[%swap3A_34, %swap3A_35], %broadcast_in_dim3A_1 {strides = array<i32>} : memref<784x128xf32, #tpu.memory_space<vmem>>, vector<16xf32>,
      %scan3A_37 = arith.constant 1 : i32
      %scan3A_38 = arith.addi %scan3A_13, %scan3A_37 : i32
      %swap3A_39 = arith.index_cast %scan3A_38 : i32 to index
      %swap3A_40 = arith.constant 0 : index
      %swap3A_41 = tpu.vector_load %arg13[%swap3A_39, %swap3A_40] {strides = array<i32>} : memref<784x128xf32, #tpu.memory_space<vmem>>, vector<16xf32>,
      tpu.vector_store %arg13[%swap3A_39, %swap3A_40], %broadcast_in_dim3A_1 {strides = array<i32>} : memref<784x128xf32, #tpu.memory_space<vmem>>, vector<16xf32>,
      %swap3A_42 = arith.index_cast %scan3A_38 : i32 to index
      %swap3A_43 = arith.constant 16 : index
      %swap3A_44 = tpu.vector_load %arg13[%swap3A_42, %swap3A_43] {strides = array<i32>} : memref<784x128xf32, #tpu.memory_space<vmem>>, vector<16xf32>,
      tpu.vector_store %arg13[%swap3A_42, %swap3A_43], %broadcast_in_dim3A_1 {strides = array<i32>} : memref<784x128xf32, #tpu.memory_space<vmem>>, vector<16xf32>,
      %swap3A_45 = arith.index_cast %scan3A_38 : i32 to index
      %swap3A_46 = arith.constant 32 : index
      %swap3A_47 = tpu.vector_load %arg13[%swap3A_45, %swap3A_46] {strides = array<i32>} : memref<784x128xf32, #tpu.memory_space<vmem>>, vector<16xf32>,
      tpu.vector_store %arg13[%swap3A_45, %swap3A_46], %broadcast_in_dim3A_1 {strides = array<i32>} : memref<784x128xf32, #tpu.memory_space<vmem>>, vector<16xf32>,
      %swap3A_48 = arith.index_cast %scan3A_38 : i32 to index
      %swap3A_49 = arith.constant 48 : index
      %swap3A_50 = tpu.vector_load %arg13[%swap3A_48, %swap3A_49] {strides = array<i32>} : memref<784x128xf32, #tpu.memory_space<vmem>>, vector<16xf32>,
      tpu.vector_store %arg13[%swap3A_48, %swap3A_49], %broadcast_in_dim3A_1 {strides = array<i32>} : memref<784x128xf32, #tpu.memory_space<vmem>>, vector<16xf32>,
      %swap3A_51 = arith.index_cast %scan3A_38 : i32 to index
      %swap3A_52 = arith.constant 64 : index
      %swap3A_53 = tpu.vector_load %arg13[%swap3A_51, %swap3A_52] {strides = array<i32>} : memref<784x128xf32, #tpu.memory_space<vmem>>, vector<16xf32>,
      tpu.vector_store %arg13[%swap3A_51, %swap3A_52], %broadcast_in_dim3A_1 {strides = array<i32>} : memref<784x128xf32, #tpu.memory_space<vmem>>, vector<16xf32>,
      %swap3A_54 = arith.index_cast %scan3A_38 : i32 to index
      %swap3A_55 = arith.constant 80 : index
      %swap3A_56 = tpu.vector_load %arg13[%swap3A_54, %swap3A_55] {strides = array<i32>} : memref<784x128xf32, #tpu.memory_space<vmem>>, vector<16xf32>,
      tpu.vector_store %arg13[%swap3A_54, %swap3A_55], %broadcast_in_dim3A_1 {strides = array<i32>} : memref<784x128xf32, #tpu.memory_space<vmem>>, vector<16xf32>,
      %swap3A_57 = arith.index_cast %scan3A_38 : i32 to index
      %swap3A_58 = arith.constant 96 : index
      %swap3A_59 = tpu.vector_load %arg13[%swap3A_57, %swap3A_58] {strides = array<i32>} : memref<784x128xf32, #tpu.memory_space<vmem>>, vector<16xf32>,
      tpu.vector_store %arg13[%swap3A_57, %swap3A_58], %broadcast_in_dim3A_1 {strides = array<i32>} : memref<784x128xf32, #tpu.memory_space<vmem>>, vector<16xf32>,
      %swap3A_60 = arith.index_cast %scan3A_38 : i32 to index
      %swap3A_61 = arith.constant 112 : index
      %swap3A_62 = tpu.vector_load %arg13[%swap3A_60, %swap3A_61] {strides = array<i32>} : memref<784x128xf32, #tpu.memory_space<vmem>>, vector<16xf32>,
      tpu.vector_store %arg13[%swap3A_60, %swap3A_61], %broadcast_in_dim3A_1 {strides = array<i32>} : memref<784x128xf32, #tpu.memory_space<vmem>>, vector<16xf32>,
    }
    %scan3A_6 = arith.constant 784 : i32
    %scan3A_7 = arith.constant 0 : i32
    %scan3A_8 = arith.constant 0 : i32
    %scan3A_9 = arith.constant 125 : i32
    %scan3A_10 = arith.addi %scan3A_8, %scan3A_9 : i32
    %scan3A_11 = arith.constant 1 : i32
    scf.for %scan3A_13 = %scan3A_8 to %scan3A_10 step %scan3A_11  : i32 {
      %mul3A_14 = arith.constant 800 : i32
      %mul3A_15 = arith.muli %scan3A_13, %mul3A_14 : i32
      %add3A = arith.addi %mul3A_0, %mul3A_15 : i32
      "tpu.region"() ({
        %run_scoped3A = tpu.sem_alloc : memref<!tpu.dma_semaphore, #tpu.memory_space<semaphore_mem>>
        %dma_start3A = tpu.memref_slice %arg4[%add3A] : memref<1600000xi32, #tpu.memory_space<hbm>> -> memref<800xi32, #tpu.memory_space<hbm>>
        %dma_start3A_81 = tpu.memref_slice %arg4[%add3A] : memref<1600000xi32, #tpu.memory_space<hbm>> -> memref<800xi32, #tpu.memory_space<hbm>>
        tpu.enqueue_dma source(%dma_start3A_81 : memref<800xi32, #tpu.memory_space<hbm>>) target(%arg8 : memref<800xi32, #tpu.memory_space<vmem>>) target_semaphore(%run_scoped3A : memref<!tpu.dma_semaphore, #tpu.memory_space<semaphore_mem>>)
        %dma_wait3A = tpu.memref_slice %arg4[%add3A] : memref<1600000xi32, #tpu.memory_space<hbm>> -> memref<800xi32, #tpu.memory_space<hbm>>
        %dma_wait3A_82 = tpu.memref_slice %arg4[%add3A] : memref<1600000xi32, #tpu.memory_space<hbm>> -> memref<800xi32, #tpu.memory_space<hbm>>
        tpu.wait_dma2 semaphore(%run_scoped3A : memref<!tpu.dma_semaphore, #tpu.memory_space<semaphore_mem>>) src(%dma_wait3A_82 : memref<800xi32, #tpu.memory_space<hbm>>) dst(%arg8 : memref<800xi32, #tpu.memory_space<vmem>>)
        tpu.yield
      }) : () -> ()
      "tpu.region"() ({
        %run_scoped3A = tpu.sem_alloc : memref<!tpu.dma_semaphore, #tpu.memory_space<semaphore_mem>>
        %dma_start3A = tpu.memref_slice %arg5[%add3A] : memref<1600000xi32, #tpu.memory_space<hbm>> -> memref<800xi32, #tpu.memory_space<hbm>>
        %dma_start3A_81 = tpu.memref_slice %arg5[%add3A] : memref<1600000xi32, #tpu.memory_space<hbm>> -> memref<800xi32, #tpu.memory_space<hbm>>
        tpu.enqueue_dma source(%dma_start3A_81 : memref<800xi32, #tpu.memory_space<hbm>>) target(%arg9 : memref<800xi32, #tpu.memory_space<vmem>>) target_semaphore(%run_scoped3A : memref<!tpu.dma_semaphore, #tpu.memory_space<semaphore_mem>>)
        %dma_wait3A = tpu.memref_slice %arg5[%add3A] : memref<1600000xi32, #tpu.memory_space<hbm>> -> memref<800xi32, #tpu.memory_space<hbm>>
        %dma_wait3A_82 = tpu.memref_slice %arg5[%add3A] : memref<1600000xi32, #tpu.memory_space<hbm>> -> memref<800xi32, #tpu.memory_space<hbm>>
        tpu.wait_dma2 semaphore(%run_scoped3A : memref<!tpu.dma_semaphore, #tpu.memory_space<semaphore_mem>>) src(%dma_wait3A_82 : memref<800xi32, #tpu.memory_space<hbm>>) dst(%arg9 : memref<800xi32, #tpu.memory_space<vmem>>)
        tpu.yield
      }) : () -> ()
      "tpu.region"() ({
        %run_scoped3A = tpu.sem_alloc : memref<!tpu.dma_semaphore, #tpu.memory_space<semaphore_mem>>
        %dma_start3A = arith.constant 0 : i32
        %dma_start3A_81 = tpu.memref_slice %arg2[%arg0, %dma_start3A] : memref<2x100352xf32, #tpu.memory_space<hbm>> -> memref<1x100352xf32, #tpu.memory_space<hbm>>
        %dma_start3A_82 = tpu.memref_squeeze %dma_start3A_81 : memref<1x100352xf32, #tpu.memory_space<hbm>> -> memref<100352xf32, #tpu.memory_space<hbm>>
        %dma_start3A_83 = arith.constant 0 : i32
        %dma_start3A_84 = tpu.memref_slice %dma_start3A_82[%dma_start3A_83] : memref<100352xf32, #tpu.memory_space<hbm>> -> memref<100352xf32, #tpu.memory_space<hbm>>
        tpu.enqueue_indirect_dma source(%dma_start3A_84 : memref<100352xf32, #tpu.memory_space<hbm>>) target(%arg10 : memref<800xf32, #tpu.memory_space<vmem>>) offsets(%arg8 : memref<800xi32, #tpu.memory_space<vmem>>) semaphore(%run_scoped3A : memref<!tpu.dma_semaphore, #tpu.memory_space<semaphore_mem>>)
        %dma_wait3A = arith.constant 0 : i32
        %dma_wait3A_85 = tpu.memref_slice %arg2[%arg0, %dma_wait3A] : memref<2x100352xf32, #tpu.memory_space<hbm>> -> memref<1x100352xf32, #tpu.memory_space<hbm>>
        %dma_wait3A_86 = tpu.memref_squeeze %dma_wait3A_85 : memref<1x100352xf32, #tpu.memory_space<hbm>> -> memref<100352xf32, #tpu.memory_space<hbm>>
        %dma_wait3A_87 = arith.constant 0 : i32
        %dma_wait3A_88 = tpu.memref_slice %dma_wait3A_86[%dma_wait3A_87] : memref<100352xf32, #tpu.memory_space<hbm>> -> memref<100352xf32, #tpu.memory_space<hbm>>
        tpu.wait_indirect_dma semaphore(%run_scoped3A : memref<!tpu.dma_semaphore, #tpu.memory_space<semaphore_mem>>) src(%dma_wait3A_88 : memref<100352xf32, #tpu.memory_space<hbm>>) dst(%arg10 : memref<800xf32, #tpu.memory_space<vmem>>)
        tpu.yield
      }) : () -> ()
      "tpu.region"() ({
        %run_scoped3A = tpu.sem_alloc : memref<!tpu.dma_semaphore, #tpu.memory_space<semaphore_mem>>
        %dma_start3A = arith.constant 0 : i32
        %dma_start3A_81 = tpu.memref_slice %arg3[%arg0, %dma_start3A] : memref<2x100352xf32, #tpu.memory_space<hbm>> -> memref<1x100352xf32, #tpu.memory_space<hbm>>
        %dma_start3A_82 = tpu.memref_squeeze %dma_start3A_81 : memref<1x100352xf32, #tpu.memory_space<hbm>> -> memref<100352xf32, #tpu.memory_space<hbm>>
        %dma_start3A_83 = arith.constant 0 : i32
        %dma_start3A_84 = tpu.memref_slice %dma_start3A_82[%dma_start3A_83] : memref<100352xf32, #tpu.memory_space<hbm>> -> memref<100352xf32, #tpu.memory_space<hbm>>
        tpu.enqueue_indirect_dma source(%dma_start3A_84 : memref<100352xf32, #tpu.memory_space<hbm>>) target(%arg11 : memref<800xf32, #tpu.memory_space<vmem>>) offsets(%arg9 : memref<800xi32, #tpu.memory_space<vmem>>) semaphore(%run_scoped3A : memref<!tpu.dma_semaphore, #tpu.memory_space<semaphore_mem>>)
        %dma_wait3A = arith.constant 0 : i32
        %dma_wait3A_85 = tpu.memref_slice %arg3[%arg0, %dma_wait3A] : memref<2x100352xf32, #tpu.memory_space<hbm>> -> memref<1x100352xf32, #tpu.memory_space<hbm>>
        %dma_wait3A_86 = tpu.memref_squeeze %dma_wait3A_85 : memref<1x100352xf32, #tpu.memory_space<hbm>> -> memref<100352xf32, #tpu.memory_space<hbm>>
        %dma_wait3A_87 = arith.constant 0 : i32
        %dma_wait3A_88 = tpu.memref_slice %dma_wait3A_86[%dma_wait3A_87] : memref<100352xf32, #tpu.memory_space<hbm>> -> memref<100352xf32, #tpu.memory_space<hbm>>
        tpu.wait_indirect_dma semaphore(%run_scoped3A : memref<!tpu.dma_semaphore, #tpu.memory_space<semaphore_mem>>) src(%dma_wait3A_88 : memref<100352xf32, #tpu.memory_space<hbm>>) dst(%arg11 : memref<800xf32, #tpu.memory_space<vmem>>)
        tpu.yield
      }) : () -> ()
      %scan3A_16 = arith.constant 0 : i32
      %scan3A_17 = arith.constant 0 : i32
      %scan3A_18 = arith.constant 48 : i32
      %scan3A_19 = arith.addi %scan3A_17, %scan3A_18 : i32
      %scan3A_20 = arith.constant 4 : i32
      scf.for %scan3A_81 = %scan3A_17 to %scan3A_19 step %scan3A_20  : i32 {
        %mul3A_82 = arith.constant 16 : i32
        %mul3A_83 = arith.muli %scan3A_81, %mul3A_82 : i32
        %get3A_84 = arith.index_cast %mul3A_83 : i32 to index
        %get3A_85 = tpu.vector_load %arg10[%get3A_84] {strides = array<i32>} : memref<800xf32, #tpu.memory_space<vmem>>, vector<16xf32>,
        %mul3A_86 = arith.constant 16 : i32
        %mul3A_87 = arith.muli %scan3A_81, %mul3A_86 : i32
        %get3A_88 = arith.index_cast %mul3A_87 : i32 to index
        %get3A_89 = tpu.vector_load %arg11[%get3A_88] {strides = array<i32>} : memref<800xf32, #tpu.memory_space<vmem>>, vector<16xf32>,
        %add3A_90 = arith.addf %get3A_85, %get3A_89 : vector<16xf32>
        %gt3A_91 = arith.constant 0.000000e+00 : f32
        %gt3A_92 = vector.broadcast %gt3A_91 : f32 to vector<16xf32>
        %gt3A_93 = arith.cmpf ogt, %add3A_90, %gt3A_92 : vector<16xf32>
        %mul3A_94 = arith.constant 2.000000e-01 : f32
        %mul3A_95 = vector.broadcast %mul3A_94 : f32 to vector<16xf32>
        %mul3A_96 = arith.mulf %mul3A_95, %add3A_90 : vector<16xf32>
        %select_n3A_97 = arith.select %gt3A_93, %add3A_90, %mul3A_96 : vector<16xi1>, vector<16xf32>
        %exp3A_98 = math.exp %select_n3A_97 : vector<16xf32>
        %mul3A_99 = arith.constant 16 : i32
        %mul3A_100 = arith.muli %scan3A_81, %mul3A_99 : i32
        %swap3A_101 = arith.index_cast %mul3A_100 : i32 to index
        %swap3A_102 = tpu.vector_load %arg12[%swap3A_101] {strides = array<i32>} : memref<800xf32, #tpu.memory_space<vmem>>, vector<16xf32>,
        tpu.vector_store %arg12[%swap3A_101], %exp3A_98 {strides = array<i32>} : memref<800xf32, #tpu.memory_space<vmem>>, vector<16xf32>,
        %mul3A_103 = arith.constant 16 : i32
        %mul3A_104 = arith.muli %scan3A_81, %mul3A_103 : i32
        %get3A_105 = arith.index_cast %mul3A_104 : i32 to index
        %get3A_106 = tpu.vector_load %arg9[%get3A_105] {strides = array<i32>} : memref<800xi32, #tpu.memory_space<vmem>>, vector<16xi32>,
        %shift_right_arithmetic3A_107 = arith.constant 7 : i32
        %shift_right_arithmetic3A_108 = vector.broadcast %shift_right_arithmetic3A_107 : i32 to vector<16xi32>
        %shift_right_arithmetic3A_109 = arith.shrsi %get3A_106, %shift_right_arithmetic3A_108 : vector<16xi32>
        %and3A_110 = arith.constant 127 : i32
        %and3A_111 = vector.broadcast %and3A_110 : i32 to vector<16xi32>
        %and3A_112 = arith.andi %get3A_106, %and3A_111 : vector<16xi32>
        tpu.vector_store_idx %arg13[%shift_right_arithmetic3A_109, %and3A_112], %exp3A_98 {add = true} : memref<784x128xf32, #tpu.memory_space<vmem>>[vector<16xi32>, vector<16xi32>], vector<16xf32>,
        %scan3A_113 = arith.constant 1 : i32
        %scan3A_114 = arith.addi %scan3A_81, %scan3A_113 : i32
        %mul3A_115 = arith.constant 16 : i32
        %mul3A_116 = arith.muli %scan3A_114, %mul3A_115 : i32
        %get3A_117 = arith.index_cast %mul3A_116 : i32 to index
        %get3A_118 = tpu.vector_load %arg10[%get3A_117] {strides = array<i32>} : memref<800xf32, #tpu.memory_space<vmem>>, vector<16xf32>,
        %mul3A_119 = arith.constant 16 : i32
        %mul3A_120 = arith.muli %scan3A_114, %mul3A_119 : i32
        %get3A_121 = arith.index_cast %mul3A_120 : i32 to index
        %get3A_122 = tpu.vector_load %arg11[%get3A_121] {strides = array<i32>} : memref<800xf32, #tpu.memory_space<vmem>>, vector<16xf32>,
        %add3A_123 = arith.addf %get3A_118, %get3A_122 : vector<16xf32>
        %gt3A_124 = arith.constant 0.000000e+00 : f32
        %gt3A_125 = vector.broadcast %gt3A_124 : f32 to vector<16xf32>
        %gt3A_126 = arith.cmpf ogt, %add3A_123, %gt3A_125 : vector<16xf32>
        %mul3A_127 = arith.constant 2.000000e-01 : f32
        %mul3A_128 = vector.broadcast %mul3A_127 : f32 to vector<16xf32>
        %mul3A_129 = arith.mulf %mul3A_128, %add3A_123 : vector<16xf32>
        %select_n3A_130 = arith.select %gt3A_126, %add3A_123, %mul3A_129 : vector<16xi1>, vector<16xf32>
        %exp3A_131 = math.exp %select_n3A_130 : vector<16xf32>
        %mul3A_132 = arith.constant 16 : i32
        %mul3A_133 = arith.muli %scan3A_114, %mul3A_132 : i32
        %swap3A_134 = arith.index_cast %mul3A_133 : i32 to index
        %swap3A_135 = tpu.vector_load %arg12[%swap3A_134] {strides = array<i32>} : memref<800xf32, #tpu.memory_space<vmem>>, vector<16xf32>,
        tpu.vector_store %arg12[%swap3A_134], %exp3A_131 {strides = array<i32>} : memref<800xf32, #tpu.memory_space<vmem>>, vector<16xf32>,
        %mul3A_136 = arith.constant 16 : i32
        %mul3A_137 = arith.muli %scan3A_114, %mul3A_136 : i32
        %get3A_138 = arith.index_cast %mul3A_137 : i32 to index
        %get3A_139 = tpu.vector_load %arg9[%get3A_138] {strides = array<i32>} : memref<800xi32, #tpu.memory_space<vmem>>, vector<16xi32>,
        %shift_right_arithmetic3A_140 = arith.constant 7 : i32
        %shift_right_arithmetic3A_141 = vector.broadcast %shift_right_arithmetic3A_140 : i32 to vector<16xi32>
        %shift_right_arithmetic3A_142 = arith.shrsi %get3A_139, %shift_right_arithmetic3A_141 : vector<16xi32>
        %and3A_143 = arith.constant 127 : i32
        %and3A_144 = vector.broadcast %and3A_143 : i32 to vector<16xi32>
        %and3A_145 = arith.andi %get3A_139, %and3A_144 : vector<16xi32>
        tpu.vector_store_idx %arg13[%shift_right_arithmetic3A_142, %and3A_145], %exp3A_131 {add = true} : memref<784x128xf32, #tpu.memory_space<vmem>>[vector<16xi32>, vector<16xi32>], vector<16xf32>,
        %scan3A_146 = arith.constant 2 : i32
        %scan3A_147 = arith.addi %scan3A_81, %scan3A_146 : i32
        %mul3A_148 = arith.constant 16 : i32
        %mul3A_149 = arith.muli %scan3A_147, %mul3A_148 : i32
        %get3A_150 = arith.index_cast %mul3A_149 : i32 to index
        %get3A_151 = tpu.vector_load %arg10[%get3A_150] {strides = array<i32>} : memref<800xf32, #tpu.memory_space<vmem>>, vector<16xf32>,
        %mul3A_152 = arith.constant 16 : i32
        %mul3A_153 = arith.muli %scan3A_147, %mul3A_152 : i32
        %get3A_154 = arith.index_cast %mul3A_153 : i32 to index
        %get3A_155 = tpu.vector_load %arg11[%get3A_154] {strides = array<i32>} : memref<800xf32, #tpu.memory_space<vmem>>, vector<16xf32>,
        %add3A_156 = arith.addf %get3A_151, %get3A_155 : vector<16xf32>
        %gt3A_157 = arith.constant 0.000000e+00 : f32
        %gt3A_158 = vector.broadcast %gt3A_157 : f32 to vector<16xf32>
        %gt3A_159 = arith.cmpf ogt, %add3A_156, %gt3A_158 : vector<16xf32>
        %mul3A_160 = arith.constant 2.000000e-01 : f32
        %mul3A_161 = vector.broadcast %mul3A_160 : f32 to vector<16xf32>
        %mul3A_162 = arith.mulf %mul3A_161, %add3A_156 : vector<16xf32>
        %select_n3A_163 = arith.select %gt3A_159, %add3A_156, %mul3A_162 : vector<16xi1>, vector<16xf32>
        %exp3A_164 = math.exp %select_n3A_163 : vector<16xf32>
        %mul3A_165 = arith.constant 16 : i32
        %mul3A_166 = arith.muli %scan3A_147, %mul3A_165 : i32
        %swap3A_167 = arith.index_cast %mul3A_166 : i32 to index
        %swap3A_168 = tpu.vector_load %arg12[%swap3A_167] {strides = array<i32>} : memref<800xf32, #tpu.memory_space<vmem>>, vector<16xf32>,
        tpu.vector_store %arg12[%swap3A_167], %exp3A_164 {strides = array<i32>} : memref<800xf32, #tpu.memory_space<vmem>>, vector<16xf32>,
        %mul3A_169 = arith.constant 16 : i32
        %mul3A_170 = arith.muli %scan3A_147, %mul3A_169 : i32
        %get3A_171 = arith.index_cast %mul3A_170 : i32 to index
        %get3A_172 = tpu.vector_load %arg9[%get3A_171] {strides = array<i32>} : memref<800xi32, #tpu.memory_space<vmem>>, vector<16xi32>,
        %shift_right_arithmetic3A_173 = arith.constant 7 : i32
        %shift_right_arithmetic3A_174 = vector.broadcast %shift_right_arithmetic3A_173 : i32 to vector<16xi32>
        %shift_right_arithmetic3A_175 = arith.shrsi %get3A_172, %shift_right_arithmetic3A_174 : vector<16xi32>
        %and3A_176 = arith.constant 127 : i32
        %and3A_177 = vector.broadcast %and3A_176 : i32 to vector<16xi32>
        %and3A_178 = arith.andi %get3A_172, %and3A_177 : vector<16xi32>
        tpu.vector_store_idx %arg13[%shift_right_arithmetic3A_175, %and3A_178], %exp3A_164 {add = true} : memref<784x128xf32, #tpu.memory_space<vmem>>[vector<16xi32>, vector<16xi32>], vector<16xf32>,
        %scan3A_179 = arith.constant 3 : i32
        %scan3A_180 = arith.addi %scan3A_81, %scan3A_179 : i32
        %mul3A_181 = arith.constant 16 : i32
        %mul3A_182 = arith.muli %scan3A_180, %mul3A_181 : i32
        %get3A_183 = arith.index_cast %mul3A_182 : i32 to index
        %get3A_184 = tpu.vector_load %arg10[%get3A_183] {strides = array<i32>} : memref<800xf32, #tpu.memory_space<vmem>>, vector<16xf32>,
        %mul3A_185 = arith.constant 16 : i32
        %mul3A_186 = arith.muli %scan3A_180, %mul3A_185 : i32
        %get3A_187 = arith.index_cast %mul3A_186 : i32 to index
        %get3A_188 = tpu.vector_load %arg11[%get3A_187] {strides = array<i32>} : memref<800xf32, #tpu.memory_space<vmem>>, vector<16xf32>,
        %add3A_189 = arith.addf %get3A_184, %get3A_188 : vector<16xf32>
        %gt3A_190 = arith.constant 0.000000e+00 : f32
        %gt3A_191 = vector.broadcast %gt3A_190 : f32 to vector<16xf32>
        %gt3A_192 = arith.cmpf ogt, %add3A_189, %gt3A_191 : vector<16xf32>
        %mul3A_193 = arith.constant 2.000000e-01 : f32
        %mul3A_194 = vector.broadcast %mul3A_193 : f32 to vector<16xf32>
        %mul3A_195 = arith.mulf %mul3A_194, %add3A_189 : vector<16xf32>
        %select_n3A_196 = arith.select %gt3A_192, %add3A_189, %mul3A_195 : vector<16xi1>, vector<16xf32>
        %exp3A_197 = math.exp %select_n3A_196 : vector<16xf32>
        %mul3A_198 = arith.constant 16 : i32
        %mul3A_199 = arith.muli %scan3A_180, %mul3A_198 : i32
        %swap3A_200 = arith.index_cast %mul3A_199 : i32 to index
        %swap3A_201 = tpu.vector_load %arg12[%swap3A_200] {strides = array<i32>} : memref<800xf32, #tpu.memory_space<vmem>>, vector<16xf32>,
        tpu.vector_store %arg12[%swap3A_200], %exp3A_197 {strides = array<i32>} : memref<800xf32, #tpu.memory_space<vmem>>, vector<16xf32>,
        %mul3A_202 = arith.constant 16 : i32
        %mul3A_203 = arith.muli %scan3A_180, %mul3A_202 : i32
        %get3A_204 = arith.index_cast %mul3A_203 : i32 to index
        %get3A_205 = tpu.vector_load %arg9[%get3A_204] {strides = array<i32>} : memref<800xi32, #tpu.memory_space<vmem>>, vector<16xi32>,
        %shift_right_arithmetic3A_206 = arith.constant 7 : i32
        %shift_right_arithmetic3A_207 = vector.broadcast %shift_right_arithmetic3A_206 : i32 to vector<16xi32>
        %shift_right_arithmetic3A_208 = arith.shrsi %get3A_205, %shift_right_arithmetic3A_207 : vector<16xi32>
        %and3A_209 = arith.constant 127 : i32
        %and3A_210 = vector.broadcast %and3A_209 : i32 to vector<16xi32>
        %and3A_211 = arith.andi %get3A_205, %and3A_210 : vector<16xi32>
        tpu.vector_store_idx %arg13[%shift_right_arithmetic3A_208, %and3A_211], %exp3A_197 {add = true} : memref<784x128xf32, #tpu.memory_space<vmem>>[vector<16xi32>, vector<16xi32>], vector<16xf32>,
      }
      %scan3A_21 = arith.constant 48 : i32
      %scan3A_22 = arith.addi %scan3A_17, %scan3A_21 : i32
      %mul3A_23 = arith.constant 16 : i32
      %mul3A_24 = arith.muli %scan3A_22, %mul3A_23 : i32
      %get3A = arith.index_cast %mul3A_24 : i32 to index
      %get3A_25 = tpu.vector_load %arg10[%get3A] {strides = array<i32>} : memref<800xf32, #tpu.memory_space<vmem>>, vector<16xf32>,
      %mul3A_26 = arith.constant 16 : i32
      %mul3A_27 = arith.muli %scan3A_22, %mul3A_26 : i32
      %get3A_28 = arith.index_cast %mul3A_27 : i32 to index
      %get3A_29 = tpu.vector_load %arg11[%get3A_28] {strides = array<i32>} : memref<800xf32, #tpu.memory_space<vmem>>, vector<16xf32>,
      %add3A_30 = arith.addf %get3A_25, %get3A_29 : vector<16xf32>
      %gt3A = arith.constant 0.000000e+00 : f32
      %gt3A_31 = vector.broadcast %gt3A : f32 to vector<16xf32>
      %gt3A_32 = arith.cmpf ogt, %add3A_30, %gt3A_31 : vector<16xf32>
      %mul3A_33 = arith.constant 2.000000e-01 : f32
      %mul3A_34 = vector.broadcast %mul3A_33 : f32 to vector<16xf32>
      %mul3A_35 = arith.mulf %mul3A_34, %add3A_30 : vector<16xf32>
      %select_n3A = arith.select %gt3A_32, %add3A_30, %mul3A_35 : vector<16xi1>, vector<16xf32>
      %exp3A = math.exp %select_n3A : vector<16xf32>
      %mul3A_36 = arith.constant 16 : i32
      %mul3A_37 = arith.muli %scan3A_22, %mul3A_36 : i32
      %swap3A = arith.index_cast %mul3A_37 : i32 to index
      %swap3A_38 = tpu.vector_load %arg12[%swap3A] {strides = array<i32>} : memref<800xf32, #tpu.memory_space<vmem>>, vector<16xf32>,
      tpu.vector_store %arg12[%swap3A], %exp3A {strides = array<i32>} : memref<800xf32, #tpu.memory_space<vmem>>, vector<16xf32>,
      %mul3A_39 = arith.constant 16 : i32
      %mul3A_40 = arith.muli %scan3A_22, %mul3A_39 : i32
      %get3A_41 = arith.index_cast %mul3A_40 : i32 to index
      %get3A_42 = tpu.vector_load %arg9[%get3A_41] {strides = array<i32>} : memref<800xi32, #tpu.memory_space<vmem>>, vector<16xi32>,
      %shift_right_arithmetic3A = arith.constant 7 : i32
      %shift_right_arithmetic3A_43 = vector.broadcast %shift_right_arithmetic3A : i32 to vector<16xi32>
      %shift_right_arithmetic3A_44 = arith.shrsi %get3A_42, %shift_right_arithmetic3A_43 : vector<16xi32>
      %and3A = arith.constant 127 : i32
      %and3A_45 = vector.broadcast %and3A : i32 to vector<16xi32>
      %and3A_46 = arith.andi %get3A_42, %and3A_45 : vector<16xi32>
      tpu.vector_store_idx %arg13[%shift_right_arithmetic3A_44, %and3A_46], %exp3A {add = true} : memref<784x128xf32, #tpu.memory_space<vmem>>[vector<16xi32>, vector<16xi32>], vector<16xf32>,
      %scan3A_47 = arith.constant 49 : i32
      %scan3A_48 = arith.addi %scan3A_17, %scan3A_47 : i32
      %mul3A_49 = arith.constant 16 : i32
      %mul3A_50 = arith.muli %scan3A_48, %mul3A_49 : i32
      %get3A_51 = arith.index_cast %mul3A_50 : i32 to index
      %get3A_52 = tpu.vector_load %arg10[%get3A_51] {strides = array<i32>} : memref<800xf32, #tpu.memory_space<vmem>>, vector<16xf32>,
      %mul3A_53 = arith.constant 16 : i32
      %mul3A_54 = arith.muli %scan3A_48, %mul3A_53 : i32
      %get3A_55 = arith.index_cast %mul3A_54 : i32 to index
      %get3A_56 = tpu.vector_load %arg11[%get3A_55] {strides = array<i32>} : memref<800xf32, #tpu.memory_space<vmem>>, vector<16xf32>,
      %add3A_57 = arith.addf %get3A_52, %get3A_56 : vector<16xf32>
      %gt3A_58 = arith.constant 0.000000e+00 : f32
      %gt3A_59 = vector.broadcast %gt3A_58 : f32 to vector<16xf32>
      %gt3A_60 = arith.cmpf ogt, %add3A_57, %gt3A_59 : vector<16xf32>
      %mul3A_61 = arith.constant 2.000000e-01 : f32
      %mul3A_62 = vector.broadcast %mul3A_61 : f32 to vector<16xf32>
      %mul3A_63 = arith.mulf %mul3A_62, %add3A_57 : vector<16xf32>
      %select_n3A_64 = arith.select %gt3A_60, %add3A_57, %mul3A_63 : vector<16xi1>, vector<16xf32>
      %exp3A_65 = math.exp %select_n3A_64 : vector<16xf32>
      %mul3A_66 = arith.constant 16 : i32
      %mul3A_67 = arith.muli %scan3A_48, %mul3A_66 : i32
      %swap3A_68 = arith.index_cast %mul3A_67 : i32 to index
      %swap3A_69 = tpu.vector_load %arg12[%swap3A_68] {strides = array<i32>} : memref<800xf32, #tpu.memory_space<vmem>>, vector<16xf32>,
      tpu.vector_store %arg12[%swap3A_68], %exp3A_65 {strides = array<i32>} : memref<800xf32, #tpu.memory_space<vmem>>, vector<16xf32>,
      %mul3A_70 = arith.constant 16 : i32
      %mul3A_71 = arith.muli %scan3A_48, %mul3A_70 : i32
      %get3A_72 = arith.index_cast %mul3A_71 : i32 to index
      %get3A_73 = tpu.vector_load %arg9[%get3A_72] {strides = array<i32>} : memref<800xi32, #tpu.memory_space<vmem>>, vector<16xi32>,
      %shift_right_arithmetic3A_74 = arith.constant 7 : i32
      %shift_right_arithmetic3A_75 = vector.broadcast %shift_right_arithmetic3A_74 : i32 to vector<16xi32>
      %shift_right_arithmetic3A_76 = arith.shrsi %get3A_73, %shift_right_arithmetic3A_75 : vector<16xi32>
      %and3A_77 = arith.constant 127 : i32
      %and3A_78 = vector.broadcast %and3A_77 : i32 to vector<16xi32>
      %and3A_79 = arith.andi %get3A_73, %and3A_78 : vector<16xi32>
      tpu.vector_store_idx %arg13[%shift_right_arithmetic3A_76, %and3A_79], %exp3A_65 {add = true} : memref<784x128xf32, #tpu.memory_space<vmem>>[vector<16xi32>, vector<16xi32>], vector<16xf32>,
      %scan3A_80 = arith.constant 50 : i32
      "tpu.region"() ({
        %run_scoped3A = tpu.sem_alloc : memref<!tpu.dma_semaphore, #tpu.memory_space<semaphore_mem>>
        %dma_start3A = tpu.memref_slice %arg6[%arg0, %add3A] : memref<2x1600000xf32, #tpu.memory_space<hbm>> -> memref<1x800xf32, #tpu.memory_space<hbm>>
        %dma_start3A_81 = tpu.memref_squeeze %dma_start3A : memref<1x800xf32, #tpu.memory_space<hbm>> -> memref<800xf32, #tpu.memory_space<hbm>>
        %dma_start3A_82 = tpu.memref_slice %arg6[%arg0, %add3A] : memref<2x1600000xf32, #tpu.memory_space<hbm>> -> memref<1x800xf32, #tpu.memory_space<hbm>>
        %dma_start3A_83 = tpu.memref_squeeze %dma_start3A_82 : memref<1x800xf32, #tpu.memory_space<hbm>> -> memref<800xf32, #tpu.memory_space<hbm>>
        tpu.enqueue_dma source(%arg12 : memref<800xf32, #tpu.memory_space<vmem>>) target(%dma_start3A_83 : memref<800xf32, #tpu.memory_space<hbm>>) target_semaphore(%run_scoped3A : memref<!tpu.dma_semaphore, #tpu.memory_space<semaphore_mem>>)
        %dma_wait3A = tpu.memref_slice %arg6[%arg0, %add3A] : memref<2x1600000xf32, #tpu.memory_space<hbm>> -> memref<1x800xf32, #tpu.memory_space<hbm>>
        %dma_wait3A_84 = tpu.memref_squeeze %dma_wait3A : memref<1x800xf32, #tpu.memory_space<hbm>> -> memref<800xf32, #tpu.memory_space<hbm>>
        %dma_wait3A_85 = tpu.memref_slice %arg6[%arg0, %add3A] : memref<2x1600000xf32, #tpu.memory_space<hbm>> -> memref<1x800xf32, #tpu.memory_space<hbm>>
        %dma_wait3A_86 = tpu.memref_squeeze %dma_wait3A_85 : memref<1x800xf32, #tpu.memory_space<hbm>> -> memref<800xf32, #tpu.memory_space<hbm>>
        tpu.wait_dma2 semaphore(%run_scoped3A : memref<!tpu.dma_semaphore, #tpu.memory_space<semaphore_mem>>) src(%arg12 : memref<800xf32, #tpu.memory_space<vmem>>) dst(%dma_wait3A_86 : memref<800xf32, #tpu.memory_space<hbm>>)
        tpu.yield
      }) : () -> ()
    }
    %scan3A_12 = arith.constant 125 : i32
    "tpu.region"() ({
      %run_scoped3A = tpu.sem_alloc : memref<!tpu.dma_semaphore, #tpu.memory_space<semaphore_mem>>
      %dma_start3A = arith.constant 0 : i32
      %dma_start3A_13 = arith.constant 0 : i32
      %dma_start3A_14 = tpu.memref_slice %arg7[%arg0, %arg1, %dma_start3A, %dma_start3A_13] : memref<2x16x784x128xf32, #tpu.memory_space<hbm>> -> memref<1x1x784x128xf32, #tpu.memory_space<hbm>>
      %dma_start3A_15 = tpu.memref_squeeze %dma_start3A_14 : memref<1x1x784x128xf32, #tpu.memory_space<hbm>> -> memref<784x128xf32, #tpu.memory_space<hbm>>
      %dma_start3A_16 = arith.constant 0 : i32
      %dma_start3A_17 = arith.constant 0 : i32
      %dma_start3A_18 = tpu.memref_slice %arg7[%arg0, %arg1, %dma_start3A_16, %dma_start3A_17] : memref<2x16x784x128xf32, #tpu.memory_space<hbm>> -> memref<1x1x784x128xf32, #tpu.memory_space<hbm>>
      %dma_start3A_19 = tpu.memref_squeeze %dma_start3A_18 : memref<1x1x784x128xf32, #tpu.memory_space<hbm>> -> memref<784x128xf32, #tpu.memory_space<hbm>>
      tpu.enqueue_dma source(%arg13 : memref<784x128xf32, #tpu.memory_space<vmem>>) target(%dma_start3A_19 : memref<784x128xf32, #tpu.memory_space<hbm>>) target_semaphore(%run_scoped3A : memref<!tpu.dma_semaphore, #tpu.memory_space<semaphore_mem>>)
      %dma_wait3A = arith.constant 0 : i32
      %dma_wait3A_20 = arith.constant 0 : i32
      %dma_wait3A_21 = tpu.memref_slice %arg7[%arg0, %arg1, %dma_wait3A, %dma_wait3A_20] : memref<2x16x784x128xf32, #tpu.memory_space<hbm>> -> memref<1x1x784x128xf32, #tpu.memory_space<hbm>>
      %dma_wait3A_22 = tpu.memref_squeeze %dma_wait3A_21 : memref<1x1x784x128xf32, #tpu.memory_space<hbm>> -> memref<784x128xf32, #tpu.memory_space<hbm>>
      %dma_wait3A_23 = arith.constant 0 : i32
      %dma_wait3A_24 = arith.constant 0 : i32
      %dma_wait3A_25 = tpu.memref_slice %arg7[%arg0, %arg1, %dma_wait3A_23, %dma_wait3A_24] : memref<2x16x784x128xf32, #tpu.memory_space<hbm>> -> memref<1x1x784x128xf32, #tpu.memory_space<hbm>>
      %dma_wait3A_26 = tpu.memref_squeeze %dma_wait3A_25 : memref<1x1x784x128xf32, #tpu.memory_space<hbm>> -> memref<784x128xf32, #tpu.memory_space<hbm>>
      tpu.wait_dma2 semaphore(%run_scoped3A : memref<!tpu.dma_semaphore, #tpu.memory_space<semaphore_mem>>) src(%arg13 : memref<784x128xf32, #tpu.memory_space<vmem>>) dst(%dma_wait3A_26 : memref<784x128xf32, #tpu.memory_space<hbm>>)
      tpu.yield
    }) : () -> ()
    return
  }
}

#map = affine_map<(d0, d1) -> (0, 0, 0)>
#map1 = affine_map<(d0, d1) -> (0, 0)>
#map2 = affine_map<(d0, d1) -> (0)>
module attributes {stable_mosaic.version = 14 : i64} {
  func.func @_gat_msum_body(%arg0: i32, %arg1: i32, %arg2: memref<4x100352x16xf32, #tpu.memory_space<hbm>>, %arg3: memref<2x1600000xf32, #tpu.memory_space<hbm>>, %arg4: memref<1600000xi32, #tpu.memory_space<hbm>>, %arg5: memref<1600000xi32, #tpu.memory_space<hbm>>, %arg6: memref<100096x16xf32, #tpu.memory_space<hbm>>, %arg7: memref<4x100096x16xf32, #tpu.memory_space<hbm>>, %arg8: memref<800xi32, #tpu.memory_space<vmem>>, %arg9: memref<800xi32, #tpu.memory_space<vmem>>, %arg10: memref<800xf32, #tpu.memory_space<vmem>>, %arg11: memref<800x16xf32, #tpu.memory_space<vmem>>, %arg12: memref<100096x16xf32, #tpu.memory_space<vmem_shared>>, %arg13: memref<!tpu.dma_semaphore, #tpu.memory_space<semaphore_mem>>) attributes {dimension_semantics = [#tpu.dimension_semantics<core_parallel>, #tpu.dimension_semantics<subcore_parallel>], iteration_bounds = array<i64: 2, 16>, scalar_prefetch = 0 : i64, scratch_operands = 6 : i64, tpu.core_type = #tpu.core_type<sc_vector_subcore>, window_params = [{transform_indices = #map}, {transform_indices = #map1}, {transform_indices = #map2}, {transform_indices = #map2}, {transform_indices = #map1}, {transform_indices = #map}]} {
    %mul3A = arith.constant 100000 : i32
    %mul3A_0 = arith.muli %arg1, %mul3A : i32
    %mul3A_1 = arith.constant 2 : i32
    %mul3A_2 = arith.muli %mul3A_1, %arg0 : i32
    %add3A = arith.constant 0 : i32
    %add3A_3 = arith.addi %mul3A_2, %add3A : i32
    %mul3A_4 = arith.constant 6256 : i32
    %mul3A_5 = arith.muli %arg1, %mul3A_4 : i32
    %mul3A_6 = arith.constant 6256 : i32
    %mul3A_7 = arith.muli %arg1, %mul3A_6 : i32
    "tpu.region"() ({
      %run_scoped3A = tpu.sem_alloc : memref<!tpu.dma_semaphore, #tpu.memory_space<semaphore_mem>>
      %dma_start3A = arith.constant 0 : i32
      %dma_start3A_40 = tpu.memref_slice %arg12[%mul3A_7, %dma_start3A] : memref<100096x16xf32, #tpu.memory_space<vmem_shared>> -> memref<6256x16xf32, #tpu.memory_space<vmem_shared>>
      %dma_start3A_41 = arith.constant 0 : i32
      %dma_start3A_42 = tpu.memref_slice %arg6[%mul3A_5, %dma_start3A_41] : memref<100096x16xf32, #tpu.memory_space<hbm>> -> memref<6256x16xf32, #tpu.memory_space<hbm>>
      tpu.enqueue_dma source(%dma_start3A_42 : memref<6256x16xf32, #tpu.memory_space<hbm>>) target(%dma_start3A_40 : memref<6256x16xf32, #tpu.memory_space<vmem_shared>>) target_semaphore(%run_scoped3A : memref<!tpu.dma_semaphore, #tpu.memory_space<semaphore_mem>>)
      %dma_wait3A = arith.constant 0 : i32
      %dma_wait3A_43 = tpu.memref_slice %arg12[%mul3A_7, %dma_wait3A] : memref<100096x16xf32, #tpu.memory_space<vmem_shared>> -> memref<6256x16xf32, #tpu.memory_space<vmem_shared>>
      %dma_wait3A_44 = arith.constant 0 : i32
      %dma_wait3A_45 = tpu.memref_slice %arg6[%mul3A_5, %dma_wait3A_44] : memref<100096x16xf32, #tpu.memory_space<hbm>> -> memref<6256x16xf32, #tpu.memory_space<hbm>>
      tpu.wait_dma2 semaphore(%run_scoped3A : memref<!tpu.dma_semaphore, #tpu.memory_space<semaphore_mem>>) src(%dma_wait3A_45 : memref<6256x16xf32, #tpu.memory_space<hbm>>) dst(%dma_wait3A_43 : memref<6256x16xf32, #tpu.memory_space<vmem_shared>>)
      tpu.yield
    }) : () -> ()
    %barrier3A = arith.constant 0 : index
    tpu.barrier barrier_id(%barrier3A)
    %scan3A = arith.constant 0 : i32
    %scan3A_8 = arith.constant 0 : i32
    %scan3A_9 = arith.constant 125 : i32
    %scan3A_10 = arith.addi %scan3A_8, %scan3A_9 : i32
    %scan3A_11 = arith.constant 1 : i32
    scf.for %scan3A_40 = %scan3A_8 to %scan3A_10 step %scan3A_11  : i32 {
      %mul3A_41 = arith.constant 800 : i32
      %mul3A_42 = arith.muli %scan3A_40, %mul3A_41 : i32
      %add3A_43 = arith.addi %mul3A_0, %mul3A_42 : i32
      "tpu.region"() ({
        %run_scoped3A = tpu.sem_alloc : memref<!tpu.dma_semaphore, #tpu.memory_space<semaphore_mem>>
        %dma_start3A_62 = tpu.memref_slice %arg4[%add3A_43] : memref<1600000xi32, #tpu.memory_space<hbm>> -> memref<800xi32, #tpu.memory_space<hbm>>
        %dma_start3A_63 = tpu.memref_slice %arg4[%add3A_43] : memref<1600000xi32, #tpu.memory_space<hbm>> -> memref<800xi32, #tpu.memory_space<hbm>>
        tpu.enqueue_dma source(%dma_start3A_63 : memref<800xi32, #tpu.memory_space<hbm>>) target(%arg8 : memref<800xi32, #tpu.memory_space<vmem>>) target_semaphore(%run_scoped3A : memref<!tpu.dma_semaphore, #tpu.memory_space<semaphore_mem>>)
        %dma_wait3A_64 = tpu.memref_slice %arg4[%add3A_43] : memref<1600000xi32, #tpu.memory_space<hbm>> -> memref<800xi32, #tpu.memory_space<hbm>>
        %dma_wait3A_65 = tpu.memref_slice %arg4[%add3A_43] : memref<1600000xi32, #tpu.memory_space<hbm>> -> memref<800xi32, #tpu.memory_space<hbm>>
        tpu.wait_dma2 semaphore(%run_scoped3A : memref<!tpu.dma_semaphore, #tpu.memory_space<semaphore_mem>>) src(%dma_wait3A_65 : memref<800xi32, #tpu.memory_space<hbm>>) dst(%arg8 : memref<800xi32, #tpu.memory_space<vmem>>)
        tpu.yield
      }) : () -> ()
      "tpu.region"() ({
        %run_scoped3A = tpu.sem_alloc : memref<!tpu.dma_semaphore, #tpu.memory_space<semaphore_mem>>
        %dma_start3A_62 = tpu.memref_slice %arg5[%add3A_43] : memref<1600000xi32, #tpu.memory_space<hbm>> -> memref<800xi32, #tpu.memory_space<hbm>>
        %dma_start3A_63 = tpu.memref_slice %arg5[%add3A_43] : memref<1600000xi32, #tpu.memory_space<hbm>> -> memref<800xi32, #tpu.memory_space<hbm>>
        tpu.enqueue_dma source(%dma_start3A_63 : memref<800xi32, #tpu.memory_space<hbm>>) target(%arg9 : memref<800xi32, #tpu.memory_space<vmem>>) target_semaphore(%run_scoped3A : memref<!tpu.dma_semaphore, #tpu.memory_space<semaphore_mem>>)
        %dma_wait3A_64 = tpu.memref_slice %arg5[%add3A_43] : memref<1600000xi32, #tpu.memory_space<hbm>> -> memref<800xi32, #tpu.memory_space<hbm>>
        %dma_wait3A_65 = tpu.memref_slice %arg5[%add3A_43] : memref<1600000xi32, #tpu.memory_space<hbm>> -> memref<800xi32, #tpu.memory_space<hbm>>
        tpu.wait_dma2 semaphore(%run_scoped3A : memref<!tpu.dma_semaphore, #tpu.memory_space<semaphore_mem>>) src(%dma_wait3A_65 : memref<800xi32, #tpu.memory_space<hbm>>) dst(%arg9 : memref<800xi32, #tpu.memory_space<vmem>>)
        tpu.yield
      }) : () -> ()
      "tpu.region"() ({
        %run_scoped3A = tpu.sem_alloc : memref<!tpu.dma_semaphore, #tpu.memory_space<semaphore_mem>>
        %dma_start3A_62 = arith.constant 0 : i32
        %dma_start3A_63 = tpu.memref_slice %arg3[%arg0, %dma_start3A_62] : memref<2x1600000xf32, #tpu.memory_space<hbm>> -> memref<1x1600000xf32, #tpu.memory_space<hbm>>
        %dma_start3A_64 = tpu.memref_squeeze %dma_start3A_63 : memref<1x1600000xf32, #tpu.memory_space<hbm>> -> memref<1600000xf32, #tpu.memory_space<hbm>>
        %dma_start3A_65 = tpu.memref_slice %dma_start3A_64[%add3A_43] : memref<1600000xf32, #tpu.memory_space<hbm>> -> memref<800xf32, #tpu.memory_space<hbm>>
        %dma_start3A_66 = arith.constant 0 : i32
        %dma_start3A_67 = tpu.memref_slice %arg3[%arg0, %dma_start3A_66] : memref<2x1600000xf32, #tpu.memory_space<hbm>> -> memref<1x1600000xf32, #tpu.memory_space<hbm>>
        %dma_start3A_68 = tpu.memref_squeeze %dma_start3A_67 : memref<1x1600000xf32, #tpu.memory_space<hbm>> -> memref<1600000xf32, #tpu.memory_space<hbm>>
        %dma_start3A_69 = tpu.memref_slice %dma_start3A_68[%add3A_43] : memref<1600000xf32, #tpu.memory_space<hbm>> -> memref<800xf32, #tpu.memory_space<hbm>>
        tpu.enqueue_dma source(%dma_start3A_69 : memref<800xf32, #tpu.memory_space<hbm>>) target(%arg10 : memref<800xf32, #tpu.memory_space<vmem>>) target_semaphore(%run_scoped3A : memref<!tpu.dma_semaphore, #tpu.memory_space<semaphore_mem>>)
        %dma_wait3A_70 = arith.constant 0 : i32
        %dma_wait3A_71 = tpu.memref_slice %arg3[%arg0, %dma_wait3A_70] : memref<2x1600000xf32, #tpu.memory_space<hbm>> -> memref<1x1600000xf32, #tpu.memory_space<hbm>>
        %dma_wait3A_72 = tpu.memref_squeeze %dma_wait3A_71 : memref<1x1600000xf32, #tpu.memory_space<hbm>> -> memref<1600000xf32, #tpu.memory_space<hbm>>
        %dma_wait3A_73 = tpu.memref_slice %dma_wait3A_72[%add3A_43] : memref<1600000xf32, #tpu.memory_space<hbm>> -> memref<800xf32, #tpu.memory_space<hbm>>
        %dma_wait3A_74 = arith.constant 0 : i32
        %dma_wait3A_75 = tpu.memref_slice %arg3[%arg0, %dma_wait3A_74] : memref<2x1600000xf32, #tpu.memory_space<hbm>> -> memref<1x1600000xf32, #tpu.memory_space<hbm>>
        %dma_wait3A_76 = tpu.memref_squeeze %dma_wait3A_75 : memref<1x1600000xf32, #tpu.memory_space<hbm>> -> memref<1600000xf32, #tpu.memory_space<hbm>>
        %dma_wait3A_77 = tpu.memref_slice %dma_wait3A_76[%add3A_43] : memref<1600000xf32, #tpu.memory_space<hbm>> -> memref<800xf32, #tpu.memory_space<hbm>>
        tpu.wait_dma2 semaphore(%run_scoped3A : memref<!tpu.dma_semaphore, #tpu.memory_space<semaphore_mem>>) src(%dma_wait3A_77 : memref<800xf32, #tpu.memory_space<hbm>>) dst(%arg10 : memref<800xf32, #tpu.memory_space<vmem>>)
        tpu.yield
      }) : () -> ()
      %dma_start3A = arith.constant 0 : i32
      %dma_start3A_44 = arith.constant 0 : i32
      %dma_start3A_45 = tpu.memref_slice %arg2[%add3A_3, %dma_start3A, %dma_start3A_44] : memref<4x100352x16xf32, #tpu.memory_space<hbm>> -> memref<1x100352x16xf32, #tpu.memory_space<hbm>>
      %dma_start3A_46 = tpu.memref_squeeze %dma_start3A_45 : memref<1x100352x16xf32, #tpu.memory_space<hbm>> -> memref<100352x16xf32, #tpu.memory_space<hbm>>
      %dma_start3A_47 = arith.constant 0 : i32
      %dma_start3A_48 = arith.constant 0 : i32
      %dma_start3A_49 = tpu.memref_slice %dma_start3A_46[%dma_start3A_47, %dma_start3A_48] : memref<100352x16xf32, #tpu.memory_space<hbm>> -> memref<100352x16xf32, #tpu.memory_space<hbm>>
      tpu.enqueue_indirect_dma source(%dma_start3A_49 : memref<100352x16xf32, #tpu.memory_space<hbm>>) target(%arg11 : memref<800x16xf32, #tpu.memory_space<vmem>>) offsets(%arg8 : memref<800xi32, #tpu.memory_space<vmem>>) semaphore(%arg13 : memref<!tpu.dma_semaphore, #tpu.memory_space<semaphore_mem>>)
      %dma_wait3A = arith.constant 0 : i32
      %dma_wait3A_50 = arith.constant 0 : i32
      %dma_wait3A_51 = tpu.memref_slice %arg2[%add3A_3, %dma_wait3A, %dma_wait3A_50] : memref<4x100352x16xf32, #tpu.memory_space<hbm>> -> memref<1x100352x16xf32, #tpu.memory_space<hbm>>
      %dma_wait3A_52 = tpu.memref_squeeze %dma_wait3A_51 : memref<1x100352x16xf32, #tpu.memory_space<hbm>> -> memref<100352x16xf32, #tpu.memory_space<hbm>>
      %dma_wait3A_53 = arith.constant 0 : i32
      %dma_wait3A_54 = arith.constant 0 : i32
      %dma_wait3A_55 = tpu.memref_slice %dma_wait3A_52[%dma_wait3A_53, %dma_wait3A_54] : memref<100352x16xf32, #tpu.memory_space<hbm>> -> memref<100352x16xf32, #tpu.memory_space<hbm>>
      tpu.wait_indirect_dma semaphore(%arg13 : memref<!tpu.dma_semaphore, #tpu.memory_space<semaphore_mem>>) src(%dma_wait3A_55 : memref<100352x16xf32, #tpu.memory_space<hbm>>) dst(%arg11 : memref<800x16xf32, #tpu.memory_space<vmem>>)
      %scan3A_56 = arith.constant 0 : i32
      %scan3A_57 = arith.constant 0 : i32
      %scan3A_58 = arith.constant 50 : i32
      %scan3A_59 = arith.addi %scan3A_57, %scan3A_58 : i32
      %scan3A_60 = arith.constant 2 : i32
      scf.for %scan3A_62 = %scan3A_57 to %scan3A_59 step %scan3A_60  : i32 {
        %mul3A_63 = arith.constant 16 : i32
        %mul3A_64 = arith.muli %scan3A_62, %mul3A_63 : i32
        %get3A = arith.index_cast %mul3A_64 : i32 to index
        %get3A_65 = tpu.vector_load %arg10[%get3A] {strides = array<i32>} : memref<800xf32, #tpu.memory_space<vmem>>, vector<16xf32>,
        %mul3A_66 = arith.constant 16 : i32
        %mul3A_67 = arith.muli %scan3A_62, %mul3A_66 : i32
        %add3A_68 = arith.constant 0 : i32
        %add3A_69 = arith.addi %mul3A_67, %add3A_68 : i32
        %get3A_70 = arith.index_cast %add3A_69 : i32 to index
        %get3A_71 = arith.constant 0 : index
        %get3A_72 = tpu.vector_load %arg11[%get3A_70, %get3A_71] {strides = array<i32>} : memref<800x16xf32, #tpu.memory_space<vmem>>, vector<16xf32>,
        %slice3A = vector.extract_strided_slice %get3A_65 {offsets = [0], sizes = [1], strides = [1]} : vector<16xf32> to vector<1xf32>
        %squeeze3A = vector.extract %slice3A[0] : f32 from vector<1xf32>
        %mul3A_73 = vector.broadcast %squeeze3A : f32 to vector<16xf32>
        %mul3A_74 = arith.mulf %get3A_72, %mul3A_73 : vector<16xf32>
        %mul3A_75 = arith.constant 16 : i32
        %mul3A_76 = arith.muli %scan3A_62, %mul3A_75 : i32
        %add3A_77 = arith.constant 0 : i32
        %add3A_78 = arith.addi %mul3A_76, %add3A_77 : i32
        %swap3A = arith.index_cast %add3A_78 : i32 to index
        %swap3A_79 = arith.constant 0 : index
        %swap3A_80 = tpu.vector_load %arg11[%swap3A, %swap3A_79] {strides = array<i32>} : memref<800x16xf32, #tpu.memory_space<vmem>>, vector<16xf32>,
        tpu.vector_store %arg11[%swap3A, %swap3A_79], %mul3A_74 {strides = array<i32>} : memref<800x16xf32, #tpu.memory_space<vmem>>, vector<16xf32>,
        %mul3A_81 = arith.constant 16 : i32
        %mul3A_82 = arith.muli %scan3A_62, %mul3A_81 : i32
        %add3A_83 = arith.constant 1 : i32
        %add3A_84 = arith.addi %mul3A_82, %add3A_83 : i32
        %get3A_85 = arith.index_cast %add3A_84 : i32 to index
        %get3A_86 = arith.constant 0 : index
        %get3A_87 = tpu.vector_load %arg11[%get3A_85, %get3A_86] {strides = array<i32>} : memref<800x16xf32, #tpu.memory_space<vmem>>, vector<16xf32>,
        %slice3A_88 = vector.extract_strided_slice %get3A_65 {offsets = [1], sizes = [1], strides = [1]} : vector<16xf32> to vector<1xf32>
        %squeeze3A_89 = vector.extract %slice3A_88[0] : f32 from vector<1xf32>
        %mul3A_90 = vector.broadcast %squeeze3A_89 : f32 to vector<16xf32>
        %mul3A_91 = arith.mulf %get3A_87, %mul3A_90 : vector<16xf32>
        %mul3A_92 = arith.constant 16 : i32
        %mul3A_93 = arith.muli %scan3A_62, %mul3A_92 : i32
        %add3A_94 = arith.constant 1 : i32
        %add3A_95 = arith.addi %mul3A_93, %add3A_94 : i32
        %swap3A_96 = arith.index_cast %add3A_95 : i32 to index
        %swap3A_97 = arith.constant 0 : index
        %swap3A_98 = tpu.vector_load %arg11[%swap3A_96, %swap3A_97] {strides = array<i32>} : memref<800x16xf32, #tpu.memory_space<vmem>>, vector<16xf32>,
        tpu.vector_store %arg11[%swap3A_96, %swap3A_97], %mul3A_91 {strides = array<i32>} : memref<800x16xf32, #tpu.memory_space<vmem>>, vector<16xf32>,
        %mul3A_99 = arith.constant 16 : i32
        %mul3A_100 = arith.muli %scan3A_62, %mul3A_99 : i32
        %add3A_101 = arith.constant 2 : i32
        %add3A_102 = arith.addi %mul3A_100, %add3A_101 : i32
        %get3A_103 = arith.index_cast %add3A_102 : i32 to index
        %get3A_104 = arith.constant 0 : index
        %get3A_105 = tpu.vector_load %arg11[%get3A_103, %get3A_104] {strides = array<i32>} : memref<800x16xf32, #tpu.memory_space<vmem>>, vector<16xf32>,
        %slice3A_106 = vector.extract_strided_slice %get3A_65 {offsets = [2], sizes = [1], strides = [1]} : vector<16xf32> to vector<1xf32>
        %squeeze3A_107 = vector.extract %slice3A_106[0] : f32 from vector<1xf32>
        %mul3A_108 = vector.broadcast %squeeze3A_107 : f32 to vector<16xf32>
        %mul3A_109 = arith.mulf %get3A_105, %mul3A_108 : vector<16xf32>
        %mul3A_110 = arith.constant 16 : i32
        %mul3A_111 = arith.muli %scan3A_62, %mul3A_110 : i32
        %add3A_112 = arith.constant 2 : i32
        %add3A_113 = arith.addi %mul3A_111, %add3A_112 : i32
        %swap3A_114 = arith.index_cast %add3A_113 : i32 to index
        %swap3A_115 = arith.constant 0 : index
        %swap3A_116 = tpu.vector_load %arg11[%swap3A_114, %swap3A_115] {strides = array<i32>} : memref<800x16xf32, #tpu.memory_space<vmem>>, vector<16xf32>,
        tpu.vector_store %arg11[%swap3A_114, %swap3A_115], %mul3A_109 {strides = array<i32>} : memref<800x16xf32, #tpu.memory_space<vmem>>, vector<16xf32>,
        %mul3A_117 = arith.constant 16 : i32
        %mul3A_118 = arith.muli %scan3A_62, %mul3A_117 : i32
        %add3A_119 = arith.constant 3 : i32
        %add3A_120 = arith.addi %mul3A_118, %add3A_119 : i32
        %get3A_121 = arith.index_cast %add3A_120 : i32 to index
        %get3A_122 = arith.constant 0 : index
        %get3A_123 = tpu.vector_load %arg11[%get3A_121, %get3A_122] {strides = array<i32>} : memref<800x16xf32, #tpu.memory_space<vmem>>, vector<16xf32>,
        %slice3A_124 = vector.extract_strided_slice %get3A_65 {offsets = [3], sizes = [1], strides = [1]} : vector<16xf32> to vector<1xf32>
        %squeeze3A_125 = vector.extract %slice3A_124[0] : f32 from vector<1xf32>
        %mul3A_126 = vector.broadcast %squeeze3A_125 : f32 to vector<16xf32>
        %mul3A_127 = arith.mulf %get3A_123, %mul3A_126 : vector<16xf32>
        %mul3A_128 = arith.constant 16 : i32
        %mul3A_129 = arith.muli %scan3A_62, %mul3A_128 : i32
        %add3A_130 = arith.constant 3 : i32
        %add3A_131 = arith.addi %mul3A_129, %add3A_130 : i32
        %swap3A_132 = arith.index_cast %add3A_131 : i32 to index
        %swap3A_133 = arith.constant 0 : index
        %swap3A_134 = tpu.vector_load %arg11[%swap3A_132, %swap3A_133] {strides = array<i32>} : memref<800x16xf32, #tpu.memory_space<vmem>>, vector<16xf32>,
        tpu.vector_store %arg11[%swap3A_132, %swap3A_133], %mul3A_127 {strides = array<i32>} : memref<800x16xf32, #tpu.memory_space<vmem>>, vector<16xf32>,
        %mul3A_135 = arith.constant 16 : i32
        %mul3A_136 = arith.muli %scan3A_62, %mul3A_135 : i32
        %add3A_137 = arith.constant 4 : i32
        %add3A_138 = arith.addi %mul3A_136, %add3A_137 : i32
        %get3A_139 = arith.index_cast %add3A_138 : i32 to index
        %get3A_140 = arith.constant 0 : index
        %get3A_141 = tpu.vector_load %arg11[%get3A_139, %get3A_140] {strides = array<i32>} : memref<800x16xf32, #tpu.memory_space<vmem>>, vector<16xf32>,
        %slice3A_142 = vector.extract_strided_slice %get3A_65 {offsets = [4], sizes = [1], strides = [1]} : vector<16xf32> to vector<1xf32>
        %squeeze3A_143 = vector.extract %slice3A_142[0] : f32 from vector<1xf32>
        %mul3A_144 = vector.broadcast %squeeze3A_143 : f32 to vector<16xf32>
        %mul3A_145 = arith.mulf %get3A_141, %mul3A_144 : vector<16xf32>
        %mul3A_146 = arith.constant 16 : i32
        %mul3A_147 = arith.muli %scan3A_62, %mul3A_146 : i32
        %add3A_148 = arith.constant 4 : i32
        %add3A_149 = arith.addi %mul3A_147, %add3A_148 : i32
        %swap3A_150 = arith.index_cast %add3A_149 : i32 to index
        %swap3A_151 = arith.constant 0 : index
        %swap3A_152 = tpu.vector_load %arg11[%swap3A_150, %swap3A_151] {strides = array<i32>} : memref<800x16xf32, #tpu.memory_space<vmem>>, vector<16xf32>,
        tpu.vector_store %arg11[%swap3A_150, %swap3A_151], %mul3A_145 {strides = array<i32>} : memref<800x16xf32, #tpu.memory_space<vmem>>, vector<16xf32>,
        %mul3A_153 = arith.constant 16 : i32
        %mul3A_154 = arith.muli %scan3A_62, %mul3A_153 : i32
        %add3A_155 = arith.constant 5 : i32
        %add3A_156 = arith.addi %mul3A_154, %add3A_155 : i32
        %get3A_157 = arith.index_cast %add3A_156 : i32 to index
        %get3A_158 = arith.constant 0 : index
        %get3A_159 = tpu.vector_load %arg11[%get3A_157, %get3A_158] {strides = array<i32>} : memref<800x16xf32, #tpu.memory_space<vmem>>, vector<16xf32>,
        %slice3A_160 = vector.extract_strided_slice %get3A_65 {offsets = [5], sizes = [1], strides = [1]} : vector<16xf32> to vector<1xf32>
        %squeeze3A_161 = vector.extract %slice3A_160[0] : f32 from vector<1xf32>
        %mul3A_162 = vector.broadcast %squeeze3A_161 : f32 to vector<16xf32>
        %mul3A_163 = arith.mulf %get3A_159, %mul3A_162 : vector<16xf32>
        %mul3A_164 = arith.constant 16 : i32
        %mul3A_165 = arith.muli %scan3A_62, %mul3A_164 : i32
        %add3A_166 = arith.constant 5 : i32
        %add3A_167 = arith.addi %mul3A_165, %add3A_166 : i32
        %swap3A_168 = arith.index_cast %add3A_167 : i32 to index
        %swap3A_169 = arith.constant 0 : index
        %swap3A_170 = tpu.vector_load %arg11[%swap3A_168, %swap3A_169] {strides = array<i32>} : memref<800x16xf32, #tpu.memory_space<vmem>>, vector<16xf32>,
        tpu.vector_store %arg11[%swap3A_168, %swap3A_169], %mul3A_163 {strides = array<i32>} : memref<800x16xf32, #tpu.memory_space<vmem>>, vector<16xf32>,
        %mul3A_171 = arith.constant 16 : i32
        %mul3A_172 = arith.muli %scan3A_62, %mul3A_171 : i32
        %add3A_173 = arith.constant 6 : i32
        %add3A_174 = arith.addi %mul3A_172, %add3A_173 : i32
        %get3A_175 = arith.index_cast %add3A_174 : i32 to index
        %get3A_176 = arith.constant 0 : index
        %get3A_177 = tpu.vector_load %arg11[%get3A_175, %get3A_176] {strides = array<i32>} : memref<800x16xf32, #tpu.memory_space<vmem>>, vector<16xf32>,
        %slice3A_178 = vector.extract_strided_slice %get3A_65 {offsets = [6], sizes = [1], strides = [1]} : vector<16xf32> to vector<1xf32>
        %squeeze3A_179 = vector.extract %slice3A_178[0] : f32 from vector<1xf32>
        %mul3A_180 = vector.broadcast %squeeze3A_179 : f32 to vector<16xf32>
        %mul3A_181 = arith.mulf %get3A_177, %mul3A_180 : vector<16xf32>
        %mul3A_182 = arith.constant 16 : i32
        %mul3A_183 = arith.muli %scan3A_62, %mul3A_182 : i32
        %add3A_184 = arith.constant 6 : i32
        %add3A_185 = arith.addi %mul3A_183, %add3A_184 : i32
        %swap3A_186 = arith.index_cast %add3A_185 : i32 to index
        %swap3A_187 = arith.constant 0 : index
        %swap3A_188 = tpu.vector_load %arg11[%swap3A_186, %swap3A_187] {strides = array<i32>} : memref<800x16xf32, #tpu.memory_space<vmem>>, vector<16xf32>,
        tpu.vector_store %arg11[%swap3A_186, %swap3A_187], %mul3A_181 {strides = array<i32>} : memref<800x16xf32, #tpu.memory_space<vmem>>, vector<16xf32>,
        %mul3A_189 = arith.constant 16 : i32
        %mul3A_190 = arith.muli %scan3A_62, %mul3A_189 : i32
        %add3A_191 = arith.constant 7 : i32
        %add3A_192 = arith.addi %mul3A_190, %add3A_191 : i32
        %get3A_193 = arith.index_cast %add3A_192 : i32 to index
        %get3A_194 = arith.constant 0 : index
        %get3A_195 = tpu.vector_load %arg11[%get3A_193, %get3A_194] {strides = array<i32>} : memref<800x16xf32, #tpu.memory_space<vmem>>, vector<16xf32>,
        %slice3A_196 = vector.extract_strided_slice %get3A_65 {offsets = [7], sizes = [1], strides = [1]} : vector<16xf32> to vector<1xf32>
        %squeeze3A_197 = vector.extract %slice3A_196[0] : f32 from vector<1xf32>
        %mul3A_198 = vector.broadcast %squeeze3A_197 : f32 to vector<16xf32>
        %mul3A_199 = arith.mulf %get3A_195, %mul3A_198 : vector<16xf32>
        %mul3A_200 = arith.constant 16 : i32
        %mul3A_201 = arith.muli %scan3A_62, %mul3A_200 : i32
        %add3A_202 = arith.constant 7 : i32
        %add3A_203 = arith.addi %mul3A_201, %add3A_202 : i32
        %swap3A_204 = arith.index_cast %add3A_203 : i32 to index
        %swap3A_205 = arith.constant 0 : index
        %swap3A_206 = tpu.vector_load %arg11[%swap3A_204, %swap3A_205] {strides = array<i32>} : memref<800x16xf32, #tpu.memory_space<vmem>>, vector<16xf32>,
        tpu.vector_store %arg11[%swap3A_204, %swap3A_205], %mul3A_199 {strides = array<i32>} : memref<800x16xf32, #tpu.memory_space<vmem>>, vector<16xf32>,
        %mul3A_207 = arith.constant 16 : i32
        %mul3A_208 = arith.muli %scan3A_62, %mul3A_207 : i32
        %add3A_209 = arith.constant 8 : i32
        %add3A_210 = arith.addi %mul3A_208, %add3A_209 : i32
        %get3A_211 = arith.index_cast %add3A_210 : i32 to index
        %get3A_212 = arith.constant 0 : index
        %get3A_213 = tpu.vector_load %arg11[%get3A_211, %get3A_212] {strides = array<i32>} : memref<800x16xf32, #tpu.memory_space<vmem>>, vector<16xf32>,
        %slice3A_214 = vector.extract_strided_slice %get3A_65 {offsets = [8], sizes = [1], strides = [1]} : vector<16xf32> to vector<1xf32>
        %squeeze3A_215 = vector.extract %slice3A_214[0] : f32 from vector<1xf32>
        %mul3A_216 = vector.broadcast %squeeze3A_215 : f32 to vector<16xf32>
        %mul3A_217 = arith.mulf %get3A_213, %mul3A_216 : vector<16xf32>
        %mul3A_218 = arith.constant 16 : i32
        %mul3A_219 = arith.muli %scan3A_62, %mul3A_218 : i32
        %add3A_220 = arith.constant 8 : i32
        %add3A_221 = arith.addi %mul3A_219, %add3A_220 : i32
        %swap3A_222 = arith.index_cast %add3A_221 : i32 to index
        %swap3A_223 = arith.constant 0 : index
        %swap3A_224 = tpu.vector_load %arg11[%swap3A_222, %swap3A_223] {strides = array<i32>} : memref<800x16xf32, #tpu.memory_space<vmem>>, vector<16xf32>,
        tpu.vector_store %arg11[%swap3A_222, %swap3A_223], %mul3A_217 {strides = array<i32>} : memref<800x16xf32, #tpu.memory_space<vmem>>, vector<16xf32>,
        %mul3A_225 = arith.constant 16 : i32
        %mul3A_226 = arith.muli %scan3A_62, %mul3A_225 : i32
        %add3A_227 = arith.constant 9 : i32
        %add3A_228 = arith.addi %mul3A_226, %add3A_227 : i32
        %get3A_229 = arith.index_cast %add3A_228 : i32 to index
        %get3A_230 = arith.constant 0 : index
        %get3A_231 = tpu.vector_load %arg11[%get3A_229, %get3A_230] {strides = array<i32>} : memref<800x16xf32, #tpu.memory_space<vmem>>, vector<16xf32>,
        %slice3A_232 = vector.extract_strided_slice %get3A_65 {offsets = [9], sizes = [1], strides = [1]} : vector<16xf32> to vector<1xf32>
        %squeeze3A_233 = vector.extract %slice3A_232[0] : f32 from vector<1xf32>
        %mul3A_234 = vector.broadcast %squeeze3A_233 : f32 to vector<16xf32>
        %mul3A_235 = arith.mulf %get3A_231, %mul3A_234 : vector<16xf32>
        %mul3A_236 = arith.constant 16 : i32
        %mul3A_237 = arith.muli %scan3A_62, %mul3A_236 : i32
        %add3A_238 = arith.constant 9 : i32
        %add3A_239 = arith.addi %mul3A_237, %add3A_238 : i32
        %swap3A_240 = arith.index_cast %add3A_239 : i32 to index
        %swap3A_241 = arith.constant 0 : index
        %swap3A_242 = tpu.vector_load %arg11[%swap3A_240, %swap3A_241] {strides = array<i32>} : memref<800x16xf32, #tpu.memory_space<vmem>>, vector<16xf32>,
        tpu.vector_store %arg11[%swap3A_240, %swap3A_241], %mul3A_235 {strides = array<i32>} : memref<800x16xf32, #tpu.memory_space<vmem>>, vector<16xf32>,
        %mul3A_243 = arith.constant 16 : i32
        %mul3A_244 = arith.muli %scan3A_62, %mul3A_243 : i32
        %add3A_245 = arith.constant 10 : i32
        %add3A_246 = arith.addi %mul3A_244, %add3A_245 : i32
        %get3A_247 = arith.index_cast %add3A_246 : i32 to index
        %get3A_248 = arith.constant 0 : index
        %get3A_249 = tpu.vector_load %arg11[%get3A_247, %get3A_248] {strides = array<i32>} : memref<800x16xf32, #tpu.memory_space<vmem>>, vector<16xf32>,
        %slice3A_250 = vector.extract_strided_slice %get3A_65 {offsets = [10], sizes = [1], strides = [1]} : vector<16xf32> to vector<1xf32>
        %squeeze3A_251 = vector.extract %slice3A_250[0] : f32 from vector<1xf32>
        %mul3A_252 = vector.broadcast %squeeze3A_251 : f32 to vector<16xf32>
        %mul3A_253 = arith.mulf %get3A_249, %mul3A_252 : vector<16xf32>
        %mul3A_254 = arith.constant 16 : i32
        %mul3A_255 = arith.muli %scan3A_62, %mul3A_254 : i32
        %add3A_256 = arith.constant 10 : i32
        %add3A_257 = arith.addi %mul3A_255, %add3A_256 : i32
        %swap3A_258 = arith.index_cast %add3A_257 : i32 to index
        %swap3A_259 = arith.constant 0 : index
        %swap3A_260 = tpu.vector_load %arg11[%swap3A_258, %swap3A_259] {strides = array<i32>} : memref<800x16xf32, #tpu.memory_space<vmem>>, vector<16xf32>,
        tpu.vector_store %arg11[%swap3A_258, %swap3A_259], %mul3A_253 {strides = array<i32>} : memref<800x16xf32, #tpu.memory_space<vmem>>, vector<16xf32>,
        %mul3A_261 = arith.constant 16 : i32
        %mul3A_262 = arith.muli %scan3A_62, %mul3A_261 : i32
        %add3A_263 = arith.constant 11 : i32
        %add3A_264 = arith.addi %mul3A_262, %add3A_263 : i32
        %get3A_265 = arith.index_cast %add3A_264 : i32 to index
        %get3A_266 = arith.constant 0 : index
        %get3A_267 = tpu.vector_load %arg11[%get3A_265, %get3A_266] {strides = array<i32>} : memref<800x16xf32, #tpu.memory_space<vmem>>, vector<16xf32>,
        %slice3A_268 = vector.extract_strided_slice %get3A_65 {offsets = [11], sizes = [1], strides = [1]} : vector<16xf32> to vector<1xf32>
        %squeeze3A_269 = vector.extract %slice3A_268[0] : f32 from vector<1xf32>
        %mul3A_270 = vector.broadcast %squeeze3A_269 : f32 to vector<16xf32>
        %mul3A_271 = arith.mulf %get3A_267, %mul3A_270 : vector<16xf32>
        %mul3A_272 = arith.constant 16 : i32
        %mul3A_273 = arith.muli %scan3A_62, %mul3A_272 : i32
        %add3A_274 = arith.constant 11 : i32
        %add3A_275 = arith.addi %mul3A_273, %add3A_274 : i32
        %swap3A_276 = arith.index_cast %add3A_275 : i32 to index
        %swap3A_277 = arith.constant 0 : index
        %swap3A_278 = tpu.vector_load %arg11[%swap3A_276, %swap3A_277] {strides = array<i32>} : memref<800x16xf32, #tpu.memory_space<vmem>>, vector<16xf32>,
        tpu.vector_store %arg11[%swap3A_276, %swap3A_277], %mul3A_271 {strides = array<i32>} : memref<800x16xf32, #tpu.memory_space<vmem>>, vector<16xf32>,
        %mul3A_279 = arith.constant 16 : i32
        %mul3A_280 = arith.muli %scan3A_62, %mul3A_279 : i32
        %add3A_281 = arith.constant 12 : i32
        %add3A_282 = arith.addi %mul3A_280, %add3A_281 : i32
        %get3A_283 = arith.index_cast %add3A_282 : i32 to index
        %get3A_284 = arith.constant 0 : index
        %get3A_285 = tpu.vector_load %arg11[%get3A_283, %get3A_284] {strides = array<i32>} : memref<800x16xf32, #tpu.memory_space<vmem>>, vector<16xf32>,
        %slice3A_286 = vector.extract_strided_slice %get3A_65 {offsets = [12], sizes = [1], strides = [1]} : vector<16xf32> to vector<1xf32>
        %squeeze3A_287 = vector.extract %slice3A_286[0] : f32 from vector<1xf32>
        %mul3A_288 = vector.broadcast %squeeze3A_287 : f32 to vector<16xf32>
        %mul3A_289 = arith.mulf %get3A_285, %mul3A_288 : vector<16xf32>
        %mul3A_290 = arith.constant 16 : i32
        %mul3A_291 = arith.muli %scan3A_62, %mul3A_290 : i32
        %add3A_292 = arith.constant 12 : i32
        %add3A_293 = arith.addi %mul3A_291, %add3A_292 : i32
        %swap3A_294 = arith.index_cast %add3A_293 : i32 to index
        %swap3A_295 = arith.constant 0 : index
        %swap3A_296 = tpu.vector_load %arg11[%swap3A_294, %swap3A_295] {strides = array<i32>} : memref<800x16xf32, #tpu.memory_space<vmem>>, vector<16xf32>,
        tpu.vector_store %arg11[%swap3A_294, %swap3A_295], %mul3A_289 {strides = array<i32>} : memref<800x16xf32, #tpu.memory_space<vmem>>, vector<16xf32>,
        %mul3A_297 = arith.constant 16 : i32
        %mul3A_298 = arith.muli %scan3A_62, %mul3A_297 : i32
        %add3A_299 = arith.constant 13 : i32
        %add3A_300 = arith.addi %mul3A_298, %add3A_299 : i32
        %get3A_301 = arith.index_cast %add3A_300 : i32 to index
        %get3A_302 = arith.constant 0 : index
        %get3A_303 = tpu.vector_load %arg11[%get3A_301, %get3A_302] {strides = array<i32>} : memref<800x16xf32, #tpu.memory_space<vmem>>, vector<16xf32>,
        %slice3A_304 = vector.extract_strided_slice %get3A_65 {offsets = [13], sizes = [1], strides = [1]} : vector<16xf32> to vector<1xf32>
        %squeeze3A_305 = vector.extract %slice3A_304[0] : f32 from vector<1xf32>
        %mul3A_306 = vector.broadcast %squeeze3A_305 : f32 to vector<16xf32>
        %mul3A_307 = arith.mulf %get3A_303, %mul3A_306 : vector<16xf32>
        %mul3A_308 = arith.constant 16 : i32
        %mul3A_309 = arith.muli %scan3A_62, %mul3A_308 : i32
        %add3A_310 = arith.constant 13 : i32
        %add3A_311 = arith.addi %mul3A_309, %add3A_310 : i32
        %swap3A_312 = arith.index_cast %add3A_311 : i32 to index
        %swap3A_313 = arith.constant 0 : index
        %swap3A_314 = tpu.vector_load %arg11[%swap3A_312, %swap3A_313] {strides = array<i32>} : memref<800x16xf32, #tpu.memory_space<vmem>>, vector<16xf32>,
        tpu.vector_store %arg11[%swap3A_312, %swap3A_313], %mul3A_307 {strides = array<i32>} : memref<800x16xf32, #tpu.memory_space<vmem>>, vector<16xf32>,
        %mul3A_315 = arith.constant 16 : i32
        %mul3A_316 = arith.muli %scan3A_62, %mul3A_315 : i32
        %add3A_317 = arith.constant 14 : i32
        %add3A_318 = arith.addi %mul3A_316, %add3A_317 : i32
        %get3A_319 = arith.index_cast %add3A_318 : i32 to index
        %get3A_320 = arith.constant 0 : index
        %get3A_321 = tpu.vector_load %arg11[%get3A_319, %get3A_320] {strides = array<i32>} : memref<800x16xf32, #tpu.memory_space<vmem>>, vector<16xf32>,
        %slice3A_322 = vector.extract_strided_slice %get3A_65 {offsets = [14], sizes = [1], strides = [1]} : vector<16xf32> to vector<1xf32>
        %squeeze3A_323 = vector.extract %slice3A_322[0] : f32 from vector<1xf32>
        %mul3A_324 = vector.broadcast %squeeze3A_323 : f32 to vector<16xf32>
        %mul3A_325 = arith.mulf %get3A_321, %mul3A_324 : vector<16xf32>
        %mul3A_326 = arith.constant 16 : i32
        %mul3A_327 = arith.muli %scan3A_62, %mul3A_326 : i32
        %add3A_328 = arith.constant 14 : i32
        %add3A_329 = arith.addi %mul3A_327, %add3A_328 : i32
        %swap3A_330 = arith.index_cast %add3A_329 : i32 to index
        %swap3A_331 = arith.constant 0 : index
        %swap3A_332 = tpu.vector_load %arg11[%swap3A_330, %swap3A_331] {strides = array<i32>} : memref<800x16xf32, #tpu.memory_space<vmem>>, vector<16xf32>,
        tpu.vector_store %arg11[%swap3A_330, %swap3A_331], %mul3A_325 {strides = array<i32>} : memref<800x16xf32, #tpu.memory_space<vmem>>, vector<16xf32>,
        %mul3A_333 = arith.constant 16 : i32
        %mul3A_334 = arith.muli %scan3A_62, %mul3A_333 : i32
        %add3A_335 = arith.constant 15 : i32
        %add3A_336 = arith.addi %mul3A_334, %add3A_335 : i32
        %get3A_337 = arith.index_cast %add3A_336 : i32 to index
        %get3A_338 = arith.constant 0 : index
        %get3A_339 = tpu.vector_load %arg11[%get3A_337, %get3A_338] {strides = array<i32>} : memref<800x16xf32, #tpu.memory_space<vmem>>, vector<16xf32>,
        %slice3A_340 = vector.extract_strided_slice %get3A_65 {offsets = [15], sizes = [1], strides = [1]} : vector<16xf32> to vector<1xf32>
        %squeeze3A_341 = vector.extract %slice3A_340[0] : f32 from vector<1xf32>
        %mul3A_342 = vector.broadcast %squeeze3A_341 : f32 to vector<16xf32>
        %mul3A_343 = arith.mulf %get3A_339, %mul3A_342 : vector<16xf32>
        %mul3A_344 = arith.constant 16 : i32
        %mul3A_345 = arith.muli %scan3A_62, %mul3A_344 : i32
        %add3A_346 = arith.constant 15 : i32
        %add3A_347 = arith.addi %mul3A_345, %add3A_346 : i32
        %swap3A_348 = arith.index_cast %add3A_347 : i32 to index
        %swap3A_349 = arith.constant 0 : index
        %swap3A_350 = tpu.vector_load %arg11[%swap3A_348, %swap3A_349] {strides = array<i32>} : memref<800x16xf32, #tpu.memory_space<vmem>>, vector<16xf32>,
        tpu.vector_store %arg11[%swap3A_348, %swap3A_349], %mul3A_343 {strides = array<i32>} : memref<800x16xf32, #tpu.memory_space<vmem>>, vector<16xf32>,
        %scan3A_351 = arith.constant 1 : i32
        %scan3A_352 = arith.addi %scan3A_62, %scan3A_351 : i32
        %mul3A_353 = arith.constant 16 : i32
        %mul3A_354 = arith.muli %scan3A_352, %mul3A_353 : i32
        %get3A_355 = arith.index_cast %mul3A_354 : i32 to index
        %get3A_356 = tpu.vector_load %arg10[%get3A_355] {strides = array<i32>} : memref<800xf32, #tpu.memory_space<vmem>>, vector<16xf32>,
        %mul3A_357 = arith.constant 16 : i32
        %mul3A_358 = arith.muli %scan3A_352, %mul3A_357 : i32
        %add3A_359 = arith.constant 0 : i32
        %add3A_360 = arith.addi %mul3A_358, %add3A_359 : i32
        %get3A_361 = arith.index_cast %add3A_360 : i32 to index
        %get3A_362 = arith.constant 0 : index
        %get3A_363 = tpu.vector_load %arg11[%get3A_361, %get3A_362] {strides = array<i32>} : memref<800x16xf32, #tpu.memory_space<vmem>>, vector<16xf32>,
        %slice3A_364 = vector.extract_strided_slice %get3A_356 {offsets = [0], sizes = [1], strides = [1]} : vector<16xf32> to vector<1xf32>
        %squeeze3A_365 = vector.extract %slice3A_364[0] : f32 from vector<1xf32>
        %mul3A_366 = vector.broadcast %squeeze3A_365 : f32 to vector<16xf32>
        %mul3A_367 = arith.mulf %get3A_363, %mul3A_366 : vector<16xf32>
        %mul3A_368 = arith.constant 16 : i32
        %mul3A_369 = arith.muli %scan3A_352, %mul3A_368 : i32
        %add3A_370 = arith.constant 0 : i32
        %add3A_371 = arith.addi %mul3A_369, %add3A_370 : i32
        %swap3A_372 = arith.index_cast %add3A_371 : i32 to index
        %swap3A_373 = arith.constant 0 : index
        %swap3A_374 = tpu.vector_load %arg11[%swap3A_372, %swap3A_373] {strides = array<i32>} : memref<800x16xf32, #tpu.memory_space<vmem>>, vector<16xf32>,
        tpu.vector_store %arg11[%swap3A_372, %swap3A_373], %mul3A_367 {strides = array<i32>} : memref<800x16xf32, #tpu.memory_space<vmem>>, vector<16xf32>,
        %mul3A_375 = arith.constant 16 : i32
        %mul3A_376 = arith.muli %scan3A_352, %mul3A_375 : i32
        %add3A_377 = arith.constant 1 : i32
        %add3A_378 = arith.addi %mul3A_376, %add3A_377 : i32
        %get3A_379 = arith.index_cast %add3A_378 : i32 to index
        %get3A_380 = arith.constant 0 : index
        %get3A_381 = tpu.vector_load %arg11[%get3A_379, %get3A_380] {strides = array<i32>} : memref<800x16xf32, #tpu.memory_space<vmem>>, vector<16xf32>,
        %slice3A_382 = vector.extract_strided_slice %get3A_356 {offsets = [1], sizes = [1], strides = [1]} : vector<16xf32> to vector<1xf32>
        %squeeze3A_383 = vector.extract %slice3A_382[0] : f32 from vector<1xf32>
        %mul3A_384 = vector.broadcast %squeeze3A_383 : f32 to vector<16xf32>
        %mul3A_385 = arith.mulf %get3A_381, %mul3A_384 : vector<16xf32>
        %mul3A_386 = arith.constant 16 : i32
        %mul3A_387 = arith.muli %scan3A_352, %mul3A_386 : i32
        %add3A_388 = arith.constant 1 : i32
        %add3A_389 = arith.addi %mul3A_387, %add3A_388 : i32
        %swap3A_390 = arith.index_cast %add3A_389 : i32 to index
        %swap3A_391 = arith.constant 0 : index
        %swap3A_392 = tpu.vector_load %arg11[%swap3A_390, %swap3A_391] {strides = array<i32>} : memref<800x16xf32, #tpu.memory_space<vmem>>, vector<16xf32>,
        tpu.vector_store %arg11[%swap3A_390, %swap3A_391], %mul3A_385 {strides = array<i32>} : memref<800x16xf32, #tpu.memory_space<vmem>>, vector<16xf32>,
        %mul3A_393 = arith.constant 16 : i32
        %mul3A_394 = arith.muli %scan3A_352, %mul3A_393 : i32
        %add3A_395 = arith.constant 2 : i32
        %add3A_396 = arith.addi %mul3A_394, %add3A_395 : i32
        %get3A_397 = arith.index_cast %add3A_396 : i32 to index
        %get3A_398 = arith.constant 0 : index
        %get3A_399 = tpu.vector_load %arg11[%get3A_397, %get3A_398] {strides = array<i32>} : memref<800x16xf32, #tpu.memory_space<vmem>>, vector<16xf32>,
        %slice3A_400 = vector.extract_strided_slice %get3A_356 {offsets = [2], sizes = [1], strides = [1]} : vector<16xf32> to vector<1xf32>
        %squeeze3A_401 = vector.extract %slice3A_400[0] : f32 from vector<1xf32>
        %mul3A_402 = vector.broadcast %squeeze3A_401 : f32 to vector<16xf32>
        %mul3A_403 = arith.mulf %get3A_399, %mul3A_402 : vector<16xf32>
        %mul3A_404 = arith.constant 16 : i32
        %mul3A_405 = arith.muli %scan3A_352, %mul3A_404 : i32
        %add3A_406 = arith.constant 2 : i32
        %add3A_407 = arith.addi %mul3A_405, %add3A_406 : i32
        %swap3A_408 = arith.index_cast %add3A_407 : i32 to index
        %swap3A_409 = arith.constant 0 : index
        %swap3A_410 = tpu.vector_load %arg11[%swap3A_408, %swap3A_409] {strides = array<i32>} : memref<800x16xf32, #tpu.memory_space<vmem>>, vector<16xf32>,
        tpu.vector_store %arg11[%swap3A_408, %swap3A_409], %mul3A_403 {strides = array<i32>} : memref<800x16xf32, #tpu.memory_space<vmem>>, vector<16xf32>,
        %mul3A_411 = arith.constant 16 : i32
        %mul3A_412 = arith.muli %scan3A_352, %mul3A_411 : i32
        %add3A_413 = arith.constant 3 : i32
        %add3A_414 = arith.addi %mul3A_412, %add3A_413 : i32
        %get3A_415 = arith.index_cast %add3A_414 : i32 to index
        %get3A_416 = arith.constant 0 : index
        %get3A_417 = tpu.vector_load %arg11[%get3A_415, %get3A_416] {strides = array<i32>} : memref<800x16xf32, #tpu.memory_space<vmem>>, vector<16xf32>,
        %slice3A_418 = vector.extract_strided_slice %get3A_356 {offsets = [3], sizes = [1], strides = [1]} : vector<16xf32> to vector<1xf32>
        %squeeze3A_419 = vector.extract %slice3A_418[0] : f32 from vector<1xf32>
        %mul3A_420 = vector.broadcast %squeeze3A_419 : f32 to vector<16xf32>
        %mul3A_421 = arith.mulf %get3A_417, %mul3A_420 : vector<16xf32>
        %mul3A_422 = arith.constant 16 : i32
        %mul3A_423 = arith.muli %scan3A_352, %mul3A_422 : i32
        %add3A_424 = arith.constant 3 : i32
        %add3A_425 = arith.addi %mul3A_423, %add3A_424 : i32
        %swap3A_426 = arith.index_cast %add3A_425 : i32 to index
        %swap3A_427 = arith.constant 0 : index
        %swap3A_428 = tpu.vector_load %arg11[%swap3A_426, %swap3A_427] {strides = array<i32>} : memref<800x16xf32, #tpu.memory_space<vmem>>, vector<16xf32>,
        tpu.vector_store %arg11[%swap3A_426, %swap3A_427], %mul3A_421 {strides = array<i32>} : memref<800x16xf32, #tpu.memory_space<vmem>>, vector<16xf32>,
        %mul3A_429 = arith.constant 16 : i32
        %mul3A_430 = arith.muli %scan3A_352, %mul3A_429 : i32
        %add3A_431 = arith.constant 4 : i32
        %add3A_432 = arith.addi %mul3A_430, %add3A_431 : i32
        %get3A_433 = arith.index_cast %add3A_432 : i32 to index
        %get3A_434 = arith.constant 0 : index
        %get3A_435 = tpu.vector_load %arg11[%get3A_433, %get3A_434] {strides = array<i32>} : memref<800x16xf32, #tpu.memory_space<vmem>>, vector<16xf32>,
        %slice3A_436 = vector.extract_strided_slice %get3A_356 {offsets = [4], sizes = [1], strides = [1]} : vector<16xf32> to vector<1xf32>
        %squeeze3A_437 = vector.extract %slice3A_436[0] : f32 from vector<1xf32>
        %mul3A_438 = vector.broadcast %squeeze3A_437 : f32 to vector<16xf32>
        %mul3A_439 = arith.mulf %get3A_435, %mul3A_438 : vector<16xf32>
        %mul3A_440 = arith.constant 16 : i32
        %mul3A_441 = arith.muli %scan3A_352, %mul3A_440 : i32
        %add3A_442 = arith.constant 4 : i32
        %add3A_443 = arith.addi %mul3A_441, %add3A_442 : i32
        %swap3A_444 = arith.index_cast %add3A_443 : i32 to index
        %swap3A_445 = arith.constant 0 : index
        %swap3A_446 = tpu.vector_load %arg11[%swap3A_444, %swap3A_445] {strides = array<i32>} : memref<800x16xf32, #tpu.memory_space<vmem>>, vector<16xf32>,
        tpu.vector_store %arg11[%swap3A_444, %swap3A_445], %mul3A_439 {strides = array<i32>} : memref<800x16xf32, #tpu.memory_space<vmem>>, vector<16xf32>,
        %mul3A_447 = arith.constant 16 : i32
        %mul3A_448 = arith.muli %scan3A_352, %mul3A_447 : i32
        %add3A_449 = arith.constant 5 : i32
        %add3A_450 = arith.addi %mul3A_448, %add3A_449 : i32
        %get3A_451 = arith.index_cast %add3A_450 : i32 to index
        %get3A_452 = arith.constant 0 : index
        %get3A_453 = tpu.vector_load %arg11[%get3A_451, %get3A_452] {strides = array<i32>} : memref<800x16xf32, #tpu.memory_space<vmem>>, vector<16xf32>,
        %slice3A_454 = vector.extract_strided_slice %get3A_356 {offsets = [5], sizes = [1], strides = [1]} : vector<16xf32> to vector<1xf32>
        %squeeze3A_455 = vector.extract %slice3A_454[0] : f32 from vector<1xf32>
        %mul3A_456 = vector.broadcast %squeeze3A_455 : f32 to vector<16xf32>
        %mul3A_457 = arith.mulf %get3A_453, %mul3A_456 : vector<16xf32>
        %mul3A_458 = arith.constant 16 : i32
        %mul3A_459 = arith.muli %scan3A_352, %mul3A_458 : i32
        %add3A_460 = arith.constant 5 : i32
        %add3A_461 = arith.addi %mul3A_459, %add3A_460 : i32
        %swap3A_462 = arith.index_cast %add3A_461 : i32 to index
        %swap3A_463 = arith.constant 0 : index
        %swap3A_464 = tpu.vector_load %arg11[%swap3A_462, %swap3A_463] {strides = array<i32>} : memref<800x16xf32, #tpu.memory_space<vmem>>, vector<16xf32>,
        tpu.vector_store %arg11[%swap3A_462, %swap3A_463], %mul3A_457 {strides = array<i32>} : memref<800x16xf32, #tpu.memory_space<vmem>>, vector<16xf32>,
        %mul3A_465 = arith.constant 16 : i32
        %mul3A_466 = arith.muli %scan3A_352, %mul3A_465 : i32
        %add3A_467 = arith.constant 6 : i32
        %add3A_468 = arith.addi %mul3A_466, %add3A_467 : i32
        %get3A_469 = arith.index_cast %add3A_468 : i32 to index
        %get3A_470 = arith.constant 0 : index
        %get3A_471 = tpu.vector_load %arg11[%get3A_469, %get3A_470] {strides = array<i32>} : memref<800x16xf32, #tpu.memory_space<vmem>>, vector<16xf32>,
        %slice3A_472 = vector.extract_strided_slice %get3A_356 {offsets = [6], sizes = [1], strides = [1]} : vector<16xf32> to vector<1xf32>
        %squeeze3A_473 = vector.extract %slice3A_472[0] : f32 from vector<1xf32>
        %mul3A_474 = vector.broadcast %squeeze3A_473 : f32 to vector<16xf32>
        %mul3A_475 = arith.mulf %get3A_471, %mul3A_474 : vector<16xf32>
        %mul3A_476 = arith.constant 16 : i32
        %mul3A_477 = arith.muli %scan3A_352, %mul3A_476 : i32
        %add3A_478 = arith.constant 6 : i32
        %add3A_479 = arith.addi %mul3A_477, %add3A_478 : i32
        %swap3A_480 = arith.index_cast %add3A_479 : i32 to index
        %swap3A_481 = arith.constant 0 : index
        %swap3A_482 = tpu.vector_load %arg11[%swap3A_480, %swap3A_481] {strides = array<i32>} : memref<800x16xf32, #tpu.memory_space<vmem>>, vector<16xf32>,
        tpu.vector_store %arg11[%swap3A_480, %swap3A_481], %mul3A_475 {strides = array<i32>} : memref<800x16xf32, #tpu.memory_space<vmem>>, vector<16xf32>,
        %mul3A_483 = arith.constant 16 : i32
        %mul3A_484 = arith.muli %scan3A_352, %mul3A_483 : i32
        %add3A_485 = arith.constant 7 : i32
        %add3A_486 = arith.addi %mul3A_484, %add3A_485 : i32
        %get3A_487 = arith.index_cast %add3A_486 : i32 to index
        %get3A_488 = arith.constant 0 : index
        %get3A_489 = tpu.vector_load %arg11[%get3A_487, %get3A_488] {strides = array<i32>} : memref<800x16xf32, #tpu.memory_space<vmem>>, vector<16xf32>,
        %slice3A_490 = vector.extract_strided_slice %get3A_356 {offsets = [7], sizes = [1], strides = [1]} : vector<16xf32> to vector<1xf32>
        %squeeze3A_491 = vector.extract %slice3A_490[0] : f32 from vector<1xf32>
        %mul3A_492 = vector.broadcast %squeeze3A_491 : f32 to vector<16xf32>
        %mul3A_493 = arith.mulf %get3A_489, %mul3A_492 : vector<16xf32>
        %mul3A_494 = arith.constant 16 : i32
        %mul3A_495 = arith.muli %scan3A_352, %mul3A_494 : i32
        %add3A_496 = arith.constant 7 : i32
        %add3A_497 = arith.addi %mul3A_495, %add3A_496 : i32
        %swap3A_498 = arith.index_cast %add3A_497 : i32 to index
        %swap3A_499 = arith.constant 0 : index
        %swap3A_500 = tpu.vector_load %arg11[%swap3A_498, %swap3A_499] {strides = array<i32>} : memref<800x16xf32, #tpu.memory_space<vmem>>, vector<16xf32>,
        tpu.vector_store %arg11[%swap3A_498, %swap3A_499], %mul3A_493 {strides = array<i32>} : memref<800x16xf32, #tpu.memory_space<vmem>>, vector<16xf32>,
        %mul3A_501 = arith.constant 16 : i32
        %mul3A_502 = arith.muli %scan3A_352, %mul3A_501 : i32
        %add3A_503 = arith.constant 8 : i32
        %add3A_504 = arith.addi %mul3A_502, %add3A_503 : i32
        %get3A_505 = arith.index_cast %add3A_504 : i32 to index
        %get3A_506 = arith.constant 0 : index
        %get3A_507 = tpu.vector_load %arg11[%get3A_505, %get3A_506] {strides = array<i32>} : memref<800x16xf32, #tpu.memory_space<vmem>>, vector<16xf32>,
        %slice3A_508 = vector.extract_strided_slice %get3A_356 {offsets = [8], sizes = [1], strides = [1]} : vector<16xf32> to vector<1xf32>
        %squeeze3A_509 = vector.extract %slice3A_508[0] : f32 from vector<1xf32>
        %mul3A_510 = vector.broadcast %squeeze3A_509 : f32 to vector<16xf32>
        %mul3A_511 = arith.mulf %get3A_507, %mul3A_510 : vector<16xf32>
        %mul3A_512 = arith.constant 16 : i32
        %mul3A_513 = arith.muli %scan3A_352, %mul3A_512 : i32
        %add3A_514 = arith.constant 8 : i32
        %add3A_515 = arith.addi %mul3A_513, %add3A_514 : i32
        %swap3A_516 = arith.index_cast %add3A_515 : i32 to index
        %swap3A_517 = arith.constant 0 : index
        %swap3A_518 = tpu.vector_load %arg11[%swap3A_516, %swap3A_517] {strides = array<i32>} : memref<800x16xf32, #tpu.memory_space<vmem>>, vector<16xf32>,
        tpu.vector_store %arg11[%swap3A_516, %swap3A_517], %mul3A_511 {strides = array<i32>} : memref<800x16xf32, #tpu.memory_space<vmem>>, vector<16xf32>,
        %mul3A_519 = arith.constant 16 : i32
        %mul3A_520 = arith.muli %scan3A_352, %mul3A_519 : i32
        %add3A_521 = arith.constant 9 : i32
        %add3A_522 = arith.addi %mul3A_520, %add3A_521 : i32
        %get3A_523 = arith.index_cast %add3A_522 : i32 to index
        %get3A_524 = arith.constant 0 : index
        %get3A_525 = tpu.vector_load %arg11[%get3A_523, %get3A_524] {strides = array<i32>} : memref<800x16xf32, #tpu.memory_space<vmem>>, vector<16xf32>,
        %slice3A_526 = vector.extract_strided_slice %get3A_356 {offsets = [9], sizes = [1], strides = [1]} : vector<16xf32> to vector<1xf32>
        %squeeze3A_527 = vector.extract %slice3A_526[0] : f32 from vector<1xf32>
        %mul3A_528 = vector.broadcast %squeeze3A_527 : f32 to vector<16xf32>
        %mul3A_529 = arith.mulf %get3A_525, %mul3A_528 : vector<16xf32>
        %mul3A_530 = arith.constant 16 : i32
        %mul3A_531 = arith.muli %scan3A_352, %mul3A_530 : i32
        %add3A_532 = arith.constant 9 : i32
        %add3A_533 = arith.addi %mul3A_531, %add3A_532 : i32
        %swap3A_534 = arith.index_cast %add3A_533 : i32 to index
        %swap3A_535 = arith.constant 0 : index
        %swap3A_536 = tpu.vector_load %arg11[%swap3A_534, %swap3A_535] {strides = array<i32>} : memref<800x16xf32, #tpu.memory_space<vmem>>, vector<16xf32>,
        tpu.vector_store %arg11[%swap3A_534, %swap3A_535], %mul3A_529 {strides = array<i32>} : memref<800x16xf32, #tpu.memory_space<vmem>>, vector<16xf32>,
        %mul3A_537 = arith.constant 16 : i32
        %mul3A_538 = arith.muli %scan3A_352, %mul3A_537 : i32
        %add3A_539 = arith.constant 10 : i32
        %add3A_540 = arith.addi %mul3A_538, %add3A_539 : i32
        %get3A_541 = arith.index_cast %add3A_540 : i32 to index
        %get3A_542 = arith.constant 0 : index
        %get3A_543 = tpu.vector_load %arg11[%get3A_541, %get3A_542] {strides = array<i32>} : memref<800x16xf32, #tpu.memory_space<vmem>>, vector<16xf32>,
        %slice3A_544 = vector.extract_strided_slice %get3A_356 {offsets = [10], sizes = [1], strides = [1]} : vector<16xf32> to vector<1xf32>
        %squeeze3A_545 = vector.extract %slice3A_544[0] : f32 from vector<1xf32>
        %mul3A_546 = vector.broadcast %squeeze3A_545 : f32 to vector<16xf32>
        %mul3A_547 = arith.mulf %get3A_543, %mul3A_546 : vector<16xf32>
        %mul3A_548 = arith.constant 16 : i32
        %mul3A_549 = arith.muli %scan3A_352, %mul3A_548 : i32
        %add3A_550 = arith.constant 10 : i32
        %add3A_551 = arith.addi %mul3A_549, %add3A_550 : i32
        %swap3A_552 = arith.index_cast %add3A_551 : i32 to index
        %swap3A_553 = arith.constant 0 : index
        %swap3A_554 = tpu.vector_load %arg11[%swap3A_552, %swap3A_553] {strides = array<i32>} : memref<800x16xf32, #tpu.memory_space<vmem>>, vector<16xf32>,
        tpu.vector_store %arg11[%swap3A_552, %swap3A_553], %mul3A_547 {strides = array<i32>} : memref<800x16xf32, #tpu.memory_space<vmem>>, vector<16xf32>,
        %mul3A_555 = arith.constant 16 : i32
        %mul3A_556 = arith.muli %scan3A_352, %mul3A_555 : i32
        %add3A_557 = arith.constant 11 : i32
        %add3A_558 = arith.addi %mul3A_556, %add3A_557 : i32
        %get3A_559 = arith.index_cast %add3A_558 : i32 to index
        %get3A_560 = arith.constant 0 : index
        %get3A_561 = tpu.vector_load %arg11[%get3A_559, %get3A_560] {strides = array<i32>} : memref<800x16xf32, #tpu.memory_space<vmem>>, vector<16xf32>,
        %slice3A_562 = vector.extract_strided_slice %get3A_356 {offsets = [11], sizes = [1], strides = [1]} : vector<16xf32> to vector<1xf32>
        %squeeze3A_563 = vector.extract %slice3A_562[0] : f32 from vector<1xf32>
        %mul3A_564 = vector.broadcast %squeeze3A_563 : f32 to vector<16xf32>
        %mul3A_565 = arith.mulf %get3A_561, %mul3A_564 : vector<16xf32>
        %mul3A_566 = arith.constant 16 : i32
        %mul3A_567 = arith.muli %scan3A_352, %mul3A_566 : i32
        %add3A_568 = arith.constant 11 : i32
        %add3A_569 = arith.addi %mul3A_567, %add3A_568 : i32
        %swap3A_570 = arith.index_cast %add3A_569 : i32 to index
        %swap3A_571 = arith.constant 0 : index
        %swap3A_572 = tpu.vector_load %arg11[%swap3A_570, %swap3A_571] {strides = array<i32>} : memref<800x16xf32, #tpu.memory_space<vmem>>, vector<16xf32>,
        tpu.vector_store %arg11[%swap3A_570, %swap3A_571], %mul3A_565 {strides = array<i32>} : memref<800x16xf32, #tpu.memory_space<vmem>>, vector<16xf32>,
        %mul3A_573 = arith.constant 16 : i32
        %mul3A_574 = arith.muli %scan3A_352, %mul3A_573 : i32
        %add3A_575 = arith.constant 12 : i32
        %add3A_576 = arith.addi %mul3A_574, %add3A_575 : i32
        %get3A_577 = arith.index_cast %add3A_576 : i32 to index
        %get3A_578 = arith.constant 0 : index
        %get3A_579 = tpu.vector_load %arg11[%get3A_577, %get3A_578] {strides = array<i32>} : memref<800x16xf32, #tpu.memory_space<vmem>>, vector<16xf32>,
        %slice3A_580 = vector.extract_strided_slice %get3A_356 {offsets = [12], sizes = [1], strides = [1]} : vector<16xf32> to vector<1xf32>
        %squeeze3A_581 = vector.extract %slice3A_580[0] : f32 from vector<1xf32>
        %mul3A_582 = vector.broadcast %squeeze3A_581 : f32 to vector<16xf32>
        %mul3A_583 = arith.mulf %get3A_579, %mul3A_582 : vector<16xf32>
        %mul3A_584 = arith.constant 16 : i32
        %mul3A_585 = arith.muli %scan3A_352, %mul3A_584 : i32
        %add3A_586 = arith.constant 12 : i32
        %add3A_587 = arith.addi %mul3A_585, %add3A_586 : i32
        %swap3A_588 = arith.index_cast %add3A_587 : i32 to index
        %swap3A_589 = arith.constant 0 : index
        %swap3A_590 = tpu.vector_load %arg11[%swap3A_588, %swap3A_589] {strides = array<i32>} : memref<800x16xf32, #tpu.memory_space<vmem>>, vector<16xf32>,
        tpu.vector_store %arg11[%swap3A_588, %swap3A_589], %mul3A_583 {strides = array<i32>} : memref<800x16xf32, #tpu.memory_space<vmem>>, vector<16xf32>,
        %mul3A_591 = arith.constant 16 : i32
        %mul3A_592 = arith.muli %scan3A_352, %mul3A_591 : i32
        %add3A_593 = arith.constant 13 : i32
        %add3A_594 = arith.addi %mul3A_592, %add3A_593 : i32
        %get3A_595 = arith.index_cast %add3A_594 : i32 to index
        %get3A_596 = arith.constant 0 : index
        %get3A_597 = tpu.vector_load %arg11[%get3A_595, %get3A_596] {strides = array<i32>} : memref<800x16xf32, #tpu.memory_space<vmem>>, vector<16xf32>,
        %slice3A_598 = vector.extract_strided_slice %get3A_356 {offsets = [13], sizes = [1], strides = [1]} : vector<16xf32> to vector<1xf32>
        %squeeze3A_599 = vector.extract %slice3A_598[0] : f32 from vector<1xf32>
        %mul3A_600 = vector.broadcast %squeeze3A_599 : f32 to vector<16xf32>
        %mul3A_601 = arith.mulf %get3A_597, %mul3A_600 : vector<16xf32>
        %mul3A_602 = arith.constant 16 : i32
        %mul3A_603 = arith.muli %scan3A_352, %mul3A_602 : i32
        %add3A_604 = arith.constant 13 : i32
        %add3A_605 = arith.addi %mul3A_603, %add3A_604 : i32
        %swap3A_606 = arith.index_cast %add3A_605 : i32 to index
        %swap3A_607 = arith.constant 0 : index
        %swap3A_608 = tpu.vector_load %arg11[%swap3A_606, %swap3A_607] {strides = array<i32>} : memref<800x16xf32, #tpu.memory_space<vmem>>, vector<16xf32>,
        tpu.vector_store %arg11[%swap3A_606, %swap3A_607], %mul3A_601 {strides = array<i32>} : memref<800x16xf32, #tpu.memory_space<vmem>>, vector<16xf32>,
        %mul3A_609 = arith.constant 16 : i32
        %mul3A_610 = arith.muli %scan3A_352, %mul3A_609 : i32
        %add3A_611 = arith.constant 14 : i32
        %add3A_612 = arith.addi %mul3A_610, %add3A_611 : i32
        %get3A_613 = arith.index_cast %add3A_612 : i32 to index
        %get3A_614 = arith.constant 0 : index
        %get3A_615 = tpu.vector_load %arg11[%get3A_613, %get3A_614] {strides = array<i32>} : memref<800x16xf32, #tpu.memory_space<vmem>>, vector<16xf32>,
        %slice3A_616 = vector.extract_strided_slice %get3A_356 {offsets = [14], sizes = [1], strides = [1]} : vector<16xf32> to vector<1xf32>
        %squeeze3A_617 = vector.extract %slice3A_616[0] : f32 from vector<1xf32>
        %mul3A_618 = vector.broadcast %squeeze3A_617 : f32 to vector<16xf32>
        %mul3A_619 = arith.mulf %get3A_615, %mul3A_618 : vector<16xf32>
        %mul3A_620 = arith.constant 16 : i32
        %mul3A_621 = arith.muli %scan3A_352, %mul3A_620 : i32
        %add3A_622 = arith.constant 14 : i32
        %add3A_623 = arith.addi %mul3A_621, %add3A_622 : i32
        %swap3A_624 = arith.index_cast %add3A_623 : i32 to index
        %swap3A_625 = arith.constant 0 : index
        %swap3A_626 = tpu.vector_load %arg11[%swap3A_624, %swap3A_625] {strides = array<i32>} : memref<800x16xf32, #tpu.memory_space<vmem>>, vector<16xf32>,
        tpu.vector_store %arg11[%swap3A_624, %swap3A_625], %mul3A_619 {strides = array<i32>} : memref<800x16xf32, #tpu.memory_space<vmem>>, vector<16xf32>,
        %mul3A_627 = arith.constant 16 : i32
        %mul3A_628 = arith.muli %scan3A_352, %mul3A_627 : i32
        %add3A_629 = arith.constant 15 : i32
        %add3A_630 = arith.addi %mul3A_628, %add3A_629 : i32
        %get3A_631 = arith.index_cast %add3A_630 : i32 to index
        %get3A_632 = arith.constant 0 : index
        %get3A_633 = tpu.vector_load %arg11[%get3A_631, %get3A_632] {strides = array<i32>} : memref<800x16xf32, #tpu.memory_space<vmem>>, vector<16xf32>,
        %slice3A_634 = vector.extract_strided_slice %get3A_356 {offsets = [15], sizes = [1], strides = [1]} : vector<16xf32> to vector<1xf32>
        %squeeze3A_635 = vector.extract %slice3A_634[0] : f32 from vector<1xf32>
        %mul3A_636 = vector.broadcast %squeeze3A_635 : f32 to vector<16xf32>
        %mul3A_637 = arith.mulf %get3A_633, %mul3A_636 : vector<16xf32>
        %mul3A_638 = arith.constant 16 : i32
        %mul3A_639 = arith.muli %scan3A_352, %mul3A_638 : i32
        %add3A_640 = arith.constant 15 : i32
        %add3A_641 = arith.addi %mul3A_639, %add3A_640 : i32
        %swap3A_642 = arith.index_cast %add3A_641 : i32 to index
        %swap3A_643 = arith.constant 0 : index
        %swap3A_644 = tpu.vector_load %arg11[%swap3A_642, %swap3A_643] {strides = array<i32>} : memref<800x16xf32, #tpu.memory_space<vmem>>, vector<16xf32>,
        tpu.vector_store %arg11[%swap3A_642, %swap3A_643], %mul3A_637 {strides = array<i32>} : memref<800x16xf32, #tpu.memory_space<vmem>>, vector<16xf32>,
      }
      %scan3A_61 = arith.constant 50 : i32
      "tpu.region"() ({
        %run_scoped3A = tpu.sem_alloc : memref<!tpu.dma_semaphore, #tpu.memory_space<semaphore_mem>>
        %dma_start3A_62 = arith.constant 0 : i32
        %dma_start3A_63 = arith.constant 0 : i32
        %dma_start3A_64 = tpu.memref_slice %arg12[%dma_start3A_62, %dma_start3A_63] : memref<100096x16xf32, #tpu.memory_space<vmem_shared>> -> memref<100096x16xf32, #tpu.memory_space<vmem_shared>>
        tpu.enqueue_indirect_dma source(%arg11 : memref<800x16xf32, #tpu.memory_space<vmem>>) target(%dma_start3A_64 : memref<100096x16xf32, #tpu.memory_space<vmem_shared>>) offsets(%arg9 : memref<800xi32, #tpu.memory_space<vmem>>) semaphore(%run_scoped3A : memref<!tpu.dma_semaphore, #tpu.memory_space<semaphore_mem>>) {add = true}
        %dma_wait3A_65 = arith.constant 0 : i32
        %dma_wait3A_66 = arith.constant 0 : i32
        %dma_wait3A_67 = tpu.memref_slice %arg12[%dma_wait3A_65, %dma_wait3A_66] : memref<100096x16xf32, #tpu.memory_space<vmem_shared>> -> memref<100096x16xf32, #tpu.memory_space<vmem_shared>>
        tpu.wait_indirect_dma semaphore(%run_scoped3A : memref<!tpu.dma_semaphore, #tpu.memory_space<semaphore_mem>>) src(%arg11 : memref<800x16xf32, #tpu.memory_space<vmem>>) dst(%dma_wait3A_67 : memref<100096x16xf32, #tpu.memory_space<vmem_shared>>)
        tpu.yield
      }) : () -> ()
    }
    %scan3A_12 = arith.constant 125 : i32
    %barrier3A_13 = arith.constant 0 : index
    tpu.barrier barrier_id(%barrier3A_13)
    %mul3A_14 = arith.constant 6256 : i32
    %mul3A_15 = arith.muli %arg1, %mul3A_14 : i32
    %mul3A_16 = arith.constant 6256 : i32
    %mul3A_17 = arith.muli %arg1, %mul3A_16 : i32
    "tpu.region"() ({
      %run_scoped3A = tpu.sem_alloc : memref<!tpu.dma_semaphore, #tpu.memory_space<semaphore_mem>>
      %dma_start3A = arith.constant 0 : i32
      %dma_start3A_40 = tpu.memref_slice %arg7[%add3A_3, %mul3A_17, %dma_start3A] : memref<4x100096x16xf32, #tpu.memory_space<hbm>> -> memref<1x6256x16xf32, #tpu.memory_space<hbm>>
      %dma_start3A_41 = tpu.memref_squeeze %dma_start3A_40 : memref<1x6256x16xf32, #tpu.memory_space<hbm>> -> memref<6256x16xf32, #tpu.memory_space<hbm>>
      %dma_start3A_42 = arith.constant 0 : i32
      %dma_start3A_43 = tpu.memref_slice %arg12[%mul3A_15, %dma_start3A_42] : memref<100096x16xf32, #tpu.memory_space<vmem_shared>> -> memref<6256x16xf32, #tpu.memory_space<vmem_shared>>
      tpu.enqueue_dma source(%dma_start3A_43 : memref<6256x16xf32, #tpu.memory_space<vmem_shared>>) target(%dma_start3A_41 : memref<6256x16xf32, #tpu.memory_space<hbm>>) target_semaphore(%run_scoped3A : memref<!tpu.dma_semaphore, #tpu.memory_space<semaphore_mem>>)
      %dma_wait3A = arith.constant 0 : i32
      %dma_wait3A_44 = tpu.memref_slice %arg7[%add3A_3, %mul3A_17, %dma_wait3A] : memref<4x100096x16xf32, #tpu.memory_space<hbm>> -> memref<1x6256x16xf32, #tpu.memory_space<hbm>>
      %dma_wait3A_45 = tpu.memref_squeeze %dma_wait3A_44 : memref<1x6256x16xf32, #tpu.memory_space<hbm>> -> memref<6256x16xf32, #tpu.memory_space<hbm>>
      %dma_wait3A_46 = arith.constant 0 : i32
      %dma_wait3A_47 = tpu.memref_slice %arg12[%mul3A_15, %dma_wait3A_46] : memref<100096x16xf32, #tpu.memory_space<vmem_shared>> -> memref<6256x16xf32, #tpu.memory_space<vmem_shared>>
      tpu.wait_dma2 semaphore(%run_scoped3A : memref<!tpu.dma_semaphore, #tpu.memory_space<semaphore_mem>>) src(%dma_wait3A_47 : memref<6256x16xf32, #tpu.memory_space<vmem_shared>>) dst(%dma_wait3A_45 : memref<6256x16xf32, #tpu.memory_space<hbm>>)
      tpu.yield
    }) : () -> ()
    %barrier3A_18 = arith.constant 0 : index
    tpu.barrier barrier_id(%barrier3A_18)
    %mul3A_19 = arith.constant 2 : i32
    %mul3A_20 = arith.muli %mul3A_19, %arg0 : i32
    %add3A_21 = arith.constant 1 : i32
    %add3A_22 = arith.addi %mul3A_20, %add3A_21 : i32
    %mul3A_23 = arith.constant 6256 : i32
    %mul3A_24 = arith.muli %arg1, %mul3A_23 : i32
    %mul3A_25 = arith.constant 6256 : i32
    %mul3A_26 = arith.muli %arg1, %mul3A_25 : i32
    "tpu.region"() ({
      %run_scoped3A = tpu.sem_alloc : memref<!tpu.dma_semaphore, #tpu.memory_space<semaphore_mem>>
      %dma_start3A = arith.constant 0 : i32
      %dma_start3A_40 = tpu.memref_slice %arg12[%mul3A_26, %dma_start3A] : memref<100096x16xf32, #tpu.memory_space<vmem_shared>> -> memref<6256x16xf32, #tpu.memory_space<vmem_shared>>
      %dma_start3A_41 = arith.constant 0 : i32
      %dma_start3A_42 = tpu.memref_slice %arg6[%mul3A_24, %dma_start3A_41] : memref<100096x16xf32, #tpu.memory_space<hbm>> -> memref<6256x16xf32, #tpu.memory_space<hbm>>
      tpu.enqueue_dma source(%dma_start3A_42 : memref<6256x16xf32, #tpu.memory_space<hbm>>) target(%dma_start3A_40 : memref<6256x16xf32, #tpu.memory_space<vmem_shared>>) target_semaphore(%run_scoped3A : memref<!tpu.dma_semaphore, #tpu.memory_space<semaphore_mem>>)
      %dma_wait3A = arith.constant 0 : i32
      %dma_wait3A_43 = tpu.memref_slice %arg12[%mul3A_26, %dma_wait3A] : memref<100096x16xf32, #tpu.memory_space<vmem_shared>> -> memref<6256x16xf32, #tpu.memory_space<vmem_shared>>
      %dma_wait3A_44 = arith.constant 0 : i32
      %dma_wait3A_45 = tpu.memref_slice %arg6[%mul3A_24, %dma_wait3A_44] : memref<100096x16xf32, #tpu.memory_space<hbm>> -> memref<6256x16xf32, #tpu.memory_space<hbm>>
      tpu.wait_dma2 semaphore(%run_scoped3A : memref<!tpu.dma_semaphore, #tpu.memory_space<semaphore_mem>>) src(%dma_wait3A_45 : memref<6256x16xf32, #tpu.memory_space<hbm>>) dst(%dma_wait3A_43 : memref<6256x16xf32, #tpu.memory_space<vmem_shared>>)
      tpu.yield
    }) : () -> ()
    %barrier3A_27 = arith.constant 0 : index
    tpu.barrier barrier_id(%barrier3A_27)
    %scan3A_28 = arith.constant 0 : i32
    %scan3A_29 = arith.constant 0 : i32
    %scan3A_30 = arith.constant 125 : i32
    %scan3A_31 = arith.addi %scan3A_29, %scan3A_30 : i32
    %scan3A_32 = arith.constant 1 : i32
    scf.for %scan3A_40 = %scan3A_29 to %scan3A_31 step %scan3A_32  : i32 {
      %mul3A_41 = arith.constant 800 : i32
      %mul3A_42 = arith.muli %scan3A_40, %mul3A_41 : i32
      %add3A_43 = arith.addi %mul3A_0, %mul3A_42 : i32
      "tpu.region"() ({
        %run_scoped3A = tpu.sem_alloc : memref<!tpu.dma_semaphore, #tpu.memory_space<semaphore_mem>>
        %dma_start3A_62 = tpu.memref_slice %arg4[%add3A_43] : memref<1600000xi32, #tpu.memory_space<hbm>> -> memref<800xi32, #tpu.memory_space<hbm>>
        %dma_start3A_63 = tpu.memref_slice %arg4[%add3A_43] : memref<1600000xi32, #tpu.memory_space<hbm>> -> memref<800xi32, #tpu.memory_space<hbm>>
        tpu.enqueue_dma source(%dma_start3A_63 : memref<800xi32, #tpu.memory_space<hbm>>) target(%arg8 : memref<800xi32, #tpu.memory_space<vmem>>) target_semaphore(%run_scoped3A : memref<!tpu.dma_semaphore, #tpu.memory_space<semaphore_mem>>)
        %dma_wait3A_64 = tpu.memref_slice %arg4[%add3A_43] : memref<1600000xi32, #tpu.memory_space<hbm>> -> memref<800xi32, #tpu.memory_space<hbm>>
        %dma_wait3A_65 = tpu.memref_slice %arg4[%add3A_43] : memref<1600000xi32, #tpu.memory_space<hbm>> -> memref<800xi32, #tpu.memory_space<hbm>>
        tpu.wait_dma2 semaphore(%run_scoped3A : memref<!tpu.dma_semaphore, #tpu.memory_space<semaphore_mem>>) src(%dma_wait3A_65 : memref<800xi32, #tpu.memory_space<hbm>>) dst(%arg8 : memref<800xi32, #tpu.memory_space<vmem>>)
        tpu.yield
      }) : () -> ()
      "tpu.region"() ({
        %run_scoped3A = tpu.sem_alloc : memref<!tpu.dma_semaphore, #tpu.memory_space<semaphore_mem>>
        %dma_start3A_62 = tpu.memref_slice %arg5[%add3A_43] : memref<1600000xi32, #tpu.memory_space<hbm>> -> memref<800xi32, #tpu.memory_space<hbm>>
        %dma_start3A_63 = tpu.memref_slice %arg5[%add3A_43] : memref<1600000xi32, #tpu.memory_space<hbm>> -> memref<800xi32, #tpu.memory_space<hbm>>
        tpu.enqueue_dma source(%dma_start3A_63 : memref<800xi32, #tpu.memory_space<hbm>>) target(%arg9 : memref<800xi32, #tpu.memory_space<vmem>>) target_semaphore(%run_scoped3A : memref<!tpu.dma_semaphore, #tpu.memory_space<semaphore_mem>>)
        %dma_wait3A_64 = tpu.memref_slice %arg5[%add3A_43] : memref<1600000xi32, #tpu.memory_space<hbm>> -> memref<800xi32, #tpu.memory_space<hbm>>
        %dma_wait3A_65 = tpu.memref_slice %arg5[%add3A_43] : memref<1600000xi32, #tpu.memory_space<hbm>> -> memref<800xi32, #tpu.memory_space<hbm>>
        tpu.wait_dma2 semaphore(%run_scoped3A : memref<!tpu.dma_semaphore, #tpu.memory_space<semaphore_mem>>) src(%dma_wait3A_65 : memref<800xi32, #tpu.memory_space<hbm>>) dst(%arg9 : memref<800xi32, #tpu.memory_space<vmem>>)
        tpu.yield
      }) : () -> ()
      "tpu.region"() ({
        %run_scoped3A = tpu.sem_alloc : memref<!tpu.dma_semaphore, #tpu.memory_space<semaphore_mem>>
        %dma_start3A_62 = arith.constant 0 : i32
        %dma_start3A_63 = tpu.memref_slice %arg3[%arg0, %dma_start3A_62] : memref<2x1600000xf32, #tpu.memory_space<hbm>> -> memref<1x1600000xf32, #tpu.memory_space<hbm>>
        %dma_start3A_64 = tpu.memref_squeeze %dma_start3A_63 : memref<1x1600000xf32, #tpu.memory_space<hbm>> -> memref<1600000xf32, #tpu.memory_space<hbm>>
        %dma_start3A_65 = tpu.memref_slice %dma_start3A_64[%add3A_43] : memref<1600000xf32, #tpu.memory_space<hbm>> -> memref<800xf32, #tpu.memory_space<hbm>>
        %dma_start3A_66 = arith.constant 0 : i32
        %dma_start3A_67 = tpu.memref_slice %arg3[%arg0, %dma_start3A_66] : memref<2x1600000xf32, #tpu.memory_space<hbm>> -> memref<1x1600000xf32, #tpu.memory_space<hbm>>
        %dma_start3A_68 = tpu.memref_squeeze %dma_start3A_67 : memref<1x1600000xf32, #tpu.memory_space<hbm>> -> memref<1600000xf32, #tpu.memory_space<hbm>>
        %dma_start3A_69 = tpu.memref_slice %dma_start3A_68[%add3A_43] : memref<1600000xf32, #tpu.memory_space<hbm>> -> memref<800xf32, #tpu.memory_space<hbm>>
        tpu.enqueue_dma source(%dma_start3A_69 : memref<800xf32, #tpu.memory_space<hbm>>) target(%arg10 : memref<800xf32, #tpu.memory_space<vmem>>) target_semaphore(%run_scoped3A : memref<!tpu.dma_semaphore, #tpu.memory_space<semaphore_mem>>)
        %dma_wait3A_70 = arith.constant 0 : i32
        %dma_wait3A_71 = tpu.memref_slice %arg3[%arg0, %dma_wait3A_70] : memref<2x1600000xf32, #tpu.memory_space<hbm>> -> memref<1x1600000xf32, #tpu.memory_space<hbm>>
        %dma_wait3A_72 = tpu.memref_squeeze %dma_wait3A_71 : memref<1x1600000xf32, #tpu.memory_space<hbm>> -> memref<1600000xf32, #tpu.memory_space<hbm>>
        %dma_wait3A_73 = tpu.memref_slice %dma_wait3A_72[%add3A_43] : memref<1600000xf32, #tpu.memory_space<hbm>> -> memref<800xf32, #tpu.memory_space<hbm>>
        %dma_wait3A_74 = arith.constant 0 : i32
        %dma_wait3A_75 = tpu.memref_slice %arg3[%arg0, %dma_wait3A_74] : memref<2x1600000xf32, #tpu.memory_space<hbm>> -> memref<1x1600000xf32, #tpu.memory_space<hbm>>
        %dma_wait3A_76 = tpu.memref_squeeze %dma_wait3A_75 : memref<1x1600000xf32, #tpu.memory_space<hbm>> -> memref<1600000xf32, #tpu.memory_space<hbm>>
        %dma_wait3A_77 = tpu.memref_slice %dma_wait3A_76[%add3A_43] : memref<1600000xf32, #tpu.memory_space<hbm>> -> memref<800xf32, #tpu.memory_space<hbm>>
        tpu.wait_dma2 semaphore(%run_scoped3A : memref<!tpu.dma_semaphore, #tpu.memory_space<semaphore_mem>>) src(%dma_wait3A_77 : memref<800xf32, #tpu.memory_space<hbm>>) dst(%arg10 : memref<800xf32, #tpu.memory_space<vmem>>)
        tpu.yield
      }) : () -> ()
      %dma_start3A = arith.constant 0 : i32
      %dma_start3A_44 = arith.constant 0 : i32
      %dma_start3A_45 = tpu.memref_slice %arg2[%add3A_22, %dma_start3A, %dma_start3A_44] : memref<4x100352x16xf32, #tpu.memory_space<hbm>> -> memref<1x100352x16xf32, #tpu.memory_space<hbm>>
      %dma_start3A_46 = tpu.memref_squeeze %dma_start3A_45 : memref<1x100352x16xf32, #tpu.memory_space<hbm>> -> memref<100352x16xf32, #tpu.memory_space<hbm>>
      %dma_start3A_47 = arith.constant 0 : i32
      %dma_start3A_48 = arith.constant 0 : i32
      %dma_start3A_49 = tpu.memref_slice %dma_start3A_46[%dma_start3A_47, %dma_start3A_48] : memref<100352x16xf32, #tpu.memory_space<hbm>> -> memref<100352x16xf32, #tpu.memory_space<hbm>>
      tpu.enqueue_indirect_dma source(%dma_start3A_49 : memref<100352x16xf32, #tpu.memory_space<hbm>>) target(%arg11 : memref<800x16xf32, #tpu.memory_space<vmem>>) offsets(%arg8 : memref<800xi32, #tpu.memory_space<vmem>>) semaphore(%arg13 : memref<!tpu.dma_semaphore, #tpu.memory_space<semaphore_mem>>)
      %dma_wait3A = arith.constant 0 : i32
      %dma_wait3A_50 = arith.constant 0 : i32
      %dma_wait3A_51 = tpu.memref_slice %arg2[%add3A_22, %dma_wait3A, %dma_wait3A_50] : memref<4x100352x16xf32, #tpu.memory_space<hbm>> -> memref<1x100352x16xf32, #tpu.memory_space<hbm>>
      %dma_wait3A_52 = tpu.memref_squeeze %dma_wait3A_51 : memref<1x100352x16xf32, #tpu.memory_space<hbm>> -> memref<100352x16xf32, #tpu.memory_space<hbm>>
      %dma_wait3A_53 = arith.constant 0 : i32
      %dma_wait3A_54 = arith.constant 0 : i32
      %dma_wait3A_55 = tpu.memref_slice %dma_wait3A_52[%dma_wait3A_53, %dma_wait3A_54] : memref<100352x16xf32, #tpu.memory_space<hbm>> -> memref<100352x16xf32, #tpu.memory_space<hbm>>
      tpu.wait_indirect_dma semaphore(%arg13 : memref<!tpu.dma_semaphore, #tpu.memory_space<semaphore_mem>>) src(%dma_wait3A_55 : memref<100352x16xf32, #tpu.memory_space<hbm>>) dst(%arg11 : memref<800x16xf32, #tpu.memory_space<vmem>>)
      %scan3A_56 = arith.constant 0 : i32
      %scan3A_57 = arith.constant 0 : i32
      %scan3A_58 = arith.constant 50 : i32
      %scan3A_59 = arith.addi %scan3A_57, %scan3A_58 : i32
      %scan3A_60 = arith.constant 2 : i32
      scf.for %scan3A_62 = %scan3A_57 to %scan3A_59 step %scan3A_60  : i32 {
        %mul3A_63 = arith.constant 16 : i32
        %mul3A_64 = arith.muli %scan3A_62, %mul3A_63 : i32
        %get3A = arith.index_cast %mul3A_64 : i32 to index
        %get3A_65 = tpu.vector_load %arg10[%get3A] {strides = array<i32>} : memref<800xf32, #tpu.memory_space<vmem>>, vector<16xf32>,
        %mul3A_66 = arith.constant 16 : i32
        %mul3A_67 = arith.muli %scan3A_62, %mul3A_66 : i32
        %add3A_68 = arith.constant 0 : i32
        %add3A_69 = arith.addi %mul3A_67, %add3A_68 : i32
        %get3A_70 = arith.index_cast %add3A_69 : i32 to index
        %get3A_71 = arith.constant 0 : index
        %get3A_72 = tpu.vector_load %arg11[%get3A_70, %get3A_71] {strides = array<i32>} : memref<800x16xf32, #tpu.memory_space<vmem>>, vector<16xf32>,
        %slice3A = vector.extract_strided_slice %get3A_65 {offsets = [0], sizes = [1], strides = [1]} : vector<16xf32> to vector<1xf32>
        %squeeze3A = vector.extract %slice3A[0] : f32 from vector<1xf32>
        %mul3A_73 = vector.broadcast %squeeze3A : f32 to vector<16xf32>
        %mul3A_74 = arith.mulf %get3A_72, %mul3A_73 : vector<16xf32>
        %mul3A_75 = arith.constant 16 : i32
        %mul3A_76 = arith.muli %scan3A_62, %mul3A_75 : i32
        %add3A_77 = arith.constant 0 : i32
        %add3A_78 = arith.addi %mul3A_76, %add3A_77 : i32
        %swap3A = arith.index_cast %add3A_78 : i32 to index
        %swap3A_79 = arith.constant 0 : index
        %swap3A_80 = tpu.vector_load %arg11[%swap3A, %swap3A_79] {strides = array<i32>} : memref<800x16xf32, #tpu.memory_space<vmem>>, vector<16xf32>,
        tpu.vector_store %arg11[%swap3A, %swap3A_79], %mul3A_74 {strides = array<i32>} : memref<800x16xf32, #tpu.memory_space<vmem>>, vector<16xf32>,
        %mul3A_81 = arith.constant 16 : i32
        %mul3A_82 = arith.muli %scan3A_62, %mul3A_81 : i32
        %add3A_83 = arith.constant 1 : i32
        %add3A_84 = arith.addi %mul3A_82, %add3A_83 : i32
        %get3A_85 = arith.index_cast %add3A_84 : i32 to index
        %get3A_86 = arith.constant 0 : index
        %get3A_87 = tpu.vector_load %arg11[%get3A_85, %get3A_86] {strides = array<i32>} : memref<800x16xf32, #tpu.memory_space<vmem>>, vector<16xf32>,
        %slice3A_88 = vector.extract_strided_slice %get3A_65 {offsets = [1], sizes = [1], strides = [1]} : vector<16xf32> to vector<1xf32>
        %squeeze3A_89 = vector.extract %slice3A_88[0] : f32 from vector<1xf32>
        %mul3A_90 = vector.broadcast %squeeze3A_89 : f32 to vector<16xf32>
        %mul3A_91 = arith.mulf %get3A_87, %mul3A_90 : vector<16xf32>
        %mul3A_92 = arith.constant 16 : i32
        %mul3A_93 = arith.muli %scan3A_62, %mul3A_92 : i32
        %add3A_94 = arith.constant 1 : i32
        %add3A_95 = arith.addi %mul3A_93, %add3A_94 : i32
        %swap3A_96 = arith.index_cast %add3A_95 : i32 to index
        %swap3A_97 = arith.constant 0 : index
        %swap3A_98 = tpu.vector_load %arg11[%swap3A_96, %swap3A_97] {strides = array<i32>} : memref<800x16xf32, #tpu.memory_space<vmem>>, vector<16xf32>,
        tpu.vector_store %arg11[%swap3A_96, %swap3A_97], %mul3A_91 {strides = array<i32>} : memref<800x16xf32, #tpu.memory_space<vmem>>, vector<16xf32>,
        %mul3A_99 = arith.constant 16 : i32
        %mul3A_100 = arith.muli %scan3A_62, %mul3A_99 : i32
        %add3A_101 = arith.constant 2 : i32
        %add3A_102 = arith.addi %mul3A_100, %add3A_101 : i32
        %get3A_103 = arith.index_cast %add3A_102 : i32 to index
        %get3A_104 = arith.constant 0 : index
        %get3A_105 = tpu.vector_load %arg11[%get3A_103, %get3A_104] {strides = array<i32>} : memref<800x16xf32, #tpu.memory_space<vmem>>, vector<16xf32>,
        %slice3A_106 = vector.extract_strided_slice %get3A_65 {offsets = [2], sizes = [1], strides = [1]} : vector<16xf32> to vector<1xf32>
        %squeeze3A_107 = vector.extract %slice3A_106[0] : f32 from vector<1xf32>
        %mul3A_108 = vector.broadcast %squeeze3A_107 : f32 to vector<16xf32>
        %mul3A_109 = arith.mulf %get3A_105, %mul3A_108 : vector<16xf32>
        %mul3A_110 = arith.constant 16 : i32
        %mul3A_111 = arith.muli %scan3A_62, %mul3A_110 : i32
        %add3A_112 = arith.constant 2 : i32
        %add3A_113 = arith.addi %mul3A_111, %add3A_112 : i32
        %swap3A_114 = arith.index_cast %add3A_113 : i32 to index
        %swap3A_115 = arith.constant 0 : index
        %swap3A_116 = tpu.vector_load %arg11[%swap3A_114, %swap3A_115] {strides = array<i32>} : memref<800x16xf32, #tpu.memory_space<vmem>>, vector<16xf32>,
        tpu.vector_store %arg11[%swap3A_114, %swap3A_115], %mul3A_109 {strides = array<i32>} : memref<800x16xf32, #tpu.memory_space<vmem>>, vector<16xf32>,
        %mul3A_117 = arith.constant 16 : i32
        %mul3A_118 = arith.muli %scan3A_62, %mul3A_117 : i32
        %add3A_119 = arith.constant 3 : i32
        %add3A_120 = arith.addi %mul3A_118, %add3A_119 : i32
        %get3A_121 = arith.index_cast %add3A_120 : i32 to index
        %get3A_122 = arith.constant 0 : index
        %get3A_123 = tpu.vector_load %arg11[%get3A_121, %get3A_122] {strides = array<i32>} : memref<800x16xf32, #tpu.memory_space<vmem>>, vector<16xf32>,
        %slice3A_124 = vector.extract_strided_slice %get3A_65 {offsets = [3], sizes = [1], strides = [1]} : vector<16xf32> to vector<1xf32>
        %squeeze3A_125 = vector.extract %slice3A_124[0] : f32 from vector<1xf32>
        %mul3A_126 = vector.broadcast %squeeze3A_125 : f32 to vector<16xf32>
        %mul3A_127 = arith.mulf %get3A_123, %mul3A_126 : vector<16xf32>
        %mul3A_128 = arith.constant 16 : i32
        %mul3A_129 = arith.muli %scan3A_62, %mul3A_128 : i32
        %add3A_130 = arith.constant 3 : i32
        %add3A_131 = arith.addi %mul3A_129, %add3A_130 : i32
        %swap3A_132 = arith.index_cast %add3A_131 : i32 to index
        %swap3A_133 = arith.constant 0 : index
        %swap3A_134 = tpu.vector_load %arg11[%swap3A_132, %swap3A_133] {strides = array<i32>} : memref<800x16xf32, #tpu.memory_space<vmem>>, vector<16xf32>,
        tpu.vector_store %arg11[%swap3A_132, %swap3A_133], %mul3A_127 {strides = array<i32>} : memref<800x16xf32, #tpu.memory_space<vmem>>, vector<16xf32>,
        %mul3A_135 = arith.constant 16 : i32
        %mul3A_136 = arith.muli %scan3A_62, %mul3A_135 : i32
        %add3A_137 = arith.constant 4 : i32
        %add3A_138 = arith.addi %mul3A_136, %add3A_137 : i32
        %get3A_139 = arith.index_cast %add3A_138 : i32 to index
        %get3A_140 = arith.constant 0 : index
        %get3A_141 = tpu.vector_load %arg11[%get3A_139, %get3A_140] {strides = array<i32>} : memref<800x16xf32, #tpu.memory_space<vmem>>, vector<16xf32>,
        %slice3A_142 = vector.extract_strided_slice %get3A_65 {offsets = [4], sizes = [1], strides = [1]} : vector<16xf32> to vector<1xf32>
        %squeeze3A_143 = vector.extract %slice3A_142[0] : f32 from vector<1xf32>
        %mul3A_144 = vector.broadcast %squeeze3A_143 : f32 to vector<16xf32>
        %mul3A_145 = arith.mulf %get3A_141, %mul3A_144 : vector<16xf32>
        %mul3A_146 = arith.constant 16 : i32
        %mul3A_147 = arith.muli %scan3A_62, %mul3A_146 : i32
        %add3A_148 = arith.constant 4 : i32
        %add3A_149 = arith.addi %mul3A_147, %add3A_148 : i32
        %swap3A_150 = arith.index_cast %add3A_149 : i32 to index
        %swap3A_151 = arith.constant 0 : index
        %swap3A_152 = tpu.vector_load %arg11[%swap3A_150, %swap3A_151] {strides = array<i32>} : memref<800x16xf32, #tpu.memory_space<vmem>>, vector<16xf32>,
        tpu.vector_store %arg11[%swap3A_150, %swap3A_151], %mul3A_145 {strides = array<i32>} : memref<800x16xf32, #tpu.memory_space<vmem>>, vector<16xf32>,
        %mul3A_153 = arith.constant 16 : i32
        %mul3A_154 = arith.muli %scan3A_62, %mul3A_153 : i32
        %add3A_155 = arith.constant 5 : i32
        %add3A_156 = arith.addi %mul3A_154, %add3A_155 : i32
        %get3A_157 = arith.index_cast %add3A_156 : i32 to index
        %get3A_158 = arith.constant 0 : index
        %get3A_159 = tpu.vector_load %arg11[%get3A_157, %get3A_158] {strides = array<i32>} : memref<800x16xf32, #tpu.memory_space<vmem>>, vector<16xf32>,
        %slice3A_160 = vector.extract_strided_slice %get3A_65 {offsets = [5], sizes = [1], strides = [1]} : vector<16xf32> to vector<1xf32>
        %squeeze3A_161 = vector.extract %slice3A_160[0] : f32 from vector<1xf32>
        %mul3A_162 = vector.broadcast %squeeze3A_161 : f32 to vector<16xf32>
        %mul3A_163 = arith.mulf %get3A_159, %mul3A_162 : vector<16xf32>
        %mul3A_164 = arith.constant 16 : i32
        %mul3A_165 = arith.muli %scan3A_62, %mul3A_164 : i32
        %add3A_166 = arith.constant 5 : i32
        %add3A_167 = arith.addi %mul3A_165, %add3A_166 : i32
        %swap3A_168 = arith.index_cast %add3A_167 : i32 to index
        %swap3A_169 = arith.constant 0 : index
        %swap3A_170 = tpu.vector_load %arg11[%swap3A_168, %swap3A_169] {strides = array<i32>} : memref<800x16xf32, #tpu.memory_space<vmem>>, vector<16xf32>,
        tpu.vector_store %arg11[%swap3A_168, %swap3A_169], %mul3A_163 {strides = array<i32>} : memref<800x16xf32, #tpu.memory_space<vmem>>, vector<16xf32>,
        %mul3A_171 = arith.constant 16 : i32
        %mul3A_172 = arith.muli %scan3A_62, %mul3A_171 : i32
        %add3A_173 = arith.constant 6 : i32
        %add3A_174 = arith.addi %mul3A_172, %add3A_173 : i32
        %get3A_175 = arith.index_cast %add3A_174 : i32 to index
        %get3A_176 = arith.constant 0 : index
        %get3A_177 = tpu.vector_load %arg11[%get3A_175, %get3A_176] {strides = array<i32>} : memref<800x16xf32, #tpu.memory_space<vmem>>, vector<16xf32>,
        %slice3A_178 = vector.extract_strided_slice %get3A_65 {offsets = [6], sizes = [1], strides = [1]} : vector<16xf32> to vector<1xf32>
        %squeeze3A_179 = vector.extract %slice3A_178[0] : f32 from vector<1xf32>
        %mul3A_180 = vector.broadcast %squeeze3A_179 : f32 to vector<16xf32>
        %mul3A_181 = arith.mulf %get3A_177, %mul3A_180 : vector<16xf32>
        %mul3A_182 = arith.constant 16 : i32
        %mul3A_183 = arith.muli %scan3A_62, %mul3A_182 : i32
        %add3A_184 = arith.constant 6 : i32
        %add3A_185 = arith.addi %mul3A_183, %add3A_184 : i32
        %swap3A_186 = arith.index_cast %add3A_185 : i32 to index
        %swap3A_187 = arith.constant 0 : index
        %swap3A_188 = tpu.vector_load %arg11[%swap3A_186, %swap3A_187] {strides = array<i32>} : memref<800x16xf32, #tpu.memory_space<vmem>>, vector<16xf32>,
        tpu.vector_store %arg11[%swap3A_186, %swap3A_187], %mul3A_181 {strides = array<i32>} : memref<800x16xf32, #tpu.memory_space<vmem>>, vector<16xf32>,
        %mul3A_189 = arith.constant 16 : i32
        %mul3A_190 = arith.muli %scan3A_62, %mul3A_189 : i32
        %add3A_191 = arith.constant 7 : i32
        %add3A_192 = arith.addi %mul3A_190, %add3A_191 : i32
        %get3A_193 = arith.index_cast %add3A_192 : i32 to index
        %get3A_194 = arith.constant 0 : index
        %get3A_195 = tpu.vector_load %arg11[%get3A_193, %get3A_194] {strides = array<i32>} : memref<800x16xf32, #tpu.memory_space<vmem>>, vector<16xf32>,
        %slice3A_196 = vector.extract_strided_slice %get3A_65 {offsets = [7], sizes = [1], strides = [1]} : vector<16xf32> to vector<1xf32>
        %squeeze3A_197 = vector.extract %slice3A_196[0] : f32 from vector<1xf32>
        %mul3A_198 = vector.broadcast %squeeze3A_197 : f32 to vector<16xf32>
        %mul3A_199 = arith.mulf %get3A_195, %mul3A_198 : vector<16xf32>
        %mul3A_200 = arith.constant 16 : i32
        %mul3A_201 = arith.muli %scan3A_62, %mul3A_200 : i32
        %add3A_202 = arith.constant 7 : i32
        %add3A_203 = arith.addi %mul3A_201, %add3A_202 : i32
        %swap3A_204 = arith.index_cast %add3A_203 : i32 to index
        %swap3A_205 = arith.constant 0 : index
        %swap3A_206 = tpu.vector_load %arg11[%swap3A_204, %swap3A_205] {strides = array<i32>} : memref<800x16xf32, #tpu.memory_space<vmem>>, vector<16xf32>,
        tpu.vector_store %arg11[%swap3A_204, %swap3A_205], %mul3A_199 {strides = array<i32>} : memref<800x16xf32, #tpu.memory_space<vmem>>, vector<16xf32>,
        %mul3A_207 = arith.constant 16 : i32
        %mul3A_208 = arith.muli %scan3A_62, %mul3A_207 : i32
        %add3A_209 = arith.constant 8 : i32
        %add3A_210 = arith.addi %mul3A_208, %add3A_209 : i32
        %get3A_211 = arith.index_cast %add3A_210 : i32 to index
        %get3A_212 = arith.constant 0 : index
        %get3A_213 = tpu.vector_load %arg11[%get3A_211, %get3A_212] {strides = array<i32>} : memref<800x16xf32, #tpu.memory_space<vmem>>, vector<16xf32>,
        %slice3A_214 = vector.extract_strided_slice %get3A_65 {offsets = [8], sizes = [1], strides = [1]} : vector<16xf32> to vector<1xf32>
        %squeeze3A_215 = vector.extract %slice3A_214[0] : f32 from vector<1xf32>
        %mul3A_216 = vector.broadcast %squeeze3A_215 : f32 to vector<16xf32>
        %mul3A_217 = arith.mulf %get3A_213, %mul3A_216 : vector<16xf32>
        %mul3A_218 = arith.constant 16 : i32
        %mul3A_219 = arith.muli %scan3A_62, %mul3A_218 : i32
        %add3A_220 = arith.constant 8 : i32
        %add3A_221 = arith.addi %mul3A_219, %add3A_220 : i32
        %swap3A_222 = arith.index_cast %add3A_221 : i32 to index
        %swap3A_223 = arith.constant 0 : index
        %swap3A_224 = tpu.vector_load %arg11[%swap3A_222, %swap3A_223] {strides = array<i32>} : memref<800x16xf32, #tpu.memory_space<vmem>>, vector<16xf32>,
        tpu.vector_store %arg11[%swap3A_222, %swap3A_223], %mul3A_217 {strides = array<i32>} : memref<800x16xf32, #tpu.memory_space<vmem>>, vector<16xf32>,
        %mul3A_225 = arith.constant 16 : i32
        %mul3A_226 = arith.muli %scan3A_62, %mul3A_225 : i32
        %add3A_227 = arith.constant 9 : i32
        %add3A_228 = arith.addi %mul3A_226, %add3A_227 : i32
        %get3A_229 = arith.index_cast %add3A_228 : i32 to index
        %get3A_230 = arith.constant 0 : index
        %get3A_231 = tpu.vector_load %arg11[%get3A_229, %get3A_230] {strides = array<i32>} : memref<800x16xf32, #tpu.memory_space<vmem>>, vector<16xf32>,
        %slice3A_232 = vector.extract_strided_slice %get3A_65 {offsets = [9], sizes = [1], strides = [1]} : vector<16xf32> to vector<1xf32>
        %squeeze3A_233 = vector.extract %slice3A_232[0] : f32 from vector<1xf32>
        %mul3A_234 = vector.broadcast %squeeze3A_233 : f32 to vector<16xf32>
        %mul3A_235 = arith.mulf %get3A_231, %mul3A_234 : vector<16xf32>
        %mul3A_236 = arith.constant 16 : i32
        %mul3A_237 = arith.muli %scan3A_62, %mul3A_236 : i32
        %add3A_238 = arith.constant 9 : i32
        %add3A_239 = arith.addi %mul3A_237, %add3A_238 : i32
        %swap3A_240 = arith.index_cast %add3A_239 : i32 to index
        %swap3A_241 = arith.constant 0 : index
        %swap3A_242 = tpu.vector_load %arg11[%swap3A_240, %swap3A_241] {strides = array<i32>} : memref<800x16xf32, #tpu.memory_space<vmem>>, vector<16xf32>,
        tpu.vector_store %arg11[%swap3A_240, %swap3A_241], %mul3A_235 {strides = array<i32>} : memref<800x16xf32, #tpu.memory_space<vmem>>, vector<16xf32>,
        %mul3A_243 = arith.constant 16 : i32
        %mul3A_244 = arith.muli %scan3A_62, %mul3A_243 : i32
        %add3A_245 = arith.constant 10 : i32
        %add3A_246 = arith.addi %mul3A_244, %add3A_245 : i32
        %get3A_247 = arith.index_cast %add3A_246 : i32 to index
        %get3A_248 = arith.constant 0 : index
        %get3A_249 = tpu.vector_load %arg11[%get3A_247, %get3A_248] {strides = array<i32>} : memref<800x16xf32, #tpu.memory_space<vmem>>, vector<16xf32>,
        %slice3A_250 = vector.extract_strided_slice %get3A_65 {offsets = [10], sizes = [1], strides = [1]} : vector<16xf32> to vector<1xf32>
        %squeeze3A_251 = vector.extract %slice3A_250[0] : f32 from vector<1xf32>
        %mul3A_252 = vector.broadcast %squeeze3A_251 : f32 to vector<16xf32>
        %mul3A_253 = arith.mulf %get3A_249, %mul3A_252 : vector<16xf32>
        %mul3A_254 = arith.constant 16 : i32
        %mul3A_255 = arith.muli %scan3A_62, %mul3A_254 : i32
        %add3A_256 = arith.constant 10 : i32
        %add3A_257 = arith.addi %mul3A_255, %add3A_256 : i32
        %swap3A_258 = arith.index_cast %add3A_257 : i32 to index
        %swap3A_259 = arith.constant 0 : index
        %swap3A_260 = tpu.vector_load %arg11[%swap3A_258, %swap3A_259] {strides = array<i32>} : memref<800x16xf32, #tpu.memory_space<vmem>>, vector<16xf32>,
        tpu.vector_store %arg11[%swap3A_258, %swap3A_259], %mul3A_253 {strides = array<i32>} : memref<800x16xf32, #tpu.memory_space<vmem>>, vector<16xf32>,
        %mul3A_261 = arith.constant 16 : i32
        %mul3A_262 = arith.muli %scan3A_62, %mul3A_261 : i32
        %add3A_263 = arith.constant 11 : i32
        %add3A_264 = arith.addi %mul3A_262, %add3A_263 : i32
        %get3A_265 = arith.index_cast %add3A_264 : i32 to index
        %get3A_266 = arith.constant 0 : index
        %get3A_267 = tpu.vector_load %arg11[%get3A_265, %get3A_266] {strides = array<i32>} : memref<800x16xf32, #tpu.memory_space<vmem>>, vector<16xf32>,
        %slice3A_268 = vector.extract_strided_slice %get3A_65 {offsets = [11], sizes = [1], strides = [1]} : vector<16xf32> to vector<1xf32>
        %squeeze3A_269 = vector.extract %slice3A_268[0] : f32 from vector<1xf32>
        %mul3A_270 = vector.broadcast %squeeze3A_269 : f32 to vector<16xf32>
        %mul3A_271 = arith.mulf %get3A_267, %mul3A_270 : vector<16xf32>
        %mul3A_272 = arith.constant 16 : i32
        %mul3A_273 = arith.muli %scan3A_62, %mul3A_272 : i32
        %add3A_274 = arith.constant 11 : i32
        %add3A_275 = arith.addi %mul3A_273, %add3A_274 : i32
        %swap3A_276 = arith.index_cast %add3A_275 : i32 to index
        %swap3A_277 = arith.constant 0 : index
        %swap3A_278 = tpu.vector_load %arg11[%swap3A_276, %swap3A_277] {strides = array<i32>} : memref<800x16xf32, #tpu.memory_space<vmem>>, vector<16xf32>,
        tpu.vector_store %arg11[%swap3A_276, %swap3A_277], %mul3A_271 {strides = array<i32>} : memref<800x16xf32, #tpu.memory_space<vmem>>, vector<16xf32>,
        %mul3A_279 = arith.constant 16 : i32
        %mul3A_280 = arith.muli %scan3A_62, %mul3A_279 : i32
        %add3A_281 = arith.constant 12 : i32
        %add3A_282 = arith.addi %mul3A_280, %add3A_281 : i32
        %get3A_283 = arith.index_cast %add3A_282 : i32 to index
        %get3A_284 = arith.constant 0 : index
        %get3A_285 = tpu.vector_load %arg11[%get3A_283, %get3A_284] {strides = array<i32>} : memref<800x16xf32, #tpu.memory_space<vmem>>, vector<16xf32>,
        %slice3A_286 = vector.extract_strided_slice %get3A_65 {offsets = [12], sizes = [1], strides = [1]} : vector<16xf32> to vector<1xf32>
        %squeeze3A_287 = vector.extract %slice3A_286[0] : f32 from vector<1xf32>
        %mul3A_288 = vector.broadcast %squeeze3A_287 : f32 to vector<16xf32>
        %mul3A_289 = arith.mulf %get3A_285, %mul3A_288 : vector<16xf32>
        %mul3A_290 = arith.constant 16 : i32
        %mul3A_291 = arith.muli %scan3A_62, %mul3A_290 : i32
        %add3A_292 = arith.constant 12 : i32
        %add3A_293 = arith.addi %mul3A_291, %add3A_292 : i32
        %swap3A_294 = arith.index_cast %add3A_293 : i32 to index
        %swap3A_295 = arith.constant 0 : index
        %swap3A_296 = tpu.vector_load %arg11[%swap3A_294, %swap3A_295] {strides = array<i32>} : memref<800x16xf32, #tpu.memory_space<vmem>>, vector<16xf32>,
        tpu.vector_store %arg11[%swap3A_294, %swap3A_295], %mul3A_289 {strides = array<i32>} : memref<800x16xf32, #tpu.memory_space<vmem>>, vector<16xf32>,
        %mul3A_297 = arith.constant 16 : i32
        %mul3A_298 = arith.muli %scan3A_62, %mul3A_297 : i32
        %add3A_299 = arith.constant 13 : i32
        %add3A_300 = arith.addi %mul3A_298, %add3A_299 : i32
        %get3A_301 = arith.index_cast %add3A_300 : i32 to index
        %get3A_302 = arith.constant 0 : index
        %get3A_303 = tpu.vector_load %arg11[%get3A_301, %get3A_302] {strides = array<i32>} : memref<800x16xf32, #tpu.memory_space<vmem>>, vector<16xf32>,
        %slice3A_304 = vector.extract_strided_slice %get3A_65 {offsets = [13], sizes = [1], strides = [1]} : vector<16xf32> to vector<1xf32>
        %squeeze3A_305 = vector.extract %slice3A_304[0] : f32 from vector<1xf32>
        %mul3A_306 = vector.broadcast %squeeze3A_305 : f32 to vector<16xf32>
        %mul3A_307 = arith.mulf %get3A_303, %mul3A_306 : vector<16xf32>
        %mul3A_308 = arith.constant 16 : i32
        %mul3A_309 = arith.muli %scan3A_62, %mul3A_308 : i32
        %add3A_310 = arith.constant 13 : i32
        %add3A_311 = arith.addi %mul3A_309, %add3A_310 : i32
        %swap3A_312 = arith.index_cast %add3A_311 : i32 to index
        %swap3A_313 = arith.constant 0 : index
        %swap3A_314 = tpu.vector_load %arg11[%swap3A_312, %swap3A_313] {strides = array<i32>} : memref<800x16xf32, #tpu.memory_space<vmem>>, vector<16xf32>,
        tpu.vector_store %arg11[%swap3A_312, %swap3A_313], %mul3A_307 {strides = array<i32>} : memref<800x16xf32, #tpu.memory_space<vmem>>, vector<16xf32>,
        %mul3A_315 = arith.constant 16 : i32
        %mul3A_316 = arith.muli %scan3A_62, %mul3A_315 : i32
        %add3A_317 = arith.constant 14 : i32
        %add3A_318 = arith.addi %mul3A_316, %add3A_317 : i32
        %get3A_319 = arith.index_cast %add3A_318 : i32 to index
        %get3A_320 = arith.constant 0 : index
        %get3A_321 = tpu.vector_load %arg11[%get3A_319, %get3A_320] {strides = array<i32>} : memref<800x16xf32, #tpu.memory_space<vmem>>, vector<16xf32>,
        %slice3A_322 = vector.extract_strided_slice %get3A_65 {offsets = [14], sizes = [1], strides = [1]} : vector<16xf32> to vector<1xf32>
        %squeeze3A_323 = vector.extract %slice3A_322[0] : f32 from vector<1xf32>
        %mul3A_324 = vector.broadcast %squeeze3A_323 : f32 to vector<16xf32>
        %mul3A_325 = arith.mulf %get3A_321, %mul3A_324 : vector<16xf32>
        %mul3A_326 = arith.constant 16 : i32
        %mul3A_327 = arith.muli %scan3A_62, %mul3A_326 : i32
        %add3A_328 = arith.constant 14 : i32
        %add3A_329 = arith.addi %mul3A_327, %add3A_328 : i32
        %swap3A_330 = arith.index_cast %add3A_329 : i32 to index
        %swap3A_331 = arith.constant 0 : index
        %swap3A_332 = tpu.vector_load %arg11[%swap3A_330, %swap3A_331] {strides = array<i32>} : memref<800x16xf32, #tpu.memory_space<vmem>>, vector<16xf32>,
        tpu.vector_store %arg11[%swap3A_330, %swap3A_331], %mul3A_325 {strides = array<i32>} : memref<800x16xf32, #tpu.memory_space<vmem>>, vector<16xf32>,
        %mul3A_333 = arith.constant 16 : i32
        %mul3A_334 = arith.muli %scan3A_62, %mul3A_333 : i32
        %add3A_335 = arith.constant 15 : i32
        %add3A_336 = arith.addi %mul3A_334, %add3A_335 : i32
        %get3A_337 = arith.index_cast %add3A_336 : i32 to index
        %get3A_338 = arith.constant 0 : index
        %get3A_339 = tpu.vector_load %arg11[%get3A_337, %get3A_338] {strides = array<i32>} : memref<800x16xf32, #tpu.memory_space<vmem>>, vector<16xf32>,
        %slice3A_340 = vector.extract_strided_slice %get3A_65 {offsets = [15], sizes = [1], strides = [1]} : vector<16xf32> to vector<1xf32>
        %squeeze3A_341 = vector.extract %slice3A_340[0] : f32 from vector<1xf32>
        %mul3A_342 = vector.broadcast %squeeze3A_341 : f32 to vector<16xf32>
        %mul3A_343 = arith.mulf %get3A_339, %mul3A_342 : vector<16xf32>
        %mul3A_344 = arith.constant 16 : i32
        %mul3A_345 = arith.muli %scan3A_62, %mul3A_344 : i32
        %add3A_346 = arith.constant 15 : i32
        %add3A_347 = arith.addi %mul3A_345, %add3A_346 : i32
        %swap3A_348 = arith.index_cast %add3A_347 : i32 to index
        %swap3A_349 = arith.constant 0 : index
        %swap3A_350 = tpu.vector_load %arg11[%swap3A_348, %swap3A_349] {strides = array<i32>} : memref<800x16xf32, #tpu.memory_space<vmem>>, vector<16xf32>,
        tpu.vector_store %arg11[%swap3A_348, %swap3A_349], %mul3A_343 {strides = array<i32>} : memref<800x16xf32, #tpu.memory_space<vmem>>, vector<16xf32>,
        %scan3A_351 = arith.constant 1 : i32
        %scan3A_352 = arith.addi %scan3A_62, %scan3A_351 : i32
        %mul3A_353 = arith.constant 16 : i32
        %mul3A_354 = arith.muli %scan3A_352, %mul3A_353 : i32
        %get3A_355 = arith.index_cast %mul3A_354 : i32 to index
        %get3A_356 = tpu.vector_load %arg10[%get3A_355] {strides = array<i32>} : memref<800xf32, #tpu.memory_space<vmem>>, vector<16xf32>,
        %mul3A_357 = arith.constant 16 : i32
        %mul3A_358 = arith.muli %scan3A_352, %mul3A_357 : i32
        %add3A_359 = arith.constant 0 : i32
        %add3A_360 = arith.addi %mul3A_358, %add3A_359 : i32
        %get3A_361 = arith.index_cast %add3A_360 : i32 to index
        %get3A_362 = arith.constant 0 : index
        %get3A_363 = tpu.vector_load %arg11[%get3A_361, %get3A_362] {strides = array<i32>} : memref<800x16xf32, #tpu.memory_space<vmem>>, vector<16xf32>,
        %slice3A_364 = vector.extract_strided_slice %get3A_356 {offsets = [0], sizes = [1], strides = [1]} : vector<16xf32> to vector<1xf32>
        %squeeze3A_365 = vector.extract %slice3A_364[0] : f32 from vector<1xf32>
        %mul3A_366 = vector.broadcast %squeeze3A_365 : f32 to vector<16xf32>
        %mul3A_367 = arith.mulf %get3A_363, %mul3A_366 : vector<16xf32>
        %mul3A_368 = arith.constant 16 : i32
        %mul3A_369 = arith.muli %scan3A_352, %mul3A_368 : i32
        %add3A_370 = arith.constant 0 : i32
        %add3A_371 = arith.addi %mul3A_369, %add3A_370 : i32
        %swap3A_372 = arith.index_cast %add3A_371 : i32 to index
        %swap3A_373 = arith.constant 0 : index
        %swap3A_374 = tpu.vector_load %arg11[%swap3A_372, %swap3A_373] {strides = array<i32>} : memref<800x16xf32, #tpu.memory_space<vmem>>, vector<16xf32>,
        tpu.vector_store %arg11[%swap3A_372, %swap3A_373], %mul3A_367 {strides = array<i32>} : memref<800x16xf32, #tpu.memory_space<vmem>>, vector<16xf32>,
        %mul3A_375 = arith.constant 16 : i32
        %mul3A_376 = arith.muli %scan3A_352, %mul3A_375 : i32
        %add3A_377 = arith.constant 1 : i32
        %add3A_378 = arith.addi %mul3A_376, %add3A_377 : i32
        %get3A_379 = arith.index_cast %add3A_378 : i32 to index
        %get3A_380 = arith.constant 0 : index
        %get3A_381 = tpu.vector_load %arg11[%get3A_379, %get3A_380] {strides = array<i32>} : memref<800x16xf32, #tpu.memory_space<vmem>>, vector<16xf32>,
        %slice3A_382 = vector.extract_strided_slice %get3A_356 {offsets = [1], sizes = [1], strides = [1]} : vector<16xf32> to vector<1xf32>
        %squeeze3A_383 = vector.extract %slice3A_382[0] : f32 from vector<1xf32>
        %mul3A_384 = vector.broadcast %squeeze3A_383 : f32 to vector<16xf32>
        %mul3A_385 = arith.mulf %get3A_381, %mul3A_384 : vector<16xf32>
        %mul3A_386 = arith.constant 16 : i32
        %mul3A_387 = arith.muli %scan3A_352, %mul3A_386 : i32
        %add3A_388 = arith.constant 1 : i32
        %add3A_389 = arith.addi %mul3A_387, %add3A_388 : i32
        %swap3A_390 = arith.index_cast %add3A_389 : i32 to index
        %swap3A_391 = arith.constant 0 : index
        %swap3A_392 = tpu.vector_load %arg11[%swap3A_390, %swap3A_391] {strides = array<i32>} : memref<800x16xf32, #tpu.memory_space<vmem>>, vector<16xf32>,
        tpu.vector_store %arg11[%swap3A_390, %swap3A_391], %mul3A_385 {strides = array<i32>} : memref<800x16xf32, #tpu.memory_space<vmem>>, vector<16xf32>,
        %mul3A_393 = arith.constant 16 : i32
        %mul3A_394 = arith.muli %scan3A_352, %mul3A_393 : i32
        %add3A_395 = arith.constant 2 : i32
        %add3A_396 = arith.addi %mul3A_394, %add3A_395 : i32
        %get3A_397 = arith.index_cast %add3A_396 : i32 to index
        %get3A_398 = arith.constant 0 : index
        %get3A_399 = tpu.vector_load %arg11[%get3A_397, %get3A_398] {strides = array<i32>} : memref<800x16xf32, #tpu.memory_space<vmem>>, vector<16xf32>,
        %slice3A_400 = vector.extract_strided_slice %get3A_356 {offsets = [2], sizes = [1], strides = [1]} : vector<16xf32> to vector<1xf32>
        %squeeze3A_401 = vector.extract %slice3A_400[0] : f32 from vector<1xf32>
        %mul3A_402 = vector.broadcast %squeeze3A_401 : f32 to vector<16xf32>
        %mul3A_403 = arith.mulf %get3A_399, %mul3A_402 : vector<16xf32>
        %mul3A_404 = arith.constant 16 : i32
        %mul3A_405 = arith.muli %scan3A_352, %mul3A_404 : i32
        %add3A_406 = arith.constant 2 : i32
        %add3A_407 = arith.addi %mul3A_405, %add3A_406 : i32
        %swap3A_408 = arith.index_cast %add3A_407 : i32 to index
        %swap3A_409 = arith.constant 0 : index
        %swap3A_410 = tpu.vector_load %arg11[%swap3A_408, %swap3A_409] {strides = array<i32>} : memref<800x16xf32, #tpu.memory_space<vmem>>, vector<16xf32>,
        tpu.vector_store %arg11[%swap3A_408, %swap3A_409], %mul3A_403 {strides = array<i32>} : memref<800x16xf32, #tpu.memory_space<vmem>>, vector<16xf32>,
        %mul3A_411 = arith.constant 16 : i32
        %mul3A_412 = arith.muli %scan3A_352, %mul3A_411 : i32
        %add3A_413 = arith.constant 3 : i32
        %add3A_414 = arith.addi %mul3A_412, %add3A_413 : i32
        %get3A_415 = arith.index_cast %add3A_414 : i32 to index
        %get3A_416 = arith.constant 0 : index
        %get3A_417 = tpu.vector_load %arg11[%get3A_415, %get3A_416] {strides = array<i32>} : memref<800x16xf32, #tpu.memory_space<vmem>>, vector<16xf32>,
        %slice3A_418 = vector.extract_strided_slice %get3A_356 {offsets = [3], sizes = [1], strides = [1]} : vector<16xf32> to vector<1xf32>
        %squeeze3A_419 = vector.extract %slice3A_418[0] : f32 from vector<1xf32>
        %mul3A_420 = vector.broadcast %squeeze3A_419 : f32 to vector<16xf32>
        %mul3A_421 = arith.mulf %get3A_417, %mul3A_420 : vector<16xf32>
        %mul3A_422 = arith.constant 16 : i32
        %mul3A_423 = arith.muli %scan3A_352, %mul3A_422 : i32
        %add3A_424 = arith.constant 3 : i32
        %add3A_425 = arith.addi %mul3A_423, %add3A_424 : i32
        %swap3A_426 = arith.index_cast %add3A_425 : i32 to index
        %swap3A_427 = arith.constant 0 : index
        %swap3A_428 = tpu.vector_load %arg11[%swap3A_426, %swap3A_427] {strides = array<i32>} : memref<800x16xf32, #tpu.memory_space<vmem>>, vector<16xf32>,
        tpu.vector_store %arg11[%swap3A_426, %swap3A_427], %mul3A_421 {strides = array<i32>} : memref<800x16xf32, #tpu.memory_space<vmem>>, vector<16xf32>,
        %mul3A_429 = arith.constant 16 : i32
        %mul3A_430 = arith.muli %scan3A_352, %mul3A_429 : i32
        %add3A_431 = arith.constant 4 : i32
        %add3A_432 = arith.addi %mul3A_430, %add3A_431 : i32
        %get3A_433 = arith.index_cast %add3A_432 : i32 to index
        %get3A_434 = arith.constant 0 : index
        %get3A_435 = tpu.vector_load %arg11[%get3A_433, %get3A_434] {strides = array<i32>} : memref<800x16xf32, #tpu.memory_space<vmem>>, vector<16xf32>,
        %slice3A_436 = vector.extract_strided_slice %get3A_356 {offsets = [4], sizes = [1], strides = [1]} : vector<16xf32> to vector<1xf32>
        %squeeze3A_437 = vector.extract %slice3A_436[0] : f32 from vector<1xf32>
        %mul3A_438 = vector.broadcast %squeeze3A_437 : f32 to vector<16xf32>
        %mul3A_439 = arith.mulf %get3A_435, %mul3A_438 : vector<16xf32>
        %mul3A_440 = arith.constant 16 : i32
        %mul3A_441 = arith.muli %scan3A_352, %mul3A_440 : i32
        %add3A_442 = arith.constant 4 : i32
        %add3A_443 = arith.addi %mul3A_441, %add3A_442 : i32
        %swap3A_444 = arith.index_cast %add3A_443 : i32 to index
        %swap3A_445 = arith.constant 0 : index
        %swap3A_446 = tpu.vector_load %arg11[%swap3A_444, %swap3A_445] {strides = array<i32>} : memref<800x16xf32, #tpu.memory_space<vmem>>, vector<16xf32>,
        tpu.vector_store %arg11[%swap3A_444, %swap3A_445], %mul3A_439 {strides = array<i32>} : memref<800x16xf32, #tpu.memory_space<vmem>>, vector<16xf32>,
        %mul3A_447 = arith.constant 16 : i32
        %mul3A_448 = arith.muli %scan3A_352, %mul3A_447 : i32
        %add3A_449 = arith.constant 5 : i32
        %add3A_450 = arith.addi %mul3A_448, %add3A_449 : i32
        %get3A_451 = arith.index_cast %add3A_450 : i32 to index
        %get3A_452 = arith.constant 0 : index
        %get3A_453 = tpu.vector_load %arg11[%get3A_451, %get3A_452] {strides = array<i32>} : memref<800x16xf32, #tpu.memory_space<vmem>>, vector<16xf32>,
        %slice3A_454 = vector.extract_strided_slice %get3A_356 {offsets = [5], sizes = [1], strides = [1]} : vector<16xf32> to vector<1xf32>
        %squeeze3A_455 = vector.extract %slice3A_454[0] : f32 from vector<1xf32>
        %mul3A_456 = vector.broadcast %squeeze3A_455 : f32 to vector<16xf32>
        %mul3A_457 = arith.mulf %get3A_453, %mul3A_456 : vector<16xf32>
        %mul3A_458 = arith.constant 16 : i32
        %mul3A_459 = arith.muli %scan3A_352, %mul3A_458 : i32
        %add3A_460 = arith.constant 5 : i32
        %add3A_461 = arith.addi %mul3A_459, %add3A_460 : i32
        %swap3A_462 = arith.index_cast %add3A_461 : i32 to index
        %swap3A_463 = arith.constant 0 : index
        %swap3A_464 = tpu.vector_load %arg11[%swap3A_462, %swap3A_463] {strides = array<i32>} : memref<800x16xf32, #tpu.memory_space<vmem>>, vector<16xf32>,
        tpu.vector_store %arg11[%swap3A_462, %swap3A_463], %mul3A_457 {strides = array<i32>} : memref<800x16xf32, #tpu.memory_space<vmem>>, vector<16xf32>,
        %mul3A_465 = arith.constant 16 : i32
        %mul3A_466 = arith.muli %scan3A_352, %mul3A_465 : i32
        %add3A_467 = arith.constant 6 : i32
        %add3A_468 = arith.addi %mul3A_466, %add3A_467 : i32
        %get3A_469 = arith.index_cast %add3A_468 : i32 to index
        %get3A_470 = arith.constant 0 : index
        %get3A_471 = tpu.vector_load %arg11[%get3A_469, %get3A_470] {strides = array<i32>} : memref<800x16xf32, #tpu.memory_space<vmem>>, vector<16xf32>,
        %slice3A_472 = vector.extract_strided_slice %get3A_356 {offsets = [6], sizes = [1], strides = [1]} : vector<16xf32> to vector<1xf32>
        %squeeze3A_473 = vector.extract %slice3A_472[0] : f32 from vector<1xf32>
        %mul3A_474 = vector.broadcast %squeeze3A_473 : f32 to vector<16xf32>
        %mul3A_475 = arith.mulf %get3A_471, %mul3A_474 : vector<16xf32>
        %mul3A_476 = arith.constant 16 : i32
        %mul3A_477 = arith.muli %scan3A_352, %mul3A_476 : i32
        %add3A_478 = arith.constant 6 : i32
        %add3A_479 = arith.addi %mul3A_477, %add3A_478 : i32
        %swap3A_480 = arith.index_cast %add3A_479 : i32 to index
        %swap3A_481 = arith.constant 0 : index
        %swap3A_482 = tpu.vector_load %arg11[%swap3A_480, %swap3A_481] {strides = array<i32>} : memref<800x16xf32, #tpu.memory_space<vmem>>, vector<16xf32>,
        tpu.vector_store %arg11[%swap3A_480, %swap3A_481], %mul3A_475 {strides = array<i32>} : memref<800x16xf32, #tpu.memory_space<vmem>>, vector<16xf32>,
        %mul3A_483 = arith.constant 16 : i32
        %mul3A_484 = arith.muli %scan3A_352, %mul3A_483 : i32
        %add3A_485 = arith.constant 7 : i32
        %add3A_486 = arith.addi %mul3A_484, %add3A_485 : i32
        %get3A_487 = arith.index_cast %add3A_486 : i32 to index
        %get3A_488 = arith.constant 0 : index
        %get3A_489 = tpu.vector_load %arg11[%get3A_487, %get3A_488] {strides = array<i32>} : memref<800x16xf32, #tpu.memory_space<vmem>>, vector<16xf32>,
        %slice3A_490 = vector.extract_strided_slice %get3A_356 {offsets = [7], sizes = [1], strides = [1]} : vector<16xf32> to vector<1xf32>
        %squeeze3A_491 = vector.extract %slice3A_490[0] : f32 from vector<1xf32>
        %mul3A_492 = vector.broadcast %squeeze3A_491 : f32 to vector<16xf32>
        %mul3A_493 = arith.mulf %get3A_489, %mul3A_492 : vector<16xf32>
        %mul3A_494 = arith.constant 16 : i32
        %mul3A_495 = arith.muli %scan3A_352, %mul3A_494 : i32
        %add3A_496 = arith.constant 7 : i32
        %add3A_497 = arith.addi %mul3A_495, %add3A_496 : i32
        %swap3A_498 = arith.index_cast %add3A_497 : i32 to index
        %swap3A_499 = arith.constant 0 : index
        %swap3A_500 = tpu.vector_load %arg11[%swap3A_498, %swap3A_499] {strides = array<i32>} : memref<800x16xf32, #tpu.memory_space<vmem>>, vector<16xf32>,
        tpu.vector_store %arg11[%swap3A_498, %swap3A_499], %mul3A_493 {strides = array<i32>} : memref<800x16xf32, #tpu.memory_space<vmem>>, vector<16xf32>,
        %mul3A_501 = arith.constant 16 : i32
        %mul3A_502 = arith.muli %scan3A_352, %mul3A_501 : i32
        %add3A_503 = arith.constant 8 : i32
        %add3A_504 = arith.addi %mul3A_502, %add3A_503 : i32
        %get3A_505 = arith.index_cast %add3A_504 : i32 to index
        %get3A_506 = arith.constant 0 : index
        %get3A_507 = tpu.vector_load %arg11[%get3A_505, %get3A_506] {strides = array<i32>} : memref<800x16xf32, #tpu.memory_space<vmem>>, vector<16xf32>,
        %slice3A_508 = vector.extract_strided_slice %get3A_356 {offsets = [8], sizes = [1], strides = [1]} : vector<16xf32> to vector<1xf32>
        %squeeze3A_509 = vector.extract %slice3A_508[0] : f32 from vector<1xf32>
        %mul3A_510 = vector.broadcast %squeeze3A_509 : f32 to vector<16xf32>
        %mul3A_511 = arith.mulf %get3A_507, %mul3A_510 : vector<16xf32>
        %mul3A_512 = arith.constant 16 : i32
        %mul3A_513 = arith.muli %scan3A_352, %mul3A_512 : i32
        %add3A_514 = arith.constant 8 : i32
        %add3A_515 = arith.addi %mul3A_513, %add3A_514 : i32
        %swap3A_516 = arith.index_cast %add3A_515 : i32 to index
        %swap3A_517 = arith.constant 0 : index
        %swap3A_518 = tpu.vector_load %arg11[%swap3A_516, %swap3A_517] {strides = array<i32>} : memref<800x16xf32, #tpu.memory_space<vmem>>, vector<16xf32>,
        tpu.vector_store %arg11[%swap3A_516, %swap3A_517], %mul3A_511 {strides = array<i32>} : memref<800x16xf32, #tpu.memory_space<vmem>>, vector<16xf32>,
        %mul3A_519 = arith.constant 16 : i32
        %mul3A_520 = arith.muli %scan3A_352, %mul3A_519 : i32
        %add3A_521 = arith.constant 9 : i32
        %add3A_522 = arith.addi %mul3A_520, %add3A_521 : i32
        %get3A_523 = arith.index_cast %add3A_522 : i32 to index
        %get3A_524 = arith.constant 0 : index
        %get3A_525 = tpu.vector_load %arg11[%get3A_523, %get3A_524] {strides = array<i32>} : memref<800x16xf32, #tpu.memory_space<vmem>>, vector<16xf32>,
        %slice3A_526 = vector.extract_strided_slice %get3A_356 {offsets = [9], sizes = [1], strides = [1]} : vector<16xf32> to vector<1xf32>
        %squeeze3A_527 = vector.extract %slice3A_526[0] : f32 from vector<1xf32>
        %mul3A_528 = vector.broadcast %squeeze3A_527 : f32 to vector<16xf32>
        %mul3A_529 = arith.mulf %get3A_525, %mul3A_528 : vector<16xf32>
        %mul3A_530 = arith.constant 16 : i32
        %mul3A_531 = arith.muli %scan3A_352, %mul3A_530 : i32
        %add3A_532 = arith.constant 9 : i32
        %add3A_533 = arith.addi %mul3A_531, %add3A_532 : i32
        %swap3A_534 = arith.index_cast %add3A_533 : i32 to index
        %swap3A_535 = arith.constant 0 : index
        %swap3A_536 = tpu.vector_load %arg11[%swap3A_534, %swap3A_535] {strides = array<i32>} : memref<800x16xf32, #tpu.memory_space<vmem>>, vector<16xf32>,
        tpu.vector_store %arg11[%swap3A_534, %swap3A_535], %mul3A_529 {strides = array<i32>} : memref<800x16xf32, #tpu.memory_space<vmem>>, vector<16xf32>,
        %mul3A_537 = arith.constant 16 : i32
        %mul3A_538 = arith.muli %scan3A_352, %mul3A_537 : i32
        %add3A_539 = arith.constant 10 : i32
        %add3A_540 = arith.addi %mul3A_538, %add3A_539 : i32
        %get3A_541 = arith.index_cast %add3A_540 : i32 to index
        %get3A_542 = arith.constant 0 : index
        %get3A_543 = tpu.vector_load %arg11[%get3A_541, %get3A_542] {strides = array<i32>} : memref<800x16xf32, #tpu.memory_space<vmem>>, vector<16xf32>,
        %slice3A_544 = vector.extract_strided_slice %get3A_356 {offsets = [10], sizes = [1], strides = [1]} : vector<16xf32> to vector<1xf32>
        %squeeze3A_545 = vector.extract %slice3A_544[0] : f32 from vector<1xf32>
        %mul3A_546 = vector.broadcast %squeeze3A_545 : f32 to vector<16xf32>
        %mul3A_547 = arith.mulf %get3A_543, %mul3A_546 : vector<16xf32>
        %mul3A_548 = arith.constant 16 : i32
        %mul3A_549 = arith.muli %scan3A_352, %mul3A_548 : i32
        %add3A_550 = arith.constant 10 : i32
        %add3A_551 = arith.addi %mul3A_549, %add3A_550 : i32
        %swap3A_552 = arith.index_cast %add3A_551 : i32 to index
        %swap3A_553 = arith.constant 0 : index
        %swap3A_554 = tpu.vector_load %arg11[%swap3A_552, %swap3A_553] {strides = array<i32>} : memref<800x16xf32, #tpu.memory_space<vmem>>, vector<16xf32>,
        tpu.vector_store %arg11[%swap3A_552, %swap3A_553], %mul3A_547 {strides = array<i32>} : memref<800x16xf32, #tpu.memory_space<vmem>>, vector<16xf32>,
        %mul3A_555 = arith.constant 16 : i32
        %mul3A_556 = arith.muli %scan3A_352, %mul3A_555 : i32
        %add3A_557 = arith.constant 11 : i32
        %add3A_558 = arith.addi %mul3A_556, %add3A_557 : i32
        %get3A_559 = arith.index_cast %add3A_558 : i32 to index
        %get3A_560 = arith.constant 0 : index
        %get3A_561 = tpu.vector_load %arg11[%get3A_559, %get3A_560] {strides = array<i32>} : memref<800x16xf32, #tpu.memory_space<vmem>>, vector<16xf32>,
        %slice3A_562 = vector.extract_strided_slice %get3A_356 {offsets = [11], sizes = [1], strides = [1]} : vector<16xf32> to vector<1xf32>
        %squeeze3A_563 = vector.extract %slice3A_562[0] : f32 from vector<1xf32>
        %mul3A_564 = vector.broadcast %squeeze3A_563 : f32 to vector<16xf32>
        %mul3A_565 = arith.mulf %get3A_561, %mul3A_564 : vector<16xf32>
        %mul3A_566 = arith.constant 16 : i32
        %mul3A_567 = arith.muli %scan3A_352, %mul3A_566 : i32
        %add3A_568 = arith.constant 11 : i32
        %add3A_569 = arith.addi %mul3A_567, %add3A_568 : i32
        %swap3A_570 = arith.index_cast %add3A_569 : i32 to index
        %swap3A_571 = arith.constant 0 : index
        %swap3A_572 = tpu.vector_load %arg11[%swap3A_570, %swap3A_571] {strides = array<i32>} : memref<800x16xf32, #tpu.memory_space<vmem>>, vector<16xf32>,
        tpu.vector_store %arg11[%swap3A_570, %swap3A_571], %mul3A_565 {strides = array<i32>} : memref<800x16xf32, #tpu.memory_space<vmem>>, vector<16xf32>,
        %mul3A_573 = arith.constant 16 : i32
        %mul3A_574 = arith.muli %scan3A_352, %mul3A_573 : i32
        %add3A_575 = arith.constant 12 : i32
        %add3A_576 = arith.addi %mul3A_574, %add3A_575 : i32
        %get3A_577 = arith.index_cast %add3A_576 : i32 to index
        %get3A_578 = arith.constant 0 : index
        %get3A_579 = tpu.vector_load %arg11[%get3A_577, %get3A_578] {strides = array<i32>} : memref<800x16xf32, #tpu.memory_space<vmem>>, vector<16xf32>,
        %slice3A_580 = vector.extract_strided_slice %get3A_356 {offsets = [12], sizes = [1], strides = [1]} : vector<16xf32> to vector<1xf32>
        %squeeze3A_581 = vector.extract %slice3A_580[0] : f32 from vector<1xf32>
        %mul3A_582 = vector.broadcast %squeeze3A_581 : f32 to vector<16xf32>
        %mul3A_583 = arith.mulf %get3A_579, %mul3A_582 : vector<16xf32>
        %mul3A_584 = arith.constant 16 : i32
        %mul3A_585 = arith.muli %scan3A_352, %mul3A_584 : i32
        %add3A_586 = arith.constant 12 : i32
        %add3A_587 = arith.addi %mul3A_585, %add3A_586 : i32
        %swap3A_588 = arith.index_cast %add3A_587 : i32 to index
        %swap3A_589 = arith.constant 0 : index
        %swap3A_590 = tpu.vector_load %arg11[%swap3A_588, %swap3A_589] {strides = array<i32>} : memref<800x16xf32, #tpu.memory_space<vmem>>, vector<16xf32>,
        tpu.vector_store %arg11[%swap3A_588, %swap3A_589], %mul3A_583 {strides = array<i32>} : memref<800x16xf32, #tpu.memory_space<vmem>>, vector<16xf32>,
        %mul3A_591 = arith.constant 16 : i32
        %mul3A_592 = arith.muli %scan3A_352, %mul3A_591 : i32
        %add3A_593 = arith.constant 13 : i32
        %add3A_594 = arith.addi %mul3A_592, %add3A_593 : i32
        %get3A_595 = arith.index_cast %add3A_594 : i32 to index
        %get3A_596 = arith.constant 0 : index
        %get3A_597 = tpu.vector_load %arg11[%get3A_595, %get3A_596] {strides = array<i32>} : memref<800x16xf32, #tpu.memory_space<vmem>>, vector<16xf32>,
        %slice3A_598 = vector.extract_strided_slice %get3A_356 {offsets = [13], sizes = [1], strides = [1]} : vector<16xf32> to vector<1xf32>
        %squeeze3A_599 = vector.extract %slice3A_598[0] : f32 from vector<1xf32>
        %mul3A_600 = vector.broadcast %squeeze3A_599 : f32 to vector<16xf32>
        %mul3A_601 = arith.mulf %get3A_597, %mul3A_600 : vector<16xf32>
        %mul3A_602 = arith.constant 16 : i32
        %mul3A_603 = arith.muli %scan3A_352, %mul3A_602 : i32
        %add3A_604 = arith.constant 13 : i32
        %add3A_605 = arith.addi %mul3A_603, %add3A_604 : i32
        %swap3A_606 = arith.index_cast %add3A_605 : i32 to index
        %swap3A_607 = arith.constant 0 : index
        %swap3A_608 = tpu.vector_load %arg11[%swap3A_606, %swap3A_607] {strides = array<i32>} : memref<800x16xf32, #tpu.memory_space<vmem>>, vector<16xf32>,
        tpu.vector_store %arg11[%swap3A_606, %swap3A_607], %mul3A_601 {strides = array<i32>} : memref<800x16xf32, #tpu.memory_space<vmem>>, vector<16xf32>,
        %mul3A_609 = arith.constant 16 : i32
        %mul3A_610 = arith.muli %scan3A_352, %mul3A_609 : i32
        %add3A_611 = arith.constant 14 : i32
        %add3A_612 = arith.addi %mul3A_610, %add3A_611 : i32
        %get3A_613 = arith.index_cast %add3A_612 : i32 to index
        %get3A_614 = arith.constant 0 : index
        %get3A_615 = tpu.vector_load %arg11[%get3A_613, %get3A_614] {strides = array<i32>} : memref<800x16xf32, #tpu.memory_space<vmem>>, vector<16xf32>,
        %slice3A_616 = vector.extract_strided_slice %get3A_356 {offsets = [14], sizes = [1], strides = [1]} : vector<16xf32> to vector<1xf32>
        %squeeze3A_617 = vector.extract %slice3A_616[0] : f32 from vector<1xf32>
        %mul3A_618 = vector.broadcast %squeeze3A_617 : f32 to vector<16xf32>
        %mul3A_619 = arith.mulf %get3A_615, %mul3A_618 : vector<16xf32>
        %mul3A_620 = arith.constant 16 : i32
        %mul3A_621 = arith.muli %scan3A_352, %mul3A_620 : i32
        %add3A_622 = arith.constant 14 : i32
        %add3A_623 = arith.addi %mul3A_621, %add3A_622 : i32
        %swap3A_624 = arith.index_cast %add3A_623 : i32 to index
        %swap3A_625 = arith.constant 0 : index
        %swap3A_626 = tpu.vector_load %arg11[%swap3A_624, %swap3A_625] {strides = array<i32>} : memref<800x16xf32, #tpu.memory_space<vmem>>, vector<16xf32>,
        tpu.vector_store %arg11[%swap3A_624, %swap3A_625], %mul3A_619 {strides = array<i32>} : memref<800x16xf32, #tpu.memory_space<vmem>>, vector<16xf32>,
        %mul3A_627 = arith.constant 16 : i32
        %mul3A_628 = arith.muli %scan3A_352, %mul3A_627 : i32
        %add3A_629 = arith.constant 15 : i32
        %add3A_630 = arith.addi %mul3A_628, %add3A_629 : i32
        %get3A_631 = arith.index_cast %add3A_630 : i32 to index
        %get3A_632 = arith.constant 0 : index
        %get3A_633 = tpu.vector_load %arg11[%get3A_631, %get3A_632] {strides = array<i32>} : memref<800x16xf32, #tpu.memory_space<vmem>>, vector<16xf32>,
        %slice3A_634 = vector.extract_strided_slice %get3A_356 {offsets = [15], sizes = [1], strides = [1]} : vector<16xf32> to vector<1xf32>
        %squeeze3A_635 = vector.extract %slice3A_634[0] : f32 from vector<1xf32>
        %mul3A_636 = vector.broadcast %squeeze3A_635 : f32 to vector<16xf32>
        %mul3A_637 = arith.mulf %get3A_633, %mul3A_636 : vector<16xf32>
        %mul3A_638 = arith.constant 16 : i32
        %mul3A_639 = arith.muli %scan3A_352, %mul3A_638 : i32
        %add3A_640 = arith.constant 15 : i32
        %add3A_641 = arith.addi %mul3A_639, %add3A_640 : i32
        %swap3A_642 = arith.index_cast %add3A_641 : i32 to index
        %swap3A_643 = arith.constant 0 : index
        %swap3A_644 = tpu.vector_load %arg11[%swap3A_642, %swap3A_643] {strides = array<i32>} : memref<800x16xf32, #tpu.memory_space<vmem>>, vector<16xf32>,
        tpu.vector_store %arg11[%swap3A_642, %swap3A_643], %mul3A_637 {strides = array<i32>} : memref<800x16xf32, #tpu.memory_space<vmem>>, vector<16xf32>,
      }
      %scan3A_61 = arith.constant 50 : i32
      "tpu.region"() ({
        %run_scoped3A = tpu.sem_alloc : memref<!tpu.dma_semaphore, #tpu.memory_space<semaphore_mem>>
        %dma_start3A_62 = arith.constant 0 : i32
        %dma_start3A_63 = arith.constant 0 : i32
        %dma_start3A_64 = tpu.memref_slice %arg12[%dma_start3A_62, %dma_start3A_63] : memref<100096x16xf32, #tpu.memory_space<vmem_shared>> -> memref<100096x16xf32, #tpu.memory_space<vmem_shared>>
        tpu.enqueue_indirect_dma source(%arg11 : memref<800x16xf32, #tpu.memory_space<vmem>>) target(%dma_start3A_64 : memref<100096x16xf32, #tpu.memory_space<vmem_shared>>) offsets(%arg9 : memref<800xi32, #tpu.memory_space<vmem>>) semaphore(%run_scoped3A : memref<!tpu.dma_semaphore, #tpu.memory_space<semaphore_mem>>) {add = true}
        %dma_wait3A_65 = arith.constant 0 : i32
        %dma_wait3A_66 = arith.constant 0 : i32
        %dma_wait3A_67 = tpu.memref_slice %arg12[%dma_wait3A_65, %dma_wait3A_66] : memref<100096x16xf32, #tpu.memory_space<vmem_shared>> -> memref<100096x16xf32, #tpu.memory_space<vmem_shared>>
        tpu.wait_indirect_dma semaphore(%run_scoped3A : memref<!tpu.dma_semaphore, #tpu.memory_space<semaphore_mem>>) src(%arg11 : memref<800x16xf32, #tpu.memory_space<vmem>>) dst(%dma_wait3A_67 : memref<100096x16xf32, #tpu.memory_space<vmem_shared>>)
        tpu.yield
      }) : () -> ()
    }
    %scan3A_33 = arith.constant 125 : i32
    %barrier3A_34 = arith.constant 0 : index
    tpu.barrier barrier_id(%barrier3A_34)
    %mul3A_35 = arith.constant 6256 : i32
    %mul3A_36 = arith.muli %arg1, %mul3A_35 : i32
    %mul3A_37 = arith.constant 6256 : i32
    %mul3A_38 = arith.muli %arg1, %mul3A_37 : i32
    "tpu.region"() ({
      %run_scoped3A = tpu.sem_alloc : memref<!tpu.dma_semaphore, #tpu.memory_space<semaphore_mem>>
      %dma_start3A = arith.constant 0 : i32
      %dma_start3A_40 = tpu.memref_slice %arg7[%add3A_22, %mul3A_38, %dma_start3A] : memref<4x100096x16xf32, #tpu.memory_space<hbm>> -> memref<1x6256x16xf32, #tpu.memory_space<hbm>>
      %dma_start3A_41 = tpu.memref_squeeze %dma_start3A_40 : memref<1x6256x16xf32, #tpu.memory_space<hbm>> -> memref<6256x16xf32, #tpu.memory_space<hbm>>
      %dma_start3A_42 = arith.constant 0 : i32
      %dma_start3A_43 = tpu.memref_slice %arg12[%mul3A_36, %dma_start3A_42] : memref<100096x16xf32, #tpu.memory_space<vmem_shared>> -> memref<6256x16xf32, #tpu.memory_space<vmem_shared>>
      tpu.enqueue_dma source(%dma_start3A_43 : memref<6256x16xf32, #tpu.memory_space<vmem_shared>>) target(%dma_start3A_41 : memref<6256x16xf32, #tpu.memory_space<hbm>>) target_semaphore(%run_scoped3A : memref<!tpu.dma_semaphore, #tpu.memory_space<semaphore_mem>>)
      %dma_wait3A = arith.constant 0 : i32
      %dma_wait3A_44 = tpu.memref_slice %arg7[%add3A_22, %mul3A_38, %dma_wait3A] : memref<4x100096x16xf32, #tpu.memory_space<hbm>> -> memref<1x6256x16xf32, #tpu.memory_space<hbm>>
      %dma_wait3A_45 = tpu.memref_squeeze %dma_wait3A_44 : memref<1x6256x16xf32, #tpu.memory_space<hbm>> -> memref<6256x16xf32, #tpu.memory_space<hbm>>
      %dma_wait3A_46 = arith.constant 0 : i32
      %dma_wait3A_47 = tpu.memref_slice %arg12[%mul3A_36, %dma_wait3A_46] : memref<100096x16xf32, #tpu.memory_space<vmem_shared>> -> memref<6256x16xf32, #tpu.memory_space<vmem_shared>>
      tpu.wait_dma2 semaphore(%run_scoped3A : memref<!tpu.dma_semaphore, #tpu.memory_space<semaphore_mem>>) src(%dma_wait3A_47 : memref<6256x16xf32, #tpu.memory_space<vmem_shared>>) dst(%dma_wait3A_45 : memref<6256x16xf32, #tpu.memory_space<hbm>>)
      tpu.yield
    }) : () -> ()
    %barrier3A_39 = arith.constant 0 : index
    tpu.barrier barrier_id(%barrier3A_39)
    return
  }
}

#map = affine_map<(d0, d1) -> (0)>
#map1 = affine_map<(d0, d1) -> (0, 0, 0, 0)>
module attributes {stable_mosaic.version = 14 : i64} {
  func.func @_spmv_body(%arg0: i32, %arg1: i32, %arg2: memref<100352xf32, #tpu.memory_space<hbm>>, %arg3: memref<1600000xi32, #tpu.memory_space<hbm>>, %arg4: memref<1600000xi32, #tpu.memory_space<hbm>>, %arg5: memref<2x16x784x128xf32, #tpu.memory_space<hbm>>, %arg6: memref<2000xi32, #tpu.memory_space<vmem>>, %arg7: memref<2000xi32, #tpu.memory_space<vmem>>, %arg8: memref<2000xf32, #tpu.memory_space<vmem>>, %arg9: memref<784x128xf32, #tpu.memory_space<vmem>>) attributes {dimension_semantics = [#tpu.dimension_semantics<core_parallel>, #tpu.dimension_semantics<subcore_parallel>], iteration_bounds = array<i64: 2, 16>, scalar_prefetch = 0 : i64, scratch_operands = 4 : i64, tpu.core_type = #tpu.core_type<sc_vector_subcore>, window_params = [{transform_indices = #map}, {transform_indices = #map}, {transform_indices = #map}, {transform_indices = #map1}]} {
    %mul3A = arith.constant 16 : i32
    %mul3A_0 = arith.muli %arg0, %mul3A : i32
    %add3A = arith.addi %mul3A_0, %arg1 : i32
    %mul3A_1 = arith.constant 50000 : i32
    %mul3A_2 = arith.muli %add3A, %mul3A_1 : i32
    %broadcast_in_dim3A = arith.constant 0.000000e+00 : f32
    %broadcast_in_dim3A_3 = vector.broadcast %broadcast_in_dim3A : f32 to vector<16xf32>
    %scan3A = arith.constant 0 : i32
    %scan3A_4 = arith.constant 0 : i32
    %scan3A_5 = arith.constant 784 : i32
    %scan3A_6 = arith.addi %scan3A_4, %scan3A_5 : i32
    %scan3A_7 = arith.constant 2 : i32
    scf.for %scan3A_15 = %scan3A_4 to %scan3A_6 step %scan3A_7  : i32 {
      %swap3A = arith.index_cast %scan3A_15 : i32 to index
      %swap3A_16 = arith.constant 0 : index
      %swap3A_17 = tpu.vector_load %arg9[%swap3A, %swap3A_16] {strides = array<i32>} : memref<784x128xf32, #tpu.memory_space<vmem>>, vector<16xf32>,
      tpu.vector_store %arg9[%swap3A, %swap3A_16], %broadcast_in_dim3A_3 {strides = array<i32>} : memref<784x128xf32, #tpu.memory_space<vmem>>, vector<16xf32>,
      %swap3A_18 = arith.index_cast %scan3A_15 : i32 to index
      %swap3A_19 = arith.constant 16 : index
      %swap3A_20 = tpu.vector_load %arg9[%swap3A_18, %swap3A_19] {strides = array<i32>} : memref<784x128xf32, #tpu.memory_space<vmem>>, vector<16xf32>,
      tpu.vector_store %arg9[%swap3A_18, %swap3A_19], %broadcast_in_dim3A_3 {strides = array<i32>} : memref<784x128xf32, #tpu.memory_space<vmem>>, vector<16xf32>,
      %swap3A_21 = arith.index_cast %scan3A_15 : i32 to index
      %swap3A_22 = arith.constant 32 : index
      %swap3A_23 = tpu.vector_load %arg9[%swap3A_21, %swap3A_22] {strides = array<i32>} : memref<784x128xf32, #tpu.memory_space<vmem>>, vector<16xf32>,
      tpu.vector_store %arg9[%swap3A_21, %swap3A_22], %broadcast_in_dim3A_3 {strides = array<i32>} : memref<784x128xf32, #tpu.memory_space<vmem>>, vector<16xf32>,
      %swap3A_24 = arith.index_cast %scan3A_15 : i32 to index
      %swap3A_25 = arith.constant 48 : index
      %swap3A_26 = tpu.vector_load %arg9[%swap3A_24, %swap3A_25] {strides = array<i32>} : memref<784x128xf32, #tpu.memory_space<vmem>>, vector<16xf32>,
      tpu.vector_store %arg9[%swap3A_24, %swap3A_25], %broadcast_in_dim3A_3 {strides = array<i32>} : memref<784x128xf32, #tpu.memory_space<vmem>>, vector<16xf32>,
      %swap3A_27 = arith.index_cast %scan3A_15 : i32 to index
      %swap3A_28 = arith.constant 64 : index
      %swap3A_29 = tpu.vector_load %arg9[%swap3A_27, %swap3A_28] {strides = array<i32>} : memref<784x128xf32, #tpu.memory_space<vmem>>, vector<16xf32>,
      tpu.vector_store %arg9[%swap3A_27, %swap3A_28], %broadcast_in_dim3A_3 {strides = array<i32>} : memref<784x128xf32, #tpu.memory_space<vmem>>, vector<16xf32>,
      %swap3A_30 = arith.index_cast %scan3A_15 : i32 to index
      %swap3A_31 = arith.constant 80 : index
      %swap3A_32 = tpu.vector_load %arg9[%swap3A_30, %swap3A_31] {strides = array<i32>} : memref<784x128xf32, #tpu.memory_space<vmem>>, vector<16xf32>,
      tpu.vector_store %arg9[%swap3A_30, %swap3A_31], %broadcast_in_dim3A_3 {strides = array<i32>} : memref<784x128xf32, #tpu.memory_space<vmem>>, vector<16xf32>,
      %swap3A_33 = arith.index_cast %scan3A_15 : i32 to index
      %swap3A_34 = arith.constant 96 : index
      %swap3A_35 = tpu.vector_load %arg9[%swap3A_33, %swap3A_34] {strides = array<i32>} : memref<784x128xf32, #tpu.memory_space<vmem>>, vector<16xf32>,
      tpu.vector_store %arg9[%swap3A_33, %swap3A_34], %broadcast_in_dim3A_3 {strides = array<i32>} : memref<784x128xf32, #tpu.memory_space<vmem>>, vector<16xf32>,
      %swap3A_36 = arith.index_cast %scan3A_15 : i32 to index
      %swap3A_37 = arith.constant 112 : index
      %swap3A_38 = tpu.vector_load %arg9[%swap3A_36, %swap3A_37] {strides = array<i32>} : memref<784x128xf32, #tpu.memory_space<vmem>>, vector<16xf32>,
      tpu.vector_store %arg9[%swap3A_36, %swap3A_37], %broadcast_in_dim3A_3 {strides = array<i32>} : memref<784x128xf32, #tpu.memory_space<vmem>>, vector<16xf32>,
      %scan3A_39 = arith.constant 1 : i32
      %scan3A_40 = arith.addi %scan3A_15, %scan3A_39 : i32
      %swap3A_41 = arith.index_cast %scan3A_40 : i32 to index
      %swap3A_42 = arith.constant 0 : index
      %swap3A_43 = tpu.vector_load %arg9[%swap3A_41, %swap3A_42] {strides = array<i32>} : memref<784x128xf32, #tpu.memory_space<vmem>>, vector<16xf32>,
      tpu.vector_store %arg9[%swap3A_41, %swap3A_42], %broadcast_in_dim3A_3 {strides = array<i32>} : memref<784x128xf32, #tpu.memory_space<vmem>>, vector<16xf32>,
      %swap3A_44 = arith.index_cast %scan3A_40 : i32 to index
      %swap3A_45 = arith.constant 16 : index
      %swap3A_46 = tpu.vector_load %arg9[%swap3A_44, %swap3A_45] {strides = array<i32>} : memref<784x128xf32, #tpu.memory_space<vmem>>, vector<16xf32>,
      tpu.vector_store %arg9[%swap3A_44, %swap3A_45], %broadcast_in_dim3A_3 {strides = array<i32>} : memref<784x128xf32, #tpu.memory_space<vmem>>, vector<16xf32>,
      %swap3A_47 = arith.index_cast %scan3A_40 : i32 to index
      %swap3A_48 = arith.constant 32 : index
      %swap3A_49 = tpu.vector_load %arg9[%swap3A_47, %swap3A_48] {strides = array<i32>} : memref<784x128xf32, #tpu.memory_space<vmem>>, vector<16xf32>,
      tpu.vector_store %arg9[%swap3A_47, %swap3A_48], %broadcast_in_dim3A_3 {strides = array<i32>} : memref<784x128xf32, #tpu.memory_space<vmem>>, vector<16xf32>,
      %swap3A_50 = arith.index_cast %scan3A_40 : i32 to index
      %swap3A_51 = arith.constant 48 : index
      %swap3A_52 = tpu.vector_load %arg9[%swap3A_50, %swap3A_51] {strides = array<i32>} : memref<784x128xf32, #tpu.memory_space<vmem>>, vector<16xf32>,
      tpu.vector_store %arg9[%swap3A_50, %swap3A_51], %broadcast_in_dim3A_3 {strides = array<i32>} : memref<784x128xf32, #tpu.memory_space<vmem>>, vector<16xf32>,
      %swap3A_53 = arith.index_cast %scan3A_40 : i32 to index
      %swap3A_54 = arith.constant 64 : index
      %swap3A_55 = tpu.vector_load %arg9[%swap3A_53, %swap3A_54] {strides = array<i32>} : memref<784x128xf32, #tpu.memory_space<vmem>>, vector<16xf32>,
      tpu.vector_store %arg9[%swap3A_53, %swap3A_54], %broadcast_in_dim3A_3 {strides = array<i32>} : memref<784x128xf32, #tpu.memory_space<vmem>>, vector<16xf32>,
      %swap3A_56 = arith.index_cast %scan3A_40 : i32 to index
      %swap3A_57 = arith.constant 80 : index
      %swap3A_58 = tpu.vector_load %arg9[%swap3A_56, %swap3A_57] {strides = array<i32>} : memref<784x128xf32, #tpu.memory_space<vmem>>, vector<16xf32>,
      tpu.vector_store %arg9[%swap3A_56, %swap3A_57], %broadcast_in_dim3A_3 {strides = array<i32>} : memref<784x128xf32, #tpu.memory_space<vmem>>, vector<16xf32>,
      %swap3A_59 = arith.index_cast %scan3A_40 : i32 to index
      %swap3A_60 = arith.constant 96 : index
      %swap3A_61 = tpu.vector_load %arg9[%swap3A_59, %swap3A_60] {strides = array<i32>} : memref<784x128xf32, #tpu.memory_space<vmem>>, vector<16xf32>,
      tpu.vector_store %arg9[%swap3A_59, %swap3A_60], %broadcast_in_dim3A_3 {strides = array<i32>} : memref<784x128xf32, #tpu.memory_space<vmem>>, vector<16xf32>,
      %swap3A_62 = arith.index_cast %scan3A_40 : i32 to index
      %swap3A_63 = arith.constant 112 : index
      %swap3A_64 = tpu.vector_load %arg9[%swap3A_62, %swap3A_63] {strides = array<i32>} : memref<784x128xf32, #tpu.memory_space<vmem>>, vector<16xf32>,
      tpu.vector_store %arg9[%swap3A_62, %swap3A_63], %broadcast_in_dim3A_3 {strides = array<i32>} : memref<784x128xf32, #tpu.memory_space<vmem>>, vector<16xf32>,
    }
    %scan3A_8 = arith.constant 784 : i32
    %scan3A_9 = arith.constant 0 : i32
    %scan3A_10 = arith.constant 0 : i32
    %scan3A_11 = arith.constant 25 : i32
    %scan3A_12 = arith.addi %scan3A_10, %scan3A_11 : i32
    %scan3A_13 = arith.constant 1 : i32
    scf.for %scan3A_15 = %scan3A_10 to %scan3A_12 step %scan3A_13  : i32 {
      %mul3A_16 = arith.constant 2000 : i32
      %mul3A_17 = arith.muli %scan3A_15, %mul3A_16 : i32
      %add3A_18 = arith.addi %mul3A_2, %mul3A_17 : i32
      "tpu.region"() ({
        %run_scoped3A = tpu.sem_alloc : memref<!tpu.dma_semaphore, #tpu.memory_space<semaphore_mem>>
        %dma_start3A = tpu.memref_slice %arg3[%add3A_18] : memref<1600000xi32, #tpu.memory_space<hbm>> -> memref<2000xi32, #tpu.memory_space<hbm>>
        %dma_start3A_38 = tpu.memref_slice %arg3[%add3A_18] : memref<1600000xi32, #tpu.memory_space<hbm>> -> memref<2000xi32, #tpu.memory_space<hbm>>
        tpu.enqueue_dma source(%dma_start3A_38 : memref<2000xi32, #tpu.memory_space<hbm>>) target(%arg6 : memref<2000xi32, #tpu.memory_space<vmem>>) target_semaphore(%run_scoped3A : memref<!tpu.dma_semaphore, #tpu.memory_space<semaphore_mem>>)
        %dma_wait3A = tpu.memref_slice %arg3[%add3A_18] : memref<1600000xi32, #tpu.memory_space<hbm>> -> memref<2000xi32, #tpu.memory_space<hbm>>
        %dma_wait3A_39 = tpu.memref_slice %arg3[%add3A_18] : memref<1600000xi32, #tpu.memory_space<hbm>> -> memref<2000xi32, #tpu.memory_space<hbm>>
        tpu.wait_dma2 semaphore(%run_scoped3A : memref<!tpu.dma_semaphore, #tpu.memory_space<semaphore_mem>>) src(%dma_wait3A_39 : memref<2000xi32, #tpu.memory_space<hbm>>) dst(%arg6 : memref<2000xi32, #tpu.memory_space<vmem>>)
        tpu.yield
      }) : () -> ()
      "tpu.region"() ({
        %run_scoped3A = tpu.sem_alloc : memref<!tpu.dma_semaphore, #tpu.memory_space<semaphore_mem>>
        %dma_start3A = tpu.memref_slice %arg4[%add3A_18] : memref<1600000xi32, #tpu.memory_space<hbm>> -> memref<2000xi32, #tpu.memory_space<hbm>>
        %dma_start3A_38 = tpu.memref_slice %arg4[%add3A_18] : memref<1600000xi32, #tpu.memory_space<hbm>> -> memref<2000xi32, #tpu.memory_space<hbm>>
        tpu.enqueue_dma source(%dma_start3A_38 : memref<2000xi32, #tpu.memory_space<hbm>>) target(%arg7 : memref<2000xi32, #tpu.memory_space<vmem>>) target_semaphore(%run_scoped3A : memref<!tpu.dma_semaphore, #tpu.memory_space<semaphore_mem>>)
        %dma_wait3A = tpu.memref_slice %arg4[%add3A_18] : memref<1600000xi32, #tpu.memory_space<hbm>> -> memref<2000xi32, #tpu.memory_space<hbm>>
        %dma_wait3A_39 = tpu.memref_slice %arg4[%add3A_18] : memref<1600000xi32, #tpu.memory_space<hbm>> -> memref<2000xi32, #tpu.memory_space<hbm>>
        tpu.wait_dma2 semaphore(%run_scoped3A : memref<!tpu.dma_semaphore, #tpu.memory_space<semaphore_mem>>) src(%dma_wait3A_39 : memref<2000xi32, #tpu.memory_space<hbm>>) dst(%arg7 : memref<2000xi32, #tpu.memory_space<vmem>>)
        tpu.yield
      }) : () -> ()
      "tpu.region"() ({
        %run_scoped3A = tpu.sem_alloc : memref<!tpu.dma_semaphore, #tpu.memory_space<semaphore_mem>>
        %dma_start3A = arith.constant 0 : i32
        %dma_start3A_38 = tpu.memref_slice %arg2[%dma_start3A] : memref<100352xf32, #tpu.memory_space<hbm>> -> memref<100352xf32, #tpu.memory_space<hbm>>
        tpu.enqueue_indirect_dma source(%dma_start3A_38 : memref<100352xf32, #tpu.memory_space<hbm>>) target(%arg8 : memref<2000xf32, #tpu.memory_space<vmem>>) offsets(%arg6 : memref<2000xi32, #tpu.memory_space<vmem>>) semaphore(%run_scoped3A : memref<!tpu.dma_semaphore, #tpu.memory_space<semaphore_mem>>)
        %dma_wait3A = arith.constant 0 : i32
        %dma_wait3A_39 = tpu.memref_slice %arg2[%dma_wait3A] : memref<100352xf32, #tpu.memory_space<hbm>> -> memref<100352xf32, #tpu.memory_space<hbm>>
        tpu.wait_indirect_dma semaphore(%run_scoped3A : memref<!tpu.dma_semaphore, #tpu.memory_space<semaphore_mem>>) src(%dma_wait3A_39 : memref<100352xf32, #tpu.memory_space<hbm>>) dst(%arg8 : memref<2000xf32, #tpu.memory_space<vmem>>)
        tpu.yield
      }) : () -> ()
      %scan3A_19 = arith.constant 0 : i32
      %scan3A_20 = arith.constant 0 : i32
      %scan3A_21 = arith.constant 124 : i32
      %scan3A_22 = arith.addi %scan3A_20, %scan3A_21 : i32
      %scan3A_23 = arith.constant 4 : i32
      scf.for %scan3A_38 = %scan3A_20 to %scan3A_22 step %scan3A_23  : i32 {
        %mul3A_39 = arith.constant 16 : i32
        %mul3A_40 = arith.muli %scan3A_38, %mul3A_39 : i32
        %get3A_41 = arith.index_cast %mul3A_40 : i32 to index
        %get3A_42 = tpu.vector_load %arg8[%get3A_41] {strides = array<i32>} : memref<2000xf32, #tpu.memory_space<vmem>>, vector<16xf32>,
        %mul3A_43 = arith.constant 16 : i32
        %mul3A_44 = arith.muli %scan3A_38, %mul3A_43 : i32
        %get3A_45 = arith.index_cast %mul3A_44 : i32 to index
        %get3A_46 = tpu.vector_load %arg7[%get3A_45] {strides = array<i32>} : memref<2000xi32, #tpu.memory_space<vmem>>, vector<16xi32>,
        %shift_right_arithmetic3A_47 = arith.constant 7 : i32
        %shift_right_arithmetic3A_48 = vector.broadcast %shift_right_arithmetic3A_47 : i32 to vector<16xi32>
        %shift_right_arithmetic3A_49 = arith.shrsi %get3A_46, %shift_right_arithmetic3A_48 : vector<16xi32>
        %and3A_50 = arith.constant 127 : i32
        %and3A_51 = vector.broadcast %and3A_50 : i32 to vector<16xi32>
        %and3A_52 = arith.andi %get3A_46, %and3A_51 : vector<16xi32>
        tpu.vector_store_idx %arg9[%shift_right_arithmetic3A_49, %and3A_52], %get3A_42 {add = true} : memref<784x128xf32, #tpu.memory_space<vmem>>[vector<16xi32>, vector<16xi32>], vector<16xf32>,
        %scan3A_53 = arith.constant 1 : i32
        %scan3A_54 = arith.addi %scan3A_38, %scan3A_53 : i32
        %mul3A_55 = arith.constant 16 : i32
        %mul3A_56 = arith.muli %scan3A_54, %mul3A_55 : i32
        %get3A_57 = arith.index_cast %mul3A_56 : i32 to index
        %get3A_58 = tpu.vector_load %arg8[%get3A_57] {strides = array<i32>} : memref<2000xf32, #tpu.memory_space<vmem>>, vector<16xf32>,
        %mul3A_59 = arith.constant 16 : i32
        %mul3A_60 = arith.muli %scan3A_54, %mul3A_59 : i32
        %get3A_61 = arith.index_cast %mul3A_60 : i32 to index
        %get3A_62 = tpu.vector_load %arg7[%get3A_61] {strides = array<i32>} : memref<2000xi32, #tpu.memory_space<vmem>>, vector<16xi32>,
        %shift_right_arithmetic3A_63 = arith.constant 7 : i32
        %shift_right_arithmetic3A_64 = vector.broadcast %shift_right_arithmetic3A_63 : i32 to vector<16xi32>
        %shift_right_arithmetic3A_65 = arith.shrsi %get3A_62, %shift_right_arithmetic3A_64 : vector<16xi32>
        %and3A_66 = arith.constant 127 : i32
        %and3A_67 = vector.broadcast %and3A_66 : i32 to vector<16xi32>
        %and3A_68 = arith.andi %get3A_62, %and3A_67 : vector<16xi32>
        tpu.vector_store_idx %arg9[%shift_right_arithmetic3A_65, %and3A_68], %get3A_58 {add = true} : memref<784x128xf32, #tpu.memory_space<vmem>>[vector<16xi32>, vector<16xi32>], vector<16xf32>,
        %scan3A_69 = arith.constant 2 : i32
        %scan3A_70 = arith.addi %scan3A_38, %scan3A_69 : i32
        %mul3A_71 = arith.constant 16 : i32
        %mul3A_72 = arith.muli %scan3A_70, %mul3A_71 : i32
        %get3A_73 = arith.index_cast %mul3A_72 : i32 to index
        %get3A_74 = tpu.vector_load %arg8[%get3A_73] {strides = array<i32>} : memref<2000xf32, #tpu.memory_space<vmem>>, vector<16xf32>,
        %mul3A_75 = arith.constant 16 : i32
        %mul3A_76 = arith.muli %scan3A_70, %mul3A_75 : i32
        %get3A_77 = arith.index_cast %mul3A_76 : i32 to index
        %get3A_78 = tpu.vector_load %arg7[%get3A_77] {strides = array<i32>} : memref<2000xi32, #tpu.memory_space<vmem>>, vector<16xi32>,
        %shift_right_arithmetic3A_79 = arith.constant 7 : i32
        %shift_right_arithmetic3A_80 = vector.broadcast %shift_right_arithmetic3A_79 : i32 to vector<16xi32>
        %shift_right_arithmetic3A_81 = arith.shrsi %get3A_78, %shift_right_arithmetic3A_80 : vector<16xi32>
        %and3A_82 = arith.constant 127 : i32
        %and3A_83 = vector.broadcast %and3A_82 : i32 to vector<16xi32>
        %and3A_84 = arith.andi %get3A_78, %and3A_83 : vector<16xi32>
        tpu.vector_store_idx %arg9[%shift_right_arithmetic3A_81, %and3A_84], %get3A_74 {add = true} : memref<784x128xf32, #tpu.memory_space<vmem>>[vector<16xi32>, vector<16xi32>], vector<16xf32>,
        %scan3A_85 = arith.constant 3 : i32
        %scan3A_86 = arith.addi %scan3A_38, %scan3A_85 : i32
        %mul3A_87 = arith.constant 16 : i32
        %mul3A_88 = arith.muli %scan3A_86, %mul3A_87 : i32
        %get3A_89 = arith.index_cast %mul3A_88 : i32 to index
        %get3A_90 = tpu.vector_load %arg8[%get3A_89] {strides = array<i32>} : memref<2000xf32, #tpu.memory_space<vmem>>, vector<16xf32>,
        %mul3A_91 = arith.constant 16 : i32
        %mul3A_92 = arith.muli %scan3A_86, %mul3A_91 : i32
        %get3A_93 = arith.index_cast %mul3A_92 : i32 to index
        %get3A_94 = tpu.vector_load %arg7[%get3A_93] {strides = array<i32>} : memref<2000xi32, #tpu.memory_space<vmem>>, vector<16xi32>,
        %shift_right_arithmetic3A_95 = arith.constant 7 : i32
        %shift_right_arithmetic3A_96 = vector.broadcast %shift_right_arithmetic3A_95 : i32 to vector<16xi32>
        %shift_right_arithmetic3A_97 = arith.shrsi %get3A_94, %shift_right_arithmetic3A_96 : vector<16xi32>
        %and3A_98 = arith.constant 127 : i32
        %and3A_99 = vector.broadcast %and3A_98 : i32 to vector<16xi32>
        %and3A_100 = arith.andi %get3A_94, %and3A_99 : vector<16xi32>
        tpu.vector_store_idx %arg9[%shift_right_arithmetic3A_97, %and3A_100], %get3A_90 {add = true} : memref<784x128xf32, #tpu.memory_space<vmem>>[vector<16xi32>, vector<16xi32>], vector<16xf32>,
      }
      %scan3A_24 = arith.constant 124 : i32
      %scan3A_25 = arith.addi %scan3A_20, %scan3A_24 : i32
      %mul3A_26 = arith.constant 16 : i32
      %mul3A_27 = arith.muli %scan3A_25, %mul3A_26 : i32
      %get3A = arith.index_cast %mul3A_27 : i32 to index
      %get3A_28 = tpu.vector_load %arg8[%get3A] {strides = array<i32>} : memref<2000xf32, #tpu.memory_space<vmem>>, vector<16xf32>,
      %mul3A_29 = arith.constant 16 : i32
      %mul3A_30 = arith.muli %scan3A_25, %mul3A_29 : i32
      %get3A_31 = arith.index_cast %mul3A_30 : i32 to index
      %get3A_32 = tpu.vector_load %arg7[%get3A_31] {strides = array<i32>} : memref<2000xi32, #tpu.memory_space<vmem>>, vector<16xi32>,
      %shift_right_arithmetic3A = arith.constant 7 : i32
      %shift_right_arithmetic3A_33 = vector.broadcast %shift_right_arithmetic3A : i32 to vector<16xi32>
      %shift_right_arithmetic3A_34 = arith.shrsi %get3A_32, %shift_right_arithmetic3A_33 : vector<16xi32>
      %and3A = arith.constant 127 : i32
      %and3A_35 = vector.broadcast %and3A : i32 to vector<16xi32>
      %and3A_36 = arith.andi %get3A_32, %and3A_35 : vector<16xi32>
      tpu.vector_store_idx %arg9[%shift_right_arithmetic3A_34, %and3A_36], %get3A_28 {add = true} : memref<784x128xf32, #tpu.memory_space<vmem>>[vector<16xi32>, vector<16xi32>], vector<16xf32>,
      %scan3A_37 = arith.constant 125 : i32
    }
    %scan3A_14 = arith.constant 25 : i32
    "tpu.region"() ({
      %run_scoped3A = tpu.sem_alloc : memref<!tpu.dma_semaphore, #tpu.memory_space<semaphore_mem>>
      %dma_start3A = arith.constant 0 : i32
      %dma_start3A_15 = arith.constant 0 : i32
      %dma_start3A_16 = tpu.memref_slice %arg5[%arg0, %arg1, %dma_start3A, %dma_start3A_15] : memref<2x16x784x128xf32, #tpu.memory_space<hbm>> -> memref<1x1x784x128xf32, #tpu.memory_space<hbm>>
      %dma_start3A_17 = tpu.memref_squeeze %dma_start3A_16 : memref<1x1x784x128xf32, #tpu.memory_space<hbm>> -> memref<784x128xf32, #tpu.memory_space<hbm>>
      %dma_start3A_18 = arith.constant 0 : i32
      %dma_start3A_19 = arith.constant 0 : i32
      %dma_start3A_20 = tpu.memref_slice %arg5[%arg0, %arg1, %dma_start3A_18, %dma_start3A_19] : memref<2x16x784x128xf32, #tpu.memory_space<hbm>> -> memref<1x1x784x128xf32, #tpu.memory_space<hbm>>
      %dma_start3A_21 = tpu.memref_squeeze %dma_start3A_20 : memref<1x1x784x128xf32, #tpu.memory_space<hbm>> -> memref<784x128xf32, #tpu.memory_space<hbm>>
      tpu.enqueue_dma source(%arg9 : memref<784x128xf32, #tpu.memory_space<vmem>>) target(%dma_start3A_21 : memref<784x128xf32, #tpu.memory_space<hbm>>) target_semaphore(%run_scoped3A : memref<!tpu.dma_semaphore, #tpu.memory_space<semaphore_mem>>)
      %dma_wait3A = arith.constant 0 : i32
      %dma_wait3A_22 = arith.constant 0 : i32
      %dma_wait3A_23 = tpu.memref_slice %arg5[%arg0, %arg1, %dma_wait3A, %dma_wait3A_22] : memref<2x16x784x128xf32, #tpu.memory_space<hbm>> -> memref<1x1x784x128xf32, #tpu.memory_space<hbm>>
      %dma_wait3A_24 = tpu.memref_squeeze %dma_wait3A_23 : memref<1x1x784x128xf32, #tpu.memory_space<hbm>> -> memref<784x128xf32, #tpu.memory_space<hbm>>
      %dma_wait3A_25 = arith.constant 0 : i32
      %dma_wait3A_26 = arith.constant 0 : i32
      %dma_wait3A_27 = tpu.memref_slice %arg5[%arg0, %arg1, %dma_wait3A_25, %dma_wait3A_26] : memref<2x16x784x128xf32, #tpu.memory_space<hbm>> -> memref<1x1x784x128xf32, #tpu.memory_space<hbm>>
      %dma_wait3A_28 = tpu.memref_squeeze %dma_wait3A_27 : memref<1x1x784x128xf32, #tpu.memory_space<hbm>> -> memref<784x128xf32, #tpu.memory_space<hbm>>
      tpu.wait_dma2 semaphore(%run_scoped3A : memref<!tpu.dma_semaphore, #tpu.memory_space<semaphore_mem>>) src(%arg9 : memref<784x128xf32, #tpu.memory_space<vmem>>) dst(%dma_wait3A_28 : memref<784x128xf32, #tpu.memory_space<hbm>>)
      tpu.yield
    }) : () -> ()
    return
  }
}

module attributes {stable_mosaic.version = 14 : i64} {
  func.func @_tc1_body(%arg0: i32, %arg1: memref<2048x128xf32, #tpu.memory_space<vmem>>, %arg2: memref<32x128xf32, #tpu.memory_space<vmem>>, %arg3: memref<2048x1xf32, #tpu.memory_space<vmem>>, %arg4: memref<2x2048x16xf32, #tpu.memory_space<vmem>>) attributes {dimension_semantics = [#tpu.dimension_semantics<arbitrary>], iteration_bounds = array<i64: 49>, scalar_prefetch = 0 : i64, scratch_operands = 0 : i64, tpu.core_type = #tpu.core_type<tc>, window_params = [{transform_indices = @transform_0, window_bounds = array<i64: 2048, 128>}, {pipeline_mode = #tpu.pipeline_mode<synchronous>, transform_indices = @transform_1, window_bounds = array<i64: 32, 128>}, {transform_indices = @transform_2, window_bounds = array<i64: 2048, 1>}, {transform_indices = @transform_3, window_bounds = array<i64: 2, 2048, 16>}]} {
    %get3A = arith.constant 0 : index
    %get3A_0 = arith.constant 0 : index
    %get3A_1 = vector.load %arg1[%get3A, %get3A_0] : memref<2048x128xf32, #tpu.memory_space<vmem>>, vector<2048x128xf32>
    %get3A_2 = arith.constant 0 : index
    %get3A_3 = arith.constant 0 : index
    %get3A_4 = vector.load %arg2[%get3A_2, %get3A_3] : memref<32x128xf32, #tpu.memory_space<vmem>>, vector<32x128xf32>
    %transpose3A = tpu.transpose %get3A_4, [1, 0] : vector<32x128xf32> -> vector<128x32xf32>
    %dot_general3A = arith.constant dense<0.000000e+00> : vector<2048x32xf32>
    %dot_general3A_5 = tpu.matmul %get3A_1, %transpose3A, %dot_general3A {dimension_numbers = #tpu.dot_dimension_numbers<[1], [0], [0], [1], [0, 0, 1, 1], [], []>, transpose_lhs_hint = false} : vector<2048x128xf32>, vector<128x32xf32>, vector<2048x32xf32> -> vector<2048x32xf32>
    %get3A_6 = arith.constant 0 : index
    %get3A_7 = arith.constant 0 : index
    %get3A_8 = vector.load %arg3[%get3A_6, %get3A_7] : memref<2048x1xf32, #tpu.memory_space<vmem>>, vector<2048x1xf32>
    %mul3A = vector.broadcast %get3A_8 : vector<2048x1xf32> to vector<2048x32xf32>
    %mul3A_9 = arith.mulf %dot_general3A_5, %mul3A : vector<2048x32xf32>
    %slice3A = vector.extract_strided_slice %mul3A_9 {offsets = [0, 0], sizes = [2048, 16], strides = [1, 1]} : vector<2048x32xf32> to vector<2048x16xf32>
    %swap3A = arith.constant 0 : index
    %swap3A_10 = arith.constant 0 : index
    %swap3A_11 = arith.constant 0 : index
    %swap3A_12 = vector.load %arg4[%swap3A, %swap3A_10, %swap3A_11] : memref<2x2048x16xf32, #tpu.memory_space<vmem>>, vector<1x2048x16xf32>
    %swap3A_13 = vector.shape_cast %swap3A_12 : vector<1x2048x16xf32> to vector<2048x16xf32>
    %swap3A_14 = vector.shape_cast %slice3A : vector<2048x16xf32> to vector<1x2048x16xf32>
    tpu.vector_store %arg4[%swap3A, %swap3A_10, %swap3A_11], %swap3A_14 {strides = array<i32>} : memref<2x2048x16xf32, #tpu.memory_space<vmem>>, vector<1x2048x16xf32>,
    %slice3A_15 = vector.extract_strided_slice %mul3A_9 {offsets = [0, 16], sizes = [2048, 16], strides = [1, 1]} : vector<2048x32xf32> to vector<2048x16xf32>
    %swap3A_16 = arith.constant 1 : index
    %swap3A_17 = arith.constant 0 : index
    %swap3A_18 = arith.constant 0 : index
    %swap3A_19 = vector.load %arg4[%swap3A_16, %swap3A_17, %swap3A_18] : memref<2x2048x16xf32, #tpu.memory_space<vmem>>, vector<1x2048x16xf32>
    %swap3A_20 = vector.shape_cast %swap3A_19 : vector<1x2048x16xf32> to vector<2048x16xf32>
    %swap3A_21 = vector.shape_cast %slice3A_15 : vector<2048x16xf32> to vector<1x2048x16xf32>
    tpu.vector_store %arg4[%swap3A_16, %swap3A_17, %swap3A_18], %swap3A_21 {strides = array<i32>} : memref<2x2048x16xf32, #tpu.memory_space<vmem>>, vector<1x2048x16xf32>,
    return
  }
  func.func @transform_0(%arg0: i32) -> (i32, i32) {
    %c0_i32 = arith.constant 0 : i32
    %c0_i32_0 = arith.constant 0 : i32
    return %arg0, %c0_i32 : i32, i32
  }
  func.func @transform_1(%arg0: i32) -> (i32, i32) {
    %c0_i32 = arith.constant 0 : i32
    %c0_i32_0 = arith.constant 0 : i32
    %c0_i32_1 = arith.constant 0 : i32
    return %c0_i32, %c0_i32_0 : i32, i32
  }
  func.func @transform_2(%arg0: i32) -> (i32, i32) {
    %c0_i32 = arith.constant 0 : i32
    %c0_i32_0 = arith.constant 0 : i32
    return %arg0, %c0_i32 : i32, i32
  }
  func.func @transform_3(%arg0: i32) -> (i32, i32, i32) {
    %c0_i32 = arith.constant 0 : i32
    %c0_i32_0 = arith.constant 0 : i32
    %c0_i32_1 = arith.constant 0 : i32
    return %c0_i32, %arg0, %c0_i32_0 : i32, i32, i32
  }
}

module attributes {stable_mosaic.version = 14 : i64} {
  func.func @_deg2dis_body(%arg0: i32, %arg1: memref<32x112x128xf32, #tpu.memory_space<vmem>>, %arg2: memref<112x128xf32, #tpu.memory_space<vmem>>) attributes {dimension_semantics = [#tpu.dimension_semantics<arbitrary>], iteration_bounds = array<i64: 7>, scalar_prefetch = 0 : i64, scratch_operands = 0 : i64, tpu.core_type = #tpu.core_type<tc>, window_params = [{transform_indices = @transform_0, window_bounds = array<i64: 32, 112, 128>}, {transform_indices = @transform_1, window_bounds = array<i64: 112, 128>}]} {
    %get3A = arith.constant 0 : index
    %get3A_0 = arith.constant 0 : index
    %get3A_1 = arith.constant 0 : index
    %get3A_2 = vector.load %arg1[%get3A, %get3A_0, %get3A_1] : memref<32x112x128xf32, #tpu.memory_space<vmem>>, vector<32x112x128xf32>
    %reduce_sum3A = arith.constant dense<0.000000e+00> : vector<112x128xf32>
    %reduce_sum3A_3 = vector.multi_reduction <add>, %get3A_2, %reduce_sum3A [0] : vector<32x112x128xf32> to vector<112x128xf32>
    %add3A = arith.constant 1.000000e+00 : f32
    %add3A_4 = vector.broadcast %add3A : f32 to vector<112x128xf32>
    %add3A_5 = arith.addf %reduce_sum3A_3, %add3A_4 : vector<112x128xf32>
    %sqrt3A = math.sqrt %add3A_5 : vector<112x128xf32>
    %div3A = arith.constant 1.000000e+00 : f32
    %div3A_6 = vector.broadcast %div3A : f32 to vector<112x128xf32>
    %div3A_7 = arith.divf %div3A_6, %sqrt3A : vector<112x128xf32>
    %swap3A = arith.constant 0 : index
    %swap3A_8 = arith.constant 0 : index
    %swap3A_9 = vector.load %arg2[%swap3A, %swap3A_8] : memref<112x128xf32, #tpu.memory_space<vmem>>, vector<112x128xf32>
    tpu.vector_store %arg2[%swap3A, %swap3A_8], %div3A_7 {strides = array<i32>} : memref<112x128xf32, #tpu.memory_space<vmem>>, vector<112x128xf32>,
    return
  }
  func.func @transform_0(%arg0: i32) -> (i32, i32, i32) {
    %c0_i32 = arith.constant 0 : i32
    %c0_i32_0 = arith.constant 0 : i32
    %c0_i32_1 = arith.constant 0 : i32
    return %c0_i32, %arg0, %c0_i32_0 : i32, i32, i32
  }
  func.func @transform_1(%arg0: i32) -> (i32, i32) {
    %c0_i32 = arith.constant 0 : i32
    %c0_i32_0 = arith.constant 0 : i32
    return %arg0, %c0_i32 : i32, i32
  }
}

module attributes {stable_mosaic.version = 14 : i64} {
  func.func @_tc2_body(%arg0: i32, %arg1: memref<2x2048x16xf32, #tpu.memory_space<vmem>>, %arg2: memref<2x2048x16xf32, #tpu.memory_space<vmem>>, %arg3: memref<2048x1xf32, #tpu.memory_space<vmem>>, %arg4: memref<2x16xf32, #tpu.memory_space<vmem>>, %arg5: memref<64x32xf32, #tpu.memory_space<vmem>>, %arg6: memref<2x32xf32, #tpu.memory_space<vmem>>, %arg7: memref<2x32xf32, #tpu.memory_space<vmem>>, %arg8: memref<4x2048x16xf32, #tpu.memory_space<vmem>>, %arg9: memref<2x2048xf32, #tpu.memory_space<vmem>>, %arg10: memref<2x2048xf32, #tpu.memory_space<vmem>>) attributes {dimension_semantics = [#tpu.dimension_semantics<arbitrary>], iteration_bounds = array<i64: 49>, scalar_prefetch = 0 : i64, scratch_operands = 0 : i64, tpu.core_type = #tpu.core_type<tc>, window_params = [{transform_indices = @transform_0, window_bounds = array<i64: 2, 2048, 16>}, {transform_indices = @transform_1, window_bounds = array<i64: 2, 2048, 16>}, {transform_indices = @transform_2, window_bounds = array<i64: 2048, 1>}, {pipeline_mode = #tpu.pipeline_mode<synchronous>, transform_indices = @transform_3, window_bounds = array<i64: 2, 16>}, {pipeline_mode = #tpu.pipeline_mode<synchronous>, transform_indices = @transform_4, window_bounds = array<i64: 64, 32>}, {pipeline_mode = #tpu.pipeline_mode<synchronous>, transform_indices = @transform_5, window_bounds = array<i64: 2, 32>}, {pipeline_mode = #tpu.pipeline_mode<synchronous>, transform_indices = @transform_6, window_bounds = array<i64: 2, 32>}, {transform_indices = @transform_7, window_bounds = array<i64: 4, 2048, 16>}, {transform_indices = @transform_8, window_bounds = array<i64: 2, 2048>}, {transform_indices = @transform_9, window_bounds = array<i64: 2, 2048>}]} {
    %get3A = arith.constant 0 : index
    %get3A_0 = arith.constant 0 : index
    %get3A_1 = vector.load %arg3[%get3A, %get3A_0] : memref<2048x1xf32, #tpu.memory_space<vmem>>, vector<2048x1xf32>
    %get3A_2 = arith.constant 0 : index
    %get3A_3 = arith.constant 0 : index
    %get3A_4 = arith.constant 0 : index
    %get3A_5 = vector.load %arg1[%get3A_2, %get3A_3, %get3A_4] : memref<2x2048x16xf32, #tpu.memory_space<vmem>>, vector<1x2048x16xf32>
    %get3A_6 = vector.shape_cast %get3A_5 : vector<1x2048x16xf32> to vector<2048x16xf32>
    %get3A_7 = arith.constant 0 : index
    %get3A_8 = arith.constant 0 : index
    %get3A_9 = arith.constant 0 : index
    %get3A_10 = vector.load %arg2[%get3A_7, %get3A_8, %get3A_9] : memref<2x2048x16xf32, #tpu.memory_space<vmem>>, vector<1x2048x16xf32>
    %get3A_11 = vector.shape_cast %get3A_10 : vector<1x2048x16xf32> to vector<2048x16xf32>
    %add3A = arith.addf %get3A_6, %get3A_11 : vector<2048x16xf32>
    %mul3A = vector.broadcast %get3A_1 : vector<2048x1xf32> to vector<2048x16xf32>
    %mul3A_12 = arith.mulf %mul3A, %add3A : vector<2048x16xf32>
    %get3A_13 = arith.constant 0 : index
    %get3A_14 = arith.constant 0 : index
    %get3A_15 = vector.load %arg4[%get3A_13, %get3A_14] : memref<2x16xf32, #tpu.memory_space<vmem>>, vector<1x16xf32>
    %get3A_16 = vector.shape_cast %get3A_15 : vector<1x16xf32> to vector<16xf32>
    %broadcast_in_dim3A = vector.shape_cast %get3A_16 : vector<16xf32> to vector<1x16xf32>
    %add3A_17 = vector.broadcast %broadcast_in_dim3A : vector<1x16xf32> to vector<2048x16xf32>
    %add3A_18 = arith.addf %mul3A_12, %add3A_17 : vector<2048x16xf32>
    %max3A = arith.constant 0.000000e+00 : f32
    %max3A_19 = vector.broadcast %max3A : f32 to vector<2048x16xf32>
    %max3A_20 = arith.maximumf %add3A_18, %max3A_19 : vector<2048x16xf32>
    %get3A_21 = arith.constant 1 : index
    %get3A_22 = arith.constant 0 : index
    %get3A_23 = arith.constant 0 : index
    %get3A_24 = vector.load %arg1[%get3A_21, %get3A_22, %get3A_23] : memref<2x2048x16xf32, #tpu.memory_space<vmem>>, vector<1x2048x16xf32>
    %get3A_25 = vector.shape_cast %get3A_24 : vector<1x2048x16xf32> to vector<2048x16xf32>
    %get3A_26 = arith.constant 1 : index
    %get3A_27 = arith.constant 0 : index
    %get3A_28 = arith.constant 0 : index
    %get3A_29 = vector.load %arg2[%get3A_26, %get3A_27, %get3A_28] : memref<2x2048x16xf32, #tpu.memory_space<vmem>>, vector<1x2048x16xf32>
    %get3A_30 = vector.shape_cast %get3A_29 : vector<1x2048x16xf32> to vector<2048x16xf32>
    %add3A_31 = arith.addf %get3A_25, %get3A_30 : vector<2048x16xf32>
    %mul3A_32 = vector.broadcast %get3A_1 : vector<2048x1xf32> to vector<2048x16xf32>
    %mul3A_33 = arith.mulf %mul3A_32, %add3A_31 : vector<2048x16xf32>
    %get3A_34 = arith.constant 1 : index
    %get3A_35 = arith.constant 0 : index
    %get3A_36 = vector.load %arg4[%get3A_34, %get3A_35] : memref<2x16xf32, #tpu.memory_space<vmem>>, vector<1x16xf32>
    %get3A_37 = vector.shape_cast %get3A_36 : vector<1x16xf32> to vector<16xf32>
    %broadcast_in_dim3A_38 = vector.shape_cast %get3A_37 : vector<16xf32> to vector<1x16xf32>
    %add3A_39 = vector.broadcast %broadcast_in_dim3A_38 : vector<1x16xf32> to vector<2048x16xf32>
    %add3A_40 = arith.addf %mul3A_33, %add3A_39 : vector<2048x16xf32>
    %max3A_41 = arith.constant 0.000000e+00 : f32
    %max3A_42 = vector.broadcast %max3A_41 : f32 to vector<2048x16xf32>
    %max3A_43 = arith.maximumf %add3A_40, %max3A_42 : vector<2048x16xf32>
    %get3A_44 = arith.constant 0 : index
    %get3A_45 = arith.constant 0 : index
    %get3A_46 = vector.load %arg5[%get3A_44, %get3A_45] : memref<64x32xf32, #tpu.memory_space<vmem>>, vector<64x32xf32>
    %slice3A = vector.extract_strided_slice %get3A_46 {offsets = [0, 0], sizes = [64, 16], strides = [1, 1]} : vector<64x32xf32> to vector<64x16xf32>
    %transpose3A = tpu.transpose %slice3A, [1, 0] : vector<64x16xf32> -> vector<16x64xf32>
    %dot_general3A = arith.constant dense<0.000000e+00> : vector<2048x64xf32>
    %dot_general3A_47 = tpu.matmul %max3A_20, %transpose3A, %dot_general3A {dimension_numbers = #tpu.dot_dimension_numbers<[1], [0], [0], [1], [0, 0, 1, 1], [], []>, transpose_lhs_hint = false} : vector<2048x16xf32>, vector<16x64xf32>, vector<2048x64xf32> -> vector<2048x64xf32>
    %slice3A_48 = vector.extract_strided_slice %get3A_46 {offsets = [0, 16], sizes = [64, 16], strides = [1, 1]} : vector<64x32xf32> to vector<64x16xf32>
    %transpose3A_49 = tpu.transpose %slice3A_48, [1, 0] : vector<64x16xf32> -> vector<16x64xf32>
    %dot_general3A_50 = arith.constant dense<0.000000e+00> : vector<2048x64xf32>
    %dot_general3A_51 = tpu.matmul %max3A_43, %transpose3A_49, %dot_general3A_50 {dimension_numbers = #tpu.dot_dimension_numbers<[1], [0], [0], [1], [0, 0, 1, 1], [], []>, transpose_lhs_hint = false} : vector<2048x16xf32>, vector<16x64xf32>, vector<2048x64xf32> -> vector<2048x64xf32>
    %add3A_52 = arith.addf %dot_general3A_47, %dot_general3A_51 : vector<2048x64xf32>
    %slice3A_53 = vector.extract_strided_slice %add3A_52 {offsets = [0, 0], sizes = [2048, 16], strides = [1, 1]} : vector<2048x64xf32> to vector<2048x16xf32>
    %swap3A = arith.constant 0 : index
    %swap3A_54 = arith.constant 0 : index
    %swap3A_55 = arith.constant 0 : index
    %swap3A_56 = vector.load %arg8[%swap3A, %swap3A_54, %swap3A_55] : memref<4x2048x16xf32, #tpu.memory_space<vmem>>, vector<1x2048x16xf32>
    %swap3A_57 = vector.shape_cast %swap3A_56 : vector<1x2048x16xf32> to vector<2048x16xf32>
    %swap3A_58 = vector.shape_cast %slice3A_53 : vector<2048x16xf32> to vector<1x2048x16xf32>
    tpu.vector_store %arg8[%swap3A, %swap3A_54, %swap3A_55], %swap3A_58 {strides = array<i32>} : memref<4x2048x16xf32, #tpu.memory_space<vmem>>, vector<1x2048x16xf32>,
    %slice3A_59 = vector.extract_strided_slice %add3A_52 {offsets = [0, 16], sizes = [2048, 16], strides = [1, 1]} : vector<2048x64xf32> to vector<2048x16xf32>
    %swap3A_60 = arith.constant 1 : index
    %swap3A_61 = arith.constant 0 : index
    %swap3A_62 = arith.constant 0 : index
    %swap3A_63 = vector.load %arg8[%swap3A_60, %swap3A_61, %swap3A_62] : memref<4x2048x16xf32, #tpu.memory_space<vmem>>, vector<1x2048x16xf32>
    %swap3A_64 = vector.shape_cast %swap3A_63 : vector<1x2048x16xf32> to vector<2048x16xf32>
    %swap3A_65 = vector.shape_cast %slice3A_59 : vector<2048x16xf32> to vector<1x2048x16xf32>
    tpu.vector_store %arg8[%swap3A_60, %swap3A_61, %swap3A_62], %swap3A_65 {strides = array<i32>} : memref<4x2048x16xf32, #tpu.memory_space<vmem>>, vector<1x2048x16xf32>,
    %slice3A_66 = vector.extract_strided_slice %add3A_52 {offsets = [0, 32], sizes = [2048, 16], strides = [1, 1]} : vector<2048x64xf32> to vector<2048x16xf32>
    %swap3A_67 = arith.constant 2 : index
    %swap3A_68 = arith.constant 0 : index
    %swap3A_69 = arith.constant 0 : index
    %swap3A_70 = vector.load %arg8[%swap3A_67, %swap3A_68, %swap3A_69] : memref<4x2048x16xf32, #tpu.memory_space<vmem>>, vector<1x2048x16xf32>
    %swap3A_71 = vector.shape_cast %swap3A_70 : vector<1x2048x16xf32> to vector<2048x16xf32>
    %swap3A_72 = vector.shape_cast %slice3A_66 : vector<2048x16xf32> to vector<1x2048x16xf32>
    tpu.vector_store %arg8[%swap3A_67, %swap3A_68, %swap3A_69], %swap3A_72 {strides = array<i32>} : memref<4x2048x16xf32, #tpu.memory_space<vmem>>, vector<1x2048x16xf32>,
    %slice3A_73 = vector.extract_strided_slice %add3A_52 {offsets = [0, 48], sizes = [2048, 16], strides = [1, 1]} : vector<2048x64xf32> to vector<2048x16xf32>
    %swap3A_74 = arith.constant 3 : index
    %swap3A_75 = arith.constant 0 : index
    %swap3A_76 = arith.constant 0 : index
    %swap3A_77 = vector.load %arg8[%swap3A_74, %swap3A_75, %swap3A_76] : memref<4x2048x16xf32, #tpu.memory_space<vmem>>, vector<1x2048x16xf32>
    %swap3A_78 = vector.shape_cast %swap3A_77 : vector<1x2048x16xf32> to vector<2048x16xf32>
    %swap3A_79 = vector.shape_cast %slice3A_73 : vector<2048x16xf32> to vector<1x2048x16xf32>
    tpu.vector_store %arg8[%swap3A_74, %swap3A_75, %swap3A_76], %swap3A_79 {strides = array<i32>} : memref<4x2048x16xf32, #tpu.memory_space<vmem>>, vector<1x2048x16xf32>,
    %slice3A_80 = vector.extract_strided_slice %add3A_52 {offsets = [0, 0], sizes = [2048, 32], strides = [1, 1]} : vector<2048x64xf32> to vector<2048x32xf32>
    %get3A_81 = arith.constant 0 : index
    %get3A_82 = arith.constant 0 : index
    %get3A_83 = vector.load %arg6[%get3A_81, %get3A_82] : memref<2x32xf32, #tpu.memory_space<vmem>>, vector<1x32xf32>
    %get3A_84 = vector.shape_cast %get3A_83 : vector<1x32xf32> to vector<32xf32>
    %broadcast_in_dim3A_85 = vector.shape_cast %get3A_84 : vector<32xf32> to vector<1x32xf32>
    %mul3A_86 = vector.broadcast %broadcast_in_dim3A_85 : vector<1x32xf32> to vector<2048x32xf32>
    %mul3A_87 = arith.mulf %slice3A_80, %mul3A_86 : vector<2048x32xf32>
    %reduce_sum3A = arith.constant dense<0.000000e+00> : vector<2048xf32>
    %reduce_sum3A_88 = vector.multi_reduction <add>, %mul3A_87, %reduce_sum3A [1] : vector<2048x32xf32> to vector<2048xf32>
    %swap3A_89 = arith.constant 0 : index
    %swap3A_90 = arith.constant 0 : index
    %swap3A_91 = vector.load %arg9[%swap3A_89, %swap3A_90] : memref<2x2048xf32, #tpu.memory_space<vmem>>, vector<1x2048xf32>
    %swap3A_92 = vector.shape_cast %swap3A_91 : vector<1x2048xf32> to vector<2048xf32>
    %swap3A_93 = vector.shape_cast %reduce_sum3A_88 : vector<2048xf32> to vector<1x2048xf32>
    tpu.vector_store %arg9[%swap3A_89, %swap3A_90], %swap3A_93 {strides = array<i32>} : memref<2x2048xf32, #tpu.memory_space<vmem>>, vector<1x2048xf32>,
    %slice3A_94 = vector.extract_strided_slice %add3A_52 {offsets = [0, 32], sizes = [2048, 32], strides = [1, 1]} : vector<2048x64xf32> to vector<2048x32xf32>
    %get3A_95 = arith.constant 1 : index
    %get3A_96 = arith.constant 0 : index
    %get3A_97 = vector.load %arg6[%get3A_95, %get3A_96] : memref<2x32xf32, #tpu.memory_space<vmem>>, vector<1x32xf32>
    %get3A_98 = vector.shape_cast %get3A_97 : vector<1x32xf32> to vector<32xf32>
    %broadcast_in_dim3A_99 = vector.shape_cast %get3A_98 : vector<32xf32> to vector<1x32xf32>
    %mul3A_100 = vector.broadcast %broadcast_in_dim3A_99 : vector<1x32xf32> to vector<2048x32xf32>
    %mul3A_101 = arith.mulf %slice3A_94, %mul3A_100 : vector<2048x32xf32>
    %reduce_sum3A_102 = arith.constant dense<0.000000e+00> : vector<2048xf32>
    %reduce_sum3A_103 = vector.multi_reduction <add>, %mul3A_101, %reduce_sum3A_102 [1] : vector<2048x32xf32> to vector<2048xf32>
    %swap3A_104 = arith.constant 1 : index
    %swap3A_105 = arith.constant 0 : index
    %swap3A_106 = vector.load %arg9[%swap3A_104, %swap3A_105] : memref<2x2048xf32, #tpu.memory_space<vmem>>, vector<1x2048xf32>
    %swap3A_107 = vector.shape_cast %swap3A_106 : vector<1x2048xf32> to vector<2048xf32>
    %swap3A_108 = vector.shape_cast %reduce_sum3A_103 : vector<2048xf32> to vector<1x2048xf32>
    tpu.vector_store %arg9[%swap3A_104, %swap3A_105], %swap3A_108 {strides = array<i32>} : memref<2x2048xf32, #tpu.memory_space<vmem>>, vector<1x2048xf32>,
    %slice3A_109 = vector.extract_strided_slice %add3A_52 {offsets = [0, 0], sizes = [2048, 32], strides = [1, 1]} : vector<2048x64xf32> to vector<2048x32xf32>
    %get3A_110 = arith.constant 0 : index
    %get3A_111 = arith.constant 0 : index
    %get3A_112 = vector.load %arg7[%get3A_110, %get3A_111] : memref<2x32xf32, #tpu.memory_space<vmem>>, vector<1x32xf32>
    %get3A_113 = vector.shape_cast %get3A_112 : vector<1x32xf32> to vector<32xf32>
    %broadcast_in_dim3A_114 = vector.shape_cast %get3A_113 : vector<32xf32> to vector<1x32xf32>
    %mul3A_115 = vector.broadcast %broadcast_in_dim3A_114 : vector<1x32xf32> to vector<2048x32xf32>
    %mul3A_116 = arith.mulf %slice3A_109, %mul3A_115 : vector<2048x32xf32>
    %reduce_sum3A_117 = arith.constant dense<0.000000e+00> : vector<2048xf32>
    %reduce_sum3A_118 = vector.multi_reduction <add>, %mul3A_116, %reduce_sum3A_117 [1] : vector<2048x32xf32> to vector<2048xf32>
    %swap3A_119 = arith.constant 0 : index
    %swap3A_120 = arith.constant 0 : index
    %swap3A_121 = vector.load %arg10[%swap3A_119, %swap3A_120] : memref<2x2048xf32, #tpu.memory_space<vmem>>, vector<1x2048xf32>
    %swap3A_122 = vector.shape_cast %swap3A_121 : vector<1x2048xf32> to vector<2048xf32>
    %swap3A_123 = vector.shape_cast %reduce_sum3A_118 : vector<2048xf32> to vector<1x2048xf32>
    tpu.vector_store %arg10[%swap3A_119, %swap3A_120], %swap3A_123 {strides = array<i32>} : memref<2x2048xf32, #tpu.memory_space<vmem>>, vector<1x2048xf32>,
    %slice3A_124 = vector.extract_strided_slice %add3A_52 {offsets = [0, 32], sizes = [2048, 32], strides = [1, 1]} : vector<2048x64xf32> to vector<2048x32xf32>
    %get3A_125 = arith.constant 1 : index
    %get3A_126 = arith.constant 0 : index
    %get3A_127 = vector.load %arg7[%get3A_125, %get3A_126] : memref<2x32xf32, #tpu.memory_space<vmem>>, vector<1x32xf32>
    %get3A_128 = vector.shape_cast %get3A_127 : vector<1x32xf32> to vector<32xf32>
    %broadcast_in_dim3A_129 = vector.shape_cast %get3A_128 : vector<32xf32> to vector<1x32xf32>
    %mul3A_130 = vector.broadcast %broadcast_in_dim3A_129 : vector<1x32xf32> to vector<2048x32xf32>
    %mul3A_131 = arith.mulf %slice3A_124, %mul3A_130 : vector<2048x32xf32>
    %reduce_sum3A_132 = arith.constant dense<0.000000e+00> : vector<2048xf32>
    %reduce_sum3A_133 = vector.multi_reduction <add>, %mul3A_131, %reduce_sum3A_132 [1] : vector<2048x32xf32> to vector<2048xf32>
    %swap3A_134 = arith.constant 1 : index
    %swap3A_135 = arith.constant 0 : index
    %swap3A_136 = vector.load %arg10[%swap3A_134, %swap3A_135] : memref<2x2048xf32, #tpu.memory_space<vmem>>, vector<1x2048xf32>
    %swap3A_137 = vector.shape_cast %swap3A_136 : vector<1x2048xf32> to vector<2048xf32>
    %swap3A_138 = vector.shape_cast %reduce_sum3A_133 : vector<2048xf32> to vector<1x2048xf32>
    tpu.vector_store %arg10[%swap3A_134, %swap3A_135], %swap3A_138 {strides = array<i32>} : memref<2x2048xf32, #tpu.memory_space<vmem>>, vector<1x2048xf32>,
    return
  }
  func.func @transform_0(%arg0: i32) -> (i32, i32, i32) {
    %c0_i32 = arith.constant 0 : i32
    %c0_i32_0 = arith.constant 0 : i32
    %c0_i32_1 = arith.constant 0 : i32
    return %c0_i32, %arg0, %c0_i32_0 : i32, i32, i32
  }
  func.func @transform_1(%arg0: i32) -> (i32, i32, i32) {
    %c0_i32 = arith.constant 0 : i32
    %c0_i32_0 = arith.constant 0 : i32
    %c0_i32_1 = arith.constant 0 : i32
    return %c0_i32, %arg0, %c0_i32_0 : i32, i32, i32
  }
  func.func @transform_2(%arg0: i32) -> (i32, i32) {
    %c0_i32 = arith.constant 0 : i32
    %c0_i32_0 = arith.constant 0 : i32
    return %arg0, %c0_i32 : i32, i32
  }
  func.func @transform_3(%arg0: i32) -> (i32, i32) {
    %c0_i32 = arith.constant 0 : i32
    %c0_i32_0 = arith.constant 0 : i32
    %c0_i32_1 = arith.constant 0 : i32
    return %c0_i32, %c0_i32_0 : i32, i32
  }
  func.func @transform_4(%arg0: i32) -> (i32, i32) {
    %c0_i32 = arith.constant 0 : i32
    %c0_i32_0 = arith.constant 0 : i32
    %c0_i32_1 = arith.constant 0 : i32
    return %c0_i32, %c0_i32_0 : i32, i32
  }
  func.func @transform_5(%arg0: i32) -> (i32, i32) {
    %c0_i32 = arith.constant 0 : i32
    %c0_i32_0 = arith.constant 0 : i32
    %c0_i32_1 = arith.constant 0 : i32
    return %c0_i32, %c0_i32_0 : i32, i32
  }
  func.func @transform_6(%arg0: i32) -> (i32, i32) {
    %c0_i32 = arith.constant 0 : i32
    %c0_i32_0 = arith.constant 0 : i32
    %c0_i32_1 = arith.constant 0 : i32
    return %c0_i32, %c0_i32_0 : i32, i32
  }
  func.func @transform_7(%arg0: i32) -> (i32, i32, i32) {
    %c0_i32 = arith.constant 0 : i32
    %c0_i32_0 = arith.constant 0 : i32
    %c0_i32_1 = arith.constant 0 : i32
    return %c0_i32, %arg0, %c0_i32_0 : i32, i32, i32
  }
  func.func @transform_8(%arg0: i32) -> (i32, i32) {
    %c0_i32 = arith.constant 0 : i32
    %c0_i32_0 = arith.constant 0 : i32
    return %c0_i32, %arg0 : i32, i32
  }
  func.func @transform_9(%arg0: i32) -> (i32, i32) {
    %c0_i32 = arith.constant 0 : i32
    %c0_i32_0 = arith.constant 0 : i32
    return %c0_i32, %arg0 : i32, i32
  }
}

module attributes {stable_mosaic.version = 14 : i64} {
  func.func @_densum_body(%arg0: i32, %arg1: memref<2x16x112x128xf32, #tpu.memory_space<vmem>>, %arg2: memref<2x112x128xf32, #tpu.memory_space<vmem>>) attributes {dimension_semantics = [#tpu.dimension_semantics<arbitrary>], iteration_bounds = array<i64: 7>, scalar_prefetch = 0 : i64, scratch_operands = 0 : i64, tpu.core_type = #tpu.core_type<tc>, window_params = [{transform_indices = @transform_0, window_bounds = array<i64: 2, 16, 112, 128>}, {transform_indices = @transform_1, window_bounds = array<i64: 2, 112, 128>}]} {
    %get3A = arith.constant 0 : index
    %get3A_0 = arith.constant 0 : index
    %get3A_1 = arith.constant 0 : index
    %get3A_2 = arith.constant 0 : index
    %get3A_3 = vector.load %arg1[%get3A, %get3A_0, %get3A_1, %get3A_2] : memref<2x16x112x128xf32, #tpu.memory_space<vmem>>, vector<2x16x112x128xf32>
    %reduce_sum3A = arith.constant dense<0.000000e+00> : vector<2x112x128xf32>
    %reduce_sum3A_4 = vector.multi_reduction <add>, %get3A_3, %reduce_sum3A [1] : vector<2x16x112x128xf32> to vector<2x112x128xf32>
    %swap3A = arith.constant 0 : index
    %swap3A_5 = arith.constant 0 : index
    %swap3A_6 = arith.constant 0 : index
    %swap3A_7 = vector.load %arg2[%swap3A, %swap3A_5, %swap3A_6] : memref<2x112x128xf32, #tpu.memory_space<vmem>>, vector<2x112x128xf32>
    tpu.vector_store %arg2[%swap3A, %swap3A_5, %swap3A_6], %reduce_sum3A_4 {strides = array<i32>} : memref<2x112x128xf32, #tpu.memory_space<vmem>>, vector<2x112x128xf32>,
    return
  }
  func.func @transform_0(%arg0: i32) -> (i32, i32, i32, i32) {
    %c0_i32 = arith.constant 0 : i32
    %c0_i32_0 = arith.constant 0 : i32
    %c0_i32_1 = arith.constant 0 : i32
    %c0_i32_2 = arith.constant 0 : i32
    return %c0_i32, %c0_i32_0, %arg0, %c0_i32_1 : i32, i32, i32, i32
  }
  func.func @transform_1(%arg0: i32) -> (i32, i32, i32) {
    %c0_i32 = arith.constant 0 : i32
    %c0_i32_0 = arith.constant 0 : i32
    %c0_i32_1 = arith.constant 0 : i32
    return %c0_i32, %arg0, %c0_i32_0 : i32, i32, i32
  }
}

module attributes {stable_mosaic.version = 14 : i64} {
  func.func @_tc3_body(%arg0: i32, %arg1: memref<4x2048x16xf32, #tpu.memory_space<vmem>>, %arg2: memref<2x2048xf32, #tpu.memory_space<vmem>>, %arg3: memref<2x2048xf32, #tpu.memory_space<vmem>>, %arg4: memref<2x2048xf32, #tpu.memory_space<vmem>>, %arg5: memref<4x2048x16xf32, #tpu.memory_space<vmem>>, %arg6: memref<2x16xf32, #tpu.memory_space<vmem>>, %arg7: memref<2x16xf32, #tpu.memory_space<vmem>>, %arg8: memref<2048x1xf32, #tpu.memory_space<vmem>>, %arg9: memref<2048x1xf32, #tpu.memory_space<vmem>>) attributes {dimension_semantics = [#tpu.dimension_semantics<arbitrary>], iteration_bounds = array<i64: 49>, scalar_prefetch = 0 : i64, scratch_operands = 0 : i64, tpu.core_type = #tpu.core_type<tc>, window_params = [{transform_indices = @transform_0, window_bounds = array<i64: 4, 2048, 16>}, {transform_indices = @transform_1, window_bounds = array<i64: 2, 2048>}, {transform_indices = @transform_2, window_bounds = array<i64: 2, 2048>}, {transform_indices = @transform_3, window_bounds = array<i64: 2, 2048>}, {transform_indices = @transform_4, window_bounds = array<i64: 4, 2048, 16>}, {pipeline_mode = #tpu.pipeline_mode<synchronous>, transform_indices = @transform_5, window_bounds = array<i64: 2, 16>}, {pipeline_mode = #tpu.pipeline_mode<synchronous>, transform_indices = @transform_6, window_bounds = array<i64: 2, 16>}, {transform_indices = @transform_7, window_bounds = array<i64: 2048, 1>}, {transform_indices = @transform_8, window_bounds = array<i64: 2048, 1>}]} {
    %get3A = arith.constant 0 : index
    %get3A_0 = arith.constant 0 : index
    %get3A_1 = vector.load %arg3[%get3A, %get3A_0] : memref<2x2048xf32, #tpu.memory_space<vmem>>, vector<1x2048xf32>
    %get3A_2 = vector.shape_cast %get3A_1 : vector<1x2048xf32> to vector<2048xf32>
    %get3A_3 = arith.constant 0 : index
    %get3A_4 = arith.constant 0 : index
    %get3A_5 = vector.load %arg4[%get3A_3, %get3A_4] : memref<2x2048xf32, #tpu.memory_space<vmem>>, vector<1x2048xf32>
    %get3A_6 = vector.shape_cast %get3A_5 : vector<1x2048xf32> to vector<2048xf32>
    %add3A = arith.addf %get3A_2, %get3A_6 : vector<2048xf32>
    %get3A_7 = arith.constant 1 : index
    %get3A_8 = arith.constant 0 : index
    %get3A_9 = vector.load %arg3[%get3A_7, %get3A_8] : memref<2x2048xf32, #tpu.memory_space<vmem>>, vector<1x2048xf32>
    %get3A_10 = vector.shape_cast %get3A_9 : vector<1x2048xf32> to vector<2048xf32>
    %get3A_11 = arith.constant 1 : index
    %get3A_12 = arith.constant 0 : index
    %get3A_13 = vector.load %arg4[%get3A_11, %get3A_12] : memref<2x2048xf32, #tpu.memory_space<vmem>>, vector<1x2048xf32>
    %get3A_14 = vector.shape_cast %get3A_13 : vector<1x2048xf32> to vector<2048xf32>
    %add3A_15 = arith.addf %get3A_10, %get3A_14 : vector<2048xf32>
    %gt3A = arith.constant 0.000000e+00 : f32
    %gt3A_16 = vector.broadcast %gt3A : f32 to vector<2048xf32>
    %gt3A_17 = arith.cmpf ogt, %add3A, %gt3A_16 : vector<2048xf32>
    %mul3A = arith.constant 2.000000e-01 : f32
    %mul3A_18 = vector.broadcast %mul3A : f32 to vector<2048xf32>
    %mul3A_19 = arith.mulf %mul3A_18, %add3A : vector<2048xf32>
    %select_n3A = arith.select %gt3A_17, %add3A, %mul3A_19 : vector<2048xi1>, vector<2048xf32>
    %exp3A = math.exp %select_n3A : vector<2048xf32>
    %broadcast_in_dim3A = vector.shape_cast %exp3A : vector<2048xf32> to vector<2048x1xf32>
    %gt3A_20 = arith.constant 0.000000e+00 : f32
    %gt3A_21 = vector.broadcast %gt3A_20 : f32 to vector<2048xf32>
    %gt3A_22 = arith.cmpf ogt, %add3A_15, %gt3A_21 : vector<2048xf32>
    %mul3A_23 = arith.constant 2.000000e-01 : f32
    %mul3A_24 = vector.broadcast %mul3A_23 : f32 to vector<2048xf32>
    %mul3A_25 = arith.mulf %mul3A_24, %add3A_15 : vector<2048xf32>
    %select_n3A_26 = arith.select %gt3A_22, %add3A_15, %mul3A_25 : vector<2048xi1>, vector<2048xf32>
    %exp3A_27 = math.exp %select_n3A_26 : vector<2048xf32>
    %broadcast_in_dim3A_28 = vector.shape_cast %exp3A_27 : vector<2048xf32> to vector<2048x1xf32>
    %get3A_29 = arith.constant 0 : index
    %get3A_30 = arith.constant 0 : index
    %get3A_31 = vector.load %arg2[%get3A_29, %get3A_30] : memref<2x2048xf32, #tpu.memory_space<vmem>>, vector<1x2048xf32>
    %get3A_32 = vector.shape_cast %get3A_31 : vector<1x2048xf32> to vector<2048xf32>
    %squeeze3A = vector.shape_cast %broadcast_in_dim3A : vector<2048x1xf32> to vector<2048xf32>
    %add3A_33 = arith.addf %get3A_32, %squeeze3A : vector<2048xf32>
    %broadcast_in_dim3A_34 = vector.shape_cast %add3A_33 : vector<2048xf32> to vector<2048x1xf32>
    %add3A_35 = arith.constant 1.000000e-16 : f32
    %add3A_36 = vector.broadcast %add3A_35 : f32 to vector<2048x1xf32>
    %add3A_37 = arith.addf %broadcast_in_dim3A_34, %add3A_36 : vector<2048x1xf32>
    %get3A_38 = arith.constant 1 : index
    %get3A_39 = arith.constant 0 : index
    %get3A_40 = vector.load %arg2[%get3A_38, %get3A_39] : memref<2x2048xf32, #tpu.memory_space<vmem>>, vector<1x2048xf32>
    %get3A_41 = vector.shape_cast %get3A_40 : vector<1x2048xf32> to vector<2048xf32>
    %squeeze3A_42 = vector.shape_cast %broadcast_in_dim3A_28 : vector<2048x1xf32> to vector<2048xf32>
    %add3A_43 = arith.addf %get3A_41, %squeeze3A_42 : vector<2048xf32>
    %broadcast_in_dim3A_44 = vector.shape_cast %add3A_43 : vector<2048xf32> to vector<2048x1xf32>
    %add3A_45 = arith.constant 1.000000e-16 : f32
    %add3A_46 = vector.broadcast %add3A_45 : f32 to vector<2048x1xf32>
    %add3A_47 = arith.addf %broadcast_in_dim3A_44, %add3A_46 : vector<2048x1xf32>
    %get3A_48 = arith.constant 0 : index
    %get3A_49 = arith.constant 0 : index
    %get3A_50 = arith.constant 0 : index
    %get3A_51 = vector.load %arg1[%get3A_48, %get3A_49, %get3A_50] : memref<4x2048x16xf32, #tpu.memory_space<vmem>>, vector<1x2048x16xf32>
    %get3A_52 = vector.shape_cast %get3A_51 : vector<1x2048x16xf32> to vector<2048x16xf32>
    %get3A_53 = arith.constant 0 : index
    %get3A_54 = arith.constant 0 : index
    %get3A_55 = arith.constant 0 : index
    %get3A_56 = vector.load %arg5[%get3A_53, %get3A_54, %get3A_55] : memref<4x2048x16xf32, #tpu.memory_space<vmem>>, vector<1x2048x16xf32>
    %get3A_57 = vector.shape_cast %get3A_56 : vector<1x2048x16xf32> to vector<2048x16xf32>
    %mul3A_58 = vector.broadcast %broadcast_in_dim3A : vector<2048x1xf32> to vector<2048x16xf32>
    %mul3A_59 = arith.mulf %get3A_57, %mul3A_58 : vector<2048x16xf32>
    %add3A_60 = arith.addf %get3A_52, %mul3A_59 : vector<2048x16xf32>
    %div3A = vector.broadcast %add3A_37 : vector<2048x1xf32> to vector<2048x16xf32>
    %div3A_61 = arith.divf %add3A_60, %div3A : vector<2048x16xf32>
    %get3A_62 = arith.constant 1 : index
    %get3A_63 = arith.constant 0 : index
    %get3A_64 = arith.constant 0 : index
    %get3A_65 = vector.load %arg1[%get3A_62, %get3A_63, %get3A_64] : memref<4x2048x16xf32, #tpu.memory_space<vmem>>, vector<1x2048x16xf32>
    %get3A_66 = vector.shape_cast %get3A_65 : vector<1x2048x16xf32> to vector<2048x16xf32>
    %get3A_67 = arith.constant 1 : index
    %get3A_68 = arith.constant 0 : index
    %get3A_69 = arith.constant 0 : index
    %get3A_70 = vector.load %arg5[%get3A_67, %get3A_68, %get3A_69] : memref<4x2048x16xf32, #tpu.memory_space<vmem>>, vector<1x2048x16xf32>
    %get3A_71 = vector.shape_cast %get3A_70 : vector<1x2048x16xf32> to vector<2048x16xf32>
    %mul3A_72 = vector.broadcast %broadcast_in_dim3A : vector<2048x1xf32> to vector<2048x16xf32>
    %mul3A_73 = arith.mulf %get3A_71, %mul3A_72 : vector<2048x16xf32>
    %add3A_74 = arith.addf %get3A_66, %mul3A_73 : vector<2048x16xf32>
    %div3A_75 = vector.broadcast %add3A_37 : vector<2048x1xf32> to vector<2048x16xf32>
    %div3A_76 = arith.divf %add3A_74, %div3A_75 : vector<2048x16xf32>
    %get3A_77 = arith.constant 2 : index
    %get3A_78 = arith.constant 0 : index
    %get3A_79 = arith.constant 0 : index
    %get3A_80 = vector.load %arg1[%get3A_77, %get3A_78, %get3A_79] : memref<4x2048x16xf32, #tpu.memory_space<vmem>>, vector<1x2048x16xf32>
    %get3A_81 = vector.shape_cast %get3A_80 : vector<1x2048x16xf32> to vector<2048x16xf32>
    %get3A_82 = arith.constant 2 : index
    %get3A_83 = arith.constant 0 : index
    %get3A_84 = arith.constant 0 : index
    %get3A_85 = vector.load %arg5[%get3A_82, %get3A_83, %get3A_84] : memref<4x2048x16xf32, #tpu.memory_space<vmem>>, vector<1x2048x16xf32>
    %get3A_86 = vector.shape_cast %get3A_85 : vector<1x2048x16xf32> to vector<2048x16xf32>
    %mul3A_87 = vector.broadcast %broadcast_in_dim3A_28 : vector<2048x1xf32> to vector<2048x16xf32>
    %mul3A_88 = arith.mulf %get3A_86, %mul3A_87 : vector<2048x16xf32>
    %add3A_89 = arith.addf %get3A_81, %mul3A_88 : vector<2048x16xf32>
    %div3A_90 = vector.broadcast %add3A_47 : vector<2048x1xf32> to vector<2048x16xf32>
    %div3A_91 = arith.divf %add3A_89, %div3A_90 : vector<2048x16xf32>
    %get3A_92 = arith.constant 3 : index
    %get3A_93 = arith.constant 0 : index
    %get3A_94 = arith.constant 0 : index
    %get3A_95 = vector.load %arg1[%get3A_92, %get3A_93, %get3A_94] : memref<4x2048x16xf32, #tpu.memory_space<vmem>>, vector<1x2048x16xf32>
    %get3A_96 = vector.shape_cast %get3A_95 : vector<1x2048x16xf32> to vector<2048x16xf32>
    %get3A_97 = arith.constant 3 : index
    %get3A_98 = arith.constant 0 : index
    %get3A_99 = arith.constant 0 : index
    %get3A_100 = vector.load %arg5[%get3A_97, %get3A_98, %get3A_99] : memref<4x2048x16xf32, #tpu.memory_space<vmem>>, vector<1x2048x16xf32>
    %get3A_101 = vector.shape_cast %get3A_100 : vector<1x2048x16xf32> to vector<2048x16xf32>
    %mul3A_102 = vector.broadcast %broadcast_in_dim3A_28 : vector<2048x1xf32> to vector<2048x16xf32>
    %mul3A_103 = arith.mulf %get3A_101, %mul3A_102 : vector<2048x16xf32>
    %add3A_104 = arith.addf %get3A_96, %mul3A_103 : vector<2048x16xf32>
    %div3A_105 = vector.broadcast %add3A_47 : vector<2048x1xf32> to vector<2048x16xf32>
    %div3A_106 = arith.divf %add3A_104, %div3A_105 : vector<2048x16xf32>
    %add3A_107 = arith.addf %div3A_61, %div3A_91 : vector<2048x16xf32>
    %mul3A_108 = arith.constant 5.000000e-01 : f32
    %mul3A_109 = vector.broadcast %mul3A_108 : f32 to vector<2048x16xf32>
    %mul3A_110 = arith.mulf %mul3A_109, %add3A_107 : vector<2048x16xf32>
    %get3A_111 = arith.constant 0 : index
    %get3A_112 = arith.constant 0 : index
    %get3A_113 = vector.load %arg6[%get3A_111, %get3A_112] : memref<2x16xf32, #tpu.memory_space<vmem>>, vector<1x16xf32>
    %get3A_114 = vector.shape_cast %get3A_113 : vector<1x16xf32> to vector<16xf32>
    %broadcast_in_dim3A_115 = vector.shape_cast %get3A_114 : vector<16xf32> to vector<1x16xf32>
    %add3A_116 = vector.broadcast %broadcast_in_dim3A_115 : vector<1x16xf32> to vector<2048x16xf32>
    %add3A_117 = arith.addf %mul3A_110, %add3A_116 : vector<2048x16xf32>
    %max3A = arith.constant 0.000000e+00 : f32
    %max3A_118 = vector.broadcast %max3A : f32 to vector<2048x16xf32>
    %max3A_119 = arith.maximumf %add3A_117, %max3A_118 : vector<2048x16xf32>
    %add3A_120 = arith.addf %div3A_76, %div3A_106 : vector<2048x16xf32>
    %mul3A_121 = arith.constant 5.000000e-01 : f32
    %mul3A_122 = vector.broadcast %mul3A_121 : f32 to vector<2048x16xf32>
    %mul3A_123 = arith.mulf %mul3A_122, %add3A_120 : vector<2048x16xf32>
    %get3A_124 = arith.constant 1 : index
    %get3A_125 = arith.constant 0 : index
    %get3A_126 = vector.load %arg6[%get3A_124, %get3A_125] : memref<2x16xf32, #tpu.memory_space<vmem>>, vector<1x16xf32>
    %get3A_127 = vector.shape_cast %get3A_126 : vector<1x16xf32> to vector<16xf32>
    %broadcast_in_dim3A_128 = vector.shape_cast %get3A_127 : vector<16xf32> to vector<1x16xf32>
    %add3A_129 = vector.broadcast %broadcast_in_dim3A_128 : vector<1x16xf32> to vector<2048x16xf32>
    %add3A_130 = arith.addf %mul3A_123, %add3A_129 : vector<2048x16xf32>
    %max3A_131 = arith.constant 0.000000e+00 : f32
    %max3A_132 = vector.broadcast %max3A_131 : f32 to vector<2048x16xf32>
    %max3A_133 = arith.maximumf %add3A_130, %max3A_132 : vector<2048x16xf32>
    %get3A_134 = arith.constant 0 : index
    %get3A_135 = arith.constant 0 : index
    %get3A_136 = vector.load %arg7[%get3A_134, %get3A_135] : memref<2x16xf32, #tpu.memory_space<vmem>>, vector<1x16xf32>
    %get3A_137 = vector.shape_cast %get3A_136 : vector<1x16xf32> to vector<16xf32>
    %broadcast_in_dim3A_138 = vector.shape_cast %get3A_137 : vector<16xf32> to vector<1x16xf32>
    %mul3A_139 = vector.broadcast %broadcast_in_dim3A_138 : vector<1x16xf32> to vector<2048x16xf32>
    %mul3A_140 = arith.mulf %max3A_119, %mul3A_139 : vector<2048x16xf32>
    %reduce_sum3A = arith.constant dense<0.000000e+00> : vector<2048xf32>
    %reduce_sum3A_141 = vector.multi_reduction <add>, %mul3A_140, %reduce_sum3A [1] : vector<2048x16xf32> to vector<2048xf32>
    %get3A_142 = arith.constant 1 : index
    %get3A_143 = arith.constant 0 : index
    %get3A_144 = vector.load %arg7[%get3A_142, %get3A_143] : memref<2x16xf32, #tpu.memory_space<vmem>>, vector<1x16xf32>
    %get3A_145 = vector.shape_cast %get3A_144 : vector<1x16xf32> to vector<16xf32>
    %broadcast_in_dim3A_146 = vector.shape_cast %get3A_145 : vector<16xf32> to vector<1x16xf32>
    %mul3A_147 = vector.broadcast %broadcast_in_dim3A_146 : vector<1x16xf32> to vector<2048x16xf32>
    %mul3A_148 = arith.mulf %max3A_133, %mul3A_147 : vector<2048x16xf32>
    %reduce_sum3A_149 = arith.constant dense<0.000000e+00> : vector<2048xf32>
    %reduce_sum3A_150 = vector.multi_reduction <add>, %mul3A_148, %reduce_sum3A_149 [1] : vector<2048x16xf32> to vector<2048xf32>
    %add3A_151 = arith.addf %reduce_sum3A_141, %reduce_sum3A_150 : vector<2048xf32>
    %broadcast_in_dim3A_152 = vector.shape_cast %add3A_151 : vector<2048xf32> to vector<2048x1xf32>
    %get3A_153 = arith.constant 0 : index
    %get3A_154 = arith.constant 0 : index
    %get3A_155 = vector.load %arg8[%get3A_153, %get3A_154] : memref<2048x1xf32, #tpu.memory_space<vmem>>, vector<2048x1xf32>
    %mul3A_156 = arith.mulf %broadcast_in_dim3A_152, %get3A_155 : vector<2048x1xf32>
    %swap3A = arith.constant 0 : index
    %swap3A_157 = arith.constant 0 : index
    %swap3A_158 = vector.load %arg9[%swap3A, %swap3A_157] : memref<2048x1xf32, #tpu.memory_space<vmem>>, vector<2048x1xf32>
    tpu.vector_store %arg9[%swap3A, %swap3A_157], %mul3A_156 {strides = array<i32>} : memref<2048x1xf32, #tpu.memory_space<vmem>>, vector<2048x1xf32>,
    return
  }
  func.func @transform_0(%arg0: i32) -> (i32, i32, i32) {
    %c0_i32 = arith.constant 0 : i32
    %c0_i32_0 = arith.constant 0 : i32
    %c0_i32_1 = arith.constant 0 : i32
    return %c0_i32, %arg0, %c0_i32_0 : i32, i32, i32
  }
  func.func @transform_1(%arg0: i32) -> (i32, i32) {
    %c0_i32 = arith.constant 0 : i32
    %c0_i32_0 = arith.constant 0 : i32
    return %c0_i32, %arg0 : i32, i32
  }
  func.func @transform_2(%arg0: i32) -> (i32, i32) {
    %c0_i32 = arith.constant 0 : i32
    %c0_i32_0 = arith.constant 0 : i32
    return %c0_i32, %arg0 : i32, i32
  }
  func.func @transform_3(%arg0: i32) -> (i32, i32) {
    %c0_i32 = arith.constant 0 : i32
    %c0_i32_0 = arith.constant 0 : i32
    return %c0_i32, %arg0 : i32, i32
  }
  func.func @transform_4(%arg0: i32) -> (i32, i32, i32) {
    %c0_i32 = arith.constant 0 : i32
    %c0_i32_0 = arith.constant 0 : i32
    %c0_i32_1 = arith.constant 0 : i32
    return %c0_i32, %arg0, %c0_i32_0 : i32, i32, i32
  }
  func.func @transform_5(%arg0: i32) -> (i32, i32) {
    %c0_i32 = arith.constant 0 : i32
    %c0_i32_0 = arith.constant 0 : i32
    %c0_i32_1 = arith.constant 0 : i32
    return %c0_i32, %c0_i32_0 : i32, i32
  }
  func.func @transform_6(%arg0: i32) -> (i32, i32) {
    %c0_i32 = arith.constant 0 : i32
    %c0_i32_0 = arith.constant 0 : i32
    %c0_i32_1 = arith.constant 0 : i32
    return %c0_i32, %c0_i32_0 : i32, i32
  }
  func.func @transform_7(%arg0: i32) -> (i32, i32) {
    %c0_i32 = arith.constant 0 : i32
    %c0_i32_0 = arith.constant 0 : i32
    return %arg0, %c0_i32 : i32, i32
  }
  func.func @transform_8(%arg0: i32) -> (i32, i32) {
    %c0_i32 = arith.constant 0 : i32
    %c0_i32_0 = arith.constant 0 : i32
    return %arg0, %c0_i32 : i32, i32
  }
}

module attributes {stable_mosaic.version = 14 : i64} {
  func.func @_agg3sum_body(%arg0: i32, %arg1: memref<32x112x128xf32, #tpu.memory_space<vmem>>, %arg2: memref<112x128xf32, #tpu.memory_space<vmem>>) attributes {dimension_semantics = [#tpu.dimension_semantics<arbitrary>], iteration_bounds = array<i64: 7>, scalar_prefetch = 0 : i64, scratch_operands = 0 : i64, tpu.core_type = #tpu.core_type<tc>, window_params = [{transform_indices = @transform_0, window_bounds = array<i64: 32, 112, 128>}, {transform_indices = @transform_1, window_bounds = array<i64: 112, 128>}]} {
    %get3A = arith.constant 0 : index
    %get3A_0 = arith.constant 0 : index
    %get3A_1 = arith.constant 0 : index
    %get3A_2 = vector.load %arg1[%get3A, %get3A_0, %get3A_1] : memref<32x112x128xf32, #tpu.memory_space<vmem>>, vector<32x112x128xf32>
    %reduce_sum3A = arith.constant dense<0.000000e+00> : vector<112x128xf32>
    %reduce_sum3A_3 = vector.multi_reduction <add>, %get3A_2, %reduce_sum3A [0] : vector<32x112x128xf32> to vector<112x128xf32>
    %swap3A = arith.constant 0 : index
    %swap3A_4 = arith.constant 0 : index
    %swap3A_5 = vector.load %arg2[%swap3A, %swap3A_4] : memref<112x128xf32, #tpu.memory_space<vmem>>, vector<112x128xf32>
    tpu.vector_store %arg2[%swap3A, %swap3A_4], %reduce_sum3A_3 {strides = array<i32>} : memref<112x128xf32, #tpu.memory_space<vmem>>, vector<112x128xf32>,
    return
  }
  func.func @transform_0(%arg0: i32) -> (i32, i32, i32) {
    %c0_i32 = arith.constant 0 : i32
    %c0_i32_0 = arith.constant 0 : i32
    %c0_i32_1 = arith.constant 0 : i32
    return %c0_i32, %arg0, %c0_i32_0 : i32, i32, i32
  }
  func.func @transform_1(%arg0: i32) -> (i32, i32) {
    %c0_i32 = arith.constant 0 : i32
    %c0_i32_0 = arith.constant 0 : i32
    return %arg0, %c0_i32 : i32, i32
  }
}

module attributes {stable_mosaic.version = 14 : i64} {
  func.func @_tc4_body(%arg0: i32, %arg1: memref<2048x1xf32, #tpu.memory_space<vmem>>, %arg2: memref<2048x1xf32, #tpu.memory_space<vmem>>, %arg3: memref<2048x1xf32, #tpu.memory_space<vmem>>, %arg4: memref<1xf32, #tpu.memory_space<vmem>>, %arg5: memref<2048x1xf32, #tpu.memory_space<vmem>>) attributes {dimension_semantics = [#tpu.dimension_semantics<arbitrary>], iteration_bounds = array<i64: 49>, scalar_prefetch = 0 : i64, scratch_operands = 0 : i64, tpu.core_type = #tpu.core_type<tc>, window_params = [{transform_indices = @transform_0, window_bounds = array<i64: 2048, 1>}, {transform_indices = @transform_1, window_bounds = array<i64: 2048, 1>}, {transform_indices = @transform_2, window_bounds = array<i64: 2048, 1>}, {pipeline_mode = #tpu.pipeline_mode<synchronous>, transform_indices = @transform_3, window_bounds = array<i64: 1>}, {transform_indices = @transform_4, window_bounds = array<i64: 2048, 1>}]} {
    %get3A = arith.constant 0 : index
    %get3A_0 = arith.constant 0 : index
    %get3A_1 = vector.load %arg3[%get3A, %get3A_0] : memref<2048x1xf32, #tpu.memory_space<vmem>>, vector<2048x1xf32>
    %get3A_2 = arith.constant 0 : index
    %get3A_3 = arith.constant 0 : index
    %get3A_4 = vector.load %arg1[%get3A_2, %get3A_3] : memref<2048x1xf32, #tpu.memory_space<vmem>>, vector<2048x1xf32>
    %get3A_5 = arith.constant 0 : index
    %get3A_6 = arith.constant 0 : index
    %get3A_7 = vector.load %arg2[%get3A_5, %get3A_6] : memref<2048x1xf32, #tpu.memory_space<vmem>>, vector<2048x1xf32>
    %add3A = arith.addf %get3A_4, %get3A_7 : vector<2048x1xf32>
    %mul3A = arith.mulf %get3A_1, %add3A : vector<2048x1xf32>
    %get3A_8 = arith.constant 0 : index
    %get3A_9 = vector.load %arg4[%get3A_8] : memref<1xf32, #tpu.memory_space<vmem>>, vector<1xf32>
    %broadcast_in_dim3A = vector.shape_cast %get3A_9 : vector<1xf32> to vector<1x1xf32>
    %add3A_10 = vector.broadcast %broadcast_in_dim3A : vector<1x1xf32> to vector<2048x1xf32>
    %add3A_11 = arith.addf %mul3A, %add3A_10 : vector<2048x1xf32>
    %swap3A = arith.constant 0 : index
    %swap3A_12 = arith.constant 0 : index
    %swap3A_13 = vector.load %arg5[%swap3A, %swap3A_12] : memref<2048x1xf32, #tpu.memory_space<vmem>>, vector<2048x1xf32>
    tpu.vector_store %arg5[%swap3A, %swap3A_12], %add3A_11 {strides = array<i32>} : memref<2048x1xf32, #tpu.memory_space<vmem>>, vector<2048x1xf32>,
    return
  }
  func.func @transform_0(%arg0: i32) -> (i32, i32) {
    %c0_i32 = arith.constant 0 : i32
    %c0_i32_0 = arith.constant 0 : i32
    return %arg0, %c0_i32 : i32, i32
  }
  func.func @transform_1(%arg0: i32) -> (i32, i32) {
    %c0_i32 = arith.constant 0 : i32
    %c0_i32_0 = arith.constant 0 : i32
    return %arg0, %c0_i32 : i32, i32
  }
  func.func @transform_2(%arg0: i32) -> (i32, i32) {
    %c0_i32 = arith.constant 0 : i32
    %c0_i32_0 = arith.constant 0 : i32
    return %arg0, %c0_i32 : i32, i32
  }
  func.func @transform_3(%arg0: i32) -> i32 {
    %c0_i32 = arith.constant 0 : i32
    %c0_i32_0 = arith.constant 0 : i32
    return %c0_i32 : i32
  }
  func.func @transform_4(%arg0: i32) -> (i32, i32) {
    %c0_i32 = arith.constant 0 : i32
    %c0_i32_0 = arith.constant 0 : i32
    return %arg0, %c0_i32 : i32, i32
  }
}

</mosaic_0001>

<sc_bundles>
// kernel: kernel.14.cloned.1.call-start
scs
__scs_entry_jumppad:
0x0: {  	(pc) =	sbr.rel $0x88, $3  }
0x1: {  	(tag) =	ssettag $0x0;
	lr =	simm.s32 $0x1  }
0x2: {  	[smem:$0x3F97] =	sst lr;
	_ =	strace $0xD0000000  }
0x3: {  	_ = 	snop  }
0x4: {  	_ = 	snop  }
0x5: {  	_ = 	snop  }
0x6: {  	_ = 	snop  }
0x7: {  	_ = 	snop  }
__scs_overlays_trampoline_lowered:
0x8: {  	[smem:$0x3FA6] =	sst s0  }
0x9: {  	[smem:$0x3FA7] =	sst s1  }
0xa: {  	[smem:$0x3FA8] =	sst s2  }
0xb: {  	[smem:$0x3FA9] =	sst s3  }
0xc: {  	[smem:$0x3FAA] =	sst s4  }
0xd: {  	[smem:$0x3FAB] =	sst s5  }
0xe: {  	[smem:$0x3FAC] =	sst s6  }
0xf: {  	[smem:$0x3FAD] =	sst s7  }
0x10: {  	[smem:$0x3FAE] =	sst s8  }
0x11: {  	[smem:$0x3FAF] =	sst s9;
	s0 =	simm.s32 @!p0 $0x0  }
0x12: {  	s1 =	sld [smem:$0x3F95];
	s0 =	simm.s32 @p0 $0x1  }
0x13: {  	[smem:$0x3FB0] =	sst s0;
	s0 =	simm.s32 @!p1 $0x0  }
0x14: {  	s2 =	sld [smem:$0x3F94];
	s0 =	simm.s32 @p1 $0x1  }
0x15: {  	[smem:$0x3FB1] =	sst s0;
	s0 =	simm.s32 @!p2 $0x0  }
0x16: {  	s3 =	sld [smem:$0x3FDB];
	s0 =	simm.s32 @p2 $0x1  }
0x17: {  	s4 =	simm.s32 $0x1BF5;
	[smem:$0x3FB3] =	sst s0  }
0x18: {  	s0 =	sld [smem:$0x3F96];
	_ =	swait.ge [sflag:s4], $0x0  }
0x19: {  	s7 =	sld [smem:$0x3F97]  }
0x1a: {  	s8 =	sadd.s32 $0xFFFFE003, lr  }
0x1b: {  	s9 =	sadd.s32 $0xFFFFFEF7, lr;
	s5 =	simm.s32 $0xFFFFFFFF;
	p2 =	slt.u32 s8, $0xFFFFF086  }
0x1c: {  	p1 =	slt.u32 s9, $0xF7A;
	s5 =	simm.s32 @!p2 $0x0  }
0x1d: {  	s5 =	simm.s32 @p1 $0x1;
	p0 =	seq.s32 s7, s2  }
0x1e: {  	s7 =	smul.u32 @!p0 $0xF7A, s2;
	p2 =	seq.s32 @!p0 s5, $0x0  }
0x1f: {  	s9 =	smul.u32 $0xF7A, s1;
	s8 =	simm.s32 @!p0 $0x1BF5;
	p2 =	por !p2, p0  }
0x20: {  	[sflag:s8] =	ssyncset.s32 @!p0 $0xFFFFF086;
	s6 =	sadd.s32 @!p0 s3, s7;
	s7 =	simm.s32 @!p0 $0x108  }
0x21: {  	s3 =	sadd.s32 s3, s9;
	s6 =	sadd.s32 @!p0 $0x88, s6;
	s7 =	simm.s32 @p2 $0x1082  }
0x22: {  	[simem:s7], [sflag:s8] =	dma.local @!p0 [hbm:s6], $0xF7A  }
0x23: {  	s9 =	sor.u32 $0xD0000000, s2;
	s6 =	simm.s32 $0x108;
	_ =	swait.ge @!p0 [sflag:s8], $0x0  }
0x24: {  	s3 =	sadd.s32 $0x88, s3;
	s6 =	simm.s32 @!p1 $0x1082;
	[sflag:s4] =	ssyncset.s32 $0xFFFFF086  }
0x25: {  	[simem:s6], [sflag:s4] =	dma.local [hbm:s3], $0xF7A  }
0x26: {  	[smem:$0x3F97] =	sst s1;
	(tag) =	ssettag s2;
	_ =	strace s9  }
0x27: {  	s1 =	sld [smem:$0x3FA7]  }
0x28: {  	s2 =	sld [smem:$0x3FA8]  }
0x29: {  	s4 =	sld [smem:$0x3FAA]  }
0x2a: {  	p0 =	seq.s32 s5, $0x0;
	s5 =	sld [smem:$0x3FAB]  }
0x2b: {  	s6 =	sld [smem:$0x3FAC]  }
0x2c: {  	s7 =	sld [smem:$0x3FAD]  }
0x2d: {  	s3 =	simm.s32 $0x108;
	s8 =	sld [smem:$0x3FAE]  }
0x2e: {  	s3 =	simm.s32 @!p0 $0x1082;
	s9 =	sld [smem:$0x3FAF]  }
0x2f: {  	lr =	sadd.s32 s0, s3;
	s0 =	sld [smem:$0x3FA6]  }
0x30: {  	s3 =	sld [smem:$0x3FA9]  }
0x31: {  	[smem:$0x3FB2] =	sst s10  }
0x32: {  	s10 =	sld [smem:$0x3FB0];
	_ =	sdelay $0x3  }
0x33: {  	p0 =	seq.s32 s10, $0x1;
	s10 =	sld [smem:$0x3FB2];
	_ =	sdelay $0x3  }
0x34: {  	[smem:$0x3FB2] =	sst s10  }
0x35: {  	s10 =	sld [smem:$0x3FB1];
	_ =	sdelay $0x3  }
0x36: {  	p1 =	seq.s32 s10, $0x1;
	s10 =	sld [smem:$0x3FB2];
	_ =	sdelay $0x3  }
0x37: {  	[smem:$0x3FB2] =	sst s10  }
0x38: {  	s10 =	sld [smem:$0x3FB3]  }
0x39: {  	_ = 	snop;
	(pc) =	sbr.ind lr, $3  }
0x3a: {  	_ = 	snop  }
0x3b: {  	_ = 	snop  }
0x3c: {  	p2 =	seq.s32 s10, $0x1;
	s10 =	sld [smem:$0x3FB2]  }
0x3d: {  	_ =	shalt  }
0x3e: {  	_ =	shalt  }
0x3f: {  	_ =	shalt  }
0x40: {  	_ =	shalt  }
0x41: {  	_ =	shalt  }
0x42: {  	_ =	shalt  }
0x43: {  	_ =	shalt  }
0x44: {  	_ =	shalt  }
0x45: {  	_ =	shalt  }
0x46: {  	_ =	shalt  }
0x47: {  	_ =	shalt  }
0x48: {  	_ =	shalt  }
0x49: {  	_ =	shalt  }
0x4a: {  	_ =	shalt  }
0x4b: {  	_ =	shalt  }
0x4c: {  	_ =	shalt  }
0x4d: {  	_ =	shalt  }
0x4e: {  	_ =	shalt  }
0x4f: {  	_ =	shalt  }
0x50: {  	_ =	shalt  }
0x51: {  	_ =	shalt  }
0x52: {  	_ =	shalt  }
0x53: {  	_ =	shalt  }
0x54: {  	_ =	shalt  }
0x55: {  	_ =	shalt  }
0x56: {  	_ =	shalt  }
0x57: {  	_ =	shalt  }
0x58: {  	_ =	shalt  }
0x59: {  	_ =	shalt  }
0x5a: {  	_ =	shalt  }
0x5b: {  	_ =	shalt  }
0x5c: {  	_ =	shalt  }
0x5d: {  	_ =	shalt  }
0x5e: {  	_ =	shalt  }
0x5f: {  	_ =	shalt  }
0x60: {  	_ =	shalt  }
0x61: {  	_ =	shalt  }
0x62: {  	_ =	shalt  }
0x63: {  	_ =	shalt  }
0x64: {  	_ =	shalt  }
0x65: {  	_ =	shalt  }
0x66: {  	_ =	shalt  }
0x67: {  	_ =	shalt  }
0x68: {  	_ =	shalt  }
0x69: {  	_ =	shalt  }
0x6a: {  	_ =	shalt  }
0x6b: {  	_ =	shalt  }
0x6c: {  	_ =	shalt  }
0x6d: {  	_ =	shalt  }
0x6e: {  	_ =	shalt  }
0x6f: {  	_ =	shalt  }
0x70: {  	_ =	shalt  }
0x71: {  	_ =	shalt  }
0x72: {  	_ =	shalt  }
0x73: {  	_ =	shalt  }
0x74: {  	_ =	shalt  }
0x75: {  	_ =	shalt  }
0x76: {  	_ =	shalt  }
0x77: {  	_ =	shalt  }
0x78: {  	_ =	shalt  }
0x79: {  	_ =	shalt  }
0x7a: {  	_ =	shalt  }
0x7b: {  	_ =	shalt  }
0x7c: {  	_ =	shalt  }
0x7d: {  	_ =	shalt  }
0x7e: {  	_ =	shalt  }
0x7f: {  	_ =	shalt  }
0x80: {  	_ =	shalt  }
0x81: {  	_ =	shalt  }
0x82: {  	_ =	shalt  }
0x83: {  	_ =	shalt  }
0x84: {  	_ =	shalt  }
0x85: {  	_ =	shalt  }
0x86: {  	_ =	shalt  }
0x87: {  	_ =	shalt  }
.Lfunc_end0:
.L_simem_size_0:
called_computation_lowered:
.L_overlay_start_0:
0x88: {  	s2 =	sld [smem:$0x3FD9]  }
0x89: {  	s3 =	sld [smem:$0x3FFE];
	_ =	sdelay $0x1  }
0x8a: {  	s1 =	srdreg.scid  }
0x8b: {  	s0 =	sand.u32 $0x1, s1  }
0x8c: {  	s16 =	sshll.u32 s0, $0xA;
	s2 =	sadd.s32 s3, s2  }
0x8d: {  	s2 =	sadd.s32 s2, s16  }
0x8e: {  	[smem:$0x3FBE] =	sst s2  }
0x8f: {  	_ = 	snop  }
0x90: {  	(tm) =	ssettm $0x1  }
0x91: {  	s17 =	sld [smem:$0x3FFB];
	_ =	sdelay $0x3  }
0x92: {  	_ =	strace s17  }
0x93: {  	s2 =	sld [smem:$0x3FFC];
	_ =	sdelay $0x3  }
0x94: {  	_ =	strace s2  }
0x95: {  	s2 =	sld [smem:$0x3FFD];
	_ =	sdelay $0x3  }
0x96: {  	_ =	strace s2  }
0x97: {  	_ =	strace $0x8FFFFFFF  }
0x98: {  	s18 =	sld [smem:$0x3FDB];
	_ =	sdelay $0x1  }
0x99: {  	s19 =	simm.s32 $_scs_section_size  }
0x9a: {  	s4 =	simm.s32 $_size__tile_overlayer_lowered;
	s5 =	simm.s32 $_tile_overlayer_lowered  }
0x9b: {  	s22 =	simm.s32 $0x1BFF;
	s21 =	sshll.u32 s5, $0x1;
	s2 =	sadd.s32 s19, s18  }
0x9c: {  	s6 =	simm.s32 $0x0;
	s20 =	sshll.u32 s4, $0x1;
	s4 =	sadd.s32 s21, s2  }
0x9d: {  	[timem:s6], [sflag:s22] =	dma.local [hbm:s4], s20  }
0x9e: {  	_ =	swait.ge [sflag:s22], s20  }
0x9f: {  	s3 =	ssub.s32 $0x0, s20;
	[sflag:s22] =	ssyncset.done $0x0  }
0xa0: {  	[sflag:s22] =	ssyncadd.s32 s3;
	_ =	sdelay $0x1  }
0xa1: {  	s23 =	simm.s32 $0x1B8B  }
0xa2: {  	_ =	swait.ge [sflag:s23], $0x1  }
0xa3: {  	[sflag:s23] =	ssyncset.done $0x0  }
0xa4: {  	s25 =	simm.s32 $0x1B8E;
	s24 =	sld [smem:$0x3FFE];
	[sflag:s23] =	ssyncadd.s32 $0xFFFFFFFF  }
0xa5: {  	s26 =	simm.s32 $execute0_lowered;
	[smem:$0x3FD2] =	sst s25  }
0xa6: {  	s4 =	sshll.u32 s26, $0x1;
	_ =	strace $0x80000046;
	[dreg:$0x1] =	wrdreg $0xFFFFFFFF  }
0xa7: {  	s28 =	simm.s32 $_size_execute0_lowered;
	s2 =	sadd.s32 s2, s4;
	[dreg:$0x0] =	wrdreg $0x0  }
0xa8: {  	s4 =	sshll.u32 s28, $0x1;
	[dreg:$0x2] =	wrdreg s2  }
0xa9: {  	[dreg:$0x3] =	wrdreg s4  }
0xaa: {  	[dreg:$0x4] =	wrdreg $0xC0  }
0xab: {  	_ =	task [dreg:s6], $0x5FFFF  }
0xac: {  	[dreg:$0x1] =	wrdreg $0xFFFFFFFF  }
0xad: {  	[dreg:$0x0] =	wrdreg $0x60  }
0xae: {  	[dreg:$0x2] =	wrdreg s24  }
0xaf: {  	[dreg:$0x3] =	wrdreg $0x9  }
0xb0: {  	_ =	task.clear_ibuf [dreg:s6], $0x4FFFF;
	_ =	strace $0x90000046  }
0xb1: {  	s29 =	simm.s32 $0x9;
	_ =	strace $0x80000048  }
0xb2: {  	_ =	swait.ge [sflag:s29], $0x1  }
0xb3: {  	[sflag:s29] =	ssyncadd.s32 $0xFFFFFFFF  }
0xb4: {  	_ =	strace $0x90000048  }
0xb5: {  	_ =	sfence  }
0xb6: {  	s30 =	sld [smem:$0x0];
	_ =	sdelay $0x2  }
0xb7: {  	s31 =	sshll.u32 s1, $0xD;
	s1 =	sshrl.u32 s1, $0x2  }
0xb8: {  	s3 =	sand.u32 $0x4000, s31;
	s1 =	sadd.s32 s1, s30  }
0xb9: {  	s0 =	sor.u32 s3, s0;
	s1 =	sshll.u32 s1, $0x11  }
0xba: {  	s0 =	sor.u32 s1, s0  }
0xbb: {  	s0 =	sadd.s32 $0x8F2B, s0  }
0xbc: {  	[sflag:s0] =	ssyncadd.remote.s32 $0x1  }
0xbd: {  	_ =	sfence.sel $0xFFFF  }
0xbe: {  	[dreg:$0x0] =	wrdreg $0xFFFFFFFF;
	(pc) =	sbr.abs _section_cstart, $3  }
0xbf: {  	[dreg:$0x1] =	wrdreg $0xFFFFFFFF  }
0xc0: {  	_ =	task.clear_ibuf [dreg:s6], $0x2FFFF;
	_ =	strace $0x9FFFFFFF  }
0xc1: {  	(tm) =	ssettm $0x7FFFFFFF  }
tec
execute0_lowered:
.L_overlay_start_1:
0x0: {  	(tag) =	ssettag $0x1  }
0x1: {  	s4 =	rddreg [dreg:$0x0];
	s1 =	srdreg.scid  }
0x2: {  	s0 =	rddreg [dreg:$0x1];
	s5 =	sand.u32 $0x1, s1  }
0x3: {  	s2 =	simm.s32 $0x0;
	s1 =	stileid.u32;
	s6 =	smul.u32 $0x188000, s5  }
0x4: {  	s9 =	simm.s32 $0x0;
	[smem:$0x7FF] =	sst s2;
	s7 =	smul.u32 $0x18800, s1  }
0x5: {  	s3 =	sadd.s32 $0x32A00, s4;
	_ =	strace $0x80000047;
	s30 =	ssub.s32 $0x2, s5  }
0x6: {  	s5 =	sshll.u32 s5, $0x4;
	s8 =	sshrl.u32 s30, $0x1;
	s6 =	sadd.s32 s7, s6  }
0x7: {  	s31 =	sor.u32 s1, s5;
	s7 =	ssub.s32 s30, s8;
	s6 =	sshrl.u32 s6, $0x3  }
0x8: {  	s8 =	simm.s32 $0x1;
	s6 =	sadd.s32 s6, s4;
	s4 =	smul.u32 $0xC350, s31  }
0x9: {  	v0 =	vimm.f32 $0.0e+00;
	v1 =	vimm.f32 $1.000000000e+00;
	s5 =	sadd.s32 $0x63800, s6;
	s6 =	smax.u32 s7, $0x1;
	s7 =	simm.s32 $0x18800  }
.LBB2_1:
0xa: {  	s10 =	simm.s32 $0x80  }
0xb: {  	[tilespmem:s10+$0xFFFFFF80] =	vst v0  }
0xc: {  	[tilespmem:s10+$0x70] =	vst v0  }
0xd: {  	[tilespmem:s10+$0x60] =	vst v0  }
0xe: {  	[tilespmem:s10+$0x50] =	vst v0  }
0xf: {  	[tilespmem:s10+$0x40] =	vst v0  }
0x10: {  	[tilespmem:s10+$0x30] =	vst v0  }
0x11: {  	[tilespmem:s10+$0x20] =	vst v0  }
0x12: {  	[tilespmem:s10+$0x10] =	vst v0  }
0x13: {  	[tilespmem:s10+$0x0] =	vst v0  }
0x14: {  	[tilespmem:s10+$0xFFFFFFF0] =	vst v0  }
0x15: {  	[tilespmem:s10+$0xFFFFFFE0] =	vst v0  }
0x16: {  	[tilespmem:s10+$0xFFFFFFD0] =	vst v0  }
0x17: {  	[tilespmem:s10+$0xFFFFFFC0] =	vst v0  }
0x18: {  	[tilespmem:s10+$0xFFFFFFB0] =	vst v0  }
0x19: {  	s11 =	simm.s32 $0x0;
	[tilespmem:s10+$0xFFFFFFA0] =	vst v0  }
.LBB2_2:
0x1a: {  	s11 =	sadd.s32 $0x2, s11;
	[tilespmem:s10+$0xFFFFFF90] =	vst v0;
	s10 =	sadd.s32 $0x100, s10  }
0x1b: {  	[tilespmem:s10+$0xFFFFFF80] =	vst v0;
	p0 =	slt.u32 s11, $0x30E  }
0x1c: {  	[tilespmem:s10+$0x70] =	vst v0  }
0x1d: {  	[tilespmem:s10+$0x60] =	vst v0  }
0x1e: {  	[tilespmem:s10+$0x50] =	vst v0  }
0x1f: {  	[tilespmem:s10+$0x40] =	vst v0  }
0x20: {  	[tilespmem:s10+$0x30] =	vst v0  }
0x21: {  	[tilespmem:s10+$0x20] =	vst v0  }
0x22: {  	[tilespmem:s10+$0x10] =	vst v0  }
0x23: {  	[tilespmem:s10+$0x0] =	vst v0  }
0x24: {  	[tilespmem:s10+$0xFFFFFFF0] =	vst v0  }
.Ltmp0:
0x25: {  	[tilespmem:s10+$0xFFFFFFE0] =	vst v0;
	(pc) =	sbr.rel @p0 .LBB2_2-.Ltmp0, $4  }
0x26: {  	[tilespmem:s10+$0xFFFFFFD0] =	vst v0  }
0x27: {  	[tilespmem:s10+$0xFFFFFFC0] =	vst v0  }
0x28: {  	[tilespmem:s10+$0xFFFFFFB0] =	vst v0  }
0x29: {  	[tilespmem:s10+$0xFFFFFFA0] =	vst v0  }
0x2a: {  	[tilespmem:s10+$0xFFFFFF90] =	vst v0;
	s10 =	simm.s32 $0x0  }
.LBB2_4:
0x2b: {  	s11 =	smul.u32 $0x7D0, s10;
	_ =	sdelay $0x1  }
0x2c: {  	s11 =	sadd.s32 s4, s11  }
0x2d: {  	s11 =	sshrl.u32 s11, $0x3  }
0x2e: {  	s11 =	sadd.s32 s3, s11  }
0x2f: {  	[tilespmem:s7], [sflag:$0x1] =	stream.linear.gather [hbm4b:s11+s2], $0x7D0, $0x38;
	[tilespmem:$0x19000] =	vst v63  }
0x30: {  	_ =	swait.ge [sflag:s8], $0x7D0  }
0x31: {  	[sflag:s8] =	ssyncset.done $0x0  }
0x32: {  	s12 =	simm.s32 $0x18820;
	s11 =	simm.s32 $0xFFFFFFFC;
	[sflag:s8] =	ssyncadd.s32 $0xFFFFF830  }
.LBB2_5:
0x33: {  	v2 =	vld [tilespmem:s12+$0xFFFFFFE0];
	_ =	sdelay $0x7  }
0x34: {  	[tilespmem:v2+s2+$0x0] =	vst.idx.add.f32.msk $0xffff, v1  }
0x35: {  	v2 =	vld [tilespmem:s12+$0xFFFFFFF0];
	_ =	sdelay $0x7  }
0x36: {  	[tilespmem:v2+s2+$0x0] =	vst.idx.add.f32.msk $0xffff, v1  }
0x37: {  	v2 =	vld [tilespmem:s12+$0x0];
	_ =	sdelay $0x7  }
0x38: {  	[tilespmem:v2+s2+$0x0] =	vst.idx.add.f32.msk $0xffff, v1  }
0x39: {  	v2 =	vld [tilespmem:s12+$0x10];
	_ =	sdelay $0x1  }
0x3a: {  	s11 =	sadd.s32 $0x4, s11  }
0x3b: {  	p0 =	slt.u32 s11, $0x78  }
.Ltmp1:
0x3c: {  	_ = 	snop;
	(pc) =	sbr.rel @p0 .LBB2_5-.Ltmp1, $2  }
0x3d: {  	_ =	sdelay $0x2  }
0x3e: {  	s12 =	sadd.s32 $0x40, s12;
	[tilespmem:v2+s2+$0x0] =	vst.idx.add.f32.msk $0xffff, v1  }
0x3f: {  	v2 =	vld [tilespmem:$0x18FC0];
	_ =	sdelay $0x1  }
0x40: {  	s10 =	sadd.s32 $0x1, s10  }
0x41: {  	p0 =	sne.s32 s10, $0x19  }
.Ltmp2:
0x42: {  	_ = 	snop;
	(pc) =	sbr.rel @p0 .LBB2_4-.Ltmp2, $2  }
0x43: {  	_ =	sdelay $0x2  }
0x44: {  	[tilespmem:v2+s2+$0x0] =	vst.idx.add.f32.msk $0xffff, v1  }
0x45: {  	s9 =	sadd.s32 $0x1, s9  }
0x46: {  	p0 =	sne.s32 s9, s6  }
.Ltmp3:
0x47: {  	_ = 	snop;
	(pc) =	sbr.rel @p0 .LBB2_1-.Ltmp3, $4  }
0x48: {  	[hbm4b:s5+s2] =	stream.linear.scatter [tilespmem:s2], [sflag:$0x1], $0x18800, $0x38;
	[tilespmem:$0x19000] =	vst v63  }
0x49: {  	_ =	swait.ge [sflag:s8], $0x18800  }
0x4a: {  	[sflag:s8] =	ssyncset.done $0x0  }
0x4b: {  	[sflag:s8] =	ssyncadd.s32 $0xFFFE7800  }
0x4c: {  	_ =	sfence.sel $0x180000  }
0x4d: {  	[bflag:$0x0] =	sbarrier.arrive $0xFFFF  }
0x4e: {  	p0 =	sne.s32 s1, $0x0;
	_ =	strace $0x90000047  }
0x4f: {  	s0 =	sadd.s32 @!p0 $0x100000, s0;
	[bflag:$0x2] =	sbarrier.arrive $0xFFFF  }
0x50: {  	[sflag:s0] =	ssyncadd.tile.s32 @!p0 $0x1;
	_ =	shalt  }
.Lfunc_end2:
_tile_overlayer_lowered:
.L_overlay_start_2:
0x51: {  	(tag) =	ssettag $0x2  }
0x52: {  	s0 =	rddreg [dreg:$0x0];
	s2 =	stileid.u32  }
0x53: {  	s1 =	rddreg [dreg:$0x1];
	p0 =	sne.s32 s2, $0x0  }
0x54: {  	s3 =	rddreg [dreg:$0x2];
	[bflag:$0x3] =	sbarrier.arrive $0xFFFF;
	s2 =	simm.s32 @!p0 $0x1C01  }
0x55: {  	[timem:s3], [sflag:s2] =	dma.local @!p0 [hbm:s0], s1  }
0x56: {  	s0 =	simm.s32 @!p0 $0x1  }
0x57: {  	_ =	swait.ge @!p0 [sflag:s0], s1  }
0x58: {  	s1 =	ssub.s32 @!p0 $0x0, s1;
	[sflag:s0] =	ssyncset.done @!p0 $0x0  }
0x59: {  	[sflag:s0] =	ssyncadd.s32 @!p0 s1  }
0x5a: {  	[bflag:$0x3] =	sbarrier.arrive $0xFFFF  }
0x5b: {  	_ =	shalt  }

// kernel: kernel.17.cloned.1.call-start
scs
__scs_entry_jumppad:
0x0: {  	(pc) =	sbr.rel $0x88, $3  }
0x1: {  	(tag) =	ssettag $0x0;
	lr =	simm.s32 $0x1  }
0x2: {  	[smem:$0x3F97] =	sst lr;
	_ =	strace $0xD0000000  }
0x3: {  	_ = 	snop  }
0x4: {  	_ = 	snop  }
0x5: {  	_ = 	snop  }
0x6: {  	_ = 	snop  }
0x7: {  	_ = 	snop  }
__scs_overlays_trampoline_lowered:
0x8: {  	[smem:$0x3FA6] =	sst s0  }
0x9: {  	[smem:$0x3FA7] =	sst s1  }
0xa: {  	[smem:$0x3FA8] =	sst s2  }
0xb: {  	[smem:$0x3FA9] =	sst s3  }
0xc: {  	[smem:$0x3FAA] =	sst s4  }
0xd: {  	[smem:$0x3FAB] =	sst s5  }
0xe: {  	[smem:$0x3FAC] =	sst s6  }
0xf: {  	[smem:$0x3FAD] =	sst s7  }
0x10: {  	[smem:$0x3FAE] =	sst s8  }
0x11: {  	[smem:$0x3FAF] =	sst s9;
	s0 =	simm.s32 @!p0 $0x0  }
0x12: {  	s1 =	sld [smem:$0x3F95];
	s0 =	simm.s32 @p0 $0x1  }
0x13: {  	[smem:$0x3FB0] =	sst s0;
	s0 =	simm.s32 @!p1 $0x0  }
0x14: {  	s2 =	sld [smem:$0x3F94];
	s0 =	simm.s32 @p1 $0x1  }
0x15: {  	[smem:$0x3FB1] =	sst s0;
	s0 =	simm.s32 @!p2 $0x0  }
0x16: {  	s3 =	sld [smem:$0x3FDB];
	s0 =	simm.s32 @p2 $0x1  }
0x17: {  	s4 =	simm.s32 $0x1BF5;
	[smem:$0x3FB3] =	sst s0  }
0x18: {  	s0 =	sld [smem:$0x3F96];
	_ =	swait.ge [sflag:s4], $0x0  }
0x19: {  	s7 =	sld [smem:$0x3F97]  }
0x1a: {  	s8 =	sadd.s32 $0xFFFFE003, lr  }
0x1b: {  	s9 =	sadd.s32 $0xFFFFFEF7, lr;
	s5 =	simm.s32 $0xFFFFFFFF;
	p2 =	slt.u32 s8, $0xFFFFF086  }
0x1c: {  	p1 =	slt.u32 s9, $0xF7A;
	s5 =	simm.s32 @!p2 $0x0  }
0x1d: {  	s5 =	simm.s32 @p1 $0x1;
	p0 =	seq.s32 s7, s2  }
0x1e: {  	s7 =	smul.u32 @!p0 $0xF7A, s2;
	p2 =	seq.s32 @!p0 s5, $0x0  }
0x1f: {  	s9 =	smul.u32 $0xF7A, s1;
	s8 =	simm.s32 @!p0 $0x1BF5;
	p2 =	por !p2, p0  }
0x20: {  	[sflag:s8] =	ssyncset.s32 @!p0 $0xFFFFF086;
	s6 =	sadd.s32 @!p0 s3, s7;
	s7 =	simm.s32 @!p0 $0x108  }
0x21: {  	s3 =	sadd.s32 s3, s9;
	s6 =	sadd.s32 @!p0 $0x88, s6;
	s7 =	simm.s32 @p2 $0x1082  }
0x22: {  	[simem:s7], [sflag:s8] =	dma.local @!p0 [hbm:s6], $0xF7A  }
0x23: {  	s9 =	sor.u32 $0xD0000000, s2;
	s6 =	simm.s32 $0x108;
	_ =	swait.ge @!p0 [sflag:s8], $0x0  }
0x24: {  	s3 =	sadd.s32 $0x88, s3;
	s6 =	simm.s32 @!p1 $0x1082;
	[sflag:s4] =	ssyncset.s32 $0xFFFFF086  }
0x25: {  	[simem:s6], [sflag:s4] =	dma.local [hbm:s3], $0xF7A  }
0x26: {  	[smem:$0x3F97] =	sst s1;
	(tag) =	ssettag s2;
	_ =	strace s9  }
0x27: {  	s1 =	sld [smem:$0x3FA7]  }
0x28: {  	s2 =	sld [smem:$0x3FA8]  }
0x29: {  	s4 =	sld [smem:$0x3FAA]  }
0x2a: {  	p0 =	seq.s32 s5, $0x0;
	s5 =	sld [smem:$0x3FAB]  }
0x2b: {  	s6 =	sld [smem:$0x3FAC]  }
0x2c: {  	s7 =	sld [smem:$0x3FAD]  }
0x2d: {  	s3 =	simm.s32 $0x108;
	s8 =	sld [smem:$0x3FAE]  }
0x2e: {  	s3 =	simm.s32 @!p0 $0x1082;
	s9 =	sld [smem:$0x3FAF]  }
0x2f: {  	lr =	sadd.s32 s0, s3;
	s0 =	sld [smem:$0x3FA6]  }
0x30: {  	s3 =	sld [smem:$0x3FA9]  }
0x31: {  	[smem:$0x3FB2] =	sst s10  }
0x32: {  	s10 =	sld [smem:$0x3FB0];
	_ =	sdelay $0x3  }
0x33: {  	p0 =	seq.s32 s10, $0x1;
	s10 =	sld [smem:$0x3FB2];
	_ =	sdelay $0x3  }
0x34: {  	[smem:$0x3FB2] =	sst s10  }
0x35: {  	s10 =	sld [smem:$0x3FB1];
	_ =	sdelay $0x3  }
0x36: {  	p1 =	seq.s32 s10, $0x1;
	s10 =	sld [smem:$0x3FB2];
	_ =	sdelay $0x3  }
0x37: {  	[smem:$0x3FB2] =	sst s10  }
0x38: {  	s10 =	sld [smem:$0x3FB3]  }
0x39: {  	_ = 	snop;
	(pc) =	sbr.ind lr, $3  }
0x3a: {  	_ = 	snop  }
0x3b: {  	_ = 	snop  }
0x3c: {  	p2 =	seq.s32 s10, $0x1;
	s10 =	sld [smem:$0x3FB2]  }
0x3d: {  	_ =	shalt  }
0x3e: {  	_ =	shalt  }
0x3f: {  	_ =	shalt  }
0x40: {  	_ =	shalt  }
0x41: {  	_ =	shalt  }
0x42: {  	_ =	shalt  }
0x43: {  	_ =	shalt  }
0x44: {  	_ =	shalt  }
0x45: {  	_ =	shalt  }
0x46: {  	_ =	shalt  }
0x47: {  	_ =	shalt  }
0x48: {  	_ =	shalt  }
0x49: {  	_ =	shalt  }
0x4a: {  	_ =	shalt  }
0x4b: {  	_ =	shalt  }
0x4c: {  	_ =	shalt  }
0x4d: {  	_ =	shalt  }
0x4e: {  	_ =	shalt  }
0x4f: {  	_ =	shalt  }
0x50: {  	_ =	shalt  }
0x51: {  	_ =	shalt  }
0x52: {  	_ =	shalt  }
0x53: {  	_ =	shalt  }
0x54: {  	_ =	shalt  }
0x55: {  	_ =	shalt  }
0x56: {  	_ =	shalt  }
0x57: {  	_ =	shalt  }
0x58: {  	_ =	shalt  }
0x59: {  	_ =	shalt  }
0x5a: {  	_ =	shalt  }
0x5b: {  	_ =	shalt  }
0x5c: {  	_ =	shalt  }
0x5d: {  	_ =	shalt  }
0x5e: {  	_ =	shalt  }
0x5f: {  	_ =	shalt  }
0x60: {  	_ =	shalt  }
0x61: {  	_ =	shalt  }
0x62: {  	_ =	shalt  }
0x63: {  	_ =	shalt  }
0x64: {  	_ =	shalt  }
0x65: {  	_ =	shalt  }
0x66: {  	_ =	shalt  }
0x67: {  	_ =	shalt  }
0x68: {  	_ =	shalt  }
0x69: {  	_ =	shalt  }
0x6a: {  	_ =	shalt  }
0x6b: {  	_ =	shalt  }
0x6c: {  	_ =	shalt  }
0x6d: {  	_ =	shalt  }
0x6e: {  	_ =	shalt  }
0x6f: {  	_ =	shalt  }
0x70: {  	_ =	shalt  }
0x71: {  	_ =	shalt  }
0x72: {  	_ =	shalt  }
0x73: {  	_ =	shalt  }
0x74: {  	_ =	shalt  }
0x75: {  	_ =	shalt  }
0x76: {  	_ =	shalt  }
0x77: {  	_ =	shalt  }
0x78: {  	_ =	shalt  }
0x79: {  	_ =	shalt  }
0x7a: {  	_ =	shalt  }
0x7b: {  	_ =	shalt  }
0x7c: {  	_ =	shalt  }
0x7d: {  	_ =	shalt  }
0x7e: {  	_ =	shalt  }
0x7f: {  	_ =	shalt  }
0x80: {  	_ =	shalt  }
0x81: {  	_ =	shalt  }
0x82: {  	_ =	shalt  }
0x83: {  	_ =	shalt  }
0x84: {  	_ =	shalt  }
0x85: {  	_ =	shalt  }
0x86: {  	_ =	shalt  }
0x87: {  	_ =	shalt  }
.Lfunc_end0:
.L_simem_size_0:
called_computation.1_lowered:
.L_overlay_start_0:
0x88: {  	s2 =	sld [smem:$0x3FD9]  }
0x89: {  	s3 =	sld [smem:$0x3FFE];
	_ =	sdelay $0x1  }
0x8a: {  	s1 =	srdreg.scid  }
0x8b: {  	s0 =	sand.u32 $0x1, s1  }
0x8c: {  	s16 =	sshll.u32 s0, $0xA;
	s2 =	sadd.s32 s3, s2  }
0x8d: {  	s2 =	sadd.s32 s2, s16  }
0x8e: {  	[smem:$0x3FBE] =	sst s2  }
0x8f: {  	_ = 	snop  }
0x90: {  	(tm) =	ssettm $0x1  }
0x91: {  	s17 =	sld [smem:$0x3FFB];
	_ =	sdelay $0x3  }
0x92: {  	_ =	strace s17  }
0x93: {  	s2 =	sld [smem:$0x3FFC];
	_ =	sdelay $0x3  }
0x94: {  	_ =	strace s2  }
0x95: {  	s2 =	sld [smem:$0x3FFD];
	_ =	sdelay $0x3  }
0x96: {  	_ =	strace s2  }
0x97: {  	_ =	strace $0x8FFFFFFF  }
0x98: {  	s18 =	sld [smem:$0x3FDB];
	_ =	sdelay $0x1  }
0x99: {  	s19 =	simm.s32 $_scs_section_size  }
0x9a: {  	s4 =	simm.s32 $_size__tile_overlayer_lowered;
	s5 =	simm.s32 $_tile_overlayer_lowered  }
0x9b: {  	s22 =	simm.s32 $0x1BFF;
	s21 =	sshll.u32 s5, $0x1;
	s2 =	sadd.s32 s19, s18  }
0x9c: {  	s6 =	simm.s32 $0x0;
	s20 =	sshll.u32 s4, $0x1;
	s4 =	sadd.s32 s21, s2  }
0x9d: {  	[timem:s6], [sflag:s22] =	dma.local [hbm:s4], s20  }
0x9e: {  	_ =	swait.ge [sflag:s22], s20  }
0x9f: {  	s3 =	ssub.s32 $0x0, s20;
	[sflag:s22] =	ssyncset.done $0x0  }
0xa0: {  	[sflag:s22] =	ssyncadd.s32 s3;
	_ =	sdelay $0x1  }
0xa1: {  	s23 =	simm.s32 $0x1B8B  }
0xa2: {  	_ =	swait.ge [sflag:s23], $0x1  }
0xa3: {  	[sflag:s23] =	ssyncset.done $0x0  }
0xa4: {  	s25 =	simm.s32 $0x1B8E;
	s24 =	sld [smem:$0x3FFE];
	[sflag:s23] =	ssyncadd.s32 $0xFFFFFFFF  }
0xa5: {  	s26 =	simm.s32 $execute0_lowered;
	[smem:$0x3FD2] =	sst s25  }
0xa6: {  	s4 =	sshll.u32 s26, $0x1;
	_ =	strace $0x80000049;
	[dreg:$0x1] =	wrdreg $0xFFFFFFFF  }
0xa7: {  	s28 =	simm.s32 $_size_execute0_lowered;
	s2 =	sadd.s32 s2, s4;
	[dreg:$0x0] =	wrdreg $0x0  }
0xa8: {  	s4 =	sshll.u32 s28, $0x1;
	[dreg:$0x2] =	wrdreg s2  }
0xa9: {  	[dreg:$0x3] =	wrdreg s4  }
0xaa: {  	[dreg:$0x4] =	wrdreg $0xC0  }
0xab: {  	_ =	task [dreg:s6], $0x5FFFF  }
0xac: {  	[dreg:$0x1] =	wrdreg $0xFFFFFFFF  }
0xad: {  	[dreg:$0x0] =	wrdreg $0x60  }
0xae: {  	[dreg:$0x2] =	wrdreg s24  }
0xaf: {  	[dreg:$0x3] =	wrdreg $0x46500  }
0xb0: {  	[dreg:$0x4] =	wrdreg $0x9  }
0xb1: {  	_ =	task.clear_ibuf [dreg:s6], $0x5FFFF;
	_ =	strace $0x90000049  }
0xb2: {  	s29 =	simm.s32 $0x9;
	_ =	strace $0x8000004B  }
0xb3: {  	_ =	swait.ge [sflag:s29], $0x1  }
0xb4: {  	[sflag:s29] =	ssyncadd.s32 $0xFFFFFFFF  }
0xb5: {  	_ =	strace $0x9000004B  }
0xb6: {  	_ =	sfence  }
0xb7: {  	s30 =	sld [smem:$0x0];
	_ =	sdelay $0x2  }
0xb8: {  	s31 =	sshll.u32 s1, $0xD;
	s1 =	sshrl.u32 s1, $0x2  }
0xb9: {  	s3 =	sand.u32 $0x4000, s31;
	s1 =	sadd.s32 s1, s30  }
0xba: {  	s0 =	sor.u32 s3, s0;
	s1 =	sshll.u32 s1, $0x11  }
0xbb: {  	s0 =	sor.u32 s1, s0  }
0xbc: {  	s0 =	sadd.s32 $0x8F2B, s0  }
0xbd: {  	[sflag:s0] =	ssyncadd.remote.s32 $0x1  }
0xbe: {  	_ =	sfence.sel $0xFFFF  }
0xbf: {  	[dreg:$0x0] =	wrdreg $0xFFFFFFFF;
	(pc) =	sbr.abs _section_cstart, $3  }
0xc0: {  	[dreg:$0x1] =	wrdreg $0xFFFFFFFF  }
0xc1: {  	_ =	task.clear_ibuf [dreg:s6], $0x2FFFF;
	_ =	strace $0x9FFFFFFF  }
0xc2: {  	(tm) =	ssettm $0x7FFFFFFF  }
0xc3: {  	_ =	shalt  }
tec
execute0_lowered:
.L_overlay_start_1:
0x0: {  	(tag) =	ssettag $0x1  }
0x1: {  	s4 =	rddreg [dreg:$0x0]  }
0x2: {  	s0 =	srdreg.scid;
	s2 =	rddreg [dreg:$0x1]  }
0x3: {  	s1 =	rddreg [dreg:$0x2];
	s5 =	sand.u32 $0x1, s0  }
0x4: {  	s3 =	simm.s32 $0x0;
	s0 =	stileid.u32;
	s6 =	smul.u32 $0x31000, s5  }
0x5: {  	s13 =	simm.s32 $0x3E8;
	s14 =	simm.s32 $0x7D0;
	s7 =	smul.u32 $0x30D4, s0  }
0x6: {  	s15 =	simm.s32 $0x1;
	s16 =	simm.s32 $0x0;
	s8 =	smul.u32 $0x18700, s0  }
0x7: {  	[smem:$0x7FF] =	sst s3;
	s9 =	smul.u32 $0x187000, s5;
	s5 =	ssub.s32 $0x2, s5  }
0x8: {  	_ =	strace $0x8000004A;
	s11 =	sshll.u32 s0, $0x6;
	s30 =	sshrl.u32 s5, $0x1  }
0x9: {  	s6 =	sadd.s32 s6, s4;
	s10 =	sadd.s32 s7, s4;
	s29 =	sshrl.u32 s8, $0x3  }
0xa: {  	s9 =	sadd.s32 s8, s9;
	s12 =	ssub.s32 s5, s30;
	s5 =	sor.u32 $0x1C02, s11  }
0xb: {  	s31 =	sadd.s32 s8, s2;
	s7 =	sadd.s32 s29, s4;
	s9 =	sshrl.u32 s9, $0x3  }
0xc: {  	s6 =	sadd.s32 $0x4FB800, s6;
	s8 =	smax.u32 s12, $0x1;
	s11 =	sshrl.u32 s31, $0x3  }
0xd: {  	s12 =	simm.s32 $0x2;
	s9 =	sadd.s32 s9, s4;
	s4 =	sadd.s32 $0x55D800, s7  }
0xe: {  	s7 =	sadd.s32 $0x58E600, s9;
	s9 =	sadd.s32 $0x32A00, s10;
	s10 =	sadd.s32 $0x1C00, s10  }
.LBB2_1:
0xf: {  	[spmem:s11], [sflag:s5] =	dma.local [hbm:s4], $0x30E0  }
0x10: {  	_ =	swait.ge [sflag:s12], $0x30E0  }
0x11: {  	[sflag:s12] =	ssyncset.done $0x0  }
0x12: {  	[sflag:s12] =	ssyncadd.s32 $0xFFFFCF20  }
0x13: {  	s17 =	sadd.s32 $0x0, s10;
	[bflag:$0x0] =	sbarrier.arrive $0xFFFF  }
0x14: {  	[tilespmem:s3], [sflag:$0x2] =	stream.linear.gather [hbm4b:s17+s3], $0x3E8, $0x38;
	[tilespmem:$0x1CD50] =	vst v63  }
0x15: {  	_ =	swait.ge [sflag:s12], $0x3E8  }
0x16: {  	[sflag:s12] =	ssyncset.done $0x0  }
0x17: {  	s31 =	sadd.s32 $0x0, s9;
	[sflag:s12] =	ssyncadd.s32 $0xFFFFFC18  }
0x18: {  	[tilespmem:s13], [sflag:$0x2] =	stream.linear.gather [hbm4b:s31+s3], $0x3E8, $0x38;
	[tilespmem:$0x1CD50] =	vst v63  }
0x19: {  	_ =	swait.ge [sflag:s12], $0x3E8  }
0x1a: {  	[sflag:s12] =	ssyncset.done $0x0  }
0x1b: {  	[sflag:s12] =	ssyncadd.s32 $0xFFFFFC18  }
0x1c: {  	[tilespmem:s14], [sflag:$0x1] =	stream.indirect.gather [hbm4b:s6+s13], $0x10, s3, s13, $0xb8;
	[tilespmem:$0x1CD50] =	vst v63  }
0x1d: {  	_ =	swait.ge [sflag:s15], $0x3E80  }
0x1e: {  	[sflag:s15] =	ssyncset.done $0x0  }
0x1f: {  	[sflag:s15] =	ssyncadd.s32 $0xFFFFC180  }
0x20: {  	[spmem:s2] =	stream.indirect.scatter.add.f32 [tilespmem:s14], [sflag:$0x2], $0x10, s13, s13, $0xb8;
	[tilespmem:$0x1CD50] =	vst v63  }
0x21: {  	_ =	swait.ge [sflag:s12], $0x3E80  }
0x22: {  	s18 =	simm.s32 $0xFA;
	s17 =	simm.s32 $0x7D;
	[sflag:s12] =	ssyncset.done $0x0  }
.LBB2_2:
0x23: {  	s19 =	sadd.s32 s17, s10  }
0x24: {  	[sflag:s12] =	ssyncadd.s32 $0xFFFFC180;
	s20 =	smov.u32 s18;
	s21 =	sadd.s32 $0x7D, s18  }
0x25: {  	[tilespmem:s3], [sflag:$0x2] =	stream.linear.gather [hbm4b:s19+s3], $0x3E8, $0x38;
	[tilespmem:$0x1CD50] =	vst v63  }
0x26: {  	p0 =	sne.s32 s18, $0x3057;
	_ =	swait.ge [sflag:s12], $0x3E8  }
0x27: {  	[sflag:s12] =	ssyncset.done $0x0  }
0x28: {  	s18 =	sadd.s32 s17, s9;
	s17 =	smov.u32 s20;
	[sflag:s12] =	ssyncadd.s32 $0xFFFFFC18  }
0x29: {  	[tilespmem:s13], [sflag:$0x2] =	stream.linear.gather [hbm4b:s18+s3], $0x3E8, $0x38;
	[tilespmem:$0x1CD50] =	vst v63  }
0x2a: {  	_ =	swait.ge [sflag:s12], $0x3E8  }
0x2b: {  	[sflag:s12] =	ssyncset.done $0x0  }
0x2c: {  	[sflag:s12] =	ssyncadd.s32 $0xFFFFFC18  }
0x2d: {  	[tilespmem:s14], [sflag:$0x1] =	stream.indirect.gather [hbm4b:s6+s13], $0x10, s3, s13, $0xb8;
	[tilespmem:$0x1CD50] =	vst v63  }
0x2e: {  	_ =	swait.ge [sflag:s15], $0x3E80  }
.Ltmp0:
0x2f: {  	[sflag:s15] =	ssyncset.done $0x0;
	(pc) =	sbr.rel @p0 .LBB2_2-.Ltmp0, $4  }
0x30: {  	[sflag:s15] =	ssyncadd.s32 $0xFFFFC180  }
0x31: {  	[spmem:s2] =	stream.indirect.scatter.add.f32 [tilespmem:s14], [sflag:$0x2], $0x10, s13, s13, $0xb8;
	[tilespmem:$0x1CD50] =	vst v63  }
0x32: {  	_ =	swait.ge [sflag:s12], $0x3E80  }
0x33: {  	s18 =	smov.u32 s21;
	[sflag:s12] =	ssyncset.done $0x0  }
0x34: {  	s18 =	sadd.s32 s17, s10;
	[sflag:s12] =	ssyncadd.s32 $0xFFFFC180  }
0x35: {  	[tilespmem:s3], [sflag:$0x2] =	stream.linear.gather [hbm4b:s18+s3], $0x3E8, $0x38;
	[tilespmem:$0x1CD50] =	vst v63  }
0x36: {  	_ =	swait.ge [sflag:s12], $0x3E8  }
0x37: {  	[sflag:s12] =	ssyncset.done $0x0  }
0x38: {  	s31 =	sadd.s32 s17, s9;
	[sflag:s12] =	ssyncadd.s32 $0xFFFFFC18  }
0x39: {  	[tilespmem:s13], [sflag:$0x2] =	stream.linear.gather [hbm4b:s31+s3], $0x3E8, $0x38;
	[tilespmem:$0x1CD50] =	vst v63  }
0x3a: {  	_ =	swait.ge [sflag:s12], $0x3E8  }
0x3b: {  	[sflag:s12] =	ssyncset.done $0x0  }
0x3c: {  	[sflag:s12] =	ssyncadd.s32 $0xFFFFFC18  }
0x3d: {  	[tilespmem:s14], [sflag:$0x1] =	stream.indirect.gather [hbm4b:s6+s13], $0x10, s3, s13, $0xb8;
	[tilespmem:$0x1CD50] =	vst v63  }
0x3e: {  	_ =	swait.ge [sflag:s15], $0x3E80  }
0x3f: {  	[sflag:s15] =	ssyncset.done $0x0  }
0x40: {  	[sflag:s15] =	ssyncadd.s32 $0xFFFFC180  }
0x41: {  	[spmem:s2] =	stream.indirect.scatter.add.f32 [tilespmem:s14], [sflag:$0x2], $0x10, s13, s13, $0xb8;
	[tilespmem:$0x1CD50] =	vst v63  }
0x42: {  	_ =	swait.ge [sflag:s12], $0x3E80  }
0x43: {  	s16 =	sadd.s32 $0x1, s16;
	[sflag:s12] =	ssyncset.done $0x0  }
0x44: {  	p0 =	sne.s32 s16, s8;
	[sflag:s12] =	ssyncadd.s32 $0xFFFFC180  }
.Ltmp1:
0x45: {  	[bflag:$0x0] =	sbarrier.arrive $0xFFFF;
	(pc) =	sbr.rel @p0 .LBB2_1-.Ltmp1, $4  }
0x46: {  	[hbm:s7], [sflag:s5] =	dma.local [spmem:s11], $0x30E0  }
0x47: {  	_ =	swait.ge [sflag:s12], $0x30E0  }
0x48: {  	[sflag:s12] =	ssyncset.done $0x0  }
0x49: {  	[sflag:s12] =	ssyncadd.s32 $0xFFFFCF20  }
0x4a: {  	_ =	sfence.sel $0x180000  }
0x4b: {  	[bflag:$0x0] =	sbarrier.arrive $0xFFFF  }
0x4c: {  	p0 =	sne.s32 s0, $0x0;
	_ =	strace $0x9000004A  }
0x4d: {  	s0 =	sadd.s32 @!p0 $0x100000, s1;
	[bflag:$0x2] =	sbarrier.arrive $0xFFFF  }
0x4e: {  	[sflag:s0] =	ssyncadd.tile.s32 @!p0 $0x1;
	_ =	shalt  }
.Lfunc_end2:
_tile_overlayer_lowered:
.L_overlay_start_2:
0x4f: {  	(tag) =	ssettag $0x2  }
0x50: {  	s0 =	rddreg [dreg:$0x0];
	s2 =	stileid.u32  }
0x51: {  	s1 =	rddreg [dreg:$0x1];
	p0 =	sne.s32 s2, $0x0  }
0x52: {  	s3 =	rddreg [dreg:$0x2];
	[bflag:$0x3] =	sbarrier.arrive $0xFFFF;
	s2 =	simm.s32 @!p0 $0x1C02  }
0x53: {  	[timem:s3], [sflag:s2] =	dma.local @!p0 [hbm:s0], s1  }
0x54: {  	s0 =	simm.s32 @!p0 $0x2  }
0x55: {  	_ =	swait.ge @!p0 [sflag:s0], s1  }
0x56: {  	s1 =	ssub.s32 @!p0 $0x0, s1;
	[sflag:s0] =	ssyncset.done @!p0 $0x0  }
0x57: {  	[sflag:s0] =	ssyncadd.s32 @!p0 s1  }
0x58: {  	[bflag:$0x3] =	sbarrier.arrive $0xFFFF  }
0x59: {  	_ =	shalt  }

// kernel: kernel.20.cloned.1.call-start
scs
__scs_entry_jumppad:
0x0: {  	(pc) =	sbr.rel $0x88, $3  }
0x1: {  	(tag) =	ssettag $0x0;
	lr =	simm.s32 $0x1  }
0x2: {  	[smem:$0x3F97] =	sst lr;
	_ =	strace $0xD0000000  }
0x3: {  	_ = 	snop  }
0x4: {  	_ = 	snop  }
0x5: {  	_ = 	snop  }
0x6: {  	_ = 	snop  }
0x7: {  	_ = 	snop  }
__scs_overlays_trampoline_lowered:
0x8: {  	[smem:$0x3FA6] =	sst s0  }
0x9: {  	[smem:$0x3FA7] =	sst s1  }
0xa: {  	[smem:$0x3FA8] =	sst s2  }
0xb: {  	[smem:$0x3FA9] =	sst s3  }
0xc: {  	[smem:$0x3FAA] =	sst s4  }
0xd: {  	[smem:$0x3FAB] =	sst s5  }
0xe: {  	[smem:$0x3FAC] =	sst s6  }
0xf: {  	[smem:$0x3FAD] =	sst s7  }
0x10: {  	[smem:$0x3FAE] =	sst s8  }
0x11: {  	[smem:$0x3FAF] =	sst s9;
	s0 =	simm.s32 @!p0 $0x0  }
0x12: {  	s1 =	sld [smem:$0x3F95];
	s0 =	simm.s32 @p0 $0x1  }
0x13: {  	[smem:$0x3FB0] =	sst s0;
	s0 =	simm.s32 @!p1 $0x0  }
0x14: {  	s2 =	sld [smem:$0x3F94];
	s0 =	simm.s32 @p1 $0x1  }
0x15: {  	[smem:$0x3FB1] =	sst s0;
	s0 =	simm.s32 @!p2 $0x0  }
0x16: {  	s3 =	sld [smem:$0x3FDB];
	s0 =	simm.s32 @p2 $0x1  }
0x17: {  	s4 =	simm.s32 $0x1BF5;
	[smem:$0x3FB3] =	sst s0  }
0x18: {  	s0 =	sld [smem:$0x3F96];
	_ =	swait.ge [sflag:s4], $0x0  }
0x19: {  	s7 =	sld [smem:$0x3F97]  }
0x1a: {  	s8 =	sadd.s32 $0xFFFFE003, lr  }
0x1b: {  	s9 =	sadd.s32 $0xFFFFFEF7, lr;
	s5 =	simm.s32 $0xFFFFFFFF;
	p2 =	slt.u32 s8, $0xFFFFF086  }
0x1c: {  	p1 =	slt.u32 s9, $0xF7A;
	s5 =	simm.s32 @!p2 $0x0  }
0x1d: {  	s5 =	simm.s32 @p1 $0x1;
	p0 =	seq.s32 s7, s2  }
0x1e: {  	s7 =	smul.u32 @!p0 $0xF7A, s2;
	p2 =	seq.s32 @!p0 s5, $0x0  }
0x1f: {  	s9 =	smul.u32 $0xF7A, s1;
	s8 =	simm.s32 @!p0 $0x1BF5;
	p2 =	por !p2, p0  }
0x20: {  	[sflag:s8] =	ssyncset.s32 @!p0 $0xFFFFF086;
	s6 =	sadd.s32 @!p0 s3, s7;
	s7 =	simm.s32 @!p0 $0x108  }
0x21: {  	s3 =	sadd.s32 s3, s9;
	s6 =	sadd.s32 @!p0 $0x88, s6;
	s7 =	simm.s32 @p2 $0x1082  }
0x22: {  	[simem:s7], [sflag:s8] =	dma.local @!p0 [hbm:s6], $0xF7A  }
0x23: {  	s9 =	sor.u32 $0xD0000000, s2;
	s6 =	simm.s32 $0x108;
	_ =	swait.ge @!p0 [sflag:s8], $0x0  }
0x24: {  	s3 =	sadd.s32 $0x88, s3;
	s6 =	simm.s32 @!p1 $0x1082;
	[sflag:s4] =	ssyncset.s32 $0xFFFFF086  }
0x25: {  	[simem:s6], [sflag:s4] =	dma.local [hbm:s3], $0xF7A  }
0x26: {  	[smem:$0x3F97] =	sst s1;
	(tag) =	ssettag s2;
	_ =	strace s9  }
0x27: {  	s1 =	sld [smem:$0x3FA7]  }
0x28: {  	s2 =	sld [smem:$0x3FA8]  }
0x29: {  	s4 =	sld [smem:$0x3FAA]  }
0x2a: {  	p0 =	seq.s32 s5, $0x0;
	s5 =	sld [smem:$0x3FAB]  }
0x2b: {  	s6 =	sld [smem:$0x3FAC]  }
0x2c: {  	s7 =	sld [smem:$0x3FAD]  }
0x2d: {  	s3 =	simm.s32 $0x108;
	s8 =	sld [smem:$0x3FAE]  }
0x2e: {  	s3 =	simm.s32 @!p0 $0x1082;
	s9 =	sld [smem:$0x3FAF]  }
0x2f: {  	lr =	sadd.s32 s0, s3;
	s0 =	sld [smem:$0x3FA6]  }
0x30: {  	s3 =	sld [smem:$0x3FA9]  }
0x31: {  	[smem:$0x3FB2] =	sst s10  }
0x32: {  	s10 =	sld [smem:$0x3FB0];
	_ =	sdelay $0x3  }
0x33: {  	p0 =	seq.s32 s10, $0x1;
	s10 =	sld [smem:$0x3FB2];
	_ =	sdelay $0x3  }
0x34: {  	[smem:$0x3FB2] =	sst s10  }
0x35: {  	s10 =	sld [smem:$0x3FB1];
	_ =	sdelay $0x3  }
0x36: {  	p1 =	seq.s32 s10, $0x1;
	s10 =	sld [smem:$0x3FB2];
	_ =	sdelay $0x3  }
0x37: {  	[smem:$0x3FB2] =	sst s10  }
0x38: {  	s10 =	sld [smem:$0x3FB3]  }
0x39: {  	_ = 	snop;
	(pc) =	sbr.ind lr, $3  }
0x3a: {  	_ = 	snop  }
0x3b: {  	_ = 	snop  }
0x3c: {  	p2 =	seq.s32 s10, $0x1;
	s10 =	sld [smem:$0x3FB2]  }
0x3d: {  	_ =	shalt  }
0x3e: {  	_ =	shalt  }
0x3f: {  	_ =	shalt  }
0x40: {  	_ =	shalt  }
0x41: {  	_ =	shalt  }
0x42: {  	_ =	shalt  }
0x43: {  	_ =	shalt  }
0x44: {  	_ =	shalt  }
0x45: {  	_ =	shalt  }
0x46: {  	_ =	shalt  }
0x47: {  	_ =	shalt  }
0x48: {  	_ =	shalt  }
0x49: {  	_ =	shalt  }
0x4a: {  	_ =	shalt  }
0x4b: {  	_ =	shalt  }
0x4c: {  	_ =	shalt  }
0x4d: {  	_ =	shalt  }
0x4e: {  	_ =	shalt  }
0x4f: {  	_ =	shalt  }
0x50: {  	_ =	shalt  }
0x51: {  	_ =	shalt  }
0x52: {  	_ =	shalt  }
0x53: {  	_ =	shalt  }
0x54: {  	_ =	shalt  }
0x55: {  	_ =	shalt  }
0x56: {  	_ =	shalt  }
0x57: {  	_ =	shalt  }
0x58: {  	_ =	shalt  }
0x59: {  	_ =	shalt  }
0x5a: {  	_ =	shalt  }
0x5b: {  	_ =	shalt  }
0x5c: {  	_ =	shalt  }
0x5d: {  	_ =	shalt  }
0x5e: {  	_ =	shalt  }
0x5f: {  	_ =	shalt  }
0x60: {  	_ =	shalt  }
0x61: {  	_ =	shalt  }
0x62: {  	_ =	shalt  }
0x63: {  	_ =	shalt  }
0x64: {  	_ =	shalt  }
0x65: {  	_ =	shalt  }
0x66: {  	_ =	shalt  }
0x67: {  	_ =	shalt  }
0x68: {  	_ =	shalt  }
0x69: {  	_ =	shalt  }
0x6a: {  	_ =	shalt  }
0x6b: {  	_ =	shalt  }
0x6c: {  	_ =	shalt  }
0x6d: {  	_ =	shalt  }
0x6e: {  	_ =	shalt  }
0x6f: {  	_ =	shalt  }
0x70: {  	_ =	shalt  }
0x71: {  	_ =	shalt  }
0x72: {  	_ =	shalt  }
0x73: {  	_ =	shalt  }
0x74: {  	_ =	shalt  }
0x75: {  	_ =	shalt  }
0x76: {  	_ =	shalt  }
0x77: {  	_ =	shalt  }
0x78: {  	_ =	shalt  }
0x79: {  	_ =	shalt  }
0x7a: {  	_ =	shalt  }
0x7b: {  	_ =	shalt  }
0x7c: {  	_ =	shalt  }
0x7d: {  	_ =	shalt  }
0x7e: {  	_ =	shalt  }
0x7f: {  	_ =	shalt  }
0x80: {  	_ =	shalt  }
0x81: {  	_ =	shalt  }
0x82: {  	_ =	shalt  }
0x83: {  	_ =	shalt  }
0x84: {  	_ =	shalt  }
0x85: {  	_ =	shalt  }
0x86: {  	_ =	shalt  }
0x87: {  	_ =	shalt  }
.Lfunc_end0:
.L_simem_size_0:
called_computation.2_lowered:
.L_overlay_start_0:
0x88: {  	s2 =	sld [smem:$0x3FD9]  }
0x89: {  	s3 =	sld [smem:$0x3FFE];
	_ =	sdelay $0x1  }
0x8a: {  	s1 =	srdreg.scid  }
0x8b: {  	s0 =	sand.u32 $0x1, s1  }
0x8c: {  	s16 =	sshll.u32 s0, $0xA;
	s2 =	sadd.s32 s3, s2  }
0x8d: {  	s2 =	sadd.s32 s2, s16  }
0x8e: {  	[smem:$0x3FBE] =	sst s2  }
0x8f: {  	_ = 	snop  }
0x90: {  	(tm) =	ssettm $0x1  }
0x91: {  	s17 =	sld [smem:$0x3FFB];
	_ =	sdelay $0x3  }
0x92: {  	_ =	strace s17  }
0x93: {  	s2 =	sld [smem:$0x3FFC];
	_ =	sdelay $0x3  }
0x94: {  	_ =	strace s2  }
0x95: {  	s2 =	sld [smem:$0x3FFD];
	_ =	sdelay $0x3  }
0x96: {  	_ =	strace s2  }
0x97: {  	_ =	strace $0x8FFFFFFF  }
0x98: {  	s18 =	sld [smem:$0x3FDB];
	_ =	sdelay $0x1  }
0x99: {  	s19 =	simm.s32 $_scs_section_size  }
0x9a: {  	s4 =	simm.s32 $_size__tile_overlayer_lowered;
	s5 =	simm.s32 $_tile_overlayer_lowered  }
0x9b: {  	s22 =	simm.s32 $0x1BFF;
	s21 =	sshll.u32 s5, $0x1;
	s2 =	sadd.s32 s19, s18  }
0x9c: {  	s6 =	simm.s32 $0x0;
	s20 =	sshll.u32 s4, $0x1;
	s4 =	sadd.s32 s21, s2  }
0x9d: {  	[timem:s6], [sflag:s22] =	dma.local [hbm:s4], s20  }
0x9e: {  	_ =	swait.ge [sflag:s22], s20  }
0x9f: {  	s3 =	ssub.s32 $0x0, s20;
	[sflag:s22] =	ssyncset.done $0x0  }
0xa0: {  	[sflag:s22] =	ssyncadd.s32 s3;
	_ =	sdelay $0x1  }
0xa1: {  	s23 =	simm.s32 $0x1B8B  }
0xa2: {  	_ =	swait.ge [sflag:s23], $0x1  }
0xa3: {  	[sflag:s23] =	ssyncset.done $0x0  }
0xa4: {  	s25 =	simm.s32 $0x1B8E;
	s24 =	sld [smem:$0x3FFE];
	[sflag:s23] =	ssyncadd.s32 $0xFFFFFFFF  }
0xa5: {  	s26 =	simm.s32 $execute0_lowered;
	[smem:$0x3FD2] =	sst s25  }
0xa6: {  	s4 =	sshll.u32 s26, $0x1;
	_ =	strace $0x8000004C;
	[dreg:$0x1] =	wrdreg $0xFFFFFFFF  }
0xa7: {  	s28 =	simm.s32 $_size_execute0_lowered;
	s2 =	sadd.s32 s2, s4;
	[dreg:$0x0] =	wrdreg $0x0  }
0xa8: {  	s4 =	sshll.u32 s28, $0x1;
	[dreg:$0x2] =	wrdreg s2  }
0xa9: {  	[dreg:$0x3] =	wrdreg s4  }
0xaa: {  	[dreg:$0x4] =	wrdreg $0xC0  }
0xab: {  	_ =	task [dreg:s6], $0x5FFFF  }
0xac: {  	[dreg:$0x1] =	wrdreg $0xFFFFFFFF  }
0xad: {  	[dreg:$0x0] =	wrdreg $0x60  }
0xae: {  	[dreg:$0x2] =	wrdreg s24  }
0xaf: {  	[dreg:$0x3] =	wrdreg $0x9  }
0xb0: {  	_ =	task.clear_ibuf [dreg:s6], $0x4FFFF;
	_ =	strace $0x9000004C  }
0xb1: {  	s29 =	simm.s32 $0x9;
	_ =	strace $0x8000004E  }
0xb2: {  	_ =	swait.ge [sflag:s29], $0x1  }
0xb3: {  	[sflag:s29] =	ssyncadd.s32 $0xFFFFFFFF  }
0xb4: {  	_ =	strace $0x9000004E  }
0xb5: {  	_ =	sfence  }
0xb6: {  	s30 =	sld [smem:$0x0];
	_ =	sdelay $0x2  }
0xb7: {  	s31 =	sshll.u32 s1, $0xD;
	s1 =	sshrl.u32 s1, $0x2  }
0xb8: {  	s3 =	sand.u32 $0x4000, s31;
	s1 =	sadd.s32 s1, s30  }
0xb9: {  	s0 =	sor.u32 s3, s0;
	s1 =	sshll.u32 s1, $0x11  }
0xba: {  	s0 =	sor.u32 s1, s0  }
0xbb: {  	s0 =	sadd.s32 $0x8F2B, s0  }
0xbc: {  	[sflag:s0] =	ssyncadd.remote.s32 $0x1  }
0xbd: {  	_ =	sfence.sel $0xFFFF  }
0xbe: {  	[dreg:$0x0] =	wrdreg $0xFFFFFFFF;
	(pc) =	sbr.abs _section_cstart, $3  }
0xbf: {  	[dreg:$0x1] =	wrdreg $0xFFFFFFFF  }
0xc0: {  	_ =	task.clear_ibuf [dreg:s6], $0x2FFFF;
	_ =	strace $0x9FFFFFFF  }
0xc1: {  	(tm) =	ssettm $0x7FFFFFFF  }
tec
execute0_lowered:
.L_overlay_start_1:
0x0: {  	(tag) =	ssettag $0x1  }
0x1: {  	s0 =	srdreg.scid  }
0x2: {  	s6 =	rddreg [dreg:$0x0];
	s1 =	stileid.u32;
	s2 =	simm.s32 $0x0  }
0x3: {  	s13 =	simm.s32 $0x320;
	s14 =	simm.s32 $0x640;
	s15 =	simm.s32 $0x960  }
0x4: {  	s16 =	simm.s32 $0xFA0;
	s9 =	sand.u32 $0x1, s0;
	s5 =	smul.u32 $0x18800, s1  }
0x5: {  	s17 =	simm.s32 $0xC80;
	s0 =	rddreg [dreg:$0x1];
	s3 =	smul.u32 $0x3100, s9  }
0x6: {  	s18 =	simm.s32 $0x0;
	[smem:$0x7FF] =	sst s2;
	s4 =	smul.u32 $0x188000, s9  }
0x7: {  	_ =	strace $0x8000004D;
	s11 =	ssub.s32 $0x2, s9;
	s9 =	smul.u32 $0x186A00, s9  }
0x8: {  	s12 =	sshrl.u32 s11, $0x1;
	s8 =	sadd.s32 s3, s6;
	s5 =	sadd.s32 s5, s4  }
0x9: {  	s3 =	sadd.s32 $0x1C00, s6;
	s4 =	sadd.s32 $0x32A00, s6;
	s11 =	ssub.s32 s11, s12  }
0xa: {  	s12 =	simm.s32 $0x1;
	s7 =	sshrl.u32 s5, $0x3;
	s5 =	sadd.s32 $0x608E00, s6  }
0xb: {  	s10 =	sadd.s32 s7, s6;
	s6 =	smul.u32 $0x186A0, s1;
	s7 =	sadd.s32 $0x5A0C00, s8  }
0xc: {  	v0 =	vimm.f32 $0.0e+00;
	s11 =	smax.u32 s11, $0x1;
	s8 =	sadd.s32 $0x59AA00, s8;
	s10 =	sadd.s32 $0x5A6E00, s10  }
.LBB2_1:
0xd: {  	s19 =	simm.s32 $0x1020  }
0xe: {  	[tilespmem:s19+$0xFFFFFF80] =	vst v0  }
0xf: {  	[tilespmem:s19+$0x70] =	vst v0  }
0x10: {  	[tilespmem:s19+$0x60] =	vst v0  }
0x11: {  	[tilespmem:s19+$0x50] =	vst v0  }
0x12: {  	[tilespmem:s19+$0x40] =	vst v0  }
0x13: {  	[tilespmem:s19+$0x30] =	vst v0  }
0x14: {  	[tilespmem:s19+$0x20] =	vst v0  }
0x15: {  	[tilespmem:s19+$0x10] =	vst v0  }
0x16: {  	[tilespmem:s19+$0x0] =	vst v0  }
0x17: {  	[tilespmem:s19+$0xFFFFFFF0] =	vst v0  }
0x18: {  	[tilespmem:s19+$0xFFFFFFE0] =	vst v0  }
0x19: {  	[tilespmem:s19+$0xFFFFFFD0] =	vst v0  }
0x1a: {  	[tilespmem:s19+$0xFFFFFFC0] =	vst v0  }
0x1b: {  	[tilespmem:s19+$0xFFFFFFB0] =	vst v0  }
0x1c: {  	s20 =	simm.s32 $0x0;
	[tilespmem:s19+$0xFFFFFFA0] =	vst v0  }
.LBB2_2:
0x1d: {  	s20 =	sadd.s32 $0x2, s20;
	[tilespmem:s19+$0xFFFFFF90] =	vst v0;
	s19 =	sadd.s32 $0x100, s19  }
0x1e: {  	[tilespmem:s19+$0xFFFFFF80] =	vst v0;
	p0 =	slt.u32 s20, $0x30E  }
0x1f: {  	[tilespmem:s19+$0x70] =	vst v0  }
0x20: {  	[tilespmem:s19+$0x60] =	vst v0  }
0x21: {  	[tilespmem:s19+$0x50] =	vst v0  }
0x22: {  	[tilespmem:s19+$0x40] =	vst v0  }
0x23: {  	[tilespmem:s19+$0x30] =	vst v0  }
0x24: {  	[tilespmem:s19+$0x20] =	vst v0  }
0x25: {  	[tilespmem:s19+$0x10] =	vst v0  }
0x26: {  	[tilespmem:s19+$0x0] =	vst v0  }
0x27: {  	[tilespmem:s19+$0xFFFFFFF0] =	vst v0  }
.Ltmp0:
0x28: {  	[tilespmem:s19+$0xFFFFFFE0] =	vst v0;
	(pc) =	sbr.rel @p0 .LBB2_2-.Ltmp0, $4  }
0x29: {  	[tilespmem:s19+$0xFFFFFFD0] =	vst v0  }
0x2a: {  	[tilespmem:s19+$0xFFFFFFC0] =	vst v0  }
0x2b: {  	[tilespmem:s19+$0xFFFFFFB0] =	vst v0  }
0x2c: {  	[tilespmem:s19+$0xFFFFFFA0] =	vst v0  }
0x2d: {  	[tilespmem:s19+$0xFFFFFF90] =	vst v0;
	s19 =	simm.s32 $0x0  }
.LBB2_4:
0x2e: {  	s20 =	smul.u32 $0x320, s19;
	_ =	sdelay $0x1  }
0x2f: {  	s20 =	sadd.s32 s6, s20  }
0x30: {  	s21 =	sshrl.u32 s20, $0x3  }
0x31: {  	s22 =	sadd.s32 s3, s21  }
0x32: {  	[tilespmem:s2], [sflag:$0x1] =	stream.linear.gather [hbm4b:s22+s2], $0x320, $0x38;
	[tilespmem:$0x197A0] =	vst v63  }
0x33: {  	_ =	swait.ge [sflag:s12], $0x320  }
0x34: {  	[sflag:s12] =	ssyncset.done $0x0  }
0x35: {  	s21 =	sadd.s32 s4, s21;
	[sflag:s12] =	ssyncadd.s32 $0xFFFFFCE0  }
0x36: {  	[tilespmem:s13], [sflag:$0x1] =	stream.linear.gather [hbm4b:s21+s2], $0x320, $0x38;
	[tilespmem:$0x197A0] =	vst v63  }
0x37: {  	_ =	swait.ge [sflag:s12], $0x320  }
0x38: {  	[sflag:s12] =	ssyncset.done $0x0  }
0x39: {  	[sflag:s12] =	ssyncadd.s32 $0xFFFFFCE0  }
0x3a: {  	[tilespmem:s14], [sflag:$0x1] =	stream.indirect.gather [hbm4b:s7+s13], $0x1, s2, s13, $0xb8;
	[tilespmem:$0x197A0] =	vst v63  }
0x3b: {  	_ =	swait.ge [sflag:s12], $0x320  }
0x3c: {  	[sflag:s12] =	ssyncset.done $0x0  }
0x3d: {  	[sflag:s12] =	ssyncadd.s32 $0xFFFFFCE0  }
0x3e: {  	[tilespmem:s15], [sflag:$0x1] =	stream.indirect.gather [hbm4b:s8+s13], $0x1, s13, s13, $0xb8;
	[tilespmem:$0x197A0] =	vst v63  }
0x3f: {  	s23 =	simm.s32 $0x980;
	_ =	swait.ge [sflag:s12], $0x320  }
0x40: {  	s24 =	simm.s32 $0xCA0;
	s25 =	simm.s32 $0x340;
	[sflag:s12] =	ssyncset.done $0x0  }
0x41: {  	s22 =	simm.s32 $0x660;
	s21 =	simm.s32 $0xFFFFFFFC;
	[sflag:s12] =	ssyncadd.s32 $0xFFFFFCE0  }
.LBB2_5:
0x42: {  	v1 =	vld [tilespmem:s22+$0xFFFFFFE0]  }
0x43: {  	v2 =	vld [tilespmem:s23+$0xFFFFFFE0];
	_ =	sdelay $0x4  }
0x44: {  	v1 =	vadd.f32 v2, v1;
	_ =	sdelay $0x1  }
0x45: {  	v2 =	vmul.f32 $2.000000030e-01, v1  }
0x46: {  	vm0 =	vgt.f32 v1, $0.0e+00  }
0x47: {  	v1 =	vsel vm0, v1, v2  }
0x48: {  	v1 =	vmul.f32 $1.442695020e+00, v1;
	_ =	sdelay $0x1  }
0x49: {  	(erf) = vpow2.f32 v1;
	_ =	sdelay $0x8  }
0x4a: {  	v1 =	vpop (erf)  }
0x4b: {  	[tilespmem:s24+$0xFFFFFFE0] =	vst v1  }
0x4c: {  	v2 =	vld [tilespmem:s25+$0xFFFFFFE0];
	_ =	sdelay $0x7  }
0x4d: {  	[tilespmem:v2+s16+$0x0] =	vst.idx.add.f32.msk $0xffff, v1  }
0x4e: {  	v1 =	vld [tilespmem:s22+$0xFFFFFFF0]  }
0x4f: {  	v2 =	vld [tilespmem:s23+$0xFFFFFFF0];
	_ =	sdelay $0x4  }
0x50: {  	v1 =	vadd.f32 v2, v1;
	_ =	sdelay $0x1  }
0x51: {  	v2 =	vmul.f32 $2.000000030e-01, v1  }
0x52: {  	vm13 =	vgt.f32 v1, $0.0e+00  }
0x53: {  	v1 =	vsel vm13, v1, v2  }
0x54: {  	v1 =	vmul.f32 $1.442695020e+00, v1;
	_ =	sdelay $0x1  }
0x55: {  	(erf) = vpow2.f32 v1;
	_ =	sdelay $0x8  }
0x56: {  	v1 =	vpop (erf)  }
0x57: {  	[tilespmem:s24+$0xFFFFFFF0] =	vst v1  }
0x58: {  	v2 =	vld [tilespmem:s25+$0xFFFFFFF0];
	_ =	sdelay $0x7  }
0x59: {  	[tilespmem:v2+s16+$0x0] =	vst.idx.add.f32.msk $0xffff, v1  }
0x5a: {  	v1 =	vld [tilespmem:s22+$0x0]  }
0x5b: {  	v2 =	vld [tilespmem:s23+$0x0];
	_ =	sdelay $0x4  }
0x5c: {  	v1 =	vadd.f32 v2, v1;
	_ =	sdelay $0x1  }
0x5d: {  	v2 =	vmul.f32 $2.000000030e-01, v1  }
0x5e: {  	vm14 =	vgt.f32 v1, $0.0e+00  }
0x5f: {  	v1 =	vsel vm14, v1, v2  }
0x60: {  	v1 =	vmul.f32 $1.442695020e+00, v1;
	_ =	sdelay $0x1  }
0x61: {  	(erf) = vpow2.f32 v1;
	_ =	sdelay $0x8  }
0x62: {  	v1 =	vpop (erf)  }
0x63: {  	[tilespmem:s24+$0x0] =	vst v1  }
0x64: {  	v2 =	vld [tilespmem:s25+$0x0];
	_ =	sdelay $0x7  }
0x65: {  	[tilespmem:v2+s16+$0x0] =	vst.idx.add.f32.msk $0xffff, v1  }
0x66: {  	v1 =	vld [tilespmem:s22+$0x10]  }
0x67: {  	v2 =	vld [tilespmem:s23+$0x10];
	_ =	sdelay $0x4  }
0x68: {  	v1 =	vadd.f32 v2, v1;
	_ =	sdelay $0x1  }
0x69: {  	v2 =	vmul.f32 $2.000000030e-01, v1  }
0x6a: {  	vm15 =	vgt.f32 v1, $0.0e+00  }
0x6b: {  	v1 =	vsel vm15, v1, v2  }
0x6c: {  	v1 =	vmul.f32 $1.442695020e+00, v1;
	_ =	sdelay $0x1  }
0x6d: {  	(erf) = vpow2.f32 v1;
	_ =	sdelay $0x8  }
0x6e: {  	v1 =	vpop (erf)  }
0x6f: {  	[tilespmem:s24+$0x10] =	vst v1  }
0x70: {  	v2 =	vld [tilespmem:s25+$0x10];
	_ =	sdelay $0x1  }
0x71: {  	s21 =	sadd.s32 $0x4, s21  }
0x72: {  	p0 =	slt.u32 s21, $0x2C  }
.Ltmp1:
0x73: {  	_ = 	snop;
	(pc) =	sbr.rel @p0 .LBB2_5-.Ltmp1, $3  }
0x74: {  	_ =	sdelay $0x1  }
0x75: {  	s22 =	sadd.s32 $0x40, s22  }
0x76: {  	s23 =	sadd.s32 $0x40, s23;
	s24 =	sadd.s32 $0x40, s24;
	s25 =	sadd.s32 $0x40, s25;
	[tilespmem:v2+s16+$0x0] =	vst.idx.add.f32.msk $0xffff, v1  }
0x77: {  	v1 =	vld [tilespmem:$0x940]  }
0x78: {  	v2 =	vld [tilespmem:$0xC60];
	_ =	sdelay $0x4  }
0x79: {  	v1 =	vadd.f32 v2, v1;
	_ =	sdelay $0x1  }
0x7a: {  	v2 =	vmul.f32 $2.000000030e-01, v1  }
0x7b: {  	vm0 =	vgt.f32 v1, $0.0e+00  }
0x7c: {  	v1 =	vsel vm0, v1, v2  }
0x7d: {  	v1 =	vmul.f32 $1.442695020e+00, v1;
	_ =	sdelay $0x1  }
0x7e: {  	(erf) = vpow2.f32 v1;
	_ =	sdelay $0x2  }
0x7f: {  	v1 =	vld [tilespmem:$0x620];
	_ =	sdelay $0x5  }
0x80: {  	v2 =	vpop (erf)  }
0x81: {  	[tilespmem:$0xF80] =	vst v2  }
0x82: {  	[tilespmem:v1+s16+$0x0] =	vst.idx.add.f32.msk $0xffff, v2  }
0x83: {  	v1 =	vld [tilespmem:$0x950]  }
0x84: {  	v2 =	vld [tilespmem:$0xC70];
	_ =	sdelay $0x4  }
0x85: {  	v1 =	vadd.f32 v2, v1;
	_ =	sdelay $0x1  }
0x86: {  	v2 =	vmul.f32 $2.000000030e-01, v1  }
0x87: {  	vm15 =	vgt.f32 v1, $0.0e+00  }
0x88: {  	v1 =	vsel vm15, v1, v2  }
0x89: {  	v1 =	vmul.f32 $1.442695020e+00, v1;
	_ =	sdelay $0x1  }
0x8a: {  	(erf) = vpow2.f32 v1;
	_ =	sdelay $0x2  }
0x8b: {  	v1 =	vld [tilespmem:$0x630];
	_ =	sdelay $0x5  }
0x8c: {  	s20 =	sadd.s32 s9, s20;
	s19 =	sadd.s32 $0x1, s19;
	v2 =	vpop (erf)  }
0x8d: {  	s20 =	sshrl.u32 s20, $0x3;
	p0 =	sne.s32 s19, $0x7D;
	[tilespmem:$0xF90] =	vst v2  }
.Ltmp2:
0x8e: {  	s20 =	sadd.s32 s5, s20;
	[tilespmem:v1+s16+$0x0] =	vst.idx.add.f32.msk $0xffff, v2;
	(pc) =	sbr.rel @p0 .LBB2_4-.Ltmp2, $4  }
0x8f: {  	[hbm4b:s20+s2] =	stream.linear.scatter [tilespmem:s17], [sflag:$0x1], $0x320, $0x38;
	[tilespmem:$0x197A0] =	vst v63  }
0x90: {  	_ =	swait.ge [sflag:s12], $0x320  }
0x91: {  	[sflag:s12] =	ssyncset.done $0x0  }
0x92: {  	[sflag:s12] =	ssyncadd.s32 $0xFFFFFCE0  }
0x93: {  	s18 =	sadd.s32 $0x1, s18  }
0x94: {  	p0 =	sne.s32 s18, s11  }
.Ltmp3:
0x95: {  	_ = 	snop;
	(pc) =	sbr.rel @p0 .LBB2_1-.Ltmp3, $4  }
0x96: {  	[hbm4b:s10+s2] =	stream.linear.scatter [tilespmem:s16], [sflag:$0x1], $0x18800, $0x38;
	[tilespmem:$0x197A0] =	vst v63  }
0x97: {  	_ =	swait.ge [sflag:s12], $0x18800  }
0x98: {  	[sflag:s12] =	ssyncset.done $0x0  }
0x99: {  	[sflag:s12] =	ssyncadd.s32 $0xFFFE7800  }
0x9a: {  	_ =	sfence.sel $0x180000  }
0x9b: {  	[bflag:$0x0] =	sbarrier.arrive $0xFFFF  }
0x9c: {  	p0 =	sne.s32 s1, $0x0;
	_ =	strace $0x9000004D  }
0x9d: {  	s0 =	sadd.s32 @!p0 $0x100000, s0;
	[bflag:$0x2] =	sbarrier.arrive $0xFFFF  }
0x9e: {  	[sflag:s0] =	ssyncadd.tile.s32 @!p0 $0x1;
	_ =	shalt  }
.Lfunc_end2:
_tile_overlayer_lowered:
.L_overlay_start_2:
0x9f: {  	(tag) =	ssettag $0x2  }
0xa0: {  	s0 =	rddreg [dreg:$0x0];
	s2 =	stileid.u32  }
0xa1: {  	s1 =	rddreg [dreg:$0x1];
	p0 =	sne.s32 s2, $0x0  }
0xa2: {  	s3 =	rddreg [dreg:$0x2];
	[bflag:$0x3] =	sbarrier.arrive $0xFFFF;
	s2 =	simm.s32 @!p0 $0x1C01  }
0xa3: {  	[timem:s3], [sflag:s2] =	dma.local @!p0 [hbm:s0], s1  }
0xa4: {  	s0 =	simm.s32 @!p0 $0x1  }
0xa5: {  	_ =	swait.ge @!p0 [sflag:s0], s1  }
0xa6: {  	s1 =	ssub.s32 @!p0 $0x0, s1;
	[sflag:s0] =	ssyncset.done @!p0 $0x0  }
0xa7: {  	[sflag:s0] =	ssyncadd.s32 @!p0 s1  }
0xa8: {  	[bflag:$0x3] =	sbarrier.arrive $0xFFFF  }
0xa9: {  	_ =	shalt  }

// kernel: kernel.23.cloned.1.call-start
scs
__scs_entry_jumppad:
0x0: {  	(pc) =	sbr.rel $0x88, $3  }
0x1: {  	(tag) =	ssettag $0x0;
	lr =	simm.s32 $0x1  }
0x2: {  	[smem:$0x3F97] =	sst lr;
	_ =	strace $0xD0000000  }
0x3: {  	_ = 	snop  }
0x4: {  	_ = 	snop  }
0x5: {  	_ = 	snop  }
0x6: {  	_ = 	snop  }
0x7: {  	_ = 	snop  }
__scs_overlays_trampoline_lowered:
0x8: {  	[smem:$0x3FA6] =	sst s0  }
0x9: {  	[smem:$0x3FA7] =	sst s1  }
0xa: {  	[smem:$0x3FA8] =	sst s2  }
0xb: {  	[smem:$0x3FA9] =	sst s3  }
0xc: {  	[smem:$0x3FAA] =	sst s4  }
0xd: {  	[smem:$0x3FAB] =	sst s5  }
0xe: {  	[smem:$0x3FAC] =	sst s6  }
0xf: {  	[smem:$0x3FAD] =	sst s7  }
0x10: {  	[smem:$0x3FAE] =	sst s8  }
0x11: {  	[smem:$0x3FAF] =	sst s9;
	s0 =	simm.s32 @!p0 $0x0  }
0x12: {  	s1 =	sld [smem:$0x3F95];
	s0 =	simm.s32 @p0 $0x1  }
0x13: {  	[smem:$0x3FB0] =	sst s0;
	s0 =	simm.s32 @!p1 $0x0  }
0x14: {  	s2 =	sld [smem:$0x3F94];
	s0 =	simm.s32 @p1 $0x1  }
0x15: {  	[smem:$0x3FB1] =	sst s0;
	s0 =	simm.s32 @!p2 $0x0  }
0x16: {  	s3 =	sld [smem:$0x3FDB];
	s0 =	simm.s32 @p2 $0x1  }
0x17: {  	s4 =	simm.s32 $0x1BF5;
	[smem:$0x3FB3] =	sst s0  }
0x18: {  	s0 =	sld [smem:$0x3F96];
	_ =	swait.ge [sflag:s4], $0x0  }
0x19: {  	s7 =	sld [smem:$0x3F97]  }
0x1a: {  	s8 =	sadd.s32 $0xFFFFE003, lr  }
0x1b: {  	s9 =	sadd.s32 $0xFFFFFEF7, lr;
	s5 =	simm.s32 $0xFFFFFFFF;
	p2 =	slt.u32 s8, $0xFFFFF086  }
0x1c: {  	p1 =	slt.u32 s9, $0xF7A;
	s5 =	simm.s32 @!p2 $0x0  }
0x1d: {  	s5 =	simm.s32 @p1 $0x1;
	p0 =	seq.s32 s7, s2  }
0x1e: {  	s7 =	smul.u32 @!p0 $0xF7A, s2;
	p2 =	seq.s32 @!p0 s5, $0x0  }
0x1f: {  	s9 =	smul.u32 $0xF7A, s1;
	s8 =	simm.s32 @!p0 $0x1BF5;
	p2 =	por !p2, p0  }
0x20: {  	[sflag:s8] =	ssyncset.s32 @!p0 $0xFFFFF086;
	s6 =	sadd.s32 @!p0 s3, s7;
	s7 =	simm.s32 @!p0 $0x108  }
0x21: {  	s3 =	sadd.s32 s3, s9;
	s6 =	sadd.s32 @!p0 $0x88, s6;
	s7 =	simm.s32 @p2 $0x1082  }
0x22: {  	[simem:s7], [sflag:s8] =	dma.local @!p0 [hbm:s6], $0xF7A  }
0x23: {  	s9 =	sor.u32 $0xD0000000, s2;
	s6 =	simm.s32 $0x108;
	_ =	swait.ge @!p0 [sflag:s8], $0x0  }
0x24: {  	s3 =	sadd.s32 $0x88, s3;
	s6 =	simm.s32 @!p1 $0x1082;
	[sflag:s4] =	ssyncset.s32 $0xFFFFF086  }
0x25: {  	[simem:s6], [sflag:s4] =	dma.local [hbm:s3], $0xF7A  }
0x26: {  	[smem:$0x3F97] =	sst s1;
	(tag) =	ssettag s2;
	_ =	strace s9  }
0x27: {  	s1 =	sld [smem:$0x3FA7]  }
0x28: {  	s2 =	sld [smem:$0x3FA8]  }
0x29: {  	s4 =	sld [smem:$0x3FAA]  }
0x2a: {  	p0 =	seq.s32 s5, $0x0;
	s5 =	sld [smem:$0x3FAB]  }
0x2b: {  	s6 =	sld [smem:$0x3FAC]  }
0x2c: {  	s7 =	sld [smem:$0x3FAD]  }
0x2d: {  	s3 =	simm.s32 $0x108;
	s8 =	sld [smem:$0x3FAE]  }
0x2e: {  	s3 =	simm.s32 @!p0 $0x1082;
	s9 =	sld [smem:$0x3FAF]  }
0x2f: {  	lr =	sadd.s32 s0, s3;
	s0 =	sld [smem:$0x3FA6]  }
0x30: {  	s3 =	sld [smem:$0x3FA9]  }
0x31: {  	[smem:$0x3FB2] =	sst s10  }
0x32: {  	s10 =	sld [smem:$0x3FB0];
	_ =	sdelay $0x3  }
0x33: {  	p0 =	seq.s32 s10, $0x1;
	s10 =	sld [smem:$0x3FB2];
	_ =	sdelay $0x3  }
0x34: {  	[smem:$0x3FB2] =	sst s10  }
0x35: {  	s10 =	sld [smem:$0x3FB1];
	_ =	sdelay $0x3  }
0x36: {  	p1 =	seq.s32 s10, $0x1;
	s10 =	sld [smem:$0x3FB2];
	_ =	sdelay $0x3  }
0x37: {  	[smem:$0x3FB2] =	sst s10  }
0x38: {  	s10 =	sld [smem:$0x3FB3]  }
0x39: {  	_ = 	snop;
	(pc) =	sbr.ind lr, $3  }
0x3a: {  	_ = 	snop  }
0x3b: {  	_ = 	snop  }
0x3c: {  	p2 =	seq.s32 s10, $0x1;
	s10 =	sld [smem:$0x3FB2]  }
0x3d: {  	_ =	shalt  }
0x3e: {  	_ =	shalt  }
0x3f: {  	_ =	shalt  }
0x40: {  	_ =	shalt  }
0x41: {  	_ =	shalt  }
0x42: {  	_ =	shalt  }
0x43: {  	_ =	shalt  }
0x44: {  	_ =	shalt  }
0x45: {  	_ =	shalt  }
0x46: {  	_ =	shalt  }
0x47: {  	_ =	shalt  }
0x48: {  	_ =	shalt  }
0x49: {  	_ =	shalt  }
0x4a: {  	_ =	shalt  }
0x4b: {  	_ =	shalt  }
0x4c: {  	_ =	shalt  }
0x4d: {  	_ =	shalt  }
0x4e: {  	_ =	shalt  }
0x4f: {  	_ =	shalt  }
0x50: {  	_ =	shalt  }
0x51: {  	_ =	shalt  }
0x52: {  	_ =	shalt  }
0x53: {  	_ =	shalt  }
0x54: {  	_ =	shalt  }
0x55: {  	_ =	shalt  }
0x56: {  	_ =	shalt  }
0x57: {  	_ =	shalt  }
0x58: {  	_ =	shalt  }
0x59: {  	_ =	shalt  }
0x5a: {  	_ =	shalt  }
0x5b: {  	_ =	shalt  }
0x5c: {  	_ =	shalt  }
0x5d: {  	_ =	shalt  }
0x5e: {  	_ =	shalt  }
0x5f: {  	_ =	shalt  }
0x60: {  	_ =	shalt  }
0x61: {  	_ =	shalt  }
0x62: {  	_ =	shalt  }
0x63: {  	_ =	shalt  }
0x64: {  	_ =	shalt  }
0x65: {  	_ =	shalt  }
0x66: {  	_ =	shalt  }
0x67: {  	_ =	shalt  }
0x68: {  	_ =	shalt  }
0x69: {  	_ =	shalt  }
0x6a: {  	_ =	shalt  }
0x6b: {  	_ =	shalt  }
0x6c: {  	_ =	shalt  }
0x6d: {  	_ =	shalt  }
0x6e: {  	_ =	shalt  }
0x6f: {  	_ =	shalt  }
0x70: {  	_ =	shalt  }
0x71: {  	_ =	shalt  }
0x72: {  	_ =	shalt  }
0x73: {  	_ =	shalt  }
0x74: {  	_ =	shalt  }
0x75: {  	_ =	shalt  }
0x76: {  	_ =	shalt  }
0x77: {  	_ =	shalt  }
0x78: {  	_ =	shalt  }
0x79: {  	_ =	shalt  }
0x7a: {  	_ =	shalt  }
0x7b: {  	_ =	shalt  }
0x7c: {  	_ =	shalt  }
0x7d: {  	_ =	shalt  }
0x7e: {  	_ =	shalt  }
0x7f: {  	_ =	shalt  }
0x80: {  	_ =	shalt  }
0x81: {  	_ =	shalt  }
0x82: {  	_ =	shalt  }
0x83: {  	_ =	shalt  }
0x84: {  	_ =	shalt  }
0x85: {  	_ =	shalt  }
0x86: {  	_ =	shalt  }
0x87: {  	_ =	shalt  }
.Lfunc_end0:
.L_simem_size_0:
called_computation.3_lowered:
.L_overlay_start_0:
0x88: {  	s2 =	sld [smem:$0x3FD9]  }
0x89: {  	s3 =	sld [smem:$0x3FFE];
	_ =	sdelay $0x1  }
0x8a: {  	s1 =	srdreg.scid  }
0x8b: {  	s0 =	sand.u32 $0x1, s1  }
0x8c: {  	s16 =	sshll.u32 s0, $0xA;
	s2 =	sadd.s32 s3, s2  }
0x8d: {  	s2 =	sadd.s32 s2, s16  }
0x8e: {  	[smem:$0x3FBE] =	sst s2  }
0x8f: {  	_ = 	snop  }
0x90: {  	(tm) =	ssettm $0x1  }
0x91: {  	s17 =	sld [smem:$0x3FFB];
	_ =	sdelay $0x3  }
0x92: {  	_ =	strace s17  }
0x93: {  	s2 =	sld [smem:$0x3FFC];
	_ =	sdelay $0x3  }
0x94: {  	_ =	strace s2  }
0x95: {  	s2 =	sld [smem:$0x3FFD];
	_ =	sdelay $0x3  }
0x96: {  	_ =	strace s2  }
0x97: {  	_ =	strace $0x8FFFFFFF  }
0x98: {  	s18 =	sld [smem:$0x3FDB];
	_ =	sdelay $0x1  }
0x99: {  	s19 =	simm.s32 $_scs_section_size  }
0x9a: {  	s4 =	simm.s32 $_size__tile_overlayer_lowered;
	s5 =	simm.s32 $_tile_overlayer_lowered  }
0x9b: {  	s22 =	simm.s32 $0x1BFF;
	s21 =	sshll.u32 s5, $0x1;
	s2 =	sadd.s32 s19, s18  }
0x9c: {  	s6 =	simm.s32 $0x0;
	s20 =	sshll.u32 s4, $0x1;
	s4 =	sadd.s32 s21, s2  }
0x9d: {  	[timem:s6], [sflag:s22] =	dma.local [hbm:s4], s20  }
0x9e: {  	_ =	swait.ge [sflag:s22], s20  }
0x9f: {  	s3 =	ssub.s32 $0x0, s20;
	[sflag:s22] =	ssyncset.done $0x0  }
0xa0: {  	[sflag:s22] =	ssyncadd.s32 s3;
	_ =	sdelay $0x1  }
0xa1: {  	s23 =	simm.s32 $0x1B8B  }
0xa2: {  	_ =	swait.ge [sflag:s23], $0x1  }
0xa3: {  	[sflag:s23] =	ssyncset.done $0x0  }
0xa4: {  	s25 =	simm.s32 $0x1B8E;
	s24 =	sld [smem:$0x3FFE];
	[sflag:s23] =	ssyncadd.s32 $0xFFFFFFFF  }
0xa5: {  	s26 =	simm.s32 $execute0_lowered;
	[smem:$0x3FD2] =	sst s25  }
0xa6: {  	s4 =	sshll.u32 s26, $0x1;
	_ =	strace $0x8000004F;
	[dreg:$0x1] =	wrdreg $0xFFFFFFFF  }
0xa7: {  	s28 =	simm.s32 $_size_execute0_lowered;
	s2 =	sadd.s32 s2, s4;
	[dreg:$0x0] =	wrdreg $0x0  }
0xa8: {  	s4 =	sshll.u32 s28, $0x1;
	[dreg:$0x2] =	wrdreg s2  }
0xa9: {  	[dreg:$0x3] =	wrdreg s4  }
0xaa: {  	[dreg:$0x4] =	wrdreg $0xC0  }
0xab: {  	_ =	task [dreg:s6], $0x5FFFF  }
0xac: {  	[dreg:$0x1] =	wrdreg $0xFFFFFFFF  }
0xad: {  	[dreg:$0x0] =	wrdreg $0x60  }
0xae: {  	[dreg:$0x2] =	wrdreg s24  }
0xaf: {  	[dreg:$0x3] =	wrdreg $0x3B600  }
0xb0: {  	[dreg:$0x4] =	wrdreg $0x9  }
0xb1: {  	_ =	task.clear_ibuf [dreg:s6], $0x5FFFF;
	_ =	strace $0x9000004F  }
0xb2: {  	s29 =	simm.s32 $0x9;
	_ =	strace $0x80000051  }
0xb3: {  	_ =	swait.ge [sflag:s29], $0x1  }
0xb4: {  	[sflag:s29] =	ssyncadd.s32 $0xFFFFFFFF  }
0xb5: {  	_ =	strace $0x90000051  }
0xb6: {  	_ =	sfence  }
0xb7: {  	s30 =	sld [smem:$0x0];
	_ =	sdelay $0x2  }
0xb8: {  	s31 =	sshll.u32 s1, $0xD;
	s1 =	sshrl.u32 s1, $0x2  }
0xb9: {  	s3 =	sand.u32 $0x4000, s31;
	s1 =	sadd.s32 s1, s30  }
0xba: {  	s0 =	sor.u32 s3, s0;
	s1 =	sshll.u32 s1, $0x11  }
0xbb: {  	s0 =	sor.u32 s1, s0  }
0xbc: {  	s0 =	sadd.s32 $0x8F2B, s0  }
0xbd: {  	[sflag:s0] =	ssyncadd.remote.s32 $0x1  }
0xbe: {  	_ =	sfence.sel $0xFFFF  }
0xbf: {  	[dreg:$0x0] =	wrdreg $0xFFFFFFFF;
	(pc) =	sbr.abs _section_cstart, $3  }
0xc0: {  	[dreg:$0x1] =	wrdreg $0xFFFFFFFF  }
0xc1: {  	_ =	task.clear_ibuf [dreg:s6], $0x2FFFF;
	_ =	strace $0x9FFFFFFF  }
0xc2: {  	(tm) =	ssettm $0x7FFFFFFF  }
0xc3: {  	_ =	shalt  }
tec
execute0_lowered:
.L_overlay_start_1:
0x0: {  	(tag) =	ssettag $0x1  }
0x1: {  	s6 =	rddreg [dreg:$0x0]  }
0x2: {  	s1 =	rddreg [dreg:$0x1];
	s2 =	srdreg.scid  }
0x3: {  	s0 =	rddreg [dreg:$0x2];
	s3 =	simm.s32 $0x0;
	s19 =	simm.s32 $0x960  }
0x4: {  	s20 =	simm.s32 $0x1;
	s21 =	simm.s32 $0x0;
	s7 =	sand.u32 $0x1, s2  }
0x5: {  	s2 =	stileid.u32;
	s12 =	sadd.s32 $0x66AA00, s6;
	s4 =	smul.u32 $0x30D40, s7  }
0x6: {  	[smem:$0x7FF] =	sst s3;
	s13 =	sadd.s32 $0x72EA00, s6;
	s11 =	smul.u32 $0x18700, s2  }
0x7: {  	s5 =	sadd.s32 $0x32A00, s6;
	_ =	strace $0x80000050;
	s30 =	smul.u32 $0x62000, s7  }
0x8: {  	s10 =	ssub.s32 $0x2, s7;
	s17 =	smul.u32 $0x30E000, s7;
	s18 =	sshllo.u32 s7, $0x1  }
0x9: {  	s16 =	sshll.u32 s2, $0x6;
	s14 =	sshrl.u32 s10, $0x1;
	s31 =	smul.u32 $0x187000, s18  }
0xa: {  	s18 =	smul.u32 $0x31000, s18;
	s9 =	sadd.s32 s4, s6;
	s4 =	sadd.s32 $0x1C00, s6  }
0xb: {  	s8 =	sshrl.u32 s11, $0x3;
	s14 =	ssub.s32 s10, s14;
	s15 =	sadd.s32 s11, s1  }
0xc: {  	s17 =	sadd.s32 s11, s17;
	s10 =	sadd.s32 s12, s30;
	s8 =	sadd.s32 s8, s6  }
0xd: {  	s6 =	smul.u32 $0x186A0, s2;
	s9 =	sadd.s32 $0x608E00, s9;
	s17 =	sshrl.u32 s17, $0x3  }
0xe: {  	s12 =	sadd.s32 s12, s18;
	s14 =	smax.u32 s14, $0x1;
	s15 =	sshrl.u32 s15, $0x3  }
0xf: {  	s7 =	sadd.s32 $0x55D800, s8;
	s8 =	sor.u32 $0x1C02, s16;
	s16 =	sadd.s32 s11, s31  }
0x10: {  	s18 =	simm.s32 $0x640;
	s11 =	sadd.s32 s13, s17;
	s16 =	sshrl.u32 s16, $0x3  }
0x11: {  	s17 =	simm.s32 $0x320;
	s13 =	sadd.s32 s13, s16;
	s16 =	simm.s32 $0x2  }
.LBB2_1:
0x12: {  	[spmem:s15], [sflag:s8] =	dma.local [hbm:s7], $0x30E0  }
0x13: {  	_ =	swait.ge [sflag:s16], $0x30E0  }
0x14: {  	[sflag:s16] =	ssyncset.done $0x0  }
0x15: {  	[sflag:s16] =	ssyncadd.s32 $0xFFFFCF20  }
0x16: {  	s22 =	simm.s32 $0x0;
	[bflag:$0x0] =	sbarrier.arrive $0xFFFF  }
.LBB2_2:
0x17: {  	s23 =	smul.u32 $0x320, s22;
	_ =	sdelay $0x1  }
0x18: {  	s23 =	sadd.s32 s6, s23  }
0x19: {  	s23 =	sshrl.u32 s23, $0x3  }
0x1a: {  	s24 =	sadd.s32 s4, s23  }
0x1b: {  	[tilespmem:s3], [sflag:$0x2] =	stream.linear.gather [hbm4b:s24+s3], $0x320, $0x38;
	[tilespmem:$0x1C260] =	vst v63  }
0x1c: {  	_ =	swait.ge [sflag:s16], $0x320  }
0x1d: {  	[sflag:s16] =	ssyncset.done $0x0  }
0x1e: {  	s31 =	sadd.s32 s5, s23;
	[sflag:s16] =	ssyncadd.s32 $0xFFFFFCE0  }
0x1f: {  	[tilespmem:s17], [sflag:$0x2] =	stream.linear.gather [hbm4b:s31+s3], $0x320, $0x38;
	[tilespmem:$0x1C260] =	vst v63  }
0x20: {  	_ =	swait.ge [sflag:s16], $0x320  }
0x21: {  	[sflag:s16] =	ssyncset.done $0x0  }
0x22: {  	s23 =	sadd.s32 s23, s9;
	[sflag:s16] =	ssyncadd.s32 $0xFFFFFCE0  }
0x23: {  	[tilespmem:s18], [sflag:$0x2] =	stream.linear.gather [hbm4b:s23+s3], $0x320, $0x38;
	[tilespmem:$0x1C260] =	vst v63  }
0x24: {  	_ =	swait.ge [sflag:s16], $0x320  }
0x25: {  	[sflag:s16] =	ssyncset.done $0x0  }
0x26: {  	[sflag:s16] =	ssyncadd.s32 $0xFFFFFCE0  }
0x27: {  	[tilespmem:s19], [sflag:$0x1] =	stream.indirect.gather [hbm4b:s10+s17], $0x10, s3, s17, $0xb8;
	[tilespmem:$0x1C260] =	vst v63  }
0x28: {  	_ =	swait.ge [sflag:s20], $0x3200  }
0x29: {  	[sflag:s20] =	ssyncset.done $0x0  }
0x2a: {  	s23 =	simm.s32 $0xA60;
	[sflag:s20] =	ssyncadd.s32 $0xFFFFCE00  }
0x2b: {  	s25 =	simm.s32 $0x650;
	v0 =	vld [tilespmem:s23+$0xFFFFFFD0]  }
0x2c: {  	v2 =	vld [tilespmem:s25+$0xFFFFFFF0]  }
0x2d: {  	v1 =	vld [tilespmem:s23+$0xFFFFFFC0]  }
0x2e: {  	v5 =	vld [tilespmem:s23+$0xFFFFFF70]  }
0x2f: {  	v7 =	vld [tilespmem:s23+$0xFFFFFFA0]  }
0x30: {  	v6 =	vld [tilespmem:s23+$0xFFFFFF00]  }
0x31: {  	s26 =	simm.s32 $0x0;
	s28 =	simm.s32 $0xA60;
	s24 =	simm.s32 $0x650;
	v4 =	vld [tilespmem:s23+$0xFFFFFFF0];
	v8 =	vbroadcast v2, $0x7;
	v3 =	vbroadcast v2, $0x8  }
.LBB2_3:
0x32: {  	s26 =	sadd.s32 $0x2, s26;
	v9 =	vbroadcast v2, $0x2;
	v10 =	vld [tilespmem:s23+$0xFFFFFF60];
	v11 =	vbroadcast v2, $0xA;
	s28 =	sadd.s32 $0x200, s28;
	s25 =	sadd.s32 $0x20, s25  }
0x33: {  	v12 =	vbroadcast v2, $0x0;
	p0 =	slt.u32 s26, $0x30;
	v13 =	vld [tilespmem:s23+$0xFFFFFF50];
	v5 =	vmul.f32 v5, v8  }
0x34: {  	v8 =	vld [tilespmem:s23+$0xFFFFFF20];
	v7 =	vmul.f32 v7, v11;
	v11 =	vbroadcast v2, $0xD  }
0x35: {  	v14 =	vbroadcast v2, $0xC;
	v6 =	vmul.f32 v12, v6;
	v12 =	vld [tilespmem:s23+$0xFFFFFF80]  }
0x36: {  	v16 =	vbroadcast v2, $0x5;
	v15 =	vld [tilespmem:s23+$0xFFFFFF10];
	[tilespmem:s23+$0xFFFFFFA0] =	vst v7;
	v7 =	vbroadcast v2, $0xF  }
0x37: {  	v1 =	vmul.f32 v1, v14;
	v0 =	vmul.f32 v0, v11;
	[tilespmem:s23+$0xFFFFFF00] =	vst v6;
	v6 =	vld [tilespmem:s23+$0xFFFFFF40]  }
0x38: {  	v11 =	vbroadcast v2, $0x6;
	[tilespmem:s23+$0xFFFFFF70] =	vst v5;
	v5 =	vld [tilespmem:s23+$0xFFFFFFE0];
	v4 =	vmul.f32 v4, v7  }
0x39: {  	v7 =	vmul.f32 v8, v9;
	v8 =	vbroadcast v2, $0x3;
	v9 =	vld [tilespmem:s23+$0xFFFFFFB0];
	[tilespmem:s23+$0xFFFFFFC0] =	vst v1  }
0x3a: {  	v13 =	vmul.f32 v13, v16;
	v14 =	vld [tilespmem:s23+$0xFFFFFF30];
	v3 =	vmul.f32 v12, v3;
	[tilespmem:s23+$0xFFFFFFD0] =	vst v0  }
0x3b: {  	v12 =	vbroadcast v2, $0xE;
	v0 =	vld [tilespmem:s28+$0xFFFFFFD0];
	[tilespmem:s23+$0xFFFFFF20] =	vst v7;
	v7 =	vbroadcast v2, $0x4  }
0x3c: {  	v16 =	vbroadcast v2, $0x1;
	v1 =	vld [tilespmem:s28+$0xFFFFFFC0];
	[tilespmem:s23+$0xFFFFFF50] =	vst v13;
	v13 =	vbroadcast v2, $0xB  }
0x3d: {  	v6 =	vmul.f32 v6, v7;
	v7 =	vld [tilespmem:s23+$0xFFFFFF90];
	v5 =	vmul.f32 v5, v12;
	[tilespmem:s23+$0xFFFFFFF0] =	vst v4  }
0x3e: {  	v4 =	vmul.f32 v15, v16;
	[tilespmem:s23+$0xFFFFFF80] =	vst v3;
	v3 =	vmul.f32 v9, v13  }
0x3f: {  	v8 =	vmul.f32 v14, v8;
	[tilespmem:s23+$0xFFFFFF40] =	vst v6;
	v6 =	vmul.f32 v10, v11  }
0x40: {  	v2 =	vbroadcast v2, $0x9;
	[tilespmem:s23+$0xFFFFFF10] =	vst v4  }
0x41: {  	[tilespmem:s23+$0xFFFFFF60] =	vst v6  }
0x42: {  	[tilespmem:s23+$0xFFFFFF30] =	vst v8;
	v2 =	vmul.f32 v7, v2  }
0x43: {  	[tilespmem:s23+$0xFFFFFFB0] =	vst v3  }
0x44: {  	[tilespmem:s23+$0xFFFFFFE0] =	vst v5  }
0x45: {  	[tilespmem:s23+$0xFFFFFF90] =	vst v2;
	v2 =	vld [tilespmem:s23+$0xE0]  }
0x46: {  	v3 =	vld [tilespmem:s24+$0x0];
	s24 =	smov.u32 s25  }
0x47: {  	v4 =	vld [tilespmem:s23+$0xA0]  }
0x48: {  	v5 =	vld [tilespmem:s23+$0x20]  }
0x49: {  	v6 =	vld [tilespmem:s23+$0x30]  }
0x4a: {  	v7 =	vld [tilespmem:s23+$0xF0]  }
0x4b: {  	v8 =	vbroadcast v3, $0x0;
	v9 =	vbroadcast v3, $0x1;
	v10 =	vld [tilespmem:s23+$0x60]  }
0x4c: {  	v11 =	vbroadcast v3, $0x2;
	v12 =	vbroadcast v3, $0x3;
	v13 =	vld [tilespmem:s23+$0x80]  }
0x4d: {  	v14 =	vbroadcast v3, $0x4;
	v15 =	vbroadcast v3, $0x5;
	v16 =	vld [tilespmem:s23+$0xC0]  }
0x4e: {  	v6 =	vmul.f32 v6, v12;
	v12 =	vbroadcast v3, $0x6;
	v17 =	vld [tilespmem:s23+$0xB0]  }
0x4f: {  	v18 =	vbroadcast v3, $0x8;
	v19 =	vbroadcast v3, $0x9;
	v20 =	vld [tilespmem:s23+$0xD0]  }
0x50: {  	[tilespmem:s23+$0x30] =	vst v6;
	v6 =	vmul.f32 v10, v12;
	v10 =	vld [tilespmem:s23+$0x90];
	v12 =	vbroadcast v3, $0xA  }
0x51: {  	v21 =	vld [tilespmem:s23+$0x40];
	v13 =	vmul.f32 v13, v18;
	v18 =	vbroadcast v3, $0xB  }
0x52: {  	v5 =	vmul.f32 v5, v11;
	v11 =	vld [tilespmem:s23+$0x50];
	[tilespmem:s23+$0x60] =	vst v6;
	v6 =	vbroadcast v3, $0xC  }
0x53: {  	v4 =	vmul.f32 v4, v12;
	v22 =	vld [tilespmem:s23+$0x10];
	[tilespmem:s23+$0x80] =	vst v13;
	v12 =	vmul.f32 v17, v18  }
0x54: {  	v13 =	vld [tilespmem:s23+$0x0];
	[tilespmem:s23+$0x20] =	vst v5;
	v5 =	vmul.f32 v16, v6;
	v6 =	vbroadcast v3, $0xD  }
0x55: {  	v16 =	vld [tilespmem:s23+$0x70];
	v10 =	vmul.f32 v10, v19;
	[tilespmem:s23+$0xA0] =	vst v4;
	v4 =	vbroadcast v3, $0xE  }
0x56: {  	v14 =	vmul.f32 v21, v14;
	[tilespmem:s23+$0xC0] =	vst v5;
	v5 =	vmul.f32 v20, v6  }
0x57: {  	v6 =	vmul.f32 v11, v15;
	[tilespmem:s23+$0xB0] =	vst v12;
	v2 =	vmul.f32 v2, v4  }
0x58: {  	v4 =	vbroadcast v3, $0x7;
	v3 =	vbroadcast v3, $0xF;
	[tilespmem:s23+$0xD0] =	vst v5  }
0x59: {  	v5 =	vmul.f32 v8, v13;
	v8 =	vmul.f32 v22, v9;
	[tilespmem:s23+$0xE0] =	vst v2  }
0x5a: {  	v3 =	vmul.f32 v7, v3;
	v2 =	vmul.f32 v16, v4;
	[tilespmem:s23+$0x90] =	vst v10  }
0x5b: {  	[tilespmem:s23+$0x40] =	vst v14  }
0x5c: {  	[tilespmem:s23+$0x50] =	vst v6  }
0x5d: {  	[tilespmem:s23+$0xF0] =	vst v3  }
0x5e: {  	[tilespmem:s23+$0x70] =	vst v2  }
0x5f: {  	[tilespmem:s23+$0x0] =	vst v5  }
0x60: {  	[tilespmem:s23+$0x10] =	vst v8;
	s23 =	smov.u32 s28  }
0x61: {  	v2 =	vld [tilespmem:s25+$0xFFFFFFF0]  }
.Ltmp0:
0x62: {  	(pc) =	sbr.rel @p0 .LBB2_3-.Ltmp0, $4  }
0x63: {  	v5 =	vld [tilespmem:s28+$0xFFFFFF70]  }
0x64: {  	v7 =	vld [tilespmem:s28+$0xFFFFFFA0]  }
0x65: {  	v6 =	vld [tilespmem:s28+$0xFFFFFF00]  }
0x66: {  	v8 =	vbroadcast v2, $0x7;
	v3 =	vbroadcast v2, $0x8;
	v4 =	vld [tilespmem:s28+$0xFFFFFFF0]  }
0x67: {  	v10 =	vbroadcast v2, $0xA  }
0x68: {  	v13 =	vld [tilespmem:s23+$0xFFFFFF20];
	v56 =	vbroadcast v2, $0xC;
	v5 =	vmul.f32 v5, v8  }
0x69: {  	v11 =	vld [tilespmem:s23+$0xFFFFFF50];
	v57 =	vbroadcast v2, $0xD;
	v7 =	vmul.f32 v7, v10  }
0x6a: {  	v12 =	vbroadcast v2, $0x0;
	v1 =	vmul.f32 v1, v56;
	[tilespmem:s23+$0xFFFFFF70] =	vst v5  }
0x6b: {  	v55 =	vld [tilespmem:s23+$0xFFFFFF80];
	v15 =	vbroadcast v2, $0x2;
	v0 =	vmul.f32 v0, v57;
	[tilespmem:s23+$0xFFFFFFA0] =	vst v7  }
0x6c: {  	v58 =	vld [tilespmem:s23+$0xFFFFFF40];
	v60 =	vbroadcast v2, $0x5;
	v6 =	vmul.f32 v12, v6;
	[tilespmem:s23+$0xFFFFFFC0] =	vst v1  }
0x6d: {  	v14 =	vld [tilespmem:s23+$0xFFFFFF10];
	v62 =	vbroadcast v2, $0xF;
	[tilespmem:s23+$0xFFFFFFD0] =	vst v0;
	v13 =	vmul.f32 v13, v15  }
0x6e: {  	v9 =	vld [tilespmem:s23+$0xFFFFFF60];
	[tilespmem:s23+$0xFFFFFF00] =	vst v6;
	v11 =	vmul.f32 v11, v60  }
0x6f: {  	v63 =	vld [tilespmem:s23+$0xFFFFFF30];
	v16 =	vbroadcast v2, $0x4;
	v15 =	vmul.f32 v4, v62;
	[tilespmem:s23+$0xFFFFFF20] =	vst v13  }
0x70: {  	v61 =	vld [tilespmem:s23+$0xFFFFFFB0];
	v17 =	vbroadcast v2, $0x1;
	v3 =	vmul.f32 v55, v3;
	[tilespmem:s23+$0xFFFFFF50] =	vst v11  }
0x71: {  	v59 =	vld [tilespmem:s23+$0xFFFFFFE0];
	v18 =	vbroadcast v2, $0x6;
	v4 =	vmul.f32 v58, v16;
	[tilespmem:s23+$0xFFFFFFF0] =	vst v15  }
0x72: {  	v19 =	vld [tilespmem:s23+$0xFFFFFF90];
	v20 =	vbroadcast v2, $0x3;
	v8 =	vmul.f32 v14, v17;
	[tilespmem:s23+$0xFFFFFF80] =	vst v3  }
0x73: {  	v21 =	vbroadcast v2, $0xB;
	v22 =	vmul.f32 v9, v18;
	[tilespmem:s23+$0xFFFFFF40] =	vst v4  }
0x74: {  	v23 =	vbroadcast v2, $0xE;
	v0 =	vmul.f32 v63, v20;
	[tilespmem:s23+$0xFFFFFF10] =	vst v8  }
0x75: {  	v25 =	vbroadcast v2, $0x9;
	v24 =	vmul.f32 v61, v21;
	[tilespmem:s23+$0xFFFFFF60] =	vst v22  }
0x76: {  	v26 =	vmul.f32 v59, v23;
	[tilespmem:s23+$0xFFFFFF30] =	vst v0  }
0x77: {  	v27 =	vmul.f32 v19, v25;
	[tilespmem:s23+$0xFFFFFFB0] =	vst v24  }
0x78: {  	[tilespmem:s23+$0xFFFFFFE0] =	vst v26  }
0x79: {  	[tilespmem:s23+$0xFFFFFF90] =	vst v27  }
0x7a: {  	v1 =	vld [tilespmem:s24+$0x0];
	_ =	sdelay $0x2  }
0x7b: {  	v30 =	vld [tilespmem:s23+$0x30]  }
0x7c: {  	v32 =	vld [tilespmem:s23+$0x60]  }
0x7d: {  	v34 =	vld [tilespmem:s23+$0x80];
	v33 =	vbroadcast v1, $0x3  }
0x7e: {  	v31 =	vld [tilespmem:s23+$0x20];
	v37 =	vbroadcast v1, $0x6;
	v39 =	vbroadcast v1, $0x8  }
0x7f: {  	v29 =	vld [tilespmem:s23+$0xA0];
	v41 =	vbroadcast v1, $0x2;
	v43 =	vbroadcast v1, $0xA  }
0x80: {  	v35 =	vld [tilespmem:s23+$0xC0];
	v45 =	vbroadcast v1, $0xC;
	v3 =	vmul.f32 v30, v33  }
0x81: {  	v36 =	vld [tilespmem:s23+$0xB0];
	v47 =	vbroadcast v1, $0xB;
	v5 =	vmul.f32 v32, v37  }
0x82: {  	v38 =	vld [tilespmem:s23+$0xD0];
	v50 =	vbroadcast v1, $0xD;
	v7 =	vmul.f32 v34, v39;
	[tilespmem:s23+$0x30] =	vst v3  }
0x83: {  	v28 =	vld [tilespmem:s23+$0xE0];
	v53 =	vbroadcast v1, $0xE;
	v4 =	vmul.f32 v31, v41;
	[tilespmem:s23+$0x60] =	vst v5  }
0x84: {  	v42 =	vld [tilespmem:s23+$0x40];
	v54 =	vbroadcast v1, $0x9;
	v2 =	vmul.f32 v29, v43;
	[tilespmem:s23+$0x80] =	vst v7  }
0x85: {  	v44 =	vld [tilespmem:s23+$0x50];
	v56 =	vbroadcast v1, $0x4;
	v49 =	vmul.f32 v35, v45;
	[tilespmem:s23+$0x20] =	vst v4  }
0x86: {  	v48 =	vld [tilespmem:s23+$0x0];
	v57 =	vbroadcast v1, $0x5;
	v6 =	vmul.f32 v36, v47;
	[tilespmem:s23+$0xA0] =	vst v2  }
0x87: {  	v46 =	vld [tilespmem:s23+$0x10];
	v59 =	vbroadcast v1, $0xF;
	v55 =	vmul.f32 v38, v50;
	[tilespmem:s23+$0xC0] =	vst v49  }
0x88: {  	v40 =	vld [tilespmem:s23+$0x90];
	v61 =	vbroadcast v1, $0x7;
	v0 =	vmul.f32 v28, v53;
	[tilespmem:s23+$0xB0] =	vst v6  }
0x89: {  	v52 =	vld [tilespmem:s23+$0xF0];
	v62 =	vbroadcast v1, $0x0;
	v58 =	vmul.f32 v42, v56;
	[tilespmem:s23+$0xD0] =	vst v55  }
0x8a: {  	v51 =	vld [tilespmem:s23+$0x70];
	v1 =	vbroadcast v1, $0x1;
	v60 =	vmul.f32 v44, v57;
	[tilespmem:s23+$0xE0] =	vst v0  }
0x8b: {  	v63 =	vmul.f32 v62, v48;
	[tilespmem:s23+$0x40] =	vst v58  }
0x8c: {  	v1 =	vmul.f32 v46, v1;
	[tilespmem:s23+$0x50] =	vst v60  }
0x8d: {  	v3 =	vmul.f32 v40, v54;
	[tilespmem:s23+$0x0] =	vst v63  }
0x8e: {  	v5 =	vmul.f32 v52, v59;
	[tilespmem:s23+$0x10] =	vst v1  }
0x8f: {  	s22 =	sadd.s32 $0x1, s22;
	v2 =	vmul.f32 v51, v61;
	[tilespmem:s23+$0x90] =	vst v3  }
0x90: {  	p0 =	sne.s32 s22, $0x7D;
	[tilespmem:s23+$0xF0] =	vst v5  }
.Ltmp1:
0x91: {  	[tilespmem:s23+$0x70] =	vst v2;
	(pc) =	sbr.rel @p0 .LBB2_2-.Ltmp1, $4  }
0x92: {  	[spmem:s1] =	stream.indirect.scatter.add.f32 [tilespmem:s19], [sflag:$0x2], $0x10, s17, s17, $0xb8;
	[tilespmem:$0x1C260] =	vst v63  }
0x93: {  	_ =	swait.ge [sflag:s16], $0x3200  }
0x94: {  	[sflag:s16] =	ssyncset.done $0x0  }
0x95: {  	[sflag:s16] =	ssyncadd.s32 $0xFFFFCE00  }
0x96: {  	[bflag:$0x0] =	sbarrier.arrive $0xFFFF  }
0x97: {  	[hbm:s11], [sflag:s8] =	dma.local [spmem:s15], $0x30E0  }
0x98: {  	_ =	swait.ge [sflag:s16], $0x30E0  }
0x99: {  	[sflag:s16] =	ssyncset.done $0x0  }
0x9a: {  	[sflag:s16] =	ssyncadd.s32 $0xFFFFCF20  }
0x9b: {  	[bflag:$0x0] =	sbarrier.arrive $0xFFFF  }
0x9c: {  	[spmem:s15], [sflag:s8] =	dma.local [hbm:s7], $0x30E0  }
0x9d: {  	_ =	swait.ge [sflag:s16], $0x30E0  }
0x9e: {  	[sflag:s16] =	ssyncset.done $0x0  }
0x9f: {  	[sflag:s16] =	ssyncadd.s32 $0xFFFFCF20  }
0xa0: {  	s22 =	simm.s32 $0x0;
	[bflag:$0x0] =	sbarrier.arrive $0xFFFF  }
.LBB2_6:
0xa1: {  	s23 =	smul.u32 $0x320, s22;
	_ =	sdelay $0x1  }
0xa2: {  	s23 =	sadd.s32 s6, s23  }
0xa3: {  	s23 =	sshrl.u32 s23, $0x3  }
0xa4: {  	s24 =	sadd.s32 s4, s23  }
0xa5: {  	[tilespmem:s3], [sflag:$0x2] =	stream.linear.gather [hbm4b:s24+s3], $0x320, $0x38;
	[tilespmem:$0x1C260] =	vst v63  }
0xa6: {  	_ =	swait.ge [sflag:s16], $0x320  }
0xa7: {  	[sflag:s16] =	ssyncset.done $0x0  }
0xa8: {  	s31 =	sadd.s32 s5, s23;
	[sflag:s16] =	ssyncadd.s32 $0xFFFFFCE0  }
0xa9: {  	[tilespmem:s17], [sflag:$0x2] =	stream.linear.gather [hbm4b:s31+s3], $0x320, $0x38;
	[tilespmem:$0x1C260] =	vst v63  }
0xaa: {  	_ =	swait.ge [sflag:s16], $0x320  }
0xab: {  	[sflag:s16] =	ssyncset.done $0x0  }
0xac: {  	s23 =	sadd.s32 s23, s9;
	[sflag:s16] =	ssyncadd.s32 $0xFFFFFCE0  }
0xad: {  	[tilespmem:s18], [sflag:$0x2] =	stream.linear.gather [hbm4b:s23+s3], $0x320, $0x38;
	[tilespmem:$0x1C260] =	vst v63  }
0xae: {  	_ =	swait.ge [sflag:s16], $0x320  }
0xaf: {  	[sflag:s16] =	ssyncset.done $0x0  }
0xb0: {  	[sflag:s16] =	ssyncadd.s32 $0xFFFFFCE0  }
0xb1: {  	[tilespmem:s19], [sflag:$0x1] =	stream.indirect.gather [hbm4b:s12+s17], $0x10, s3, s17, $0xb8;
	[tilespmem:$0x1C260] =	vst v63  }
0xb2: {  	_ =	swait.ge [sflag:s20], $0x3200  }
0xb3: {  	[sflag:s20] =	ssyncset.done $0x0  }
0xb4: {  	s23 =	simm.s32 $0xA60;
	[sflag:s20] =	ssyncadd.s32 $0xFFFFCE00  }
0xb5: {  	s25 =	simm.s32 $0x650;
	v0 =	vld [tilespmem:s23+$0xFFFFFFD0]  }
0xb6: {  	v2 =	vld [tilespmem:s25+$0xFFFFFFF0]  }
0xb7: {  	v1 =	vld [tilespmem:s23+$0xFFFFFFC0]  }
0xb8: {  	v5 =	vld [tilespmem:s23+$0xFFFFFF70]  }
0xb9: {  	v7 =	vld [tilespmem:s23+$0xFFFFFFA0]  }
0xba: {  	v6 =	vld [tilespmem:s23+$0xFFFFFF00]  }
0xbb: {  	s26 =	simm.s32 $0x0;
	s28 =	simm.s32 $0xA60;
	s24 =	simm.s32 $0x650;
	v4 =	vld [tilespmem:s23+$0xFFFFFFF0];
	v8 =	vbroadcast v2, $0x7;
	v3 =	vbroadcast v2, $0x8  }
.LBB2_7:
0xbc: {  	s26 =	sadd.s32 $0x2, s26;
	v9 =	vbroadcast v2, $0x2;
	v10 =	vld [tilespmem:s23+$0xFFFFFF60];
	v11 =	vbroadcast v2, $0xA;
	s28 =	sadd.s32 $0x200, s28;
	s25 =	sadd.s32 $0x20, s25  }
0xbd: {  	v12 =	vbroadcast v2, $0x0;
	p0 =	slt.u32 s26, $0x30;
	v13 =	vld [tilespmem:s23+$0xFFFFFF50];
	v5 =	vmul.f32 v5, v8  }
0xbe: {  	v8 =	vld [tilespmem:s23+$0xFFFFFF20];
	v7 =	vmul.f32 v7, v11;
	v11 =	vbroadcast v2, $0xD  }
0xbf: {  	v14 =	vbroadcast v2, $0xC;
	v6 =	vmul.f32 v12, v6;
	v12 =	vld [tilespmem:s23+$0xFFFFFF80]  }
0xc0: {  	v16 =	vbroadcast v2, $0x5;
	v15 =	vld [tilespmem:s23+$0xFFFFFF10];
	[tilespmem:s23+$0xFFFFFFA0] =	vst v7;
	v7 =	vbroadcast v2, $0xF  }
0xc1: {  	v1 =	vmul.f32 v1, v14;
	v0 =	vmul.f32 v0, v11;
	[tilespmem:s23+$0xFFFFFF00] =	vst v6;
	v6 =	vld [tilespmem:s23+$0xFFFFFF40]  }
0xc2: {  	v11 =	vbroadcast v2, $0x6;
	[tilespmem:s23+$0xFFFFFF70] =	vst v5;
	v5 =	vld [tilespmem:s23+$0xFFFFFFE0];
	v4 =	vmul.f32 v4, v7  }
0xc3: {  	v7 =	vmul.f32 v8, v9;
	v8 =	vbroadcast v2, $0x3;
	v9 =	vld [tilespmem:s23+$0xFFFFFFB0];
	[tilespmem:s23+$0xFFFFFFC0] =	vst v1  }
0xc4: {  	v13 =	vmul.f32 v13, v16;
	v14 =	vld [tilespmem:s23+$0xFFFFFF30];
	v3 =	vmul.f32 v12, v3;
	[tilespmem:s23+$0xFFFFFFD0] =	vst v0  }
0xc5: {  	v12 =	vbroadcast v2, $0xE;
	v0 =	vld [tilespmem:s28+$0xFFFFFFD0];
	[tilespmem:s23+$0xFFFFFF20] =	vst v7;
	v7 =	vbroadcast v2, $0x4  }
0xc6: {  	v16 =	vbroadcast v2, $0x1;
	v1 =	vld [tilespmem:s28+$0xFFFFFFC0];
	[tilespmem:s23+$0xFFFFFF50] =	vst v13;
	v13 =	vbroadcast v2, $0xB  }
0xc7: {  	v6 =	vmul.f32 v6, v7;
	v7 =	vld [tilespmem:s23+$0xFFFFFF90];
	v5 =	vmul.f32 v5, v12;
	[tilespmem:s23+$0xFFFFFFF0] =	vst v4  }
0xc8: {  	v4 =	vmul.f32 v15, v16;
	[tilespmem:s23+$0xFFFFFF80] =	vst v3;
	v3 =	vmul.f32 v9, v13  }
0xc9: {  	v8 =	vmul.f32 v14, v8;
	[tilespmem:s23+$0xFFFFFF40] =	vst v6;
	v6 =	vmul.f32 v10, v11  }
0xca: {  	v2 =	vbroadcast v2, $0x9;
	[tilespmem:s23+$0xFFFFFF10] =	vst v4  }
0xcb: {  	[tilespmem:s23+$0xFFFFFF60] =	vst v6  }
0xcc: {  	[tilespmem:s23+$0xFFFFFF30] =	vst v8;
	v2 =	vmul.f32 v7, v2  }
0xcd: {  	[tilespmem:s23+$0xFFFFFFB0] =	vst v3  }
0xce: {  	[tilespmem:s23+$0xFFFFFFE0] =	vst v5  }
0xcf: {  	[tilespmem:s23+$0xFFFFFF90] =	vst v2;
	v2 =	vld [tilespmem:s23+$0xE0]  }
0xd0: {  	v3 =	vld [tilespmem:s24+$0x0];
	s24 =	smov.u32 s25  }
0xd1: {  	v4 =	vld [tilespmem:s23+$0xA0]  }
0xd2: {  	v5 =	vld [tilespmem:s23+$0x20]  }
0xd3: {  	v6 =	vld [tilespmem:s23+$0x30]  }
0xd4: {  	v7 =	vld [tilespmem:s23+$0xF0]  }
0xd5: {  	v8 =	vbroadcast v3, $0x0;
	v9 =	vbroadcast v3, $0x1;
	v10 =	vld [tilespmem:s23+$0x60]  }
0xd6: {  	v11 =	vbroadcast v3, $0x2;
	v12 =	vbroadcast v3, $0x3;
	v13 =	vld [tilespmem:s23+$0x80]  }
0xd7: {  	v14 =	vbroadcast v3, $0x4;
	v15 =	vbroadcast v3, $0x5;
	v16 =	vld [tilespmem:s23+$0xC0]  }
0xd8: {  	v6 =	vmul.f32 v6, v12;
	v12 =	vbroadcast v3, $0x6;
	v17 =	vld [tilespmem:s23+$0xB0]  }
0xd9: {  	v18 =	vbroadcast v3, $0x8;
	v19 =	vbroadcast v3, $0x9;
	v20 =	vld [tilespmem:s23+$0xD0]  }
0xda: {  	[tilespmem:s23+$0x30] =	vst v6;
	v6 =	vmul.f32 v10, v12;
	v10 =	vld [tilespmem:s23+$0x90];
	v12 =	vbroadcast v3, $0xA  }
0xdb: {  	v21 =	vld [tilespmem:s23+$0x40];
	v13 =	vmul.f32 v13, v18;
	v18 =	vbroadcast v3, $0xB  }
0xdc: {  	v5 =	vmul.f32 v5, v11;
	v11 =	vld [tilespmem:s23+$0x50];
	[tilespmem:s23+$0x60] =	vst v6;
	v6 =	vbroadcast v3, $0xC  }
0xdd: {  	v4 =	vmul.f32 v4, v12;
	v22 =	vld [tilespmem:s23+$0x10];
	[tilespmem:s23+$0x80] =	vst v13;
	v12 =	vmul.f32 v17, v18  }
0xde: {  	v13 =	vld [tilespmem:s23+$0x0];
	[tilespmem:s23+$0x20] =	vst v5;
	v5 =	vmul.f32 v16, v6;
	v6 =	vbroadcast v3, $0xD  }
0xdf: {  	v16 =	vld [tilespmem:s23+$0x70];
	v10 =	vmul.f32 v10, v19;
	[tilespmem:s23+$0xA0] =	vst v4;
	v4 =	vbroadcast v3, $0xE  }
0xe0: {  	v14 =	vmul.f32 v21, v14;
	[tilespmem:s23+$0xC0] =	vst v5;
	v5 =	vmul.f32 v20, v6  }
0xe1: {  	v6 =	vmul.f32 v11, v15;
	[tilespmem:s23+$0xB0] =	vst v12;
	v2 =	vmul.f32 v2, v4  }
0xe2: {  	v4 =	vbroadcast v3, $0x7;
	v3 =	vbroadcast v3, $0xF;
	[tilespmem:s23+$0xD0] =	vst v5  }
0xe3: {  	v5 =	vmul.f32 v8, v13;
	v8 =	vmul.f32 v22, v9;
	[tilespmem:s23+$0xE0] =	vst v2  }
0xe4: {  	v3 =	vmul.f32 v7, v3;
	v2 =	vmul.f32 v16, v4;
	[tilespmem:s23+$0x90] =	vst v10  }
0xe5: {  	[tilespmem:s23+$0x40] =	vst v14  }
0xe6: {  	[tilespmem:s23+$0x50] =	vst v6  }
0xe7: {  	[tilespmem:s23+$0xF0] =	vst v3  }
0xe8: {  	[tilespmem:s23+$0x70] =	vst v2  }
0xe9: {  	[tilespmem:s23+$0x0] =	vst v5  }
0xea: {  	[tilespmem:s23+$0x10] =	vst v8;
	s23 =	smov.u32 s28  }
0xeb: {  	v2 =	vld [tilespmem:s25+$0xFFFFFFF0]  }
.Ltmp2:
0xec: {  	(pc) =	sbr.rel @p0 .LBB2_7-.Ltmp2, $4  }
0xed: {  	v5 =	vld [tilespmem:s28+$0xFFFFFF70]  }
0xee: {  	v7 =	vld [tilespmem:s28+$0xFFFFFFA0]  }
0xef: {  	v6 =	vld [tilespmem:s28+$0xFFFFFF00]  }
0xf0: {  	v8 =	vbroadcast v2, $0x7;
	v3 =	vbroadcast v2, $0x8;
	v4 =	vld [tilespmem:s28+$0xFFFFFFF0]  }
0xf1: {  	v10 =	vbroadcast v2, $0xA  }
0xf2: {  	v13 =	vld [tilespmem:s23+$0xFFFFFF20];
	v56 =	vbroadcast v2, $0xC;
	v5 =	vmul.f32 v5, v8  }
0xf3: {  	v11 =	vld [tilespmem:s23+$0xFFFFFF50];
	v57 =	vbroadcast v2, $0xD;
	v7 =	vmul.f32 v7, v10  }
0xf4: {  	v12 =	vbroadcast v2, $0x0;
	v1 =	vmul.f32 v1, v56;
	[tilespmem:s23+$0xFFFFFF70] =	vst v5  }
0xf5: {  	v55 =	vld [tilespmem:s23+$0xFFFFFF80];
	v15 =	vbroadcast v2, $0x2;
	v0 =	vmul.f32 v0, v57;
	[tilespmem:s23+$0xFFFFFFA0] =	vst v7  }
0xf6: {  	v58 =	vld [tilespmem:s23+$0xFFFFFF40];
	v60 =	vbroadcast v2, $0x5;
	v6 =	vmul.f32 v12, v6;
	[tilespmem:s23+$0xFFFFFFC0] =	vst v1  }
0xf7: {  	v14 =	vld [tilespmem:s23+$0xFFFFFF10];
	v62 =	vbroadcast v2, $0xF;
	[tilespmem:s23+$0xFFFFFFD0] =	vst v0;
	v13 =	vmul.f32 v13, v15  }
0xf8: {  	v9 =	vld [tilespmem:s23+$0xFFFFFF60];
	[tilespmem:s23+$0xFFFFFF00] =	vst v6;
	v11 =	vmul.f32 v11, v60  }
0xf9: {  	v63 =	vld [tilespmem:s23+$0xFFFFFF30];
	v16 =	vbroadcast v2, $0x4;
	v15 =	vmul.f32 v4, v62;
	[tilespmem:s23+$0xFFFFFF20] =	vst v13  }
0xfa: {  	v61 =	vld [tilespmem:s23+$0xFFFFFFB0];
	v17 =	vbroadcast v2, $0x1;
	v3 =	vmul.f32 v55, v3;
	[tilespmem:s23+$0xFFFFFF50] =	vst v11  }
0xfb: {  	v59 =	vld [tilespmem:s23+$0xFFFFFFE0];
	v18 =	vbroadcast v2, $0x6;
	v4 =	vmul.f32 v58, v16;
	[tilespmem:s23+$0xFFFFFFF0] =	vst v15  }
0xfc: {  	v19 =	vld [tilespmem:s23+$0xFFFFFF90];
	v20 =	vbroadcast v2, $0x3;
	v8 =	vmul.f32 v14, v17;
	[tilespmem:s23+$0xFFFFFF80] =	vst v3  }
0xfd: {  	v21 =	vbroadcast v2, $0xB;
	v22 =	vmul.f32 v9, v18;
	[tilespmem:s23+$0xFFFFFF40] =	vst v4  }
0xfe: {  	v23 =	vbroadcast v2, $0xE;
	v0 =	vmul.f32 v63, v20;
	[tilespmem:s23+$0xFFFFFF10] =	vst v8  }
0xff: {  	v25 =	vbroadcast v2, $0x9;
	v24 =	vmul.f32 v61, v21;
	[tilespmem:s23+$0xFFFFFF60] =	vst v22  }
0x100: {  	v26 =	vmul.f32 v59, v23;
	[tilespmem:s23+$0xFFFFFF30] =	vst v0  }
0x101: {  	v27 =	vmul.f32 v19, v25;
	[tilespmem:s23+$0xFFFFFFB0] =	vst v24  }
0x102: {  	[tilespmem:s23+$0xFFFFFFE0] =	vst v26  }
0x103: {  	[tilespmem:s23+$0xFFFFFF90] =	vst v27  }
0x104: {  	v1 =	vld [tilespmem:s24+$0x0];
	_ =	sdelay $0x2  }
0x105: {  	v30 =	vld [tilespmem:s23+$0x30]  }
0x106: {  	v32 =	vld [tilespmem:s23+$0x60]  }
0x107: {  	v34 =	vld [tilespmem:s23+$0x80];
	v33 =	vbroadcast v1, $0x3  }
0x108: {  	v31 =	vld [tilespmem:s23+$0x20];
	v37 =	vbroadcast v1, $0x6;
	v39 =	vbroadcast v1, $0x8  }
0x109: {  	v29 =	vld [tilespmem:s23+$0xA0];
	v41 =	vbroadcast v1, $0x2;
	v43 =	vbroadcast v1, $0xA  }
0x10a: {  	v35 =	vld [tilespmem:s23+$0xC0];
	v45 =	vbroadcast v1, $0xC;
	v3 =	vmul.f32 v30, v33  }
0x10b: {  	v36 =	vld [tilespmem:s23+$0xB0];
	v47 =	vbroadcast v1, $0xB;
	v5 =	vmul.f32 v32, v37  }
0x10c: {  	v38 =	vld [tilespmem:s23+$0xD0];
	v50 =	vbroadcast v1, $0xD;
	v7 =	vmul.f32 v34, v39;
	[tilespmem:s23+$0x30] =	vst v3  }
0x10d: {  	v28 =	vld [tilespmem:s23+$0xE0];
	v53 =	vbroadcast v1, $0xE;
	v4 =	vmul.f32 v31, v41;
	[tilespmem:s23+$0x60] =	vst v5  }
0x10e: {  	v42 =	vld [tilespmem:s23+$0x40];
	v54 =	vbroadcast v1, $0x9;
	v2 =	vmul.f32 v29, v43;
	[tilespmem:s23+$0x80] =	vst v7  }
0x10f: {  	v44 =	vld [tilespmem:s23+$0x50];
	v56 =	vbroadcast v1, $0x4;
	v49 =	vmul.f32 v35, v45;
	[tilespmem:s23+$0x20] =	vst v4  }
0x110: {  	v48 =	vld [tilespmem:s23+$0x0];
	v57 =	vbroadcast v1, $0x5;
	v6 =	vmul.f32 v36, v47;
	[tilespmem:s23+$0xA0] =	vst v2  }
0x111: {  	v46 =	vld [tilespmem:s23+$0x10];
	v59 =	vbroadcast v1, $0xF;
	v55 =	vmul.f32 v38, v50;
	[tilespmem:s23+$0xC0] =	vst v49  }
0x112: {  	v40 =	vld [tilespmem:s23+$0x90];
	v61 =	vbroadcast v1, $0x7;
	v0 =	vmul.f32 v28, v53;
	[tilespmem:s23+$0xB0] =	vst v6  }
0x113: {  	v52 =	vld [tilespmem:s23+$0xF0];
	v62 =	vbroadcast v1, $0x0;
	v58 =	vmul.f32 v42, v56;
	[tilespmem:s23+$0xD0] =	vst v55  }
0x114: {  	v51 =	vld [tilespmem:s23+$0x70];
	v1 =	vbroadcast v1, $0x1;
	v60 =	vmul.f32 v44, v57;
	[tilespmem:s23+$0xE0] =	vst v0  }
0x115: {  	v63 =	vmul.f32 v62, v48;
	[tilespmem:s23+$0x40] =	vst v58  }
0x116: {  	v1 =	vmul.f32 v46, v1;
	[tilespmem:s23+$0x50] =	vst v60  }
0x117: {  	v3 =	vmul.f32 v40, v54;
	[tilespmem:s23+$0x0] =	vst v63  }
0x118: {  	v5 =	vmul.f32 v52, v59;
	[tilespmem:s23+$0x10] =	vst v1  }
0x119: {  	s22 =	sadd.s32 $0x1, s22;
	v2 =	vmul.f32 v51, v61;
	[tilespmem:s23+$0x90] =	vst v3  }
0x11a: {  	p0 =	sne.s32 s22, $0x7D;
	[tilespmem:s23+$0xF0] =	vst v5  }
.Ltmp3:
0x11b: {  	[tilespmem:s23+$0x70] =	vst v2;
	(pc) =	sbr.rel @p0 .LBB2_6-.Ltmp3, $4  }
0x11c: {  	[spmem:s1] =	stream.indirect.scatter.add.f32 [tilespmem:s19], [sflag:$0x2], $0x10, s17, s17, $0xb8;
	[tilespmem:$0x1C260] =	vst v63  }
0x11d: {  	_ =	swait.ge [sflag:s16], $0x3200  }
0x11e: {  	[sflag:s16] =	ssyncset.done $0x0  }
0x11f: {  	[sflag:s16] =	ssyncadd.s32 $0xFFFFCE00  }
0x120: {  	[bflag:$0x0] =	sbarrier.arrive $0xFFFF;
	s21 =	sadd.s32 $0x1, s21  }
0x121: {  	[hbm:s13], [sflag:s8] =	dma.local [spmem:s15], $0x30E0  }
0x122: {  	p0 =	sne.s32 s21, s14  }
.Ltmp4:
0x123: {  	_ =	swait.ge [sflag:s16], $0x30E0;
	(pc) =	sbr.rel @p0 .LBB2_1-.Ltmp4, $3  }
0x124: {  	[sflag:s16] =	ssyncset.done $0x0  }
0x125: {  	[sflag:s16] =	ssyncadd.s32 $0xFFFFCF20  }
0x126: {  	[bflag:$0x0] =	sbarrier.arrive $0xFFFF;
	_ =	sdelay $0x1  }
0x127: {  	_ =	sfence.sel $0x180000  }
0x128: {  	[bflag:$0x0] =	sbarrier.arrive $0xFFFF  }
0x129: {  	p0 =	sne.s32 s2, $0x0;
	_ =	strace $0x90000050  }
0x12a: {  	s0 =	sadd.s32 @!p0 $0x100000, s0;
	[bflag:$0x2] =	sbarrier.arrive $0xFFFF  }
0x12b: {  	[sflag:s0] =	ssyncadd.tile.s32 @!p0 $0x1;
	_ =	shalt  }
.Lfunc_end2:
_tile_overlayer_lowered:
.L_overlay_start_2:
0x12c: {  	(tag) =	ssettag $0x2  }
0x12d: {  	s0 =	rddreg [dreg:$0x0];
	s2 =	stileid.u32  }
0x12e: {  	s1 =	rddreg [dreg:$0x1];
	p0 =	sne.s32 s2, $0x0  }
0x12f: {  	s3 =	rddreg [dreg:$0x2];
	[bflag:$0x3] =	sbarrier.arrive $0xFFFF;
	s2 =	simm.s32 @!p0 $0x1C02  }
0x130: {  	[timem:s3], [sflag:s2] =	dma.local @!p0 [hbm:s0], s1  }
0x131: {  	s0 =	simm.s32 @!p0 $0x2  }
0x132: {  	_ =	swait.ge @!p0 [sflag:s0], s1  }
0x133: {  	s1 =	ssub.s32 @!p0 $0x0, s1;
	[sflag:s0] =	ssyncset.done @!p0 $0x0  }
0x134: {  	[sflag:s0] =	ssyncadd.s32 @!p0 s1  }
0x135: {  	[bflag:$0x3] =	sbarrier.arrive $0xFFFF  }
0x136: {  	_ =	shalt  }

// kernel: kernel.26.cloned.1.call-start
scs
__scs_entry_jumppad:
0x0: {  	(pc) =	sbr.rel $0x88, $3  }
0x1: {  	(tag) =	ssettag $0x0;
	lr =	simm.s32 $0x1  }
0x2: {  	[smem:$0x3F97] =	sst lr;
	_ =	strace $0xD0000000  }
0x3: {  	_ = 	snop  }
0x4: {  	_ = 	snop  }
0x5: {  	_ = 	snop  }
0x6: {  	_ = 	snop  }
0x7: {  	_ = 	snop  }
__scs_overlays_trampoline_lowered:
0x8: {  	[smem:$0x3FA6] =	sst s0  }
0x9: {  	[smem:$0x3FA7] =	sst s1  }
0xa: {  	[smem:$0x3FA8] =	sst s2  }
0xb: {  	[smem:$0x3FA9] =	sst s3  }
0xc: {  	[smem:$0x3FAA] =	sst s4  }
0xd: {  	[smem:$0x3FAB] =	sst s5  }
0xe: {  	[smem:$0x3FAC] =	sst s6  }
0xf: {  	[smem:$0x3FAD] =	sst s7  }
0x10: {  	[smem:$0x3FAE] =	sst s8  }
0x11: {  	[smem:$0x3FAF] =	sst s9;
	s0 =	simm.s32 @!p0 $0x0  }
0x12: {  	s1 =	sld [smem:$0x3F95];
	s0 =	simm.s32 @p0 $0x1  }
0x13: {  	[smem:$0x3FB0] =	sst s0;
	s0 =	simm.s32 @!p1 $0x0  }
0x14: {  	s2 =	sld [smem:$0x3F94];
	s0 =	simm.s32 @p1 $0x1  }
0x15: {  	[smem:$0x3FB1] =	sst s0;
	s0 =	simm.s32 @!p2 $0x0  }
0x16: {  	s3 =	sld [smem:$0x3FDB];
	s0 =	simm.s32 @p2 $0x1  }
0x17: {  	s4 =	simm.s32 $0x1BF5;
	[smem:$0x3FB3] =	sst s0  }
0x18: {  	s0 =	sld [smem:$0x3F96];
	_ =	swait.ge [sflag:s4], $0x0  }
0x19: {  	s7 =	sld [smem:$0x3F97]  }
0x1a: {  	s8 =	sadd.s32 $0xFFFFE003, lr  }
0x1b: {  	s9 =	sadd.s32 $0xFFFFFEF7, lr;
	s5 =	simm.s32 $0xFFFFFFFF;
	p2 =	slt.u32 s8, $0xFFFFF086  }
0x1c: {  	p1 =	slt.u32 s9, $0xF7A;
	s5 =	simm.s32 @!p2 $0x0  }
0x1d: {  	s5 =	simm.s32 @p1 $0x1;
	p0 =	seq.s32 s7, s2  }
0x1e: {  	s7 =	smul.u32 @!p0 $0xF7A, s2;
	p2 =	seq.s32 @!p0 s5, $0x0  }
0x1f: {  	s9 =	smul.u32 $0xF7A, s1;
	s8 =	simm.s32 @!p0 $0x1BF5;
	p2 =	por !p2, p0  }
0x20: {  	[sflag:s8] =	ssyncset.s32 @!p0 $0xFFFFF086;
	s6 =	sadd.s32 @!p0 s3, s7;
	s7 =	simm.s32 @!p0 $0x108  }
0x21: {  	s3 =	sadd.s32 s3, s9;
	s6 =	sadd.s32 @!p0 $0x88, s6;
	s7 =	simm.s32 @p2 $0x1082  }
0x22: {  	[simem:s7], [sflag:s8] =	dma.local @!p0 [hbm:s6], $0xF7A  }
0x23: {  	s9 =	sor.u32 $0xD0000000, s2;
	s6 =	simm.s32 $0x108;
	_ =	swait.ge @!p0 [sflag:s8], $0x0  }
0x24: {  	s3 =	sadd.s32 $0x88, s3;
	s6 =	simm.s32 @!p1 $0x1082;
	[sflag:s4] =	ssyncset.s32 $0xFFFFF086  }
0x25: {  	[simem:s6], [sflag:s4] =	dma.local [hbm:s3], $0xF7A  }
0x26: {  	[smem:$0x3F97] =	sst s1;
	(tag) =	ssettag s2;
	_ =	strace s9  }
0x27: {  	s1 =	sld [smem:$0x3FA7]  }
0x28: {  	s2 =	sld [smem:$0x3FA8]  }
0x29: {  	s4 =	sld [smem:$0x3FAA]  }
0x2a: {  	p0 =	seq.s32 s5, $0x0;
	s5 =	sld [smem:$0x3FAB]  }
0x2b: {  	s6 =	sld [smem:$0x3FAC]  }
0x2c: {  	s7 =	sld [smem:$0x3FAD]  }
0x2d: {  	s3 =	simm.s32 $0x108;
	s8 =	sld [smem:$0x3FAE]  }
0x2e: {  	s3 =	simm.s32 @!p0 $0x1082;
	s9 =	sld [smem:$0x3FAF]  }
0x2f: {  	lr =	sadd.s32 s0, s3;
	s0 =	sld [smem:$0x3FA6]  }
0x30: {  	s3 =	sld [smem:$0x3FA9]  }
0x31: {  	[smem:$0x3FB2] =	sst s10  }
0x32: {  	s10 =	sld [smem:$0x3FB0];
	_ =	sdelay $0x3  }
0x33: {  	p0 =	seq.s32 s10, $0x1;
	s10 =	sld [smem:$0x3FB2];
	_ =	sdelay $0x3  }
0x34: {  	[smem:$0x3FB2] =	sst s10  }
0x35: {  	s10 =	sld [smem:$0x3FB1];
	_ =	sdelay $0x3  }
0x36: {  	p1 =	seq.s32 s10, $0x1;
	s10 =	sld [smem:$0x3FB2];
	_ =	sdelay $0x3  }
0x37: {  	[smem:$0x3FB2] =	sst s10  }
0x38: {  	s10 =	sld [smem:$0x3FB3]  }
0x39: {  	_ = 	snop;
	(pc) =	sbr.ind lr, $3  }
0x3a: {  	_ = 	snop  }
0x3b: {  	_ = 	snop  }
0x3c: {  	p2 =	seq.s32 s10, $0x1;
	s10 =	sld [smem:$0x3FB2]  }
0x3d: {  	_ =	shalt  }
0x3e: {  	_ =	shalt  }
0x3f: {  	_ =	shalt  }
0x40: {  	_ =	shalt  }
0x41: {  	_ =	shalt  }
0x42: {  	_ =	shalt  }
0x43: {  	_ =	shalt  }
0x44: {  	_ =	shalt  }
0x45: {  	_ =	shalt  }
0x46: {  	_ =	shalt  }
0x47: {  	_ =	shalt  }
0x48: {  	_ =	shalt  }
0x49: {  	_ =	shalt  }
0x4a: {  	_ =	shalt  }
0x4b: {  	_ =	shalt  }
0x4c: {  	_ =	shalt  }
0x4d: {  	_ =	shalt  }
0x4e: {  	_ =	shalt  }
0x4f: {  	_ =	shalt  }
0x50: {  	_ =	shalt  }
0x51: {  	_ =	shalt  }
0x52: {  	_ =	shalt  }
0x53: {  	_ =	shalt  }
0x54: {  	_ =	shalt  }
0x55: {  	_ =	shalt  }
0x56: {  	_ =	shalt  }
0x57: {  	_ =	shalt  }
0x58: {  	_ =	shalt  }
0x59: {  	_ =	shalt  }
0x5a: {  	_ =	shalt  }
0x5b: {  	_ =	shalt  }
0x5c: {  	_ =	shalt  }
0x5d: {  	_ =	shalt  }
0x5e: {  	_ =	shalt  }
0x5f: {  	_ =	shalt  }
0x60: {  	_ =	shalt  }
0x61: {  	_ =	shalt  }
0x62: {  	_ =	shalt  }
0x63: {  	_ =	shalt  }
0x64: {  	_ =	shalt  }
0x65: {  	_ =	shalt  }
0x66: {  	_ =	shalt  }
0x67: {  	_ =	shalt  }
0x68: {  	_ =	shalt  }
0x69: {  	_ =	shalt  }
0x6a: {  	_ =	shalt  }
0x6b: {  	_ =	shalt  }
0x6c: {  	_ =	shalt  }
0x6d: {  	_ =	shalt  }
0x6e: {  	_ =	shalt  }
0x6f: {  	_ =	shalt  }
0x70: {  	_ =	shalt  }
0x71: {  	_ =	shalt  }
0x72: {  	_ =	shalt  }
0x73: {  	_ =	shalt  }
0x74: {  	_ =	shalt  }
0x75: {  	_ =	shalt  }
0x76: {  	_ =	shalt  }
0x77: {  	_ =	shalt  }
0x78: {  	_ =	shalt  }
0x79: {  	_ =	shalt  }
0x7a: {  	_ =	shalt  }
0x7b: {  	_ =	shalt  }
0x7c: {  	_ =	shalt  }
0x7d: {  	_ =	shalt  }
0x7e: {  	_ =	shalt  }
0x7f: {  	_ =	shalt  }
0x80: {  	_ =	shalt  }
0x81: {  	_ =	shalt  }
0x82: {  	_ =	shalt  }
0x83: {  	_ =	shalt  }
0x84: {  	_ =	shalt  }
0x85: {  	_ =	shalt  }
0x86: {  	_ =	shalt  }
0x87: {  	_ =	shalt  }
.Lfunc_end0:
.L_simem_size_0:
called_computation.4_lowered:
.L_overlay_start_0:
0x88: {  	s2 =	sld [smem:$0x3FD9]  }
0x89: {  	s3 =	sld [smem:$0x3FFE];
	_ =	sdelay $0x1  }
0x8a: {  	s1 =	srdreg.scid  }
0x8b: {  	s0 =	sand.u32 $0x1, s1  }
0x8c: {  	s17 =	sshll.u32 s0, $0xA;
	s2 =	sadd.s32 s3, s2  }
0x8d: {  	s2 =	sadd.s32 s2, s17  }
0x8e: {  	[smem:$0x3FBE] =	sst s2  }
0x8f: {  	_ = 	snop  }
0x90: {  	s2 =	sld [smem:$0x3FD0];
	(tm) =	ssettm $0x1  }
0x91: {  	s18 =	sld [smem:$0x3FFB];
	_ =	sdelay $0x3  }
0x92: {  	_ =	strace s18  }
0x93: {  	s3 =	sld [smem:$0x3FFC];
	_ =	sdelay $0x3  }
0x94: {  	_ =	strace s3  }
0x95: {  	s3 =	sld [smem:$0x3FFD];
	_ =	sdelay $0x3  }
0x96: {  	_ =	strace s3  }
0x97: {  	_ =	strace $0x8FFFFFFF  }
0x98: {  	s19 =	sld [smem:$0x3FDB];
	_ =	sdelay $0x1  }
0x99: {  	s4 =	simm.s32 $_scs_section_size  }
0x9a: {  	s5 =	simm.s32 $_size__tile_overlayer_lowered;
	s6 =	simm.s32 $_tile_overlayer_lowered  }
0x9b: {  	s22 =	simm.s32 $0x1BFF;
	s21 =	sshll.u32 s6, $0x1;
	s3 =	sadd.s32 s4, s19  }
0x9c: {  	s7 =	simm.s32 $0x0;
	s20 =	sshll.u32 s5, $0x1;
	s5 =	sadd.s32 s21, s3  }
0x9d: {  	[timem:s7], [sflag:s22] =	dma.local [hbm:s5], s20  }
0x9e: {  	_ =	swait.ge [sflag:s22], s20  }
0x9f: {  	s4 =	ssub.s32 $0x0, s20;
	[sflag:s22] =	ssyncset.done $0x0  }
0xa0: {  	[sflag:s22] =	ssyncadd.s32 s4;
	_ =	sdelay $0x1  }
0xa1: {  	s23 =	simm.s32 $0x1B8B  }
0xa2: {  	_ =	swait.ge [sflag:s23], $0x1  }
0xa3: {  	[sflag:s23] =	ssyncset.done $0x0  }
0xa4: {  	s25 =	simm.s32 $0x1B8E;
	s24 =	sld [smem:$0x3FFE];
	[sflag:s23] =	ssyncadd.s32 $0xFFFFFFFF  }
0xa5: {  	s26 =	simm.s32 $execute0_lowered;
	[smem:$0x3FD2] =	sst s25  }
0xa6: {  	s5 =	sshll.u32 s26, $0x1;
	_ =	strace $0x80000052;
	[dreg:$0x1] =	wrdreg $0xFFFFFFFF  }
0xa7: {  	s28 =	simm.s32 $_size_execute0_lowered;
	s3 =	sadd.s32 s3, s5;
	[dreg:$0x0] =	wrdreg $0x0  }
0xa8: {  	s5 =	sshll.u32 s28, $0x1;
	[dreg:$0x2] =	wrdreg s3  }
0xa9: {  	[dreg:$0x3] =	wrdreg s5  }
0xaa: {  	[dreg:$0x4] =	wrdreg $0xC0  }
0xab: {  	_ =	task [dreg:s7], $0x5FFFF  }
0xac: {  	[dreg:$0x1] =	wrdreg $0xFFFFFFFF  }
0xad: {  	[dreg:$0x0] =	wrdreg $0x60  }
0xae: {  	[dreg:$0x2] =	wrdreg s2  }
0xaf: {  	[dreg:$0x3] =	wrdreg s24  }
0xb0: {  	[dreg:$0x4] =	wrdreg $0x9  }
0xb1: {  	_ =	task.clear_ibuf [dreg:s7], $0x5FFFF;
	_ =	strace $0x90000052  }
0xb2: {  	s29 =	simm.s32 $0x9;
	_ =	strace $0x80000054  }
0xb3: {  	_ =	swait.ge [sflag:s29], $0x1  }
0xb4: {  	[sflag:s29] =	ssyncadd.s32 $0xFFFFFFFF  }
0xb5: {  	_ =	strace $0x90000054  }
0xb6: {  	_ =	sfence  }
0xb7: {  	s30 =	sld [smem:$0x0];
	_ =	sdelay $0x2  }
0xb8: {  	s31 =	sshll.u32 s1, $0xD;
	s1 =	sshrl.u32 s1, $0x2  }
0xb9: {  	s3 =	sand.u32 $0x4000, s31;
	s1 =	sadd.s32 s1, s30  }
0xba: {  	s0 =	sor.u32 s3, s0;
	s1 =	sshll.u32 s1, $0x11  }
0xbb: {  	s0 =	sor.u32 s1, s0  }
0xbc: {  	s0 =	sadd.s32 $0x8F2B, s0  }
0xbd: {  	[sflag:s0] =	ssyncadd.remote.s32 $0x1  }
0xbe: {  	_ =	sfence.sel $0xFFFF  }
0xbf: {  	[dreg:$0x0] =	wrdreg $0xFFFFFFFF;
	(pc) =	sbr.abs _section_cstart, $3  }
0xc0: {  	[dreg:$0x1] =	wrdreg $0xFFFFFFFF  }
0xc1: {  	_ =	task.clear_ibuf [dreg:s7], $0x2FFFF;
	_ =	strace $0x9FFFFFFF  }
0xc2: {  	(tm) =	ssettm $0x7FFFFFFF  }
0xc3: {  	_ =	shalt  }
tec
execute0_lowered:
.L_overlay_start_1:
0x0: {  	(tag) =	ssettag $0x1  }
0x1: {  	s1 =	rddreg [dreg:$0x0]  }
0x2: {  	s6 =	rddreg [dreg:$0x1]  }
0x3: {  	s2 =	srdreg.scid;
	s0 =	rddreg [dreg:$0x2];
	s3 =	simm.s32 $0x0  }
0x4: {  	s10 =	simm.s32 $0x7D0;
	s11 =	simm.s32 $0xFA0;
	s7 =	sand.u32 $0x1, s2  }
0x5: {  	s12 =	simm.s32 $0x1770;
	s2 =	stileid.u32;
	s8 =	smul.u32 $0x188000, s7  }
0x6: {  	s13 =	simm.s32 $0x0;
	[smem:$0x7FF] =	sst s3;
	s9 =	smul.u32 $0x18800, s2  }
0x7: {  	s4 =	sadd.s32 $0x1C00, s6;
	s5 =	sadd.s32 $0x32A00, s6;
	_ =	strace $0x80000053  }
0x8: {  	s30 =	ssub.s32 $0x2, s7;
	s7 =	sshll.u32 s7, $0x4;
	s8 =	sadd.s32 s9, s8  }
0x9: {  	s31 =	sshrl.u32 s30, $0x1;
	s7 =	sor.u32 s2, s7;
	s8 =	sshrl.u32 s8, $0x3  }
0xa: {  	s9 =	ssub.s32 s30, s31;
	s8 =	sadd.s32 s8, s6;
	s6 =	smul.u32 $0xC350, s7  }
0xb: {  	v0 =	vimm.f32 $0.0e+00;
	s7 =	sadd.s32 $0x373800, s8;
	s8 =	smax.u32 s9, $0x1;
	s9 =	simm.s32 $0x1  }
.LBB2_1:
0xc: {  	s14 =	simm.s32 $0x17F0  }
0xd: {  	[tilespmem:s14+$0xFFFFFF80] =	vst v0  }
0xe: {  	[tilespmem:s14+$0x70] =	vst v0  }
0xf: {  	[tilespmem:s14+$0x60] =	vst v0  }
0x10: {  	[tilespmem:s14+$0x50] =	vst v0  }
0x11: {  	[tilespmem:s14+$0x40] =	vst v0  }
0x12: {  	[tilespmem:s14+$0x30] =	vst v0  }
0x13: {  	[tilespmem:s14+$0x20] =	vst v0  }
0x14: {  	[tilespmem:s14+$0x10] =	vst v0  }
0x15: {  	[tilespmem:s14+$0x0] =	vst v0  }
0x16: {  	[tilespmem:s14+$0xFFFFFFF0] =	vst v0  }
0x17: {  	[tilespmem:s14+$0xFFFFFFE0] =	vst v0  }
0x18: {  	[tilespmem:s14+$0xFFFFFFD0] =	vst v0  }
0x19: {  	[tilespmem:s14+$0xFFFFFFC0] =	vst v0  }
0x1a: {  	[tilespmem:s14+$0xFFFFFFB0] =	vst v0  }
0x1b: {  	s15 =	simm.s32 $0x0;
	[tilespmem:s14+$0xFFFFFFA0] =	vst v0  }
.LBB2_2:
0x1c: {  	s15 =	sadd.s32 $0x2, s15;
	[tilespmem:s14+$0xFFFFFF90] =	vst v0;
	s14 =	sadd.s32 $0x100, s14  }
0x1d: {  	[tilespmem:s14+$0xFFFFFF80] =	vst v0;
	p0 =	slt.u32 s15, $0x30E  }
0x1e: {  	[tilespmem:s14+$0x70] =	vst v0  }
0x1f: {  	[tilespmem:s14+$0x60] =	vst v0  }
0x20: {  	[tilespmem:s14+$0x50] =	vst v0  }
0x21: {  	[tilespmem:s14+$0x40] =	vst v0  }
0x22: {  	[tilespmem:s14+$0x30] =	vst v0  }
0x23: {  	[tilespmem:s14+$0x20] =	vst v0  }
0x24: {  	[tilespmem:s14+$0x10] =	vst v0  }
0x25: {  	[tilespmem:s14+$0x0] =	vst v0  }
0x26: {  	[tilespmem:s14+$0xFFFFFFF0] =	vst v0  }
.Ltmp0:
0x27: {  	[tilespmem:s14+$0xFFFFFFE0] =	vst v0;
	(pc) =	sbr.rel @p0 .LBB2_2-.Ltmp0, $4  }
0x28: {  	[tilespmem:s14+$0xFFFFFFD0] =	vst v0  }
0x29: {  	[tilespmem:s14+$0xFFFFFFC0] =	vst v0  }
0x2a: {  	[tilespmem:s14+$0xFFFFFFB0] =	vst v0  }
0x2b: {  	[tilespmem:s14+$0xFFFFFFA0] =	vst v0  }
0x2c: {  	[tilespmem:s14+$0xFFFFFF90] =	vst v0;
	s14 =	simm.s32 $0x0  }
.LBB2_4:
0x2d: {  	s15 =	smul.u32 $0x7D0, s14;
	_ =	sdelay $0x1  }
0x2e: {  	s15 =	sadd.s32 s6, s15  }
0x2f: {  	s15 =	sshrl.u32 s15, $0x3  }
0x30: {  	s16 =	sadd.s32 s4, s15  }
0x31: {  	[tilespmem:s3], [sflag:$0x1] =	stream.linear.gather [hbm4b:s16+s3], $0x7D0, $0x38;
	[tilespmem:$0x19F70] =	vst v63  }
0x32: {  	_ =	swait.ge [sflag:s9], $0x7D0  }
0x33: {  	[sflag:s9] =	ssyncset.done $0x0  }
0x34: {  	s15 =	sadd.s32 s5, s15;
	[sflag:s9] =	ssyncadd.s32 $0xFFFFF830  }
0x35: {  	[tilespmem:s10], [sflag:$0x1] =	stream.linear.gather [hbm4b:s15+s3], $0x7D0, $0x38;
	[tilespmem:$0x19F70] =	vst v63  }
0x36: {  	_ =	swait.ge [sflag:s9], $0x7D0  }
0x37: {  	[sflag:s9] =	ssyncset.done $0x0  }
0x38: {  	[sflag:s9] =	ssyncadd.s32 $0xFFFFF830  }
0x39: {  	[tilespmem:s11], [sflag:$0x1] =	stream.indirect.gather [hbm4b:s1+s10], $0x1, s3, s10, $0xb8;
	[tilespmem:$0x19F70] =	vst v63  }
0x3a: {  	_ =	swait.ge [sflag:s9], $0x7D0  }
0x3b: {  	s17 =	simm.s32 $0x7F0;
	[sflag:s9] =	ssyncset.done $0x0  }
0x3c: {  	s16 =	simm.s32 $0xFC0;
	s15 =	simm.s32 $0xFFFFFFFC;
	[sflag:s9] =	ssyncadd.s32 $0xFFFFF830  }
.LBB2_5:
0x3d: {  	v1 =	vld [tilespmem:s17+$0xFFFFFFE0];
	_ =	sdelay $0x2  }
0x3e: {  	v2 =	vld [tilespmem:s16+$0xFFFFFFE0];
	_ =	sdelay $0x4  }
0x3f: {  	[tilespmem:v1+s12+$0x0] =	vst.idx.add.f32.msk $0xffff, v2  }
0x40: {  	v1 =	vld [tilespmem:s17+$0xFFFFFFF0];
	_ =	sdelay $0x2  }
0x41: {  	v2 =	vld [tilespmem:s16+$0xFFFFFFF0];
	_ =	sdelay $0x4  }
0x42: {  	[tilespmem:v1+s12+$0x0] =	vst.idx.add.f32.msk $0xffff, v2  }
0x43: {  	v1 =	vld [tilespmem:s17+$0x0];
	_ =	sdelay $0x2  }
0x44: {  	v2 =	vld [tilespmem:s16+$0x0];
	_ =	sdelay $0x4  }
0x45: {  	[tilespmem:v1+s12+$0x0] =	vst.idx.add.f32.msk $0xffff, v2  }
0x46: {  	v1 =	vld [tilespmem:s17+$0x10];
	_ =	sdelay $0x1  }
0x47: {  	s15 =	sadd.s32 $0x4, s15  }
0x48: {  	p0 =	slt.u32 s15, $0x78;
	v2 =	vld [tilespmem:s16+$0x10]  }
.Ltmp1:
0x49: {  	_ = 	snop;
	(pc) =	sbr.rel @p0 .LBB2_5-.Ltmp1, $2  }
0x4a: {  	_ =	sdelay $0x2  }
0x4b: {  	s16 =	sadd.s32 $0x40, s16;
	s17 =	sadd.s32 $0x40, s17;
	[tilespmem:v1+s12+$0x0] =	vst.idx.add.f32.msk $0xffff, v2  }
0x4c: {  	v1 =	vld [tilespmem:$0xF90];
	_ =	sdelay $0x1  }
0x4d: {  	s14 =	sadd.s32 $0x1, s14  }
0x4e: {  	v2 =	vld [tilespmem:$0x1760];
	p0 =	sne.s32 s14, $0x19  }
.Ltmp2:
0x4f: {  	_ = 	snop;
	(pc) =	sbr.rel @p0 .LBB2_4-.Ltmp2, $2  }
0x50: {  	_ =	sdelay $0x2  }
0x51: {  	[tilespmem:v1+s12+$0x0] =	vst.idx.add.f32.msk $0xffff, v2  }
0x52: {  	s13 =	sadd.s32 $0x1, s13  }
0x53: {  	p0 =	sne.s32 s13, s8  }
.Ltmp3:
0x54: {  	_ = 	snop;
	(pc) =	sbr.rel @p0 .LBB2_1-.Ltmp3, $4  }
0x55: {  	[hbm4b:s7+s3] =	stream.linear.scatter [tilespmem:s12], [sflag:$0x1], $0x18800, $0x38;
	[tilespmem:$0x19F70] =	vst v63  }
0x56: {  	_ =	swait.ge [sflag:s9], $0x18800  }
0x57: {  	[sflag:s9] =	ssyncset.done $0x0  }
0x58: {  	[sflag:s9] =	ssyncadd.s32 $0xFFFE7800  }
0x59: {  	_ =	sfence.sel $0x180000  }
0x5a: {  	[bflag:$0x0] =	sbarrier.arrive $0xFFFF  }
0x5b: {  	p0 =	sne.s32 s2, $0x0;
	_ =	strace $0x90000053  }
0x5c: {  	s0 =	sadd.s32 @!p0 $0x100000, s0;
	[bflag:$0x2] =	sbarrier.arrive $0xFFFF  }
0x5d: {  	[sflag:s0] =	ssyncadd.tile.s32 @!p0 $0x1;
	_ =	shalt  }
.Lfunc_end2:
_tile_overlayer_lowered:
.L_overlay_start_2:
0x5e: {  	(tag) =	ssettag $0x2  }
0x5f: {  	s0 =	rddreg [dreg:$0x0];
	s2 =	stileid.u32  }
0x60: {  	s1 =	rddreg [dreg:$0x1];
	p0 =	sne.s32 s2, $0x0  }
0x61: {  	s3 =	rddreg [dreg:$0x2];
	[bflag:$0x3] =	sbarrier.arrive $0xFFFF;
	s2 =	simm.s32 @!p0 $0x1C01  }
0x62: {  	[timem:s3], [sflag:s2] =	dma.local @!p0 [hbm:s0], s1  }
0x63: {  	s0 =	simm.s32 @!p0 $0x1  }
0x64: {  	_ =	swait.ge @!p0 [sflag:s0], s1  }
0x65: {  	s1 =	ssub.s32 @!p0 $0x0, s1;
	[sflag:s0] =	ssyncset.done @!p0 $0x0  }
0x66: {  	[sflag:s0] =	ssyncadd.s32 @!p0 s1  }
0x67: {  	[bflag:$0x3] =	sbarrier.arrive $0xFFFF  }
0x68: {  	_ =	shalt  }

</sc_bundles>
